<compile_context>
chip_gen: v7x
topology: tpu7x:2x2x1
jax: 0.10.2.dev20260603
libtpu: 0.0.44.dev20260713+nightly
codegen_flags: <defaults>
</compile_context>

<pallas_src>
import functools

import jax
import jax.numpy as jnp
from jax import lax
from jax.experimental import pallas as pl
from jax.experimental.pallas import tpu as pltpu
from jax.experimental.pallas import tpu_sc as plsc

N = 10000
NP = 10240
E = 160000
EPT = E // 16
CH = 80
NCH = EPT // CH
CCH = 80
CNCH = EPT // CCH
G = 16
F32 = jnp.float32

_sc_mesh = plsc.VectorSubcoreMesh(core_axis_name="c", subcore_axis_name="s")


@functools.partial(
    pl.kernel,
    mesh=_sc_mesh,
    out_type=jax.ShapeDtypeStruct((2, NP), F32),
    scratch_types=[
        pltpu.VMEM((NCH, CH), jnp.int32),
        pltpu.VMEM((CH,), F32),
        pltpu.VMEM((640,), F32),
        pltpu.VMEM_SHARED((NP,), F32),
    ],
)
def _deg_sc(dstd, deg_out, idx_v, ones_v, zbuf, deg_sh):
    c = lax.axis_index("c")
    s = lax.axis_index("s")
    for k in range(640 // 16):
        zbuf[pl.ds(k * 16, 16)] = jnp.zeros((16,), F32)
    for k in range(CH // 16):
        ones_v[pl.ds(k * 16, 16)] = jnp.ones((16,), F32)
    pltpu.sync_copy(zbuf, deg_sh.at[pl.ds(s * 640, 640)])
    pltpu.sync_copy(dstd.at[c, s], idx_v)
    plsc.subcore_barrier()

    def body(j, carry):
        pltpu.sync_copy(ones_v, deg_sh.at[idx_v.at[j]], add=True)
        return carry

    lax.fori_loop(0, NCH, body, 0)
    plsc.subcore_barrier()
    pltpu.sync_copy(deg_sh.at[pl.ds(s * 640, 640)],
                    deg_out.at[c, pl.ds(s * 640, 640)])


@functools.partial(
    pl.kernel,
    mesh=_sc_mesh,
    out_type=jax.ShapeDtypeStruct((2, NP, 128), F32),
    scratch_types=[
        pltpu.VMEM((EPT,), jnp.int32),
        pltpu.VMEM((CNCH, CCH), jnp.int32),
        pltpu.VMEM((CCH, 128), F32),
        pltpu.VMEM((CCH, 128), F32),
        pltpu.SemaphoreType.DMA,
        pltpu.SemaphoreType.DMA,
        pltpu.VMEM_SHARED((NP, 128), F32),
    ],
)
def _conv_sc(hp_flat, src_pre, dst_pre, acc_out, src_v, dst_v, rows0, rows1,
             gsem0, gsem1, acc_sh):
    c = lax.axis_index("c")
    s = lax.axis_index("s")
    pltpu.sync_copy(src_pre.at[c, s], src_v)
    pltpu.sync_copy(dst_pre.at[s], dst_v)
    pltpu.async_copy(hp_flat.at[src_v.at[pl.ds(0, CCH)]], rows0, gsem0)
    pltpu.sync_copy(hp_flat.at[pl.ds(c * NP + s * 640, 640)],
                    acc_sh.at[pl.ds(s * 640, 640)])
    plsc.subcore_barrier()

    def body(i, carry):
        k = 2 * i
        h1 = pltpu.async_copy(
            hp_flat.at[src_v.at[pl.ds((k + 1) * CCH, CCH)]], rows1, gsem1)
        pltpu.make_async_copy(
            hp_flat.at[src_v.at[pl.ds(k * CCH, CCH)]], rows0, gsem0).wait()
        pltpu.sync_copy(rows0, acc_sh.at[dst_v.at[k]], add=True)
        pltpu.async_copy(
            hp_flat.at[src_v.at[pl.ds((k + 2) * CCH, CCH)]], rows0, gsem0)
        h1.wait()
        pltpu.sync_copy(rows1, acc_sh.at[dst_v.at[k + 1]], add=True)
        return carry

    lax.fori_loop(0, CNCH // 2, body, 0)
    pltpu.make_async_copy(
        hp_flat.at[src_v.at[pl.ds((CNCH - 1) * CCH, CCH)]], rows0,
        gsem0).wait()
    pltpu.sync_copy(rows0, acc_sh.at[dst_v.at[CNCH - 1]], add=True)
    plsc.subcore_barrier()
    pltpu.sync_copy(acc_sh.at[pl.ds(s * 640, 640)],
                    acc_out.at[c, pl.ds(s * 640, 640)])


def _mm1_body(x_ref, deg_ref, w_ref, hp_ref, dinv_ref):
    dinv = lax.rsqrt(deg_ref[...] + 1.0)
    h = jnp.dot(x_ref[...], w_ref[...], preferred_element_type=F32)
    hp_ref[0] = dinv * h[:, :128]
    hp_ref[1] = dinv * h[:, 128:]
    dinv_ref[...] = dinv


def _mm23_body(acc_ref, dinv_ref, b_ref, w_ref, hp_ref):
    dinv = dinv_ref[...]
    x0 = jnp.maximum(dinv * acc_ref[0] + b_ref[0, :128], 0.0)
    x1 = jnp.maximum(dinv * acc_ref[1] + b_ref[0, 128:], 0.0)
    h = (jnp.dot(x0, w_ref[0], preferred_element_type=F32)
         + jnp.dot(x1, w_ref[1], preferred_element_type=F32))
    hp_ref[0] = dinv * h[:, :128]
    hp_ref[1] = dinv * h[:, 128:]


def _mm1(x_pad, deg, W):
    degb = jnp.broadcast_to(deg[:, None], (NP, 128))
    return pl.pallas_call(
        _mm1_body,
        grid=(16,),
        in_specs=[
            pl.BlockSpec((640, 256), lambda i: (i, 0)),
            pl.BlockSpec((640, 128), lambda i: (i, 0)),
            pl.BlockSpec((256, 256), lambda i: (0, 0)),
        ],
        out_specs=[
            pl.BlockSpec((2, 640, 128), lambda i: (0, i, 0)),
            pl.BlockSpec((640, 128), lambda i: (i, 0)),
        ],
        out_shape=[
            jax.ShapeDtypeStruct((2, NP, 128), F32),
            jax.ShapeDtypeStruct((NP, 128), F32),
        ],
    )(x_pad, degb, W)


def _mm23(acc, dinvb, b, W):
    return pl.pallas_call(
        _mm23_body,
        grid=(16,),
        in_specs=[
            pl.BlockSpec((2, 640, 128), lambda i: (0, i, 0)),
            pl.BlockSpec((640, 128), lambda i: (i, 0)),
            pl.BlockSpec((1, 256), lambda i: (0, 0)),
            pl.BlockSpec((2, 128, 256), lambda i: (0, 0, 0)),
        ],
        out_specs=pl.BlockSpec((2, 640, 128), lambda i: (0, i, 0)),
        out_shape=jax.ShapeDtypeStruct((2, NP, 128), F32),
    )(acc, dinvb, b.reshape(1, 256), W.reshape(2, 128, 256))


def _head_body(acc1_ref, dinv1_ref, bt1_ref, acc2_ref, dinv2_ref, bt2_ref,
               b3_ref, l1w_ref, l1b_ref, l2w_ref, l2b_ref, out_ref,
               p1_scr, c1_scr, p2_scr, c2_scr):
    i = pl.program_id(0)

    @pl.when(i == 0)
    def _init():
        p1_scr[...] = jnp.zeros((G, 256), F32)
        c1_scr[...] = jnp.zeros((G, 128), F32)
        p2_scr[...] = jnp.zeros((G, 256), F32)
        c2_scr[...] = jnp.zeros((G, 128), F32)

    def accum(acc_ref, dinv_ref, bt_ref, p_scr, c_scr):
        dinv = dinv_ref[...]
        x0 = dinv * acc_ref[0] + b3_ref[0, :128]
        x1 = dinv * acc_ref[1] + b3_ref[0, 128:]
        bt = bt_ref[0]
        P = (lax.broadcasted_iota(jnp.int32, (G, 640), 0) == bt).astype(F32)
        p_scr[:, :128] += jnp.dot(P, x0, preferred_element_type=F32)
        p_scr[:, 128:] += jnp.dot(P, x1, preferred_element_type=F32)
        c_scr[...] += jnp.sum(P, axis=1, keepdims=True)

    accum(acc1_ref, dinv1_ref, bt1_ref, p1_scr, c1_scr)
    accum(acc2_ref, dinv2_ref, bt2_ref, p2_scr, c2_scr)

    @pl.when(i == 15)
    def _fin():
        m1 = p1_scr[...] / jnp.maximum(c1_scr[:, :1], 1.0)
        m2 = p2_scr[...] / jnp.maximum(c2_scr[:, :1], 1.0)
        g1 = jnp.dot(m1, l1w_ref[...], preferred_element_type=F32) + l1b_ref[0]
        g2 = jnp.dot(m2, l1w_ref[...], preferred_element_type=F32) + l1b_ref[0]
        out_ref[...] = (jnp.dot(g1, l2w_ref[0], preferred_element_type=F32)
                        + jnp.dot(g2, l2w_ref[1], preferred_element_type=F32)
                        + l2b_ref[0])


def _head(acc1, dinvb1, bt1, acc2, dinvb2, bt2, b3, l1w, l1b, l2w, l2b):
    return pl.pallas_call(
        _head_body,
        grid=(16,),
        in_specs=[
            pl.BlockSpec((2, 640, 128), lambda i: (0, i, 0)),
            pl.BlockSpec((640, 128), lambda i: (i, 0)),
            pl.BlockSpec((1, 1, 640), lambda i: (i, 0, 0)),
            pl.BlockSpec((2, 640, 128), lambda i: (0, i, 0)),
            pl.BlockSpec((640, 128), lambda i: (i, 0)),
            pl.BlockSpec((1, 1, 640), lambda i: (i, 0, 0)),
            pl.BlockSpec((1, 256), lambda i: (0, 0)),
            pl.BlockSpec((256, 128), lambda i: (0, 0)),
            pl.BlockSpec((1, 128), lambda i: (0, 0)),
            pl.BlockSpec((2, 128, 1), lambda i: (0, 0, 0)),
            pl.BlockSpec((1, 1), lambda i: (0, 0)),
        ],
        out_specs=pl.BlockSpec((G, 1), lambda i: (0, 0)),
        out_shape=jax.ShapeDtypeStruct((G, 1), F32),
        scratch_shapes=[
            pltpu.VMEM((G, 256), F32),
            pltpu.VMEM((G, 128), F32),
            pltpu.VMEM((G, 256), F32),
            pltpu.VMEM((G, 128), F32),
        ],
    )(acc1, dinvb1, bt1, acc2, dinvb2, bt2, b3.reshape(1, 256), l1w,
      l1b.reshape(1, 128), l2w.reshape(2, 128, 1), l2b.reshape(1, 1))


def kernel(x1, edge_index1, batch1, x2, edge_index2, batch2,
           W1, b1, W2, b2, W3, b3, lin1_W, lin1_b, lin2_W, lin2_b):
    ei1 = edge_index1.astype(jnp.int32)
    ei2 = edge_index2.astype(jnp.int32)
    src1 = ei1[0].reshape(16, EPT)
    dst1 = ei1[1].reshape(16, CNCH, CCH)
    src2 = ei2[0].reshape(16, EPT)
    dst2 = ei2[1].reshape(16, CNCH, CCH)
    src1_pre = jnp.stack([src1, src1 + NP])
    src2_pre = jnp.stack([src2, src2 + NP])
    dstd = jnp.stack([ei1[1].reshape(16, NCH, CH),
                      ei2[1].reshape(16, NCH, CH)])

    deg = _deg_sc(dstd)

    x1p = jnp.pad(x1, ((0, NP - N), (0, 0)))
    x2p = jnp.pad(x2, ((0, NP - N), (0, 0)))
    bt1 = jnp.pad(batch1.astype(jnp.int32), (0, NP - N),
                  constant_values=G).reshape(16, 1, 640)
    bt2 = jnp.pad(batch2.astype(jnp.int32), (0, NP - N),
                  constant_values=G).reshape(16, 1, 640)

    hp1a, dinvb1 = _mm1(x1p, deg[0], W1)
    hp1b, dinvb2 = _mm1(x2p, deg[1], W1)
    acc1a = _conv_sc(hp1a.reshape(2 * NP, 128), src1_pre, dst1)
    acc1b = _conv_sc(hp1b.reshape(2 * NP, 128), src2_pre, dst2)
    hp2a = _mm23(acc1a, dinvb1, b1, W2)
    hp2b = _mm23(acc1b, dinvb2, b1, W2)
    acc2a = _conv_sc(hp2a.reshape(2 * NP, 128), src1_pre, dst1)
    acc2b = _conv_sc(hp2b.reshape(2 * NP, 128), src2_pre, dst2)
    hp3a = _mm23(acc2a, dinvb1, b2, W3)
    hp3b = _mm23(acc2b, dinvb2, b2, W3)
    acc1 = _conv_sc(hp3a.reshape(2 * NP, 128), src1_pre, dst1)
    acc2 = _conv_sc(hp3b.reshape(2 * NP, 128), src2_pre, dst2)

    return _head(acc1, dinvb1, bt1, acc2, dinvb2, bt2,
                 b3, lin1_W, lin1_b, lin2_W, lin2_b)

# --- scband reference (transcript-rebuilt; emitter-appended) ---
"""Pipeline reference for scband-gcn3-mlp-13065290515271 (READ-ONLY COPY).

The authoritative reference and input builder live on the scoring server;
editing this copy changes nothing except your own understanding.
"""

import jax, jax.numpy as jnp
import numpy as np

N = 10000
E = 160000
G = 16
D_IN = 256
D_H = 256
D_OUT = 128


def setup_inputs(seed: int = 0) -> dict:
    key = jax.random.key(seed)
    ks = [jax.random.fold_in(key, i) for i in range(20)]
    inp = {}
    inp['x1'] = jax.random.normal(ks[0], (N, D_IN), dtype=jnp.float32)
    inp['edge_index1'] = jax.random.randint(ks[1], (2, E), 0, N, dtype=jnp.int64)
    inp['batch1'] = jnp.sort(jax.random.randint(ks[2], (N,), 0, G, dtype=jnp.int64))
    inp['x2'] = jax.random.normal(ks[3], (N, D_IN), dtype=jnp.float32)
    inp['edge_index2'] = jax.random.randint(ks[4], (2, E), 0, N, dtype=jnp.int64)
    inp['batch2'] = jnp.sort(jax.random.randint(ks[5], (N,), 0, G, dtype=jnp.int64))
    def glorot(k, shape):
        lim = float(np.sqrt(6.0 / (shape[0] + shape[1])))
        return jax.random.uniform(k, shape, dtype=jnp.float32, minval=-lim, maxval=lim)
    inp['W1'] = glorot(ks[6], (D_IN, D_H)); inp['b1'] = jnp.zeros((D_H,), jnp.float32)
    inp['W2'] = glorot(ks[7], (D_H, D_H)); inp['b2'] = jnp.zeros((D_H,), jnp.float32)
    inp['W3'] = glorot(ks[8], (D_H, D_H)); inp['b3'] = jnp.zeros((D_H,), jnp.float32)
    inp['lin1_W'] = glorot(ks[9], (D_H, D_OUT)); inp['lin1_b'] = jnp.zeros((D_OUT,), jnp.float32)
    inp['lin2_W'] = glorot(ks[10], (2 * D_OUT, 1)); inp['lin2_b'] = jnp.zeros((1,), jnp.float32)
    return inp


def gcn_conv(x, src, dst, W, b, n):
    h = x @ W
    loops = jnp.arange(n, dtype=src.dtype)
    s = jnp.concatenate([src, loops])
    d = jnp.concatenate([dst, loops])
    deg = jnp.zeros((n,), h.dtype).at[d].add(1.0)
    dinv = jax.lax.rsqrt(jnp.maximum(deg, 1.0))
    norm = dinv[s] * dinv[d]
    msg = h[s] * norm[:, None]
    out = jax.ops.segment_sum(msg, d, num_segments=n)
    return out + b


def global_mean_pool(x, batch, g):
    sums = jax.ops.segment_sum(x, batch, num_segments=g)
    cnt = jax.ops.segment_sum(jnp.ones((x.shape[0],), x.dtype), batch, num_segments=g)
    return sums / jnp.maximum(cnt, 1.0)[:, None]


def _branch(x, src, dst, batch, W1, b1, W2, b2, W3, b3, lin1_W, lin1_b):
    n = x.shape[0]
    h = jax.nn.relu(gcn_conv(x, src, dst, W1, b1, n))
    h = jax.nn.relu(gcn_conv(h, src, dst, W2, b2, n))
    h = gcn_conv(h, src, dst, W3, b3, n)
    h = global_mean_pool(h, batch, G)
    # dropout p=0.5: identity at eval (deterministic reference)
    return h @ lin1_W + lin1_b


def reference(x1, edge_index1, batch1, x2, edge_index2, batch2,
              W1, b1, W2, b2, W3, b3, lin1_W, lin1_b, lin2_W, lin2_b):
    g1 = _branch(x1, edge_index1[0], edge_index1[1], batch1, W1, b1, W2, b2, W3, b3, lin1_W, lin1_b)
    g2 = _branch(x2, edge_index2[0], edge_index2[1], batch2, W1, b1, W2, b2, W3, b3, lin1_W, lin1_b)
    x = jnp.concatenate([g1, g2], axis=1)
    return x @ lin2_W + lin2_b

if __name__ == "__main__":
    import jax
    _d = setup_inputs()
    print(jax.jit(kernel)(*tuple(_d.values())))

</pallas_src>

<mosaic_0001>
#map = affine_map<(d0, d1) -> (0, 0)>
#map1 = affine_map<(d0, d1) -> (0, 0, 0)>
module attributes {stable_mosaic.version = 14 : i64} {
  func.func @_conv_sc(%arg0: i32, %arg1: i32, %arg2: memref<20480x128xf32, #tpu.memory_space<hbm>>, %arg3: memref<2x16x10000xi32, #tpu.memory_space<hbm>>, %arg4: memref<16x125x80xi32, #tpu.memory_space<hbm>>, %arg5: memref<2x10240x128xf32, #tpu.memory_space<hbm>>, %arg6: memref<10000xi32, #tpu.memory_space<vmem>>, %arg7: memref<125x80xi32, #tpu.memory_space<vmem>>, %arg8: memref<80x128xf32, #tpu.memory_space<vmem>>, %arg9: memref<80x128xf32, #tpu.memory_space<vmem>>, %arg10: memref<!tpu.dma_semaphore, #tpu.memory_space<semaphore_mem>>, %arg11: memref<!tpu.dma_semaphore, #tpu.memory_space<semaphore_mem>>, %arg12: memref<10240x128xf32, #tpu.memory_space<vmem_shared>>) attributes {dimension_semantics = [#tpu.dimension_semantics<core_parallel>, #tpu.dimension_semantics<subcore_parallel>], iteration_bounds = array<i64: 2, 16>, scalar_prefetch = 0 : i64, scratch_operands = 7 : i64, tpu.core_type = #tpu.core_type<sc_vector_subcore>, window_params = [{transform_indices = #map}, {transform_indices = #map1}, {transform_indices = #map1}, {transform_indices = #map1}]} {
    "tpu.region"() ({
      %run_scoped3A_23 = tpu.sem_alloc : memref<!tpu.dma_semaphore, #tpu.memory_space<semaphore_mem>>
      %dma_start3A_24 = arith.constant 0 : i32
      %dma_start3A_25 = tpu.memref_slice %arg3[%arg0, %arg1, %dma_start3A_24] : memref<2x16x10000xi32, #tpu.memory_space<hbm>> -> memref<1x1x10000xi32, #tpu.memory_space<hbm>>
      %dma_start3A_26 = tpu.memref_squeeze %dma_start3A_25 : memref<1x1x10000xi32, #tpu.memory_space<hbm>> -> memref<10000xi32, #tpu.memory_space<hbm>>
      %dma_start3A_27 = arith.constant 0 : i32
      %dma_start3A_28 = tpu.memref_slice %arg3[%arg0, %arg1, %dma_start3A_27] : memref<2x16x10000xi32, #tpu.memory_space<hbm>> -> memref<1x1x10000xi32, #tpu.memory_space<hbm>>
      %dma_start3A_29 = tpu.memref_squeeze %dma_start3A_28 : memref<1x1x10000xi32, #tpu.memory_space<hbm>> -> memref<10000xi32, #tpu.memory_space<hbm>>
      tpu.enqueue_dma source(%dma_start3A_29 : memref<10000xi32, #tpu.memory_space<hbm>>) target(%arg6 : memref<10000xi32, #tpu.memory_space<vmem>>) target_semaphore(%run_scoped3A_23 : memref<!tpu.dma_semaphore, #tpu.memory_space<semaphore_mem>>)
      %dma_wait3A_30 = arith.constant 0 : i32
      %dma_wait3A_31 = tpu.memref_slice %arg3[%arg0, %arg1, %dma_wait3A_30] : memref<2x16x10000xi32, #tpu.memory_space<hbm>> -> memref<1x1x10000xi32, #tpu.memory_space<hbm>>
      %dma_wait3A_32 = tpu.memref_squeeze %dma_wait3A_31 : memref<1x1x10000xi32, #tpu.memory_space<hbm>> -> memref<10000xi32, #tpu.memory_space<hbm>>
      %dma_wait3A_33 = arith.constant 0 : i32
      %dma_wait3A_34 = tpu.memref_slice %arg3[%arg0, %arg1, %dma_wait3A_33] : memref<2x16x10000xi32, #tpu.memory_space<hbm>> -> memref<1x1x10000xi32, #tpu.memory_space<hbm>>
      %dma_wait3A_35 = tpu.memref_squeeze %dma_wait3A_34 : memref<1x1x10000xi32, #tpu.memory_space<hbm>> -> memref<10000xi32, #tpu.memory_space<hbm>>
      tpu.wait_dma2 semaphore(%run_scoped3A_23 : memref<!tpu.dma_semaphore, #tpu.memory_space<semaphore_mem>>) src(%dma_wait3A_35 : memref<10000xi32, #tpu.memory_space<hbm>>) dst(%arg6 : memref<10000xi32, #tpu.memory_space<vmem>>)
      tpu.yield
    }) : () -> ()
    "tpu.region"() ({
      %run_scoped3A_23 = tpu.sem_alloc : memref<!tpu.dma_semaphore, #tpu.memory_space<semaphore_mem>>
      %dma_start3A_24 = arith.constant 0 : i32
      %dma_start3A_25 = arith.constant 0 : i32
      %dma_start3A_26 = tpu.memref_slice %arg4[%arg1, %dma_start3A_24, %dma_start3A_25] : memref<16x125x80xi32, #tpu.memory_space<hbm>> -> memref<1x125x80xi32, #tpu.memory_space<hbm>>
      %dma_start3A_27 = tpu.memref_squeeze %dma_start3A_26 : memref<1x125x80xi32, #tpu.memory_space<hbm>> -> memref<125x80xi32, #tpu.memory_space<hbm>>
      %dma_start3A_28 = arith.constant 0 : i32
      %dma_start3A_29 = arith.constant 0 : i32
      %dma_start3A_30 = tpu.memref_slice %arg4[%arg1, %dma_start3A_28, %dma_start3A_29] : memref<16x125x80xi32, #tpu.memory_space<hbm>> -> memref<1x125x80xi32, #tpu.memory_space<hbm>>
      %dma_start3A_31 = tpu.memref_squeeze %dma_start3A_30 : memref<1x125x80xi32, #tpu.memory_space<hbm>> -> memref<125x80xi32, #tpu.memory_space<hbm>>
      tpu.enqueue_dma source(%dma_start3A_31 : memref<125x80xi32, #tpu.memory_space<hbm>>) target(%arg7 : memref<125x80xi32, #tpu.memory_space<vmem>>) target_semaphore(%run_scoped3A_23 : memref<!tpu.dma_semaphore, #tpu.memory_space<semaphore_mem>>)
      %dma_wait3A_32 = arith.constant 0 : i32
      %dma_wait3A_33 = arith.constant 0 : i32
      %dma_wait3A_34 = tpu.memref_slice %arg4[%arg1, %dma_wait3A_32, %dma_wait3A_33] : memref<16x125x80xi32, #tpu.memory_space<hbm>> -> memref<1x125x80xi32, #tpu.memory_space<hbm>>
      %dma_wait3A_35 = tpu.memref_squeeze %dma_wait3A_34 : memref<1x125x80xi32, #tpu.memory_space<hbm>> -> memref<125x80xi32, #tpu.memory_space<hbm>>
      %dma_wait3A_36 = arith.constant 0 : i32
      %dma_wait3A_37 = arith.constant 0 : i32
      %dma_wait3A_38 = tpu.memref_slice %arg4[%arg1, %dma_wait3A_36, %dma_wait3A_37] : memref<16x125x80xi32, #tpu.memory_space<hbm>> -> memref<1x125x80xi32, #tpu.memory_space<hbm>>
      %dma_wait3A_39 = tpu.memref_squeeze %dma_wait3A_38 : memref<1x125x80xi32, #tpu.memory_space<hbm>> -> memref<125x80xi32, #tpu.memory_space<hbm>>
      tpu.wait_dma2 semaphore(%run_scoped3A_23 : memref<!tpu.dma_semaphore, #tpu.memory_space<semaphore_mem>>) src(%dma_wait3A_39 : memref<125x80xi32, #tpu.memory_space<hbm>>) dst(%arg7 : memref<125x80xi32, #tpu.memory_space<vmem>>)
      tpu.yield
    }) : () -> ()
    %dma_start3A = arith.constant 0 : i32
    %dma_start3A_0 = tpu.memref_slice %arg6[%dma_start3A] : memref<10000xi32, #tpu.memory_space<vmem>> -> memref<80xi32, #tpu.memory_space<vmem>>
    %dma_start3A_1 = arith.constant 0 : i32
    %dma_start3A_2 = arith.constant 0 : i32
    %dma_start3A_3 = tpu.memref_slice %arg2[%dma_start3A_1, %dma_start3A_2] : memref<20480x128xf32, #tpu.memory_space<hbm>> -> memref<20480x128xf32, #tpu.memory_space<hbm>>
    tpu.enqueue_indirect_dma source(%dma_start3A_3 : memref<20480x128xf32, #tpu.memory_space<hbm>>) target(%arg8 : memref<80x128xf32, #tpu.memory_space<vmem>>) offsets(%dma_start3A_0 : memref<80xi32, #tpu.memory_space<vmem>>) semaphore(%arg10 : memref<!tpu.dma_semaphore, #tpu.memory_space<semaphore_mem>>)
    %mul3A = arith.constant 10240 : i32
    %mul3A_4 = arith.muli %arg0, %mul3A : i32
    %mul3A_5 = arith.constant 640 : i32
    %mul3A_6 = arith.muli %arg1, %mul3A_5 : i32
    %add3A = arith.addi %mul3A_4, %mul3A_6 : i32
    %mul3A_7 = arith.constant 640 : i32
    %mul3A_8 = arith.muli %arg1, %mul3A_7 : i32
    "tpu.region"() ({
      %run_scoped3A_23 = tpu.sem_alloc : memref<!tpu.dma_semaphore, #tpu.memory_space<semaphore_mem>>
      %dma_start3A_24 = arith.constant 0 : i32
      %dma_start3A_25 = tpu.memref_slice %arg12[%mul3A_8, %dma_start3A_24] : memref<10240x128xf32, #tpu.memory_space<vmem_shared>> -> memref<640x128xf32, #tpu.memory_space<vmem_shared>>
      %dma_start3A_26 = arith.constant 0 : i32
      %dma_start3A_27 = tpu.memref_slice %arg2[%add3A, %dma_start3A_26] : memref<20480x128xf32, #tpu.memory_space<hbm>> -> memref<640x128xf32, #tpu.memory_space<hbm>>
      tpu.enqueue_dma source(%dma_start3A_27 : memref<640x128xf32, #tpu.memory_space<hbm>>) target(%dma_start3A_25 : memref<640x128xf32, #tpu.memory_space<vmem_shared>>) target_semaphore(%run_scoped3A_23 : memref<!tpu.dma_semaphore, #tpu.memory_space<semaphore_mem>>)
      %dma_wait3A_28 = arith.constant 0 : i32
      %dma_wait3A_29 = tpu.memref_slice %arg12[%mul3A_8, %dma_wait3A_28] : memref<10240x128xf32, #tpu.memory_space<vmem_shared>> -> memref<640x128xf32, #tpu.memory_space<vmem_shared>>
      %dma_wait3A_30 = arith.constant 0 : i32
      %dma_wait3A_31 = tpu.memref_slice %arg2[%add3A, %dma_wait3A_30] : memref<20480x128xf32, #tpu.memory_space<hbm>> -> memref<640x128xf32, #tpu.memory_space<hbm>>
      tpu.wait_dma2 semaphore(%run_scoped3A_23 : memref<!tpu.dma_semaphore, #tpu.memory_space<semaphore_mem>>) src(%dma_wait3A_31 : memref<640x128xf32, #tpu.memory_space<hbm>>) dst(%dma_wait3A_29 : memref<640x128xf32, #tpu.memory_space<vmem_shared>>)
      tpu.yield
    }) : () -> ()
    %barrier3A = arith.constant 0 : index
    tpu.barrier barrier_id(%barrier3A)
    %scan3A = arith.constant 0 : i32
    %scan3A_9 = arith.constant 0 : i32
    %scan3A_10 = arith.constant 62 : i32
    %scan3A_11 = arith.addi %scan3A_9, %scan3A_10 : i32
    %scan3A_12 = arith.constant 1 : i32
    scf.for %scan3A_23 = %scan3A_9 to %scan3A_11 step %scan3A_12  : i32 {
      %mul3A_24 = arith.constant 2 : i32
      %mul3A_25 = arith.muli %mul3A_24, %scan3A_23 : i32
      %add3A_26 = arith.constant 1 : i32
      %add3A_27 = arith.addi %mul3A_25, %add3A_26 : i32
      %mul3A_28 = arith.constant 80 : i32
      %mul3A_29 = arith.muli %add3A_27, %mul3A_28 : i32
      %dma_start3A_30 = tpu.memref_slice %arg6[%mul3A_29] : memref<10000xi32, #tpu.memory_space<vmem>> -> memref<80xi32, #tpu.memory_space<vmem>>
      %dma_start3A_31 = arith.constant 0 : i32
      %dma_start3A_32 = arith.constant 0 : i32
      %dma_start3A_33 = tpu.memref_slice %arg2[%dma_start3A_31, %dma_start3A_32] : memref<20480x128xf32, #tpu.memory_space<hbm>> -> memref<20480x128xf32, #tpu.memory_space<hbm>>
      tpu.enqueue_indirect_dma source(%dma_start3A_33 : memref<20480x128xf32, #tpu.memory_space<hbm>>) target(%arg9 : memref<80x128xf32, #tpu.memory_space<vmem>>) offsets(%dma_start3A_30 : memref<80xi32, #tpu.memory_space<vmem>>) semaphore(%arg11 : memref<!tpu.dma_semaphore, #tpu.memory_space<semaphore_mem>>)
      %mul3A_34 = arith.constant 80 : i32
      %mul3A_35 = arith.muli %mul3A_25, %mul3A_34 : i32
      %dma_wait3A_36 = tpu.memref_slice %arg6[%mul3A_35] : memref<10000xi32, #tpu.memory_space<vmem>> -> memref<80xi32, #tpu.memory_space<vmem>>
      %dma_wait3A_37 = arith.constant 0 : i32
      %dma_wait3A_38 = arith.constant 0 : i32
      %dma_wait3A_39 = tpu.memref_slice %arg2[%dma_wait3A_37, %dma_wait3A_38] : memref<20480x128xf32, #tpu.memory_space<hbm>> -> memref<20480x128xf32, #tpu.memory_space<hbm>>
      tpu.wait_indirect_dma semaphore(%arg10 : memref<!tpu.dma_semaphore, #tpu.memory_space<semaphore_mem>>) src(%dma_wait3A_39 : memref<20480x128xf32, #tpu.memory_space<hbm>>) dst(%arg8 : memref<80x128xf32, #tpu.memory_space<vmem>>)
      "tpu.region"() ({
        %run_scoped3A_54 = tpu.sem_alloc : memref<!tpu.dma_semaphore, #tpu.memory_space<semaphore_mem>>
        %dma_start3A_55 = arith.constant 0 : i32
        %dma_start3A_56 = tpu.memref_slice %arg7[%mul3A_25, %dma_start3A_55] : memref<125x80xi32, #tpu.memory_space<vmem>> -> memref<1x80xi32, #tpu.memory_space<vmem>>
        %dma_start3A_57 = tpu.memref_squeeze %dma_start3A_56 : memref<1x80xi32, #tpu.memory_space<vmem>> -> memref<80xi32, #tpu.memory_space<vmem>>
        %dma_start3A_58 = arith.constant 0 : i32
        %dma_start3A_59 = arith.constant 0 : i32
        %dma_start3A_60 = tpu.memref_slice %arg12[%dma_start3A_58, %dma_start3A_59] : memref<10240x128xf32, #tpu.memory_space<vmem_shared>> -> memref<10240x128xf32, #tpu.memory_space<vmem_shared>>
        tpu.enqueue_indirect_dma source(%arg8 : memref<80x128xf32, #tpu.memory_space<vmem>>) target(%dma_start3A_60 : memref<10240x128xf32, #tpu.memory_space<vmem_shared>>) offsets(%dma_start3A_57 : memref<80xi32, #tpu.memory_space<vmem>>) semaphore(%run_scoped3A_54 : memref<!tpu.dma_semaphore, #tpu.memory_space<semaphore_mem>>) {add = true}
        %dma_wait3A_61 = arith.constant 0 : i32
        %dma_wait3A_62 = tpu.memref_slice %arg7[%mul3A_25, %dma_wait3A_61] : memref<125x80xi32, #tpu.memory_space<vmem>> -> memref<1x80xi32, #tpu.memory_space<vmem>>
        %dma_wait3A_63 = tpu.memref_squeeze %dma_wait3A_62 : memref<1x80xi32, #tpu.memory_space<vmem>> -> memref<80xi32, #tpu.memory_space<vmem>>
        %dma_wait3A_64 = arith.constant 0 : i32
        %dma_wait3A_65 = arith.constant 0 : i32
        %dma_wait3A_66 = tpu.memref_slice %arg12[%dma_wait3A_64, %dma_wait3A_65] : memref<10240x128xf32, #tpu.memory_space<vmem_shared>> -> memref<10240x128xf32, #tpu.memory_space<vmem_shared>>
        tpu.wait_indirect_dma semaphore(%run_scoped3A_54 : memref<!tpu.dma_semaphore, #tpu.memory_space<semaphore_mem>>) src(%arg8 : memref<80x128xf32, #tpu.memory_space<vmem>>) dst(%dma_wait3A_66 : memref<10240x128xf32, #tpu.memory_space<vmem_shared>>)
        tpu.yield
      }) : () -> ()
      %add3A_40 = arith.constant 2 : i32
      %add3A_41 = arith.addi %mul3A_25, %add3A_40 : i32
      %mul3A_42 = arith.constant 80 : i32
      %mul3A_43 = arith.muli %add3A_41, %mul3A_42 : i32
      %dma_start3A_44 = tpu.memref_slice %arg6[%mul3A_43] : memref<10000xi32, #tpu.memory_space<vmem>> -> memref<80xi32, #tpu.memory_space<vmem>>
      %dma_start3A_45 = arith.constant 0 : i32
      %dma_start3A_46 = arith.constant 0 : i32
      %dma_start3A_47 = tpu.memref_slice %arg2[%dma_start3A_45, %dma_start3A_46] : memref<20480x128xf32, #tpu.memory_space<hbm>> -> memref<20480x128xf32, #tpu.memory_space<hbm>>
      tpu.enqueue_indirect_dma source(%dma_start3A_47 : memref<20480x128xf32, #tpu.memory_space<hbm>>) target(%arg8 : memref<80x128xf32, #tpu.memory_space<vmem>>) offsets(%dma_start3A_44 : memref<80xi32, #tpu.memory_space<vmem>>) semaphore(%arg10 : memref<!tpu.dma_semaphore, #tpu.memory_space<semaphore_mem>>)
      %dma_wait3A_48 = tpu.memref_slice %arg6[%mul3A_29] : memref<10000xi32, #tpu.memory_space<vmem>> -> memref<80xi32, #tpu.memory_space<vmem>>
      %dma_wait3A_49 = arith.constant 0 : i32
      %dma_wait3A_50 = arith.constant 0 : i32
      %dma_wait3A_51 = tpu.memref_slice %arg2[%dma_wait3A_49, %dma_wait3A_50] : memref<20480x128xf32, #tpu.memory_space<hbm>> -> memref<20480x128xf32, #tpu.memory_space<hbm>>
      tpu.wait_indirect_dma semaphore(%arg11 : memref<!tpu.dma_semaphore, #tpu.memory_space<semaphore_mem>>) src(%dma_wait3A_51 : memref<20480x128xf32, #tpu.memory_space<hbm>>) dst(%arg9 : memref<80x128xf32, #tpu.memory_space<vmem>>)
      %add3A_52 = arith.constant 1 : i32
      %add3A_53 = arith.addi %mul3A_25, %add3A_52 : i32
      "tpu.region"() ({
        %run_scoped3A_54 = tpu.sem_alloc : memref<!tpu.dma_semaphore, #tpu.memory_space<semaphore_mem>>
        %dma_start3A_55 = arith.constant 0 : i32
        %dma_start3A_56 = tpu.memref_slice %arg7[%add3A_53, %dma_start3A_55] : memref<125x80xi32, #tpu.memory_space<vmem>> -> memref<1x80xi32, #tpu.memory_space<vmem>>
        %dma_start3A_57 = tpu.memref_squeeze %dma_start3A_56 : memref<1x80xi32, #tpu.memory_space<vmem>> -> memref<80xi32, #tpu.memory_space<vmem>>
        %dma_start3A_58 = arith.constant 0 : i32
        %dma_start3A_59 = arith.constant 0 : i32
        %dma_start3A_60 = tpu.memref_slice %arg12[%dma_start3A_58, %dma_start3A_59] : memref<10240x128xf32, #tpu.memory_space<vmem_shared>> -> memref<10240x128xf32, #tpu.memory_space<vmem_shared>>
        tpu.enqueue_indirect_dma source(%arg9 : memref<80x128xf32, #tpu.memory_space<vmem>>) target(%dma_start3A_60 : memref<10240x128xf32, #tpu.memory_space<vmem_shared>>) offsets(%dma_start3A_57 : memref<80xi32, #tpu.memory_space<vmem>>) semaphore(%run_scoped3A_54 : memref<!tpu.dma_semaphore, #tpu.memory_space<semaphore_mem>>) {add = true}
        %dma_wait3A_61 = arith.constant 0 : i32
        %dma_wait3A_62 = tpu.memref_slice %arg7[%add3A_53, %dma_wait3A_61] : memref<125x80xi32, #tpu.memory_space<vmem>> -> memref<1x80xi32, #tpu.memory_space<vmem>>
        %dma_wait3A_63 = tpu.memref_squeeze %dma_wait3A_62 : memref<1x80xi32, #tpu.memory_space<vmem>> -> memref<80xi32, #tpu.memory_space<vmem>>
        %dma_wait3A_64 = arith.constant 0 : i32
        %dma_wait3A_65 = arith.constant 0 : i32
        %dma_wait3A_66 = tpu.memref_slice %arg12[%dma_wait3A_64, %dma_wait3A_65] : memref<10240x128xf32, #tpu.memory_space<vmem_shared>> -> memref<10240x128xf32, #tpu.memory_space<vmem_shared>>
        tpu.wait_indirect_dma semaphore(%run_scoped3A_54 : memref<!tpu.dma_semaphore, #tpu.memory_space<semaphore_mem>>) src(%arg9 : memref<80x128xf32, #tpu.memory_space<vmem>>) dst(%dma_wait3A_66 : memref<10240x128xf32, #tpu.memory_space<vmem_shared>>)
        tpu.yield
      }) : () -> ()
    }
    %scan3A_13 = arith.constant 62 : i32
    %dma_wait3A = arith.constant 9920 : i32
    %dma_wait3A_14 = tpu.memref_slice %arg6[%dma_wait3A] : memref<10000xi32, #tpu.memory_space<vmem>> -> memref<80xi32, #tpu.memory_space<vmem>>
    %dma_wait3A_15 = arith.constant 0 : i32
    %dma_wait3A_16 = arith.constant 0 : i32
    %dma_wait3A_17 = tpu.memref_slice %arg2[%dma_wait3A_15, %dma_wait3A_16] : memref<20480x128xf32, #tpu.memory_space<hbm>> -> memref<20480x128xf32, #tpu.memory_space<hbm>>
    tpu.wait_indirect_dma semaphore(%arg10 : memref<!tpu.dma_semaphore, #tpu.memory_space<semaphore_mem>>) src(%dma_wait3A_17 : memref<20480x128xf32, #tpu.memory_space<hbm>>) dst(%arg8 : memref<80x128xf32, #tpu.memory_space<vmem>>)
    %run_scoped3A = arith.constant 124 : i32
    "tpu.region"() ({
      %run_scoped3A_23 = tpu.sem_alloc : memref<!tpu.dma_semaphore, #tpu.memory_space<semaphore_mem>>
      %dma_start3A_24 = arith.constant 0 : i32
      %dma_start3A_25 = tpu.memref_slice %arg7[%run_scoped3A, %dma_start3A_24] : memref<125x80xi32, #tpu.memory_space<vmem>> -> memref<1x80xi32, #tpu.memory_space<vmem>>
      %dma_start3A_26 = tpu.memref_squeeze %dma_start3A_25 : memref<1x80xi32, #tpu.memory_space<vmem>> -> memref<80xi32, #tpu.memory_space<vmem>>
      %dma_start3A_27 = arith.constant 0 : i32
      %dma_start3A_28 = arith.constant 0 : i32
      %dma_start3A_29 = tpu.memref_slice %arg12[%dma_start3A_27, %dma_start3A_28] : memref<10240x128xf32, #tpu.memory_space<vmem_shared>> -> memref<10240x128xf32, #tpu.memory_space<vmem_shared>>
      tpu.enqueue_indirect_dma source(%arg8 : memref<80x128xf32, #tpu.memory_space<vmem>>) target(%dma_start3A_29 : memref<10240x128xf32, #tpu.memory_space<vmem_shared>>) offsets(%dma_start3A_26 : memref<80xi32, #tpu.memory_space<vmem>>) semaphore(%run_scoped3A_23 : memref<!tpu.dma_semaphore, #tpu.memory_space<semaphore_mem>>) {add = true}
      %dma_wait3A_30 = arith.constant 0 : i32
      %dma_wait3A_31 = tpu.memref_slice %arg7[%run_scoped3A, %dma_wait3A_30] : memref<125x80xi32, #tpu.memory_space<vmem>> -> memref<1x80xi32, #tpu.memory_space<vmem>>
      %dma_wait3A_32 = tpu.memref_squeeze %dma_wait3A_31 : memref<1x80xi32, #tpu.memory_space<vmem>> -> memref<80xi32, #tpu.memory_space<vmem>>
      %dma_wait3A_33 = arith.constant 0 : i32
      %dma_wait3A_34 = arith.constant 0 : i32
      %dma_wait3A_35 = tpu.memref_slice %arg12[%dma_wait3A_33, %dma_wait3A_34] : memref<10240x128xf32, #tpu.memory_space<vmem_shared>> -> memref<10240x128xf32, #tpu.memory_space<vmem_shared>>
      tpu.wait_indirect_dma semaphore(%run_scoped3A_23 : memref<!tpu.dma_semaphore, #tpu.memory_space<semaphore_mem>>) src(%arg8 : memref<80x128xf32, #tpu.memory_space<vmem>>) dst(%dma_wait3A_35 : memref<10240x128xf32, #tpu.memory_space<vmem_shared>>)
      tpu.yield
    }) : () -> ()
    %barrier3A_18 = arith.constant 0 : index
    tpu.barrier barrier_id(%barrier3A_18)
    %mul3A_19 = arith.constant 640 : i32
    %mul3A_20 = arith.muli %arg1, %mul3A_19 : i32
    %mul3A_21 = arith.constant 640 : i32
    %mul3A_22 = arith.muli %arg1, %mul3A_21 : i32
    "tpu.region"() ({
      %run_scoped3A_23 = tpu.sem_alloc : memref<!tpu.dma_semaphore, #tpu.memory_space<semaphore_mem>>
      %dma_start3A_24 = arith.constant 0 : i32
      %dma_start3A_25 = tpu.memref_slice %arg5[%arg0, %mul3A_22, %dma_start3A_24] : memref<2x10240x128xf32, #tpu.memory_space<hbm>> -> memref<1x640x128xf32, #tpu.memory_space<hbm>>
      %dma_start3A_26 = tpu.memref_squeeze %dma_start3A_25 : memref<1x640x128xf32, #tpu.memory_space<hbm>> -> memref<640x128xf32, #tpu.memory_space<hbm>>
      %dma_start3A_27 = arith.constant 0 : i32
      %dma_start3A_28 = tpu.memref_slice %arg12[%mul3A_20, %dma_start3A_27] : memref<10240x128xf32, #tpu.memory_space<vmem_shared>> -> memref<640x128xf32, #tpu.memory_space<vmem_shared>>
      tpu.enqueue_dma source(%dma_start3A_28 : memref<640x128xf32, #tpu.memory_space<vmem_shared>>) target(%dma_start3A_26 : memref<640x128xf32, #tpu.memory_space<hbm>>) target_semaphore(%run_scoped3A_23 : memref<!tpu.dma_semaphore, #tpu.memory_space<semaphore_mem>>)
      %dma_wait3A_29 = arith.constant 0 : i32
      %dma_wait3A_30 = tpu.memref_slice %arg5[%arg0, %mul3A_22, %dma_wait3A_29] : memref<2x10240x128xf32, #tpu.memory_space<hbm>> -> memref<1x640x128xf32, #tpu.memory_space<hbm>>
      %dma_wait3A_31 = tpu.memref_squeeze %dma_wait3A_30 : memref<1x640x128xf32, #tpu.memory_space<hbm>> -> memref<640x128xf32, #tpu.memory_space<hbm>>
      %dma_wait3A_32 = arith.constant 0 : i32
      %dma_wait3A_33 = tpu.memref_slice %arg12[%mul3A_20, %dma_wait3A_32] : memref<10240x128xf32, #tpu.memory_space<vmem_shared>> -> memref<640x128xf32, #tpu.memory_space<vmem_shared>>
      tpu.wait_dma2 semaphore(%run_scoped3A_23 : memref<!tpu.dma_semaphore, #tpu.memory_space<semaphore_mem>>) src(%dma_wait3A_33 : memref<640x128xf32, #tpu.memory_space<vmem_shared>>) dst(%dma_wait3A_31 : memref<640x128xf32, #tpu.memory_space<hbm>>)
      tpu.yield
    }) : () -> ()
    return
  }
}

#map = affine_map<(d0, d1) -> (0, 0, 0, 0)>
#map1 = affine_map<(d0, d1) -> (0, 0)>
module attributes {stable_mosaic.version = 14 : i64} {
  func.func @_deg_sc(%arg0: i32, %arg1: i32, %arg2: memref<2x16x125x80xi32, #tpu.memory_space<hbm>>, %arg3: memref<2x10240xf32, #tpu.memory_space<hbm>>, %arg4: memref<125x80xi32, #tpu.memory_space<vmem>>, %arg5: memref<80xf32, #tpu.memory_space<vmem>>, %arg6: memref<640xf32, #tpu.memory_space<vmem>>, %arg7: memref<10240xf32, #tpu.memory_space<vmem_shared>>) attributes {dimension_semantics = [#tpu.dimension_semantics<core_parallel>, #tpu.dimension_semantics<subcore_parallel>], iteration_bounds = array<i64: 2, 16>, scalar_prefetch = 0 : i64, scratch_operands = 4 : i64, tpu.core_type = #tpu.core_type<sc_vector_subcore>, window_params = [{transform_indices = #map}, {transform_indices = #map1}]} {
    %broadcast_in_dim3A = arith.constant 0.000000e+00 : f32
    %broadcast_in_dim3A_0 = vector.broadcast %broadcast_in_dim3A : f32 to vector<16xf32>
    %swap3A = arith.constant 0 : index
    %swap3A_1 = tpu.vector_load %arg6[%swap3A] {strides = array<i32>} : memref<640xf32, #tpu.memory_space<vmem>>, vector<16xf32>,
    %swap3A_2 = vector.shape_cast %swap3A_1 : vector<16xf32> to vector<16xf32>
    %swap3A_3 = vector.shape_cast %broadcast_in_dim3A_0 : vector<16xf32> to vector<16xf32>
    tpu.vector_store %arg6[%swap3A], %swap3A_3 {strides = array<i32>} : memref<640xf32, #tpu.memory_space<vmem>>, vector<16xf32>,
    %broadcast_in_dim3A_4 = arith.constant 0.000000e+00 : f32
    %broadcast_in_dim3A_5 = vector.broadcast %broadcast_in_dim3A_4 : f32 to vector<16xf32>
    %swap3A_6 = arith.constant 16 : index
    %swap3A_7 = tpu.vector_load %arg6[%swap3A_6] {strides = array<i32>} : memref<640xf32, #tpu.memory_space<vmem>>, vector<16xf32>,
    %swap3A_8 = vector.shape_cast %swap3A_7 : vector<16xf32> to vector<16xf32>
    %swap3A_9 = vector.shape_cast %broadcast_in_dim3A_5 : vector<16xf32> to vector<16xf32>
    tpu.vector_store %arg6[%swap3A_6], %swap3A_9 {strides = array<i32>} : memref<640xf32, #tpu.memory_space<vmem>>, vector<16xf32>,
    %broadcast_in_dim3A_10 = arith.constant 0.000000e+00 : f32
    %broadcast_in_dim3A_11 = vector.broadcast %broadcast_in_dim3A_10 : f32 to vector<16xf32>
    %swap3A_12 = arith.constant 32 : index
    %swap3A_13 = tpu.vector_load %arg6[%swap3A_12] {strides = array<i32>} : memref<640xf32, #tpu.memory_space<vmem>>, vector<16xf32>,
    %swap3A_14 = vector.shape_cast %swap3A_13 : vector<16xf32> to vector<16xf32>
    %swap3A_15 = vector.shape_cast %broadcast_in_dim3A_11 : vector<16xf32> to vector<16xf32>
    tpu.vector_store %arg6[%swap3A_12], %swap3A_15 {strides = array<i32>} : memref<640xf32, #tpu.memory_space<vmem>>, vector<16xf32>,
    %broadcast_in_dim3A_16 = arith.constant 0.000000e+00 : f32
    %broadcast_in_dim3A_17 = vector.broadcast %broadcast_in_dim3A_16 : f32 to vector<16xf32>
    %swap3A_18 = arith.constant 48 : index
    %swap3A_19 = tpu.vector_load %arg6[%swap3A_18] {strides = array<i32>} : memref<640xf32, #tpu.memory_space<vmem>>, vector<16xf32>,
    %swap3A_20 = vector.shape_cast %swap3A_19 : vector<16xf32> to vector<16xf32>
    %swap3A_21 = vector.shape_cast %broadcast_in_dim3A_17 : vector<16xf32> to vector<16xf32>
    tpu.vector_store %arg6[%swap3A_18], %swap3A_21 {strides = array<i32>} : memref<640xf32, #tpu.memory_space<vmem>>, vector<16xf32>,
    %broadcast_in_dim3A_22 = arith.constant 0.000000e+00 : f32
    %broadcast_in_dim3A_23 = vector.broadcast %broadcast_in_dim3A_22 : f32 to vector<16xf32>
    %swap3A_24 = arith.constant 64 : index
    %swap3A_25 = tpu.vector_load %arg6[%swap3A_24] {strides = array<i32>} : memref<640xf32, #tpu.memory_space<vmem>>, vector<16xf32>,
    %swap3A_26 = vector.shape_cast %swap3A_25 : vector<16xf32> to vector<16xf32>
    %swap3A_27 = vector.shape_cast %broadcast_in_dim3A_23 : vector<16xf32> to vector<16xf32>
    tpu.vector_store %arg6[%swap3A_24], %swap3A_27 {strides = array<i32>} : memref<640xf32, #tpu.memory_space<vmem>>, vector<16xf32>,
    %broadcast_in_dim3A_28 = arith.constant 0.000000e+00 : f32
    %broadcast_in_dim3A_29 = vector.broadcast %broadcast_in_dim3A_28 : f32 to vector<16xf32>
    %swap3A_30 = arith.constant 80 : index
    %swap3A_31 = tpu.vector_load %arg6[%swap3A_30] {strides = array<i32>} : memref<640xf32, #tpu.memory_space<vmem>>, vector<16xf32>,
    %swap3A_32 = vector.shape_cast %swap3A_31 : vector<16xf32> to vector<16xf32>
    %swap3A_33 = vector.shape_cast %broadcast_in_dim3A_29 : vector<16xf32> to vector<16xf32>
    tpu.vector_store %arg6[%swap3A_30], %swap3A_33 {strides = array<i32>} : memref<640xf32, #tpu.memory_space<vmem>>, vector<16xf32>,
    %broadcast_in_dim3A_34 = arith.constant 0.000000e+00 : f32
    %broadcast_in_dim3A_35 = vector.broadcast %broadcast_in_dim3A_34 : f32 to vector<16xf32>
    %swap3A_36 = arith.constant 96 : index
    %swap3A_37 = tpu.vector_load %arg6[%swap3A_36] {strides = array<i32>} : memref<640xf32, #tpu.memory_space<vmem>>, vector<16xf32>,
    %swap3A_38 = vector.shape_cast %swap3A_37 : vector<16xf32> to vector<16xf32>
    %swap3A_39 = vector.shape_cast %broadcast_in_dim3A_35 : vector<16xf32> to vector<16xf32>
    tpu.vector_store %arg6[%swap3A_36], %swap3A_39 {strides = array<i32>} : memref<640xf32, #tpu.memory_space<vmem>>, vector<16xf32>,
    %broadcast_in_dim3A_40 = arith.constant 0.000000e+00 : f32
    %broadcast_in_dim3A_41 = vector.broadcast %broadcast_in_dim3A_40 : f32 to vector<16xf32>
    %swap3A_42 = arith.constant 112 : index
    %swap3A_43 = tpu.vector_load %arg6[%swap3A_42] {strides = array<i32>} : memref<640xf32, #tpu.memory_space<vmem>>, vector<16xf32>,
    %swap3A_44 = vector.shape_cast %swap3A_43 : vector<16xf32> to vector<16xf32>
    %swap3A_45 = vector.shape_cast %broadcast_in_dim3A_41 : vector<16xf32> to vector<16xf32>
    tpu.vector_store %arg6[%swap3A_42], %swap3A_45 {strides = array<i32>} : memref<640xf32, #tpu.memory_space<vmem>>, vector<16xf32>,
    %broadcast_in_dim3A_46 = arith.constant 0.000000e+00 : f32
    %broadcast_in_dim3A_47 = vector.broadcast %broadcast_in_dim3A_46 : f32 to vector<16xf32>
    %swap3A_48 = arith.constant 128 : index
    %swap3A_49 = tpu.vector_load %arg6[%swap3A_48] {strides = array<i32>} : memref<640xf32, #tpu.memory_space<vmem>>, vector<16xf32>,
    %swap3A_50 = vector.shape_cast %swap3A_49 : vector<16xf32> to vector<16xf32>
    %swap3A_51 = vector.shape_cast %broadcast_in_dim3A_47 : vector<16xf32> to vector<16xf32>
    tpu.vector_store %arg6[%swap3A_48], %swap3A_51 {strides = array<i32>} : memref<640xf32, #tpu.memory_space<vmem>>, vector<16xf32>,
    %broadcast_in_dim3A_52 = arith.constant 0.000000e+00 : f32
    %broadcast_in_dim3A_53 = vector.broadcast %broadcast_in_dim3A_52 : f32 to vector<16xf32>
    %swap3A_54 = arith.constant 144 : index
    %swap3A_55 = tpu.vector_load %arg6[%swap3A_54] {strides = array<i32>} : memref<640xf32, #tpu.memory_space<vmem>>, vector<16xf32>,
    %swap3A_56 = vector.shape_cast %swap3A_55 : vector<16xf32> to vector<16xf32>
    %swap3A_57 = vector.shape_cast %broadcast_in_dim3A_53 : vector<16xf32> to vector<16xf32>
    tpu.vector_store %arg6[%swap3A_54], %swap3A_57 {strides = array<i32>} : memref<640xf32, #tpu.memory_space<vmem>>, vector<16xf32>,
    %broadcast_in_dim3A_58 = arith.constant 0.000000e+00 : f32
    %broadcast_in_dim3A_59 = vector.broadcast %broadcast_in_dim3A_58 : f32 to vector<16xf32>
    %swap3A_60 = arith.constant 160 : index
    %swap3A_61 = tpu.vector_load %arg6[%swap3A_60] {strides = array<i32>} : memref<640xf32, #tpu.memory_space<vmem>>, vector<16xf32>,
    %swap3A_62 = vector.shape_cast %swap3A_61 : vector<16xf32> to vector<16xf32>
    %swap3A_63 = vector.shape_cast %broadcast_in_dim3A_59 : vector<16xf32> to vector<16xf32>
    tpu.vector_store %arg6[%swap3A_60], %swap3A_63 {strides = array<i32>} : memref<640xf32, #tpu.memory_space<vmem>>, vector<16xf32>,
    %broadcast_in_dim3A_64 = arith.constant 0.000000e+00 : f32
    %broadcast_in_dim3A_65 = vector.broadcast %broadcast_in_dim3A_64 : f32 to vector<16xf32>
    %swap3A_66 = arith.constant 176 : index
    %swap3A_67 = tpu.vector_load %arg6[%swap3A_66] {strides = array<i32>} : memref<640xf32, #tpu.memory_space<vmem>>, vector<16xf32>,
    %swap3A_68 = vector.shape_cast %swap3A_67 : vector<16xf32> to vector<16xf32>
    %swap3A_69 = vector.shape_cast %broadcast_in_dim3A_65 : vector<16xf32> to vector<16xf32>
    tpu.vector_store %arg6[%swap3A_66], %swap3A_69 {strides = array<i32>} : memref<640xf32, #tpu.memory_space<vmem>>, vector<16xf32>,
    %broadcast_in_dim3A_70 = arith.constant 0.000000e+00 : f32
    %broadcast_in_dim3A_71 = vector.broadcast %broadcast_in_dim3A_70 : f32 to vector<16xf32>
    %swap3A_72 = arith.constant 192 : index
    %swap3A_73 = tpu.vector_load %arg6[%swap3A_72] {strides = array<i32>} : memref<640xf32, #tpu.memory_space<vmem>>, vector<16xf32>,
    %swap3A_74 = vector.shape_cast %swap3A_73 : vector<16xf32> to vector<16xf32>
    %swap3A_75 = vector.shape_cast %broadcast_in_dim3A_71 : vector<16xf32> to vector<16xf32>
    tpu.vector_store %arg6[%swap3A_72], %swap3A_75 {strides = array<i32>} : memref<640xf32, #tpu.memory_space<vmem>>, vector<16xf32>,
    %broadcast_in_dim3A_76 = arith.constant 0.000000e+00 : f32
    %broadcast_in_dim3A_77 = vector.broadcast %broadcast_in_dim3A_76 : f32 to vector<16xf32>
    %swap3A_78 = arith.constant 208 : index
    %swap3A_79 = tpu.vector_load %arg6[%swap3A_78] {strides = array<i32>} : memref<640xf32, #tpu.memory_space<vmem>>, vector<16xf32>,
    %swap3A_80 = vector.shape_cast %swap3A_79 : vector<16xf32> to vector<16xf32>
    %swap3A_81 = vector.shape_cast %broadcast_in_dim3A_77 : vector<16xf32> to vector<16xf32>
    tpu.vector_store %arg6[%swap3A_78], %swap3A_81 {strides = array<i32>} : memref<640xf32, #tpu.memory_space<vmem>>, vector<16xf32>,
    %broadcast_in_dim3A_82 = arith.constant 0.000000e+00 : f32
    %broadcast_in_dim3A_83 = vector.broadcast %broadcast_in_dim3A_82 : f32 to vector<16xf32>
    %swap3A_84 = arith.constant 224 : index
    %swap3A_85 = tpu.vector_load %arg6[%swap3A_84] {strides = array<i32>} : memref<640xf32, #tpu.memory_space<vmem>>, vector<16xf32>,
    %swap3A_86 = vector.shape_cast %swap3A_85 : vector<16xf32> to vector<16xf32>
    %swap3A_87 = vector.shape_cast %broadcast_in_dim3A_83 : vector<16xf32> to vector<16xf32>
    tpu.vector_store %arg6[%swap3A_84], %swap3A_87 {strides = array<i32>} : memref<640xf32, #tpu.memory_space<vmem>>, vector<16xf32>,
    %broadcast_in_dim3A_88 = arith.constant 0.000000e+00 : f32
    %broadcast_in_dim3A_89 = vector.broadcast %broadcast_in_dim3A_88 : f32 to vector<16xf32>
    %swap3A_90 = arith.constant 240 : index
    %swap3A_91 = tpu.vector_load %arg6[%swap3A_90] {strides = array<i32>} : memref<640xf32, #tpu.memory_space<vmem>>, vector<16xf32>,
    %swap3A_92 = vector.shape_cast %swap3A_91 : vector<16xf32> to vector<16xf32>
    %swap3A_93 = vector.shape_cast %broadcast_in_dim3A_89 : vector<16xf32> to vector<16xf32>
    tpu.vector_store %arg6[%swap3A_90], %swap3A_93 {strides = array<i32>} : memref<640xf32, #tpu.memory_space<vmem>>, vector<16xf32>,
    %broadcast_in_dim3A_94 = arith.constant 0.000000e+00 : f32
    %broadcast_in_dim3A_95 = vector.broadcast %broadcast_in_dim3A_94 : f32 to vector<16xf32>
    %swap3A_96 = arith.constant 256 : index
    %swap3A_97 = tpu.vector_load %arg6[%swap3A_96] {strides = array<i32>} : memref<640xf32, #tpu.memory_space<vmem>>, vector<16xf32>,
    %swap3A_98 = vector.shape_cast %swap3A_97 : vector<16xf32> to vector<16xf32>
    %swap3A_99 = vector.shape_cast %broadcast_in_dim3A_95 : vector<16xf32> to vector<16xf32>
    tpu.vector_store %arg6[%swap3A_96], %swap3A_99 {strides = array<i32>} : memref<640xf32, #tpu.memory_space<vmem>>, vector<16xf32>,
    %broadcast_in_dim3A_100 = arith.constant 0.000000e+00 : f32
    %broadcast_in_dim3A_101 = vector.broadcast %broadcast_in_dim3A_100 : f32 to vector<16xf32>
    %swap3A_102 = arith.constant 272 : index
    %swap3A_103 = tpu.vector_load %arg6[%swap3A_102] {strides = array<i32>} : memref<640xf32, #tpu.memory_space<vmem>>, vector<16xf32>,
    %swap3A_104 = vector.shape_cast %swap3A_103 : vector<16xf32> to vector<16xf32>
    %swap3A_105 = vector.shape_cast %broadcast_in_dim3A_101 : vector<16xf32> to vector<16xf32>
    tpu.vector_store %arg6[%swap3A_102], %swap3A_105 {strides = array<i32>} : memref<640xf32, #tpu.memory_space<vmem>>, vector<16xf32>,
    %broadcast_in_dim3A_106 = arith.constant 0.000000e+00 : f32
    %broadcast_in_dim3A_107 = vector.broadcast %broadcast_in_dim3A_106 : f32 to vector<16xf32>
    %swap3A_108 = arith.constant 288 : index
    %swap3A_109 = tpu.vector_load %arg6[%swap3A_108] {strides = array<i32>} : memref<640xf32, #tpu.memory_space<vmem>>, vector<16xf32>,
    %swap3A_110 = vector.shape_cast %swap3A_109 : vector<16xf32> to vector<16xf32>
    %swap3A_111 = vector.shape_cast %broadcast_in_dim3A_107 : vector<16xf32> to vector<16xf32>
    tpu.vector_store %arg6[%swap3A_108], %swap3A_111 {strides = array<i32>} : memref<640xf32, #tpu.memory_space<vmem>>, vector<16xf32>,
    %broadcast_in_dim3A_112 = arith.constant 0.000000e+00 : f32
    %broadcast_in_dim3A_113 = vector.broadcast %broadcast_in_dim3A_112 : f32 to vector<16xf32>
    %swap3A_114 = arith.constant 304 : index
    %swap3A_115 = tpu.vector_load %arg6[%swap3A_114] {strides = array<i32>} : memref<640xf32, #tpu.memory_space<vmem>>, vector<16xf32>,
    %swap3A_116 = vector.shape_cast %swap3A_115 : vector<16xf32> to vector<16xf32>
    %swap3A_117 = vector.shape_cast %broadcast_in_dim3A_113 : vector<16xf32> to vector<16xf32>
    tpu.vector_store %arg6[%swap3A_114], %swap3A_117 {strides = array<i32>} : memref<640xf32, #tpu.memory_space<vmem>>, vector<16xf32>,
    %broadcast_in_dim3A_118 = arith.constant 0.000000e+00 : f32
    %broadcast_in_dim3A_119 = vector.broadcast %broadcast_in_dim3A_118 : f32 to vector<16xf32>
    %swap3A_120 = arith.constant 320 : index
    %swap3A_121 = tpu.vector_load %arg6[%swap3A_120] {strides = array<i32>} : memref<640xf32, #tpu.memory_space<vmem>>, vector<16xf32>,
    %swap3A_122 = vector.shape_cast %swap3A_121 : vector<16xf32> to vector<16xf32>
    %swap3A_123 = vector.shape_cast %broadcast_in_dim3A_119 : vector<16xf32> to vector<16xf32>
    tpu.vector_store %arg6[%swap3A_120], %swap3A_123 {strides = array<i32>} : memref<640xf32, #tpu.memory_space<vmem>>, vector<16xf32>,
    %broadcast_in_dim3A_124 = arith.constant 0.000000e+00 : f32
    %broadcast_in_dim3A_125 = vector.broadcast %broadcast_in_dim3A_124 : f32 to vector<16xf32>
    %swap3A_126 = arith.constant 336 : index
    %swap3A_127 = tpu.vector_load %arg6[%swap3A_126] {strides = array<i32>} : memref<640xf32, #tpu.memory_space<vmem>>, vector<16xf32>,
    %swap3A_128 = vector.shape_cast %swap3A_127 : vector<16xf32> to vector<16xf32>
    %swap3A_129 = vector.shape_cast %broadcast_in_dim3A_125 : vector<16xf32> to vector<16xf32>
    tpu.vector_store %arg6[%swap3A_126], %swap3A_129 {strides = array<i32>} : memref<640xf32, #tpu.memory_space<vmem>>, vector<16xf32>,
    %broadcast_in_dim3A_130 = arith.constant 0.000000e+00 : f32
    %broadcast_in_dim3A_131 = vector.broadcast %broadcast_in_dim3A_130 : f32 to vector<16xf32>
    %swap3A_132 = arith.constant 352 : index
    %swap3A_133 = tpu.vector_load %arg6[%swap3A_132] {strides = array<i32>} : memref<640xf32, #tpu.memory_space<vmem>>, vector<16xf32>,
    %swap3A_134 = vector.shape_cast %swap3A_133 : vector<16xf32> to vector<16xf32>
    %swap3A_135 = vector.shape_cast %broadcast_in_dim3A_131 : vector<16xf32> to vector<16xf32>
    tpu.vector_store %arg6[%swap3A_132], %swap3A_135 {strides = array<i32>} : memref<640xf32, #tpu.memory_space<vmem>>, vector<16xf32>,
    %broadcast_in_dim3A_136 = arith.constant 0.000000e+00 : f32
    %broadcast_in_dim3A_137 = vector.broadcast %broadcast_in_dim3A_136 : f32 to vector<16xf32>
    %swap3A_138 = arith.constant 368 : index
    %swap3A_139 = tpu.vector_load %arg6[%swap3A_138] {strides = array<i32>} : memref<640xf32, #tpu.memory_space<vmem>>, vector<16xf32>,
    %swap3A_140 = vector.shape_cast %swap3A_139 : vector<16xf32> to vector<16xf32>
    %swap3A_141 = vector.shape_cast %broadcast_in_dim3A_137 : vector<16xf32> to vector<16xf32>
    tpu.vector_store %arg6[%swap3A_138], %swap3A_141 {strides = array<i32>} : memref<640xf32, #tpu.memory_space<vmem>>, vector<16xf32>,
    %broadcast_in_dim3A_142 = arith.constant 0.000000e+00 : f32
    %broadcast_in_dim3A_143 = vector.broadcast %broadcast_in_dim3A_142 : f32 to vector<16xf32>
    %swap3A_144 = arith.constant 384 : index
    %swap3A_145 = tpu.vector_load %arg6[%swap3A_144] {strides = array<i32>} : memref<640xf32, #tpu.memory_space<vmem>>, vector<16xf32>,
    %swap3A_146 = vector.shape_cast %swap3A_145 : vector<16xf32> to vector<16xf32>
    %swap3A_147 = vector.shape_cast %broadcast_in_dim3A_143 : vector<16xf32> to vector<16xf32>
    tpu.vector_store %arg6[%swap3A_144], %swap3A_147 {strides = array<i32>} : memref<640xf32, #tpu.memory_space<vmem>>, vector<16xf32>,
    %broadcast_in_dim3A_148 = arith.constant 0.000000e+00 : f32
    %broadcast_in_dim3A_149 = vector.broadcast %broadcast_in_dim3A_148 : f32 to vector<16xf32>
    %swap3A_150 = arith.constant 400 : index
    %swap3A_151 = tpu.vector_load %arg6[%swap3A_150] {strides = array<i32>} : memref<640xf32, #tpu.memory_space<vmem>>, vector<16xf32>,
    %swap3A_152 = vector.shape_cast %swap3A_151 : vector<16xf32> to vector<16xf32>
    %swap3A_153 = vector.shape_cast %broadcast_in_dim3A_149 : vector<16xf32> to vector<16xf32>
    tpu.vector_store %arg6[%swap3A_150], %swap3A_153 {strides = array<i32>} : memref<640xf32, #tpu.memory_space<vmem>>, vector<16xf32>,
    %broadcast_in_dim3A_154 = arith.constant 0.000000e+00 : f32
    %broadcast_in_dim3A_155 = vector.broadcast %broadcast_in_dim3A_154 : f32 to vector<16xf32>
    %swap3A_156 = arith.constant 416 : index
    %swap3A_157 = tpu.vector_load %arg6[%swap3A_156] {strides = array<i32>} : memref<640xf32, #tpu.memory_space<vmem>>, vector<16xf32>,
    %swap3A_158 = vector.shape_cast %swap3A_157 : vector<16xf32> to vector<16xf32>
    %swap3A_159 = vector.shape_cast %broadcast_in_dim3A_155 : vector<16xf32> to vector<16xf32>
    tpu.vector_store %arg6[%swap3A_156], %swap3A_159 {strides = array<i32>} : memref<640xf32, #tpu.memory_space<vmem>>, vector<16xf32>,
    %broadcast_in_dim3A_160 = arith.constant 0.000000e+00 : f32
    %broadcast_in_dim3A_161 = vector.broadcast %broadcast_in_dim3A_160 : f32 to vector<16xf32>
    %swap3A_162 = arith.constant 432 : index
    %swap3A_163 = tpu.vector_load %arg6[%swap3A_162] {strides = array<i32>} : memref<640xf32, #tpu.memory_space<vmem>>, vector<16xf32>,
    %swap3A_164 = vector.shape_cast %swap3A_163 : vector<16xf32> to vector<16xf32>
    %swap3A_165 = vector.shape_cast %broadcast_in_dim3A_161 : vector<16xf32> to vector<16xf32>
    tpu.vector_store %arg6[%swap3A_162], %swap3A_165 {strides = array<i32>} : memref<640xf32, #tpu.memory_space<vmem>>, vector<16xf32>,
    %broadcast_in_dim3A_166 = arith.constant 0.000000e+00 : f32
    %broadcast_in_dim3A_167 = vector.broadcast %broadcast_in_dim3A_166 : f32 to vector<16xf32>
    %swap3A_168 = arith.constant 448 : index
    %swap3A_169 = tpu.vector_load %arg6[%swap3A_168] {strides = array<i32>} : memref<640xf32, #tpu.memory_space<vmem>>, vector<16xf32>,
    %swap3A_170 = vector.shape_cast %swap3A_169 : vector<16xf32> to vector<16xf32>
    %swap3A_171 = vector.shape_cast %broadcast_in_dim3A_167 : vector<16xf32> to vector<16xf32>
    tpu.vector_store %arg6[%swap3A_168], %swap3A_171 {strides = array<i32>} : memref<640xf32, #tpu.memory_space<vmem>>, vector<16xf32>,
    %broadcast_in_dim3A_172 = arith.constant 0.000000e+00 : f32
    %broadcast_in_dim3A_173 = vector.broadcast %broadcast_in_dim3A_172 : f32 to vector<16xf32>
    %swap3A_174 = arith.constant 464 : index
    %swap3A_175 = tpu.vector_load %arg6[%swap3A_174] {strides = array<i32>} : memref<640xf32, #tpu.memory_space<vmem>>, vector<16xf32>,
    %swap3A_176 = vector.shape_cast %swap3A_175 : vector<16xf32> to vector<16xf32>
    %swap3A_177 = vector.shape_cast %broadcast_in_dim3A_173 : vector<16xf32> to vector<16xf32>
    tpu.vector_store %arg6[%swap3A_174], %swap3A_177 {strides = array<i32>} : memref<640xf32, #tpu.memory_space<vmem>>, vector<16xf32>,
    %broadcast_in_dim3A_178 = arith.constant 0.000000e+00 : f32
    %broadcast_in_dim3A_179 = vector.broadcast %broadcast_in_dim3A_178 : f32 to vector<16xf32>
    %swap3A_180 = arith.constant 480 : index
    %swap3A_181 = tpu.vector_load %arg6[%swap3A_180] {strides = array<i32>} : memref<640xf32, #tpu.memory_space<vmem>>, vector<16xf32>,
    %swap3A_182 = vector.shape_cast %swap3A_181 : vector<16xf32> to vector<16xf32>
    %swap3A_183 = vector.shape_cast %broadcast_in_dim3A_179 : vector<16xf32> to vector<16xf32>
    tpu.vector_store %arg6[%swap3A_180], %swap3A_183 {strides = array<i32>} : memref<640xf32, #tpu.memory_space<vmem>>, vector<16xf32>,
    %broadcast_in_dim3A_184 = arith.constant 0.000000e+00 : f32
    %broadcast_in_dim3A_185 = vector.broadcast %broadcast_in_dim3A_184 : f32 to vector<16xf32>
    %swap3A_186 = arith.constant 496 : index
    %swap3A_187 = tpu.vector_load %arg6[%swap3A_186] {strides = array<i32>} : memref<640xf32, #tpu.memory_space<vmem>>, vector<16xf32>,
    %swap3A_188 = vector.shape_cast %swap3A_187 : vector<16xf32> to vector<16xf32>
    %swap3A_189 = vector.shape_cast %broadcast_in_dim3A_185 : vector<16xf32> to vector<16xf32>
    tpu.vector_store %arg6[%swap3A_186], %swap3A_189 {strides = array<i32>} : memref<640xf32, #tpu.memory_space<vmem>>, vector<16xf32>,
    %broadcast_in_dim3A_190 = arith.constant 0.000000e+00 : f32
    %broadcast_in_dim3A_191 = vector.broadcast %broadcast_in_dim3A_190 : f32 to vector<16xf32>
    %swap3A_192 = arith.constant 512 : index
    %swap3A_193 = tpu.vector_load %arg6[%swap3A_192] {strides = array<i32>} : memref<640xf32, #tpu.memory_space<vmem>>, vector<16xf32>,
    %swap3A_194 = vector.shape_cast %swap3A_193 : vector<16xf32> to vector<16xf32>
    %swap3A_195 = vector.shape_cast %broadcast_in_dim3A_191 : vector<16xf32> to vector<16xf32>
    tpu.vector_store %arg6[%swap3A_192], %swap3A_195 {strides = array<i32>} : memref<640xf32, #tpu.memory_space<vmem>>, vector<16xf32>,
    %broadcast_in_dim3A_196 = arith.constant 0.000000e+00 : f32
    %broadcast_in_dim3A_197 = vector.broadcast %broadcast_in_dim3A_196 : f32 to vector<16xf32>
    %swap3A_198 = arith.constant 528 : index
    %swap3A_199 = tpu.vector_load %arg6[%swap3A_198] {strides = array<i32>} : memref<640xf32, #tpu.memory_space<vmem>>, vector<16xf32>,
    %swap3A_200 = vector.shape_cast %swap3A_199 : vector<16xf32> to vector<16xf32>
    %swap3A_201 = vector.shape_cast %broadcast_in_dim3A_197 : vector<16xf32> to vector<16xf32>
    tpu.vector_store %arg6[%swap3A_198], %swap3A_201 {strides = array<i32>} : memref<640xf32, #tpu.memory_space<vmem>>, vector<16xf32>,
    %broadcast_in_dim3A_202 = arith.constant 0.000000e+00 : f32
    %broadcast_in_dim3A_203 = vector.broadcast %broadcast_in_dim3A_202 : f32 to vector<16xf32>
    %swap3A_204 = arith.constant 544 : index
    %swap3A_205 = tpu.vector_load %arg6[%swap3A_204] {strides = array<i32>} : memref<640xf32, #tpu.memory_space<vmem>>, vector<16xf32>,
    %swap3A_206 = vector.shape_cast %swap3A_205 : vector<16xf32> to vector<16xf32>
    %swap3A_207 = vector.shape_cast %broadcast_in_dim3A_203 : vector<16xf32> to vector<16xf32>
    tpu.vector_store %arg6[%swap3A_204], %swap3A_207 {strides = array<i32>} : memref<640xf32, #tpu.memory_space<vmem>>, vector<16xf32>,
    %broadcast_in_dim3A_208 = arith.constant 0.000000e+00 : f32
    %broadcast_in_dim3A_209 = vector.broadcast %broadcast_in_dim3A_208 : f32 to vector<16xf32>
    %swap3A_210 = arith.constant 560 : index
    %swap3A_211 = tpu.vector_load %arg6[%swap3A_210] {strides = array<i32>} : memref<640xf32, #tpu.memory_space<vmem>>, vector<16xf32>,
    %swap3A_212 = vector.shape_cast %swap3A_211 : vector<16xf32> to vector<16xf32>
    %swap3A_213 = vector.shape_cast %broadcast_in_dim3A_209 : vector<16xf32> to vector<16xf32>
    tpu.vector_store %arg6[%swap3A_210], %swap3A_213 {strides = array<i32>} : memref<640xf32, #tpu.memory_space<vmem>>, vector<16xf32>,
    %broadcast_in_dim3A_214 = arith.constant 0.000000e+00 : f32
    %broadcast_in_dim3A_215 = vector.broadcast %broadcast_in_dim3A_214 : f32 to vector<16xf32>
    %swap3A_216 = arith.constant 576 : index
    %swap3A_217 = tpu.vector_load %arg6[%swap3A_216] {strides = array<i32>} : memref<640xf32, #tpu.memory_space<vmem>>, vector<16xf32>,
    %swap3A_218 = vector.shape_cast %swap3A_217 : vector<16xf32> to vector<16xf32>
    %swap3A_219 = vector.shape_cast %broadcast_in_dim3A_215 : vector<16xf32> to vector<16xf32>
    tpu.vector_store %arg6[%swap3A_216], %swap3A_219 {strides = array<i32>} : memref<640xf32, #tpu.memory_space<vmem>>, vector<16xf32>,
    %broadcast_in_dim3A_220 = arith.constant 0.000000e+00 : f32
    %broadcast_in_dim3A_221 = vector.broadcast %broadcast_in_dim3A_220 : f32 to vector<16xf32>
    %swap3A_222 = arith.constant 592 : index
    %swap3A_223 = tpu.vector_load %arg6[%swap3A_222] {strides = array<i32>} : memref<640xf32, #tpu.memory_space<vmem>>, vector<16xf32>,
    %swap3A_224 = vector.shape_cast %swap3A_223 : vector<16xf32> to vector<16xf32>
    %swap3A_225 = vector.shape_cast %broadcast_in_dim3A_221 : vector<16xf32> to vector<16xf32>
    tpu.vector_store %arg6[%swap3A_222], %swap3A_225 {strides = array<i32>} : memref<640xf32, #tpu.memory_space<vmem>>, vector<16xf32>,
    %broadcast_in_dim3A_226 = arith.constant 0.000000e+00 : f32
    %broadcast_in_dim3A_227 = vector.broadcast %broadcast_in_dim3A_226 : f32 to vector<16xf32>
    %swap3A_228 = arith.constant 608 : index
    %swap3A_229 = tpu.vector_load %arg6[%swap3A_228] {strides = array<i32>} : memref<640xf32, #tpu.memory_space<vmem>>, vector<16xf32>,
    %swap3A_230 = vector.shape_cast %swap3A_229 : vector<16xf32> to vector<16xf32>
    %swap3A_231 = vector.shape_cast %broadcast_in_dim3A_227 : vector<16xf32> to vector<16xf32>
    tpu.vector_store %arg6[%swap3A_228], %swap3A_231 {strides = array<i32>} : memref<640xf32, #tpu.memory_space<vmem>>, vector<16xf32>,
    %broadcast_in_dim3A_232 = arith.constant 0.000000e+00 : f32
    %broadcast_in_dim3A_233 = vector.broadcast %broadcast_in_dim3A_232 : f32 to vector<16xf32>
    %swap3A_234 = arith.constant 624 : index
    %swap3A_235 = tpu.vector_load %arg6[%swap3A_234] {strides = array<i32>} : memref<640xf32, #tpu.memory_space<vmem>>, vector<16xf32>,
    %swap3A_236 = vector.shape_cast %swap3A_235 : vector<16xf32> to vector<16xf32>
    %swap3A_237 = vector.shape_cast %broadcast_in_dim3A_233 : vector<16xf32> to vector<16xf32>
    tpu.vector_store %arg6[%swap3A_234], %swap3A_237 {strides = array<i32>} : memref<640xf32, #tpu.memory_space<vmem>>, vector<16xf32>,
    %broadcast_in_dim3A_238 = arith.constant 1.000000e+00 : f32
    %broadcast_in_dim3A_239 = vector.broadcast %broadcast_in_dim3A_238 : f32 to vector<16xf32>
    %swap3A_240 = arith.constant 0 : index
    %swap3A_241 = tpu.vector_load %arg5[%swap3A_240] {strides = array<i32>} : memref<80xf32, #tpu.memory_space<vmem>>, vector<16xf32>,
    %swap3A_242 = vector.shape_cast %swap3A_241 : vector<16xf32> to vector<16xf32>
    %swap3A_243 = vector.shape_cast %broadcast_in_dim3A_239 : vector<16xf32> to vector<16xf32>
    tpu.vector_store %arg5[%swap3A_240], %swap3A_243 {strides = array<i32>} : memref<80xf32, #tpu.memory_space<vmem>>, vector<16xf32>,
    %broadcast_in_dim3A_244 = arith.constant 1.000000e+00 : f32
    %broadcast_in_dim3A_245 = vector.broadcast %broadcast_in_dim3A_244 : f32 to vector<16xf32>
    %swap3A_246 = arith.constant 16 : index
    %swap3A_247 = tpu.vector_load %arg5[%swap3A_246] {strides = array<i32>} : memref<80xf32, #tpu.memory_space<vmem>>, vector<16xf32>,
    %swap3A_248 = vector.shape_cast %swap3A_247 : vector<16xf32> to vector<16xf32>
    %swap3A_249 = vector.shape_cast %broadcast_in_dim3A_245 : vector<16xf32> to vector<16xf32>
    tpu.vector_store %arg5[%swap3A_246], %swap3A_249 {strides = array<i32>} : memref<80xf32, #tpu.memory_space<vmem>>, vector<16xf32>,
    %broadcast_in_dim3A_250 = arith.constant 1.000000e+00 : f32
    %broadcast_in_dim3A_251 = vector.broadcast %broadcast_in_dim3A_250 : f32 to vector<16xf32>
    %swap3A_252 = arith.constant 32 : index
    %swap3A_253 = tpu.vector_load %arg5[%swap3A_252] {strides = array<i32>} : memref<80xf32, #tpu.memory_space<vmem>>, vector<16xf32>,
    %swap3A_254 = vector.shape_cast %swap3A_253 : vector<16xf32> to vector<16xf32>
    %swap3A_255 = vector.shape_cast %broadcast_in_dim3A_251 : vector<16xf32> to vector<16xf32>
    tpu.vector_store %arg5[%swap3A_252], %swap3A_255 {strides = array<i32>} : memref<80xf32, #tpu.memory_space<vmem>>, vector<16xf32>,
    %broadcast_in_dim3A_256 = arith.constant 1.000000e+00 : f32
    %broadcast_in_dim3A_257 = vector.broadcast %broadcast_in_dim3A_256 : f32 to vector<16xf32>
    %swap3A_258 = arith.constant 48 : index
    %swap3A_259 = tpu.vector_load %arg5[%swap3A_258] {strides = array<i32>} : memref<80xf32, #tpu.memory_space<vmem>>, vector<16xf32>,
    %swap3A_260 = vector.shape_cast %swap3A_259 : vector<16xf32> to vector<16xf32>
    %swap3A_261 = vector.shape_cast %broadcast_in_dim3A_257 : vector<16xf32> to vector<16xf32>
    tpu.vector_store %arg5[%swap3A_258], %swap3A_261 {strides = array<i32>} : memref<80xf32, #tpu.memory_space<vmem>>, vector<16xf32>,
    %broadcast_in_dim3A_262 = arith.constant 1.000000e+00 : f32
    %broadcast_in_dim3A_263 = vector.broadcast %broadcast_in_dim3A_262 : f32 to vector<16xf32>
    %swap3A_264 = arith.constant 64 : index
    %swap3A_265 = tpu.vector_load %arg5[%swap3A_264] {strides = array<i32>} : memref<80xf32, #tpu.memory_space<vmem>>, vector<16xf32>,
    %swap3A_266 = vector.shape_cast %swap3A_265 : vector<16xf32> to vector<16xf32>
    %swap3A_267 = vector.shape_cast %broadcast_in_dim3A_263 : vector<16xf32> to vector<16xf32>
    tpu.vector_store %arg5[%swap3A_264], %swap3A_267 {strides = array<i32>} : memref<80xf32, #tpu.memory_space<vmem>>, vector<16xf32>,
    %mul3A = arith.constant 640 : i32
    %mul3A_268 = arith.muli %arg1, %mul3A : i32
    "tpu.region"() ({
      %run_scoped3A = tpu.sem_alloc : memref<!tpu.dma_semaphore, #tpu.memory_space<semaphore_mem>>
      %dma_start3A = tpu.memref_slice %arg7[%mul3A_268] : memref<10240xf32, #tpu.memory_space<vmem_shared>> -> memref<640xf32, #tpu.memory_space<vmem_shared>>
      %dma_start3A_279 = tpu.memref_slice %arg7[%mul3A_268] : memref<10240xf32, #tpu.memory_space<vmem_shared>> -> memref<640xf32, #tpu.memory_space<vmem_shared>>
      tpu.enqueue_dma source(%arg6 : memref<640xf32, #tpu.memory_space<vmem>>) target(%dma_start3A_279 : memref<640xf32, #tpu.memory_space<vmem_shared>>) target_semaphore(%run_scoped3A : memref<!tpu.dma_semaphore, #tpu.memory_space<semaphore_mem>>)
      %dma_wait3A = tpu.memref_slice %arg7[%mul3A_268] : memref<10240xf32, #tpu.memory_space<vmem_shared>> -> memref<640xf32, #tpu.memory_space<vmem_shared>>
      %dma_wait3A_280 = tpu.memref_slice %arg7[%mul3A_268] : memref<10240xf32, #tpu.memory_space<vmem_shared>> -> memref<640xf32, #tpu.memory_space<vmem_shared>>
      tpu.wait_dma2 semaphore(%run_scoped3A : memref<!tpu.dma_semaphore, #tpu.memory_space<semaphore_mem>>) src(%arg6 : memref<640xf32, #tpu.memory_space<vmem>>) dst(%dma_wait3A_280 : memref<640xf32, #tpu.memory_space<vmem_shared>>)
      tpu.yield
    }) : () -> ()
    "tpu.region"() ({
      %run_scoped3A = tpu.sem_alloc : memref<!tpu.dma_semaphore, #tpu.memory_space<semaphore_mem>>
      %dma_start3A = arith.constant 0 : i32
      %dma_start3A_279 = arith.constant 0 : i32
      %dma_start3A_280 = tpu.memref_slice %arg2[%arg0, %arg1, %dma_start3A, %dma_start3A_279] : memref<2x16x125x80xi32, #tpu.memory_space<hbm>> -> memref<1x1x125x80xi32, #tpu.memory_space<hbm>>
      %dma_start3A_281 = tpu.memref_squeeze %dma_start3A_280 : memref<1x1x125x80xi32, #tpu.memory_space<hbm>> -> memref<125x80xi32, #tpu.memory_space<hbm>>
      %dma_start3A_282 = arith.constant 0 : i32
      %dma_start3A_283 = arith.constant 0 : i32
      %dma_start3A_284 = tpu.memref_slice %arg2[%arg0, %arg1, %dma_start3A_282, %dma_start3A_283] : memref<2x16x125x80xi32, #tpu.memory_space<hbm>> -> memref<1x1x125x80xi32, #tpu.memory_space<hbm>>
      %dma_start3A_285 = tpu.memref_squeeze %dma_start3A_284 : memref<1x1x125x80xi32, #tpu.memory_space<hbm>> -> memref<125x80xi32, #tpu.memory_space<hbm>>
      tpu.enqueue_dma source(%dma_start3A_285 : memref<125x80xi32, #tpu.memory_space<hbm>>) target(%arg4 : memref<125x80xi32, #tpu.memory_space<vmem>>) target_semaphore(%run_scoped3A : memref<!tpu.dma_semaphore, #tpu.memory_space<semaphore_mem>>)
      %dma_wait3A = arith.constant 0 : i32
      %dma_wait3A_286 = arith.constant 0 : i32
      %dma_wait3A_287 = tpu.memref_slice %arg2[%arg0, %arg1, %dma_wait3A, %dma_wait3A_286] : memref<2x16x125x80xi32, #tpu.memory_space<hbm>> -> memref<1x1x125x80xi32, #tpu.memory_space<hbm>>
      %dma_wait3A_288 = tpu.memref_squeeze %dma_wait3A_287 : memref<1x1x125x80xi32, #tpu.memory_space<hbm>> -> memref<125x80xi32, #tpu.memory_space<hbm>>
      %dma_wait3A_289 = arith.constant 0 : i32
      %dma_wait3A_290 = arith.constant 0 : i32
      %dma_wait3A_291 = tpu.memref_slice %arg2[%arg0, %arg1, %dma_wait3A_289, %dma_wait3A_290] : memref<2x16x125x80xi32, #tpu.memory_space<hbm>> -> memref<1x1x125x80xi32, #tpu.memory_space<hbm>>
      %dma_wait3A_292 = tpu.memref_squeeze %dma_wait3A_291 : memref<1x1x125x80xi32, #tpu.memory_space<hbm>> -> memref<125x80xi32, #tpu.memory_space<hbm>>
      tpu.wait_dma2 semaphore(%run_scoped3A : memref<!tpu.dma_semaphore, #tpu.memory_space<semaphore_mem>>) src(%dma_wait3A_292 : memref<125x80xi32, #tpu.memory_space<hbm>>) dst(%arg4 : memref<125x80xi32, #tpu.memory_space<vmem>>)
      tpu.yield
    }) : () -> ()
    %barrier3A = arith.constant 0 : index
    tpu.barrier barrier_id(%barrier3A)
    %scan3A = arith.constant 0 : i32
    %scan3A_269 = arith.constant 0 : i32
    %scan3A_270 = arith.constant 125 : i32
    %scan3A_271 = arith.addi %scan3A_269, %scan3A_270 : i32
    %scan3A_272 = arith.constant 1 : i32
    scf.for %scan3A_279 = %scan3A_269 to %scan3A_271 step %scan3A_272  : i32 {
      "tpu.region"() ({
        %run_scoped3A = tpu.sem_alloc : memref<!tpu.dma_semaphore, #tpu.memory_space<semaphore_mem>>
        %dma_start3A = arith.constant 0 : i32
        %dma_start3A_280 = tpu.memref_slice %arg4[%scan3A_279, %dma_start3A] : memref<125x80xi32, #tpu.memory_space<vmem>> -> memref<1x80xi32, #tpu.memory_space<vmem>>
        %dma_start3A_281 = tpu.memref_squeeze %dma_start3A_280 : memref<1x80xi32, #tpu.memory_space<vmem>> -> memref<80xi32, #tpu.memory_space<vmem>>
        %dma_start3A_282 = arith.constant 0 : i32
        %dma_start3A_283 = tpu.memref_slice %arg7[%dma_start3A_282] : memref<10240xf32, #tpu.memory_space<vmem_shared>> -> memref<10240xf32, #tpu.memory_space<vmem_shared>>
        tpu.enqueue_indirect_dma source(%arg5 : memref<80xf32, #tpu.memory_space<vmem>>) target(%dma_start3A_283 : memref<10240xf32, #tpu.memory_space<vmem_shared>>) offsets(%dma_start3A_281 : memref<80xi32, #tpu.memory_space<vmem>>) semaphore(%run_scoped3A : memref<!tpu.dma_semaphore, #tpu.memory_space<semaphore_mem>>) {add = true}
        %dma_wait3A = arith.constant 0 : i32
        %dma_wait3A_284 = tpu.memref_slice %arg4[%scan3A_279, %dma_wait3A] : memref<125x80xi32, #tpu.memory_space<vmem>> -> memref<1x80xi32, #tpu.memory_space<vmem>>
        %dma_wait3A_285 = tpu.memref_squeeze %dma_wait3A_284 : memref<1x80xi32, #tpu.memory_space<vmem>> -> memref<80xi32, #tpu.memory_space<vmem>>
        %dma_wait3A_286 = arith.constant 0 : i32
        %dma_wait3A_287 = tpu.memref_slice %arg7[%dma_wait3A_286] : memref<10240xf32, #tpu.memory_space<vmem_shared>> -> memref<10240xf32, #tpu.memory_space<vmem_shared>>
        tpu.wait_indirect_dma semaphore(%run_scoped3A : memref<!tpu.dma_semaphore, #tpu.memory_space<semaphore_mem>>) src(%arg5 : memref<80xf32, #tpu.memory_space<vmem>>) dst(%dma_wait3A_287 : memref<10240xf32, #tpu.memory_space<vmem_shared>>)
        tpu.yield
      }) : () -> ()
    }
    %scan3A_273 = arith.constant 125 : i32
    %barrier3A_274 = arith.constant 0 : index
    tpu.barrier barrier_id(%barrier3A_274)
    %mul3A_275 = arith.constant 640 : i32
    %mul3A_276 = arith.muli %arg1, %mul3A_275 : i32
    %mul3A_277 = arith.constant 640 : i32
    %mul3A_278 = arith.muli %arg1, %mul3A_277 : i32
    "tpu.region"() ({
      %run_scoped3A = tpu.sem_alloc : memref<!tpu.dma_semaphore, #tpu.memory_space<semaphore_mem>>
      %dma_start3A = tpu.memref_slice %arg3[%arg0, %mul3A_278] : memref<2x10240xf32, #tpu.memory_space<hbm>> -> memref<1x640xf32, #tpu.memory_space<hbm>>
      %dma_start3A_279 = tpu.memref_squeeze %dma_start3A : memref<1x640xf32, #tpu.memory_space<hbm>> -> memref<640xf32, #tpu.memory_space<hbm>>
      %dma_start3A_280 = tpu.memref_slice %arg7[%mul3A_276] : memref<10240xf32, #tpu.memory_space<vmem_shared>> -> memref<640xf32, #tpu.memory_space<vmem_shared>>
      tpu.enqueue_dma source(%dma_start3A_280 : memref<640xf32, #tpu.memory_space<vmem_shared>>) target(%dma_start3A_279 : memref<640xf32, #tpu.memory_space<hbm>>) target_semaphore(%run_scoped3A : memref<!tpu.dma_semaphore, #tpu.memory_space<semaphore_mem>>)
      %dma_wait3A = tpu.memref_slice %arg3[%arg0, %mul3A_278] : memref<2x10240xf32, #tpu.memory_space<hbm>> -> memref<1x640xf32, #tpu.memory_space<hbm>>
      %dma_wait3A_281 = tpu.memref_squeeze %dma_wait3A : memref<1x640xf32, #tpu.memory_space<hbm>> -> memref<640xf32, #tpu.memory_space<hbm>>
      %dma_wait3A_282 = tpu.memref_slice %arg7[%mul3A_276] : memref<10240xf32, #tpu.memory_space<vmem_shared>> -> memref<640xf32, #tpu.memory_space<vmem_shared>>
      tpu.wait_dma2 semaphore(%run_scoped3A : memref<!tpu.dma_semaphore, #tpu.memory_space<semaphore_mem>>) src(%dma_wait3A_282 : memref<640xf32, #tpu.memory_space<vmem_shared>>) dst(%dma_wait3A_281 : memref<640xf32, #tpu.memory_space<hbm>>)
      tpu.yield
    }) : () -> ()
    return
  }
}

#map = affine_map<(d0, d1) -> (0, 0)>
#map1 = affine_map<(d0, d1) -> (0, 0, 0)>
module attributes {stable_mosaic.version = 14 : i64} {
  func.func @_conv_sc(%arg0: i32, %arg1: i32, %arg2: memref<20480x128xf32, #tpu.memory_space<hbm>>, %arg3: memref<2x16x10000xi32, #tpu.memory_space<hbm>>, %arg4: memref<16x125x80xi32, #tpu.memory_space<hbm>>, %arg5: memref<2x10240x128xf32, #tpu.memory_space<hbm>>, %arg6: memref<10000xi32, #tpu.memory_space<vmem>>, %arg7: memref<125x80xi32, #tpu.memory_space<vmem>>, %arg8: memref<80x128xf32, #tpu.memory_space<vmem>>, %arg9: memref<80x128xf32, #tpu.memory_space<vmem>>, %arg10: memref<!tpu.dma_semaphore, #tpu.memory_space<semaphore_mem>>, %arg11: memref<!tpu.dma_semaphore, #tpu.memory_space<semaphore_mem>>, %arg12: memref<10240x128xf32, #tpu.memory_space<vmem_shared>>) attributes {dimension_semantics = [#tpu.dimension_semantics<core_parallel>, #tpu.dimension_semantics<subcore_parallel>], iteration_bounds = array<i64: 2, 16>, scalar_prefetch = 0 : i64, scratch_operands = 7 : i64, tpu.core_type = #tpu.core_type<sc_vector_subcore>, window_params = [{transform_indices = #map}, {transform_indices = #map1}, {transform_indices = #map1}, {transform_indices = #map1}]} {
    "tpu.region"() ({
      %run_scoped3A_23 = tpu.sem_alloc : memref<!tpu.dma_semaphore, #tpu.memory_space<semaphore_mem>>
      %dma_start3A_24 = arith.constant 0 : i32
      %dma_start3A_25 = tpu.memref_slice %arg3[%arg0, %arg1, %dma_start3A_24] : memref<2x16x10000xi32, #tpu.memory_space<hbm>> -> memref<1x1x10000xi32, #tpu.memory_space<hbm>>
      %dma_start3A_26 = tpu.memref_squeeze %dma_start3A_25 : memref<1x1x10000xi32, #tpu.memory_space<hbm>> -> memref<10000xi32, #tpu.memory_space<hbm>>
      %dma_start3A_27 = arith.constant 0 : i32
      %dma_start3A_28 = tpu.memref_slice %arg3[%arg0, %arg1, %dma_start3A_27] : memref<2x16x10000xi32, #tpu.memory_space<hbm>> -> memref<1x1x10000xi32, #tpu.memory_space<hbm>>
      %dma_start3A_29 = tpu.memref_squeeze %dma_start3A_28 : memref<1x1x10000xi32, #tpu.memory_space<hbm>> -> memref<10000xi32, #tpu.memory_space<hbm>>
      tpu.enqueue_dma source(%dma_start3A_29 : memref<10000xi32, #tpu.memory_space<hbm>>) target(%arg6 : memref<10000xi32, #tpu.memory_space<vmem>>) target_semaphore(%run_scoped3A_23 : memref<!tpu.dma_semaphore, #tpu.memory_space<semaphore_mem>>)
      %dma_wait3A_30 = arith.constant 0 : i32
      %dma_wait3A_31 = tpu.memref_slice %arg3[%arg0, %arg1, %dma_wait3A_30] : memref<2x16x10000xi32, #tpu.memory_space<hbm>> -> memref<1x1x10000xi32, #tpu.memory_space<hbm>>
      %dma_wait3A_32 = tpu.memref_squeeze %dma_wait3A_31 : memref<1x1x10000xi32, #tpu.memory_space<hbm>> -> memref<10000xi32, #tpu.memory_space<hbm>>
      %dma_wait3A_33 = arith.constant 0 : i32
      %dma_wait3A_34 = tpu.memref_slice %arg3[%arg0, %arg1, %dma_wait3A_33] : memref<2x16x10000xi32, #tpu.memory_space<hbm>> -> memref<1x1x10000xi32, #tpu.memory_space<hbm>>
      %dma_wait3A_35 = tpu.memref_squeeze %dma_wait3A_34 : memref<1x1x10000xi32, #tpu.memory_space<hbm>> -> memref<10000xi32, #tpu.memory_space<hbm>>
      tpu.wait_dma2 semaphore(%run_scoped3A_23 : memref<!tpu.dma_semaphore, #tpu.memory_space<semaphore_mem>>) src(%dma_wait3A_35 : memref<10000xi32, #tpu.memory_space<hbm>>) dst(%arg6 : memref<10000xi32, #tpu.memory_space<vmem>>)
      tpu.yield
    }) : () -> ()
    "tpu.region"() ({
      %run_scoped3A_23 = tpu.sem_alloc : memref<!tpu.dma_semaphore, #tpu.memory_space<semaphore_mem>>
      %dma_start3A_24 = arith.constant 0 : i32
      %dma_start3A_25 = arith.constant 0 : i32
      %dma_start3A_26 = tpu.memref_slice %arg4[%arg1, %dma_start3A_24, %dma_start3A_25] : memref<16x125x80xi32, #tpu.memory_space<hbm>> -> memref<1x125x80xi32, #tpu.memory_space<hbm>>
      %dma_start3A_27 = tpu.memref_squeeze %dma_start3A_26 : memref<1x125x80xi32, #tpu.memory_space<hbm>> -> memref<125x80xi32, #tpu.memory_space<hbm>>
      %dma_start3A_28 = arith.constant 0 : i32
      %dma_start3A_29 = arith.constant 0 : i32
      %dma_start3A_30 = tpu.memref_slice %arg4[%arg1, %dma_start3A_28, %dma_start3A_29] : memref<16x125x80xi32, #tpu.memory_space<hbm>> -> memref<1x125x80xi32, #tpu.memory_space<hbm>>
      %dma_start3A_31 = tpu.memref_squeeze %dma_start3A_30 : memref<1x125x80xi32, #tpu.memory_space<hbm>> -> memref<125x80xi32, #tpu.memory_space<hbm>>
      tpu.enqueue_dma source(%dma_start3A_31 : memref<125x80xi32, #tpu.memory_space<hbm>>) target(%arg7 : memref<125x80xi32, #tpu.memory_space<vmem>>) target_semaphore(%run_scoped3A_23 : memref<!tpu.dma_semaphore, #tpu.memory_space<semaphore_mem>>)
      %dma_wait3A_32 = arith.constant 0 : i32
      %dma_wait3A_33 = arith.constant 0 : i32
      %dma_wait3A_34 = tpu.memref_slice %arg4[%arg1, %dma_wait3A_32, %dma_wait3A_33] : memref<16x125x80xi32, #tpu.memory_space<hbm>> -> memref<1x125x80xi32, #tpu.memory_space<hbm>>
      %dma_wait3A_35 = tpu.memref_squeeze %dma_wait3A_34 : memref<1x125x80xi32, #tpu.memory_space<hbm>> -> memref<125x80xi32, #tpu.memory_space<hbm>>
      %dma_wait3A_36 = arith.constant 0 : i32
      %dma_wait3A_37 = arith.constant 0 : i32
      %dma_wait3A_38 = tpu.memref_slice %arg4[%arg1, %dma_wait3A_36, %dma_wait3A_37] : memref<16x125x80xi32, #tpu.memory_space<hbm>> -> memref<1x125x80xi32, #tpu.memory_space<hbm>>
      %dma_wait3A_39 = tpu.memref_squeeze %dma_wait3A_38 : memref<1x125x80xi32, #tpu.memory_space<hbm>> -> memref<125x80xi32, #tpu.memory_space<hbm>>
      tpu.wait_dma2 semaphore(%run_scoped3A_23 : memref<!tpu.dma_semaphore, #tpu.memory_space<semaphore_mem>>) src(%dma_wait3A_39 : memref<125x80xi32, #tpu.memory_space<hbm>>) dst(%arg7 : memref<125x80xi32, #tpu.memory_space<vmem>>)
      tpu.yield
    }) : () -> ()
    %dma_start3A = arith.constant 0 : i32
    %dma_start3A_0 = tpu.memref_slice %arg6[%dma_start3A] : memref<10000xi32, #tpu.memory_space<vmem>> -> memref<80xi32, #tpu.memory_space<vmem>>
    %dma_start3A_1 = arith.constant 0 : i32
    %dma_start3A_2 = arith.constant 0 : i32
    %dma_start3A_3 = tpu.memref_slice %arg2[%dma_start3A_1, %dma_start3A_2] : memref<20480x128xf32, #tpu.memory_space<hbm>> -> memref<20480x128xf32, #tpu.memory_space<hbm>>
    tpu.enqueue_indirect_dma source(%dma_start3A_3 : memref<20480x128xf32, #tpu.memory_space<hbm>>) target(%arg8 : memref<80x128xf32, #tpu.memory_space<vmem>>) offsets(%dma_start3A_0 : memref<80xi32, #tpu.memory_space<vmem>>) semaphore(%arg10 : memref<!tpu.dma_semaphore, #tpu.memory_space<semaphore_mem>>)
    %mul3A = arith.constant 10240 : i32
    %mul3A_4 = arith.muli %arg0, %mul3A : i32
    %mul3A_5 = arith.constant 640 : i32
    %mul3A_6 = arith.muli %arg1, %mul3A_5 : i32
    %add3A = arith.addi %mul3A_4, %mul3A_6 : i32
    %mul3A_7 = arith.constant 640 : i32
    %mul3A_8 = arith.muli %arg1, %mul3A_7 : i32
    "tpu.region"() ({
      %run_scoped3A_23 = tpu.sem_alloc : memref<!tpu.dma_semaphore, #tpu.memory_space<semaphore_mem>>
      %dma_start3A_24 = arith.constant 0 : i32
      %dma_start3A_25 = tpu.memref_slice %arg12[%mul3A_8, %dma_start3A_24] : memref<10240x128xf32, #tpu.memory_space<vmem_shared>> -> memref<640x128xf32, #tpu.memory_space<vmem_shared>>
      %dma_start3A_26 = arith.constant 0 : i32
      %dma_start3A_27 = tpu.memref_slice %arg2[%add3A, %dma_start3A_26] : memref<20480x128xf32, #tpu.memory_space<hbm>> -> memref<640x128xf32, #tpu.memory_space<hbm>>
      tpu.enqueue_dma source(%dma_start3A_27 : memref<640x128xf32, #tpu.memory_space<hbm>>) target(%dma_start3A_25 : memref<640x128xf32, #tpu.memory_space<vmem_shared>>) target_semaphore(%run_scoped3A_23 : memref<!tpu.dma_semaphore, #tpu.memory_space<semaphore_mem>>)
      %dma_wait3A_28 = arith.constant 0 : i32
      %dma_wait3A_29 = tpu.memref_slice %arg12[%mul3A_8, %dma_wait3A_28] : memref<10240x128xf32, #tpu.memory_space<vmem_shared>> -> memref<640x128xf32, #tpu.memory_space<vmem_shared>>
      %dma_wait3A_30 = arith.constant 0 : i32
      %dma_wait3A_31 = tpu.memref_slice %arg2[%add3A, %dma_wait3A_30] : memref<20480x128xf32, #tpu.memory_space<hbm>> -> memref<640x128xf32, #tpu.memory_space<hbm>>
      tpu.wait_dma2 semaphore(%run_scoped3A_23 : memref<!tpu.dma_semaphore, #tpu.memory_space<semaphore_mem>>) src(%dma_wait3A_31 : memref<640x128xf32, #tpu.memory_space<hbm>>) dst(%dma_wait3A_29 : memref<640x128xf32, #tpu.memory_space<vmem_shared>>)
      tpu.yield
    }) : () -> ()
    %barrier3A = arith.constant 0 : index
    tpu.barrier barrier_id(%barrier3A)
    %scan3A = arith.constant 0 : i32
    %scan3A_9 = arith.constant 0 : i32
    %scan3A_10 = arith.constant 62 : i32
    %scan3A_11 = arith.addi %scan3A_9, %scan3A_10 : i32
    %scan3A_12 = arith.constant 1 : i32
    scf.for %scan3A_23 = %scan3A_9 to %scan3A_11 step %scan3A_12  : i32 {
      %mul3A_24 = arith.constant 2 : i32
      %mul3A_25 = arith.muli %mul3A_24, %scan3A_23 : i32
      %add3A_26 = arith.constant 1 : i32
      %add3A_27 = arith.addi %mul3A_25, %add3A_26 : i32
      %mul3A_28 = arith.constant 80 : i32
      %mul3A_29 = arith.muli %add3A_27, %mul3A_28 : i32
      %dma_start3A_30 = tpu.memref_slice %arg6[%mul3A_29] : memref<10000xi32, #tpu.memory_space<vmem>> -> memref<80xi32, #tpu.memory_space<vmem>>
      %dma_start3A_31 = arith.constant 0 : i32
      %dma_start3A_32 = arith.constant 0 : i32
      %dma_start3A_33 = tpu.memref_slice %arg2[%dma_start3A_31, %dma_start3A_32] : memref<20480x128xf32, #tpu.memory_space<hbm>> -> memref<20480x128xf32, #tpu.memory_space<hbm>>
      tpu.enqueue_indirect_dma source(%dma_start3A_33 : memref<20480x128xf32, #tpu.memory_space<hbm>>) target(%arg9 : memref<80x128xf32, #tpu.memory_space<vmem>>) offsets(%dma_start3A_30 : memref<80xi32, #tpu.memory_space<vmem>>) semaphore(%arg11 : memref<!tpu.dma_semaphore, #tpu.memory_space<semaphore_mem>>)
      %mul3A_34 = arith.constant 80 : i32
      %mul3A_35 = arith.muli %mul3A_25, %mul3A_34 : i32
      %dma_wait3A_36 = tpu.memref_slice %arg6[%mul3A_35] : memref<10000xi32, #tpu.memory_space<vmem>> -> memref<80xi32, #tpu.memory_space<vmem>>
      %dma_wait3A_37 = arith.constant 0 : i32
      %dma_wait3A_38 = arith.constant 0 : i32
      %dma_wait3A_39 = tpu.memref_slice %arg2[%dma_wait3A_37, %dma_wait3A_38] : memref<20480x128xf32, #tpu.memory_space<hbm>> -> memref<20480x128xf32, #tpu.memory_space<hbm>>
      tpu.wait_indirect_dma semaphore(%arg10 : memref<!tpu.dma_semaphore, #tpu.memory_space<semaphore_mem>>) src(%dma_wait3A_39 : memref<20480x128xf32, #tpu.memory_space<hbm>>) dst(%arg8 : memref<80x128xf32, #tpu.memory_space<vmem>>)
      "tpu.region"() ({
        %run_scoped3A_54 = tpu.sem_alloc : memref<!tpu.dma_semaphore, #tpu.memory_space<semaphore_mem>>
        %dma_start3A_55 = arith.constant 0 : i32
        %dma_start3A_56 = tpu.memref_slice %arg7[%mul3A_25, %dma_start3A_55] : memref<125x80xi32, #tpu.memory_space<vmem>> -> memref<1x80xi32, #tpu.memory_space<vmem>>
        %dma_start3A_57 = tpu.memref_squeeze %dma_start3A_56 : memref<1x80xi32, #tpu.memory_space<vmem>> -> memref<80xi32, #tpu.memory_space<vmem>>
        %dma_start3A_58 = arith.constant 0 : i32
        %dma_start3A_59 = arith.constant 0 : i32
        %dma_start3A_60 = tpu.memref_slice %arg12[%dma_start3A_58, %dma_start3A_59] : memref<10240x128xf32, #tpu.memory_space<vmem_shared>> -> memref<10240x128xf32, #tpu.memory_space<vmem_shared>>
        tpu.enqueue_indirect_dma source(%arg8 : memref<80x128xf32, #tpu.memory_space<vmem>>) target(%dma_start3A_60 : memref<10240x128xf32, #tpu.memory_space<vmem_shared>>) offsets(%dma_start3A_57 : memref<80xi32, #tpu.memory_space<vmem>>) semaphore(%run_scoped3A_54 : memref<!tpu.dma_semaphore, #tpu.memory_space<semaphore_mem>>) {add = true}
        %dma_wait3A_61 = arith.constant 0 : i32
        %dma_wait3A_62 = tpu.memref_slice %arg7[%mul3A_25, %dma_wait3A_61] : memref<125x80xi32, #tpu.memory_space<vmem>> -> memref<1x80xi32, #tpu.memory_space<vmem>>
        %dma_wait3A_63 = tpu.memref_squeeze %dma_wait3A_62 : memref<1x80xi32, #tpu.memory_space<vmem>> -> memref<80xi32, #tpu.memory_space<vmem>>
        %dma_wait3A_64 = arith.constant 0 : i32
        %dma_wait3A_65 = arith.constant 0 : i32
        %dma_wait3A_66 = tpu.memref_slice %arg12[%dma_wait3A_64, %dma_wait3A_65] : memref<10240x128xf32, #tpu.memory_space<vmem_shared>> -> memref<10240x128xf32, #tpu.memory_space<vmem_shared>>
        tpu.wait_indirect_dma semaphore(%run_scoped3A_54 : memref<!tpu.dma_semaphore, #tpu.memory_space<semaphore_mem>>) src(%arg8 : memref<80x128xf32, #tpu.memory_space<vmem>>) dst(%dma_wait3A_66 : memref<10240x128xf32, #tpu.memory_space<vmem_shared>>)
        tpu.yield
      }) : () -> ()
      %add3A_40 = arith.constant 2 : i32
      %add3A_41 = arith.addi %mul3A_25, %add3A_40 : i32
      %mul3A_42 = arith.constant 80 : i32
      %mul3A_43 = arith.muli %add3A_41, %mul3A_42 : i32
      %dma_start3A_44 = tpu.memref_slice %arg6[%mul3A_43] : memref<10000xi32, #tpu.memory_space<vmem>> -> memref<80xi32, #tpu.memory_space<vmem>>
      %dma_start3A_45 = arith.constant 0 : i32
      %dma_start3A_46 = arith.constant 0 : i32
      %dma_start3A_47 = tpu.memref_slice %arg2[%dma_start3A_45, %dma_start3A_46] : memref<20480x128xf32, #tpu.memory_space<hbm>> -> memref<20480x128xf32, #tpu.memory_space<hbm>>
      tpu.enqueue_indirect_dma source(%dma_start3A_47 : memref<20480x128xf32, #tpu.memory_space<hbm>>) target(%arg8 : memref<80x128xf32, #tpu.memory_space<vmem>>) offsets(%dma_start3A_44 : memref<80xi32, #tpu.memory_space<vmem>>) semaphore(%arg10 : memref<!tpu.dma_semaphore, #tpu.memory_space<semaphore_mem>>)
      %dma_wait3A_48 = tpu.memref_slice %arg6[%mul3A_29] : memref<10000xi32, #tpu.memory_space<vmem>> -> memref<80xi32, #tpu.memory_space<vmem>>
      %dma_wait3A_49 = arith.constant 0 : i32
      %dma_wait3A_50 = arith.constant 0 : i32
      %dma_wait3A_51 = tpu.memref_slice %arg2[%dma_wait3A_49, %dma_wait3A_50] : memref<20480x128xf32, #tpu.memory_space<hbm>> -> memref<20480x128xf32, #tpu.memory_space<hbm>>
      tpu.wait_indirect_dma semaphore(%arg11 : memref<!tpu.dma_semaphore, #tpu.memory_space<semaphore_mem>>) src(%dma_wait3A_51 : memref<20480x128xf32, #tpu.memory_space<hbm>>) dst(%arg9 : memref<80x128xf32, #tpu.memory_space<vmem>>)
      %add3A_52 = arith.constant 1 : i32
      %add3A_53 = arith.addi %mul3A_25, %add3A_52 : i32
      "tpu.region"() ({
        %run_scoped3A_54 = tpu.sem_alloc : memref<!tpu.dma_semaphore, #tpu.memory_space<semaphore_mem>>
        %dma_start3A_55 = arith.constant 0 : i32
        %dma_start3A_56 = tpu.memref_slice %arg7[%add3A_53, %dma_start3A_55] : memref<125x80xi32, #tpu.memory_space<vmem>> -> memref<1x80xi32, #tpu.memory_space<vmem>>
        %dma_start3A_57 = tpu.memref_squeeze %dma_start3A_56 : memref<1x80xi32, #tpu.memory_space<vmem>> -> memref<80xi32, #tpu.memory_space<vmem>>
        %dma_start3A_58 = arith.constant 0 : i32
        %dma_start3A_59 = arith.constant 0 : i32
        %dma_start3A_60 = tpu.memref_slice %arg12[%dma_start3A_58, %dma_start3A_59] : memref<10240x128xf32, #tpu.memory_space<vmem_shared>> -> memref<10240x128xf32, #tpu.memory_space<vmem_shared>>
        tpu.enqueue_indirect_dma source(%arg9 : memref<80x128xf32, #tpu.memory_space<vmem>>) target(%dma_start3A_60 : memref<10240x128xf32, #tpu.memory_space<vmem_shared>>) offsets(%dma_start3A_57 : memref<80xi32, #tpu.memory_space<vmem>>) semaphore(%run_scoped3A_54 : memref<!tpu.dma_semaphore, #tpu.memory_space<semaphore_mem>>) {add = true}
        %dma_wait3A_61 = arith.constant 0 : i32
        %dma_wait3A_62 = tpu.memref_slice %arg7[%add3A_53, %dma_wait3A_61] : memref<125x80xi32, #tpu.memory_space<vmem>> -> memref<1x80xi32, #tpu.memory_space<vmem>>
        %dma_wait3A_63 = tpu.memref_squeeze %dma_wait3A_62 : memref<1x80xi32, #tpu.memory_space<vmem>> -> memref<80xi32, #tpu.memory_space<vmem>>
        %dma_wait3A_64 = arith.constant 0 : i32
        %dma_wait3A_65 = arith.constant 0 : i32
        %dma_wait3A_66 = tpu.memref_slice %arg12[%dma_wait3A_64, %dma_wait3A_65] : memref<10240x128xf32, #tpu.memory_space<vmem_shared>> -> memref<10240x128xf32, #tpu.memory_space<vmem_shared>>
        tpu.wait_indirect_dma semaphore(%run_scoped3A_54 : memref<!tpu.dma_semaphore, #tpu.memory_space<semaphore_mem>>) src(%arg9 : memref<80x128xf32, #tpu.memory_space<vmem>>) dst(%dma_wait3A_66 : memref<10240x128xf32, #tpu.memory_space<vmem_shared>>)
        tpu.yield
      }) : () -> ()
    }
    %scan3A_13 = arith.constant 62 : i32
    %dma_wait3A = arith.constant 9920 : i32
    %dma_wait3A_14 = tpu.memref_slice %arg6[%dma_wait3A] : memref<10000xi32, #tpu.memory_space<vmem>> -> memref<80xi32, #tpu.memory_space<vmem>>
    %dma_wait3A_15 = arith.constant 0 : i32
    %dma_wait3A_16 = arith.constant 0 : i32
    %dma_wait3A_17 = tpu.memref_slice %arg2[%dma_wait3A_15, %dma_wait3A_16] : memref<20480x128xf32, #tpu.memory_space<hbm>> -> memref<20480x128xf32, #tpu.memory_space<hbm>>
    tpu.wait_indirect_dma semaphore(%arg10 : memref<!tpu.dma_semaphore, #tpu.memory_space<semaphore_mem>>) src(%dma_wait3A_17 : memref<20480x128xf32, #tpu.memory_space<hbm>>) dst(%arg8 : memref<80x128xf32, #tpu.memory_space<vmem>>)
    %run_scoped3A = arith.constant 124 : i32
    "tpu.region"() ({
      %run_scoped3A_23 = tpu.sem_alloc : memref<!tpu.dma_semaphore, #tpu.memory_space<semaphore_mem>>
      %dma_start3A_24 = arith.constant 0 : i32
      %dma_start3A_25 = tpu.memref_slice %arg7[%run_scoped3A, %dma_start3A_24] : memref<125x80xi32, #tpu.memory_space<vmem>> -> memref<1x80xi32, #tpu.memory_space<vmem>>
      %dma_start3A_26 = tpu.memref_squeeze %dma_start3A_25 : memref<1x80xi32, #tpu.memory_space<vmem>> -> memref<80xi32, #tpu.memory_space<vmem>>
      %dma_start3A_27 = arith.constant 0 : i32
      %dma_start3A_28 = arith.constant 0 : i32
      %dma_start3A_29 = tpu.memref_slice %arg12[%dma_start3A_27, %dma_start3A_28] : memref<10240x128xf32, #tpu.memory_space<vmem_shared>> -> memref<10240x128xf32, #tpu.memory_space<vmem_shared>>
      tpu.enqueue_indirect_dma source(%arg8 : memref<80x128xf32, #tpu.memory_space<vmem>>) target(%dma_start3A_29 : memref<10240x128xf32, #tpu.memory_space<vmem_shared>>) offsets(%dma_start3A_26 : memref<80xi32, #tpu.memory_space<vmem>>) semaphore(%run_scoped3A_23 : memref<!tpu.dma_semaphore, #tpu.memory_space<semaphore_mem>>) {add = true}
      %dma_wait3A_30 = arith.constant 0 : i32
      %dma_wait3A_31 = tpu.memref_slice %arg7[%run_scoped3A, %dma_wait3A_30] : memref<125x80xi32, #tpu.memory_space<vmem>> -> memref<1x80xi32, #tpu.memory_space<vmem>>
      %dma_wait3A_32 = tpu.memref_squeeze %dma_wait3A_31 : memref<1x80xi32, #tpu.memory_space<vmem>> -> memref<80xi32, #tpu.memory_space<vmem>>
      %dma_wait3A_33 = arith.constant 0 : i32
      %dma_wait3A_34 = arith.constant 0 : i32
      %dma_wait3A_35 = tpu.memref_slice %arg12[%dma_wait3A_33, %dma_wait3A_34] : memref<10240x128xf32, #tpu.memory_space<vmem_shared>> -> memref<10240x128xf32, #tpu.memory_space<vmem_shared>>
      tpu.wait_indirect_dma semaphore(%run_scoped3A_23 : memref<!tpu.dma_semaphore, #tpu.memory_space<semaphore_mem>>) src(%arg8 : memref<80x128xf32, #tpu.memory_space<vmem>>) dst(%dma_wait3A_35 : memref<10240x128xf32, #tpu.memory_space<vmem_shared>>)
      tpu.yield
    }) : () -> ()
    %barrier3A_18 = arith.constant 0 : index
    tpu.barrier barrier_id(%barrier3A_18)
    %mul3A_19 = arith.constant 640 : i32
    %mul3A_20 = arith.muli %arg1, %mul3A_19 : i32
    %mul3A_21 = arith.constant 640 : i32
    %mul3A_22 = arith.muli %arg1, %mul3A_21 : i32
    "tpu.region"() ({
      %run_scoped3A_23 = tpu.sem_alloc : memref<!tpu.dma_semaphore, #tpu.memory_space<semaphore_mem>>
      %dma_start3A_24 = arith.constant 0 : i32
      %dma_start3A_25 = tpu.memref_slice %arg5[%arg0, %mul3A_22, %dma_start3A_24] : memref<2x10240x128xf32, #tpu.memory_space<hbm>> -> memref<1x640x128xf32, #tpu.memory_space<hbm>>
      %dma_start3A_26 = tpu.memref_squeeze %dma_start3A_25 : memref<1x640x128xf32, #tpu.memory_space<hbm>> -> memref<640x128xf32, #tpu.memory_space<hbm>>
      %dma_start3A_27 = arith.constant 0 : i32
      %dma_start3A_28 = tpu.memref_slice %arg12[%mul3A_20, %dma_start3A_27] : memref<10240x128xf32, #tpu.memory_space<vmem_shared>> -> memref<640x128xf32, #tpu.memory_space<vmem_shared>>
      tpu.enqueue_dma source(%dma_start3A_28 : memref<640x128xf32, #tpu.memory_space<vmem_shared>>) target(%dma_start3A_26 : memref<640x128xf32, #tpu.memory_space<hbm>>) target_semaphore(%run_scoped3A_23 : memref<!tpu.dma_semaphore, #tpu.memory_space<semaphore_mem>>)
      %dma_wait3A_29 = arith.constant 0 : i32
      %dma_wait3A_30 = tpu.memref_slice %arg5[%arg0, %mul3A_22, %dma_wait3A_29] : memref<2x10240x128xf32, #tpu.memory_space<hbm>> -> memref<1x640x128xf32, #tpu.memory_space<hbm>>
      %dma_wait3A_31 = tpu.memref_squeeze %dma_wait3A_30 : memref<1x640x128xf32, #tpu.memory_space<hbm>> -> memref<640x128xf32, #tpu.memory_space<hbm>>
      %dma_wait3A_32 = arith.constant 0 : i32
      %dma_wait3A_33 = tpu.memref_slice %arg12[%mul3A_20, %dma_wait3A_32] : memref<10240x128xf32, #tpu.memory_space<vmem_shared>> -> memref<640x128xf32, #tpu.memory_space<vmem_shared>>
      tpu.wait_dma2 semaphore(%run_scoped3A_23 : memref<!tpu.dma_semaphore, #tpu.memory_space<semaphore_mem>>) src(%dma_wait3A_33 : memref<640x128xf32, #tpu.memory_space<vmem_shared>>) dst(%dma_wait3A_31 : memref<640x128xf32, #tpu.memory_space<hbm>>)
      tpu.yield
    }) : () -> ()
    return
  }
}

#map = affine_map<(d0, d1) -> (0, 0)>
#map1 = affine_map<(d0, d1) -> (0, 0, 0)>
module attributes {stable_mosaic.version = 14 : i64} {
  func.func @_conv_sc(%arg0: i32, %arg1: i32, %arg2: memref<20480x128xf32, #tpu.memory_space<hbm>>, %arg3: memref<2x16x10000xi32, #tpu.memory_space<hbm>>, %arg4: memref<16x125x80xi32, #tpu.memory_space<hbm>>, %arg5: memref<2x10240x128xf32, #tpu.memory_space<hbm>>, %arg6: memref<10000xi32, #tpu.memory_space<vmem>>, %arg7: memref<125x80xi32, #tpu.memory_space<vmem>>, %arg8: memref<80x128xf32, #tpu.memory_space<vmem>>, %arg9: memref<80x128xf32, #tpu.memory_space<vmem>>, %arg10: memref<!tpu.dma_semaphore, #tpu.memory_space<semaphore_mem>>, %arg11: memref<!tpu.dma_semaphore, #tpu.memory_space<semaphore_mem>>, %arg12: memref<10240x128xf32, #tpu.memory_space<vmem_shared>>) attributes {dimension_semantics = [#tpu.dimension_semantics<core_parallel>, #tpu.dimension_semantics<subcore_parallel>], iteration_bounds = array<i64: 2, 16>, scalar_prefetch = 0 : i64, scratch_operands = 7 : i64, tpu.core_type = #tpu.core_type<sc_vector_subcore>, window_params = [{transform_indices = #map}, {transform_indices = #map1}, {transform_indices = #map1}, {transform_indices = #map1}]} {
    "tpu.region"() ({
      %run_scoped3A_23 = tpu.sem_alloc : memref<!tpu.dma_semaphore, #tpu.memory_space<semaphore_mem>>
      %dma_start3A_24 = arith.constant 0 : i32
      %dma_start3A_25 = tpu.memref_slice %arg3[%arg0, %arg1, %dma_start3A_24] : memref<2x16x10000xi32, #tpu.memory_space<hbm>> -> memref<1x1x10000xi32, #tpu.memory_space<hbm>>
      %dma_start3A_26 = tpu.memref_squeeze %dma_start3A_25 : memref<1x1x10000xi32, #tpu.memory_space<hbm>> -> memref<10000xi32, #tpu.memory_space<hbm>>
      %dma_start3A_27 = arith.constant 0 : i32
      %dma_start3A_28 = tpu.memref_slice %arg3[%arg0, %arg1, %dma_start3A_27] : memref<2x16x10000xi32, #tpu.memory_space<hbm>> -> memref<1x1x10000xi32, #tpu.memory_space<hbm>>
      %dma_start3A_29 = tpu.memref_squeeze %dma_start3A_28 : memref<1x1x10000xi32, #tpu.memory_space<hbm>> -> memref<10000xi32, #tpu.memory_space<hbm>>
      tpu.enqueue_dma source(%dma_start3A_29 : memref<10000xi32, #tpu.memory_space<hbm>>) target(%arg6 : memref<10000xi32, #tpu.memory_space<vmem>>) target_semaphore(%run_scoped3A_23 : memref<!tpu.dma_semaphore, #tpu.memory_space<semaphore_mem>>)
      %dma_wait3A_30 = arith.constant 0 : i32
      %dma_wait3A_31 = tpu.memref_slice %arg3[%arg0, %arg1, %dma_wait3A_30] : memref<2x16x10000xi32, #tpu.memory_space<hbm>> -> memref<1x1x10000xi32, #tpu.memory_space<hbm>>
      %dma_wait3A_32 = tpu.memref_squeeze %dma_wait3A_31 : memref<1x1x10000xi32, #tpu.memory_space<hbm>> -> memref<10000xi32, #tpu.memory_space<hbm>>
      %dma_wait3A_33 = arith.constant 0 : i32
      %dma_wait3A_34 = tpu.memref_slice %arg3[%arg0, %arg1, %dma_wait3A_33] : memref<2x16x10000xi32, #tpu.memory_space<hbm>> -> memref<1x1x10000xi32, #tpu.memory_space<hbm>>
      %dma_wait3A_35 = tpu.memref_squeeze %dma_wait3A_34 : memref<1x1x10000xi32, #tpu.memory_space<hbm>> -> memref<10000xi32, #tpu.memory_space<hbm>>
      tpu.wait_dma2 semaphore(%run_scoped3A_23 : memref<!tpu.dma_semaphore, #tpu.memory_space<semaphore_mem>>) src(%dma_wait3A_35 : memref<10000xi32, #tpu.memory_space<hbm>>) dst(%arg6 : memref<10000xi32, #tpu.memory_space<vmem>>)
      tpu.yield
    }) : () -> ()
    "tpu.region"() ({
      %run_scoped3A_23 = tpu.sem_alloc : memref<!tpu.dma_semaphore, #tpu.memory_space<semaphore_mem>>
      %dma_start3A_24 = arith.constant 0 : i32
      %dma_start3A_25 = arith.constant 0 : i32
      %dma_start3A_26 = tpu.memref_slice %arg4[%arg1, %dma_start3A_24, %dma_start3A_25] : memref<16x125x80xi32, #tpu.memory_space<hbm>> -> memref<1x125x80xi32, #tpu.memory_space<hbm>>
      %dma_start3A_27 = tpu.memref_squeeze %dma_start3A_26 : memref<1x125x80xi32, #tpu.memory_space<hbm>> -> memref<125x80xi32, #tpu.memory_space<hbm>>
      %dma_start3A_28 = arith.constant 0 : i32
      %dma_start3A_29 = arith.constant 0 : i32
      %dma_start3A_30 = tpu.memref_slice %arg4[%arg1, %dma_start3A_28, %dma_start3A_29] : memref<16x125x80xi32, #tpu.memory_space<hbm>> -> memref<1x125x80xi32, #tpu.memory_space<hbm>>
      %dma_start3A_31 = tpu.memref_squeeze %dma_start3A_30 : memref<1x125x80xi32, #tpu.memory_space<hbm>> -> memref<125x80xi32, #tpu.memory_space<hbm>>
      tpu.enqueue_dma source(%dma_start3A_31 : memref<125x80xi32, #tpu.memory_space<hbm>>) target(%arg7 : memref<125x80xi32, #tpu.memory_space<vmem>>) target_semaphore(%run_scoped3A_23 : memref<!tpu.dma_semaphore, #tpu.memory_space<semaphore_mem>>)
      %dma_wait3A_32 = arith.constant 0 : i32
      %dma_wait3A_33 = arith.constant 0 : i32
      %dma_wait3A_34 = tpu.memref_slice %arg4[%arg1, %dma_wait3A_32, %dma_wait3A_33] : memref<16x125x80xi32, #tpu.memory_space<hbm>> -> memref<1x125x80xi32, #tpu.memory_space<hbm>>
      %dma_wait3A_35 = tpu.memref_squeeze %dma_wait3A_34 : memref<1x125x80xi32, #tpu.memory_space<hbm>> -> memref<125x80xi32, #tpu.memory_space<hbm>>
      %dma_wait3A_36 = arith.constant 0 : i32
      %dma_wait3A_37 = arith.constant 0 : i32
      %dma_wait3A_38 = tpu.memref_slice %arg4[%arg1, %dma_wait3A_36, %dma_wait3A_37] : memref<16x125x80xi32, #tpu.memory_space<hbm>> -> memref<1x125x80xi32, #tpu.memory_space<hbm>>
      %dma_wait3A_39 = tpu.memref_squeeze %dma_wait3A_38 : memref<1x125x80xi32, #tpu.memory_space<hbm>> -> memref<125x80xi32, #tpu.memory_space<hbm>>
      tpu.wait_dma2 semaphore(%run_scoped3A_23 : memref<!tpu.dma_semaphore, #tpu.memory_space<semaphore_mem>>) src(%dma_wait3A_39 : memref<125x80xi32, #tpu.memory_space<hbm>>) dst(%arg7 : memref<125x80xi32, #tpu.memory_space<vmem>>)
      tpu.yield
    }) : () -> ()
    %dma_start3A = arith.constant 0 : i32
    %dma_start3A_0 = tpu.memref_slice %arg6[%dma_start3A] : memref<10000xi32, #tpu.memory_space<vmem>> -> memref<80xi32, #tpu.memory_space<vmem>>
    %dma_start3A_1 = arith.constant 0 : i32
    %dma_start3A_2 = arith.constant 0 : i32
    %dma_start3A_3 = tpu.memref_slice %arg2[%dma_start3A_1, %dma_start3A_2] : memref<20480x128xf32, #tpu.memory_space<hbm>> -> memref<20480x128xf32, #tpu.memory_space<hbm>>
    tpu.enqueue_indirect_dma source(%dma_start3A_3 : memref<20480x128xf32, #tpu.memory_space<hbm>>) target(%arg8 : memref<80x128xf32, #tpu.memory_space<vmem>>) offsets(%dma_start3A_0 : memref<80xi32, #tpu.memory_space<vmem>>) semaphore(%arg10 : memref<!tpu.dma_semaphore, #tpu.memory_space<semaphore_mem>>)
    %mul3A = arith.constant 10240 : i32
    %mul3A_4 = arith.muli %arg0, %mul3A : i32
    %mul3A_5 = arith.constant 640 : i32
    %mul3A_6 = arith.muli %arg1, %mul3A_5 : i32
    %add3A = arith.addi %mul3A_4, %mul3A_6 : i32
    %mul3A_7 = arith.constant 640 : i32
    %mul3A_8 = arith.muli %arg1, %mul3A_7 : i32
    "tpu.region"() ({
      %run_scoped3A_23 = tpu.sem_alloc : memref<!tpu.dma_semaphore, #tpu.memory_space<semaphore_mem>>
      %dma_start3A_24 = arith.constant 0 : i32
      %dma_start3A_25 = tpu.memref_slice %arg12[%mul3A_8, %dma_start3A_24] : memref<10240x128xf32, #tpu.memory_space<vmem_shared>> -> memref<640x128xf32, #tpu.memory_space<vmem_shared>>
      %dma_start3A_26 = arith.constant 0 : i32
      %dma_start3A_27 = tpu.memref_slice %arg2[%add3A, %dma_start3A_26] : memref<20480x128xf32, #tpu.memory_space<hbm>> -> memref<640x128xf32, #tpu.memory_space<hbm>>
      tpu.enqueue_dma source(%dma_start3A_27 : memref<640x128xf32, #tpu.memory_space<hbm>>) target(%dma_start3A_25 : memref<640x128xf32, #tpu.memory_space<vmem_shared>>) target_semaphore(%run_scoped3A_23 : memref<!tpu.dma_semaphore, #tpu.memory_space<semaphore_mem>>)
      %dma_wait3A_28 = arith.constant 0 : i32
      %dma_wait3A_29 = tpu.memref_slice %arg12[%mul3A_8, %dma_wait3A_28] : memref<10240x128xf32, #tpu.memory_space<vmem_shared>> -> memref<640x128xf32, #tpu.memory_space<vmem_shared>>
      %dma_wait3A_30 = arith.constant 0 : i32
      %dma_wait3A_31 = tpu.memref_slice %arg2[%add3A, %dma_wait3A_30] : memref<20480x128xf32, #tpu.memory_space<hbm>> -> memref<640x128xf32, #tpu.memory_space<hbm>>
      tpu.wait_dma2 semaphore(%run_scoped3A_23 : memref<!tpu.dma_semaphore, #tpu.memory_space<semaphore_mem>>) src(%dma_wait3A_31 : memref<640x128xf32, #tpu.memory_space<hbm>>) dst(%dma_wait3A_29 : memref<640x128xf32, #tpu.memory_space<vmem_shared>>)
      tpu.yield
    }) : () -> ()
    %barrier3A = arith.constant 0 : index
    tpu.barrier barrier_id(%barrier3A)
    %scan3A = arith.constant 0 : i32
    %scan3A_9 = arith.constant 0 : i32
    %scan3A_10 = arith.constant 62 : i32
    %scan3A_11 = arith.addi %scan3A_9, %scan3A_10 : i32
    %scan3A_12 = arith.constant 1 : i32
    scf.for %scan3A_23 = %scan3A_9 to %scan3A_11 step %scan3A_12  : i32 {
      %mul3A_24 = arith.constant 2 : i32
      %mul3A_25 = arith.muli %mul3A_24, %scan3A_23 : i32
      %add3A_26 = arith.constant 1 : i32
      %add3A_27 = arith.addi %mul3A_25, %add3A_26 : i32
      %mul3A_28 = arith.constant 80 : i32
      %mul3A_29 = arith.muli %add3A_27, %mul3A_28 : i32
      %dma_start3A_30 = tpu.memref_slice %arg6[%mul3A_29] : memref<10000xi32, #tpu.memory_space<vmem>> -> memref<80xi32, #tpu.memory_space<vmem>>
      %dma_start3A_31 = arith.constant 0 : i32
      %dma_start3A_32 = arith.constant 0 : i32
      %dma_start3A_33 = tpu.memref_slice %arg2[%dma_start3A_31, %dma_start3A_32] : memref<20480x128xf32, #tpu.memory_space<hbm>> -> memref<20480x128xf32, #tpu.memory_space<hbm>>
      tpu.enqueue_indirect_dma source(%dma_start3A_33 : memref<20480x128xf32, #tpu.memory_space<hbm>>) target(%arg9 : memref<80x128xf32, #tpu.memory_space<vmem>>) offsets(%dma_start3A_30 : memref<80xi32, #tpu.memory_space<vmem>>) semaphore(%arg11 : memref<!tpu.dma_semaphore, #tpu.memory_space<semaphore_mem>>)
      %mul3A_34 = arith.constant 80 : i32
      %mul3A_35 = arith.muli %mul3A_25, %mul3A_34 : i32
      %dma_wait3A_36 = tpu.memref_slice %arg6[%mul3A_35] : memref<10000xi32, #tpu.memory_space<vmem>> -> memref<80xi32, #tpu.memory_space<vmem>>
      %dma_wait3A_37 = arith.constant 0 : i32
      %dma_wait3A_38 = arith.constant 0 : i32
      %dma_wait3A_39 = tpu.memref_slice %arg2[%dma_wait3A_37, %dma_wait3A_38] : memref<20480x128xf32, #tpu.memory_space<hbm>> -> memref<20480x128xf32, #tpu.memory_space<hbm>>
      tpu.wait_indirect_dma semaphore(%arg10 : memref<!tpu.dma_semaphore, #tpu.memory_space<semaphore_mem>>) src(%dma_wait3A_39 : memref<20480x128xf32, #tpu.memory_space<hbm>>) dst(%arg8 : memref<80x128xf32, #tpu.memory_space<vmem>>)
      "tpu.region"() ({
        %run_scoped3A_54 = tpu.sem_alloc : memref<!tpu.dma_semaphore, #tpu.memory_space<semaphore_mem>>
        %dma_start3A_55 = arith.constant 0 : i32
        %dma_start3A_56 = tpu.memref_slice %arg7[%mul3A_25, %dma_start3A_55] : memref<125x80xi32, #tpu.memory_space<vmem>> -> memref<1x80xi32, #tpu.memory_space<vmem>>
        %dma_start3A_57 = tpu.memref_squeeze %dma_start3A_56 : memref<1x80xi32, #tpu.memory_space<vmem>> -> memref<80xi32, #tpu.memory_space<vmem>>
        %dma_start3A_58 = arith.constant 0 : i32
        %dma_start3A_59 = arith.constant 0 : i32
        %dma_start3A_60 = tpu.memref_slice %arg12[%dma_start3A_58, %dma_start3A_59] : memref<10240x128xf32, #tpu.memory_space<vmem_shared>> -> memref<10240x128xf32, #tpu.memory_space<vmem_shared>>
        tpu.enqueue_indirect_dma source(%arg8 : memref<80x128xf32, #tpu.memory_space<vmem>>) target(%dma_start3A_60 : memref<10240x128xf32, #tpu.memory_space<vmem_shared>>) offsets(%dma_start3A_57 : memref<80xi32, #tpu.memory_space<vmem>>) semaphore(%run_scoped3A_54 : memref<!tpu.dma_semaphore, #tpu.memory_space<semaphore_mem>>) {add = true}
        %dma_wait3A_61 = arith.constant 0 : i32
        %dma_wait3A_62 = tpu.memref_slice %arg7[%mul3A_25, %dma_wait3A_61] : memref<125x80xi32, #tpu.memory_space<vmem>> -> memref<1x80xi32, #tpu.memory_space<vmem>>
        %dma_wait3A_63 = tpu.memref_squeeze %dma_wait3A_62 : memref<1x80xi32, #tpu.memory_space<vmem>> -> memref<80xi32, #tpu.memory_space<vmem>>
        %dma_wait3A_64 = arith.constant 0 : i32
        %dma_wait3A_65 = arith.constant 0 : i32
        %dma_wait3A_66 = tpu.memref_slice %arg12[%dma_wait3A_64, %dma_wait3A_65] : memref<10240x128xf32, #tpu.memory_space<vmem_shared>> -> memref<10240x128xf32, #tpu.memory_space<vmem_shared>>
        tpu.wait_indirect_dma semaphore(%run_scoped3A_54 : memref<!tpu.dma_semaphore, #tpu.memory_space<semaphore_mem>>) src(%arg8 : memref<80x128xf32, #tpu.memory_space<vmem>>) dst(%dma_wait3A_66 : memref<10240x128xf32, #tpu.memory_space<vmem_shared>>)
        tpu.yield
      }) : () -> ()
      %add3A_40 = arith.constant 2 : i32
      %add3A_41 = arith.addi %mul3A_25, %add3A_40 : i32
      %mul3A_42 = arith.constant 80 : i32
      %mul3A_43 = arith.muli %add3A_41, %mul3A_42 : i32
      %dma_start3A_44 = tpu.memref_slice %arg6[%mul3A_43] : memref<10000xi32, #tpu.memory_space<vmem>> -> memref<80xi32, #tpu.memory_space<vmem>>
      %dma_start3A_45 = arith.constant 0 : i32
      %dma_start3A_46 = arith.constant 0 : i32
      %dma_start3A_47 = tpu.memref_slice %arg2[%dma_start3A_45, %dma_start3A_46] : memref<20480x128xf32, #tpu.memory_space<hbm>> -> memref<20480x128xf32, #tpu.memory_space<hbm>>
      tpu.enqueue_indirect_dma source(%dma_start3A_47 : memref<20480x128xf32, #tpu.memory_space<hbm>>) target(%arg8 : memref<80x128xf32, #tpu.memory_space<vmem>>) offsets(%dma_start3A_44 : memref<80xi32, #tpu.memory_space<vmem>>) semaphore(%arg10 : memref<!tpu.dma_semaphore, #tpu.memory_space<semaphore_mem>>)
      %dma_wait3A_48 = tpu.memref_slice %arg6[%mul3A_29] : memref<10000xi32, #tpu.memory_space<vmem>> -> memref<80xi32, #tpu.memory_space<vmem>>
      %dma_wait3A_49 = arith.constant 0 : i32
      %dma_wait3A_50 = arith.constant 0 : i32
      %dma_wait3A_51 = tpu.memref_slice %arg2[%dma_wait3A_49, %dma_wait3A_50] : memref<20480x128xf32, #tpu.memory_space<hbm>> -> memref<20480x128xf32, #tpu.memory_space<hbm>>
      tpu.wait_indirect_dma semaphore(%arg11 : memref<!tpu.dma_semaphore, #tpu.memory_space<semaphore_mem>>) src(%dma_wait3A_51 : memref<20480x128xf32, #tpu.memory_space<hbm>>) dst(%arg9 : memref<80x128xf32, #tpu.memory_space<vmem>>)
      %add3A_52 = arith.constant 1 : i32
      %add3A_53 = arith.addi %mul3A_25, %add3A_52 : i32
      "tpu.region"() ({
        %run_scoped3A_54 = tpu.sem_alloc : memref<!tpu.dma_semaphore, #tpu.memory_space<semaphore_mem>>
        %dma_start3A_55 = arith.constant 0 : i32
        %dma_start3A_56 = tpu.memref_slice %arg7[%add3A_53, %dma_start3A_55] : memref<125x80xi32, #tpu.memory_space<vmem>> -> memref<1x80xi32, #tpu.memory_space<vmem>>
        %dma_start3A_57 = tpu.memref_squeeze %dma_start3A_56 : memref<1x80xi32, #tpu.memory_space<vmem>> -> memref<80xi32, #tpu.memory_space<vmem>>
        %dma_start3A_58 = arith.constant 0 : i32
        %dma_start3A_59 = arith.constant 0 : i32
        %dma_start3A_60 = tpu.memref_slice %arg12[%dma_start3A_58, %dma_start3A_59] : memref<10240x128xf32, #tpu.memory_space<vmem_shared>> -> memref<10240x128xf32, #tpu.memory_space<vmem_shared>>
        tpu.enqueue_indirect_dma source(%arg9 : memref<80x128xf32, #tpu.memory_space<vmem>>) target(%dma_start3A_60 : memref<10240x128xf32, #tpu.memory_space<vmem_shared>>) offsets(%dma_start3A_57 : memref<80xi32, #tpu.memory_space<vmem>>) semaphore(%run_scoped3A_54 : memref<!tpu.dma_semaphore, #tpu.memory_space<semaphore_mem>>) {add = true}
        %dma_wait3A_61 = arith.constant 0 : i32
        %dma_wait3A_62 = tpu.memref_slice %arg7[%add3A_53, %dma_wait3A_61] : memref<125x80xi32, #tpu.memory_space<vmem>> -> memref<1x80xi32, #tpu.memory_space<vmem>>
        %dma_wait3A_63 = tpu.memref_squeeze %dma_wait3A_62 : memref<1x80xi32, #tpu.memory_space<vmem>> -> memref<80xi32, #tpu.memory_space<vmem>>
        %dma_wait3A_64 = arith.constant 0 : i32
        %dma_wait3A_65 = arith.constant 0 : i32
        %dma_wait3A_66 = tpu.memref_slice %arg12[%dma_wait3A_64, %dma_wait3A_65] : memref<10240x128xf32, #tpu.memory_space<vmem_shared>> -> memref<10240x128xf32, #tpu.memory_space<vmem_shared>>
        tpu.wait_indirect_dma semaphore(%run_scoped3A_54 : memref<!tpu.dma_semaphore, #tpu.memory_space<semaphore_mem>>) src(%arg9 : memref<80x128xf32, #tpu.memory_space<vmem>>) dst(%dma_wait3A_66 : memref<10240x128xf32, #tpu.memory_space<vmem_shared>>)
        tpu.yield
      }) : () -> ()
    }
    %scan3A_13 = arith.constant 62 : i32
    %dma_wait3A = arith.constant 9920 : i32
    %dma_wait3A_14 = tpu.memref_slice %arg6[%dma_wait3A] : memref<10000xi32, #tpu.memory_space<vmem>> -> memref<80xi32, #tpu.memory_space<vmem>>
    %dma_wait3A_15 = arith.constant 0 : i32
    %dma_wait3A_16 = arith.constant 0 : i32
    %dma_wait3A_17 = tpu.memref_slice %arg2[%dma_wait3A_15, %dma_wait3A_16] : memref<20480x128xf32, #tpu.memory_space<hbm>> -> memref<20480x128xf32, #tpu.memory_space<hbm>>
    tpu.wait_indirect_dma semaphore(%arg10 : memref<!tpu.dma_semaphore, #tpu.memory_space<semaphore_mem>>) src(%dma_wait3A_17 : memref<20480x128xf32, #tpu.memory_space<hbm>>) dst(%arg8 : memref<80x128xf32, #tpu.memory_space<vmem>>)
    %run_scoped3A = arith.constant 124 : i32
    "tpu.region"() ({
      %run_scoped3A_23 = tpu.sem_alloc : memref<!tpu.dma_semaphore, #tpu.memory_space<semaphore_mem>>
      %dma_start3A_24 = arith.constant 0 : i32
      %dma_start3A_25 = tpu.memref_slice %arg7[%run_scoped3A, %dma_start3A_24] : memref<125x80xi32, #tpu.memory_space<vmem>> -> memref<1x80xi32, #tpu.memory_space<vmem>>
      %dma_start3A_26 = tpu.memref_squeeze %dma_start3A_25 : memref<1x80xi32, #tpu.memory_space<vmem>> -> memref<80xi32, #tpu.memory_space<vmem>>
      %dma_start3A_27 = arith.constant 0 : i32
      %dma_start3A_28 = arith.constant 0 : i32
      %dma_start3A_29 = tpu.memref_slice %arg12[%dma_start3A_27, %dma_start3A_28] : memref<10240x128xf32, #tpu.memory_space<vmem_shared>> -> memref<10240x128xf32, #tpu.memory_space<vmem_shared>>
      tpu.enqueue_indirect_dma source(%arg8 : memref<80x128xf32, #tpu.memory_space<vmem>>) target(%dma_start3A_29 : memref<10240x128xf32, #tpu.memory_space<vmem_shared>>) offsets(%dma_start3A_26 : memref<80xi32, #tpu.memory_space<vmem>>) semaphore(%run_scoped3A_23 : memref<!tpu.dma_semaphore, #tpu.memory_space<semaphore_mem>>) {add = true}
      %dma_wait3A_30 = arith.constant 0 : i32
      %dma_wait3A_31 = tpu.memref_slice %arg7[%run_scoped3A, %dma_wait3A_30] : memref<125x80xi32, #tpu.memory_space<vmem>> -> memref<1x80xi32, #tpu.memory_space<vmem>>
      %dma_wait3A_32 = tpu.memref_squeeze %dma_wait3A_31 : memref<1x80xi32, #tpu.memory_space<vmem>> -> memref<80xi32, #tpu.memory_space<vmem>>
      %dma_wait3A_33 = arith.constant 0 : i32
      %dma_wait3A_34 = arith.constant 0 : i32
      %dma_wait3A_35 = tpu.memref_slice %arg12[%dma_wait3A_33, %dma_wait3A_34] : memref<10240x128xf32, #tpu.memory_space<vmem_shared>> -> memref<10240x128xf32, #tpu.memory_space<vmem_shared>>
      tpu.wait_indirect_dma semaphore(%run_scoped3A_23 : memref<!tpu.dma_semaphore, #tpu.memory_space<semaphore_mem>>) src(%arg8 : memref<80x128xf32, #tpu.memory_space<vmem>>) dst(%dma_wait3A_35 : memref<10240x128xf32, #tpu.memory_space<vmem_shared>>)
      tpu.yield
    }) : () -> ()
    %barrier3A_18 = arith.constant 0 : index
    tpu.barrier barrier_id(%barrier3A_18)
    %mul3A_19 = arith.constant 640 : i32
    %mul3A_20 = arith.muli %arg1, %mul3A_19 : i32
    %mul3A_21 = arith.constant 640 : i32
    %mul3A_22 = arith.muli %arg1, %mul3A_21 : i32
    "tpu.region"() ({
      %run_scoped3A_23 = tpu.sem_alloc : memref<!tpu.dma_semaphore, #tpu.memory_space<semaphore_mem>>
      %dma_start3A_24 = arith.constant 0 : i32
      %dma_start3A_25 = tpu.memref_slice %arg5[%arg0, %mul3A_22, %dma_start3A_24] : memref<2x10240x128xf32, #tpu.memory_space<hbm>> -> memref<1x640x128xf32, #tpu.memory_space<hbm>>
      %dma_start3A_26 = tpu.memref_squeeze %dma_start3A_25 : memref<1x640x128xf32, #tpu.memory_space<hbm>> -> memref<640x128xf32, #tpu.memory_space<hbm>>
      %dma_start3A_27 = arith.constant 0 : i32
      %dma_start3A_28 = tpu.memref_slice %arg12[%mul3A_20, %dma_start3A_27] : memref<10240x128xf32, #tpu.memory_space<vmem_shared>> -> memref<640x128xf32, #tpu.memory_space<vmem_shared>>
      tpu.enqueue_dma source(%dma_start3A_28 : memref<640x128xf32, #tpu.memory_space<vmem_shared>>) target(%dma_start3A_26 : memref<640x128xf32, #tpu.memory_space<hbm>>) target_semaphore(%run_scoped3A_23 : memref<!tpu.dma_semaphore, #tpu.memory_space<semaphore_mem>>)
      %dma_wait3A_29 = arith.constant 0 : i32
      %dma_wait3A_30 = tpu.memref_slice %arg5[%arg0, %mul3A_22, %dma_wait3A_29] : memref<2x10240x128xf32, #tpu.memory_space<hbm>> -> memref<1x640x128xf32, #tpu.memory_space<hbm>>
      %dma_wait3A_31 = tpu.memref_squeeze %dma_wait3A_30 : memref<1x640x128xf32, #tpu.memory_space<hbm>> -> memref<640x128xf32, #tpu.memory_space<hbm>>
      %dma_wait3A_32 = arith.constant 0 : i32
      %dma_wait3A_33 = tpu.memref_slice %arg12[%mul3A_20, %dma_wait3A_32] : memref<10240x128xf32, #tpu.memory_space<vmem_shared>> -> memref<640x128xf32, #tpu.memory_space<vmem_shared>>
      tpu.wait_dma2 semaphore(%run_scoped3A_23 : memref<!tpu.dma_semaphore, #tpu.memory_space<semaphore_mem>>) src(%dma_wait3A_33 : memref<640x128xf32, #tpu.memory_space<vmem_shared>>) dst(%dma_wait3A_31 : memref<640x128xf32, #tpu.memory_space<hbm>>)
      tpu.yield
    }) : () -> ()
    return
  }
}

#map = affine_map<(d0, d1) -> (0, 0)>
#map1 = affine_map<(d0, d1) -> (0, 0, 0)>
module attributes {stable_mosaic.version = 14 : i64} {
  func.func @_conv_sc(%arg0: i32, %arg1: i32, %arg2: memref<20480x128xf32, #tpu.memory_space<hbm>>, %arg3: memref<2x16x10000xi32, #tpu.memory_space<hbm>>, %arg4: memref<16x125x80xi32, #tpu.memory_space<hbm>>, %arg5: memref<2x10240x128xf32, #tpu.memory_space<hbm>>, %arg6: memref<10000xi32, #tpu.memory_space<vmem>>, %arg7: memref<125x80xi32, #tpu.memory_space<vmem>>, %arg8: memref<80x128xf32, #tpu.memory_space<vmem>>, %arg9: memref<80x128xf32, #tpu.memory_space<vmem>>, %arg10: memref<!tpu.dma_semaphore, #tpu.memory_space<semaphore_mem>>, %arg11: memref<!tpu.dma_semaphore, #tpu.memory_space<semaphore_mem>>, %arg12: memref<10240x128xf32, #tpu.memory_space<vmem_shared>>) attributes {dimension_semantics = [#tpu.dimension_semantics<core_parallel>, #tpu.dimension_semantics<subcore_parallel>], iteration_bounds = array<i64: 2, 16>, scalar_prefetch = 0 : i64, scratch_operands = 7 : i64, tpu.core_type = #tpu.core_type<sc_vector_subcore>, window_params = [{transform_indices = #map}, {transform_indices = #map1}, {transform_indices = #map1}, {transform_indices = #map1}]} {
    "tpu.region"() ({
      %run_scoped3A_23 = tpu.sem_alloc : memref<!tpu.dma_semaphore, #tpu.memory_space<semaphore_mem>>
      %dma_start3A_24 = arith.constant 0 : i32
      %dma_start3A_25 = tpu.memref_slice %arg3[%arg0, %arg1, %dma_start3A_24] : memref<2x16x10000xi32, #tpu.memory_space<hbm>> -> memref<1x1x10000xi32, #tpu.memory_space<hbm>>
      %dma_start3A_26 = tpu.memref_squeeze %dma_start3A_25 : memref<1x1x10000xi32, #tpu.memory_space<hbm>> -> memref<10000xi32, #tpu.memory_space<hbm>>
      %dma_start3A_27 = arith.constant 0 : i32
      %dma_start3A_28 = tpu.memref_slice %arg3[%arg0, %arg1, %dma_start3A_27] : memref<2x16x10000xi32, #tpu.memory_space<hbm>> -> memref<1x1x10000xi32, #tpu.memory_space<hbm>>
      %dma_start3A_29 = tpu.memref_squeeze %dma_start3A_28 : memref<1x1x10000xi32, #tpu.memory_space<hbm>> -> memref<10000xi32, #tpu.memory_space<hbm>>
      tpu.enqueue_dma source(%dma_start3A_29 : memref<10000xi32, #tpu.memory_space<hbm>>) target(%arg6 : memref<10000xi32, #tpu.memory_space<vmem>>) target_semaphore(%run_scoped3A_23 : memref<!tpu.dma_semaphore, #tpu.memory_space<semaphore_mem>>)
      %dma_wait3A_30 = arith.constant 0 : i32
      %dma_wait3A_31 = tpu.memref_slice %arg3[%arg0, %arg1, %dma_wait3A_30] : memref<2x16x10000xi32, #tpu.memory_space<hbm>> -> memref<1x1x10000xi32, #tpu.memory_space<hbm>>
      %dma_wait3A_32 = tpu.memref_squeeze %dma_wait3A_31 : memref<1x1x10000xi32, #tpu.memory_space<hbm>> -> memref<10000xi32, #tpu.memory_space<hbm>>
      %dma_wait3A_33 = arith.constant 0 : i32
      %dma_wait3A_34 = tpu.memref_slice %arg3[%arg0, %arg1, %dma_wait3A_33] : memref<2x16x10000xi32, #tpu.memory_space<hbm>> -> memref<1x1x10000xi32, #tpu.memory_space<hbm>>
      %dma_wait3A_35 = tpu.memref_squeeze %dma_wait3A_34 : memref<1x1x10000xi32, #tpu.memory_space<hbm>> -> memref<10000xi32, #tpu.memory_space<hbm>>
      tpu.wait_dma2 semaphore(%run_scoped3A_23 : memref<!tpu.dma_semaphore, #tpu.memory_space<semaphore_mem>>) src(%dma_wait3A_35 : memref<10000xi32, #tpu.memory_space<hbm>>) dst(%arg6 : memref<10000xi32, #tpu.memory_space<vmem>>)
      tpu.yield
    }) : () -> ()
    "tpu.region"() ({
      %run_scoped3A_23 = tpu.sem_alloc : memref<!tpu.dma_semaphore, #tpu.memory_space<semaphore_mem>>
      %dma_start3A_24 = arith.constant 0 : i32
      %dma_start3A_25 = arith.constant 0 : i32
      %dma_start3A_26 = tpu.memref_slice %arg4[%arg1, %dma_start3A_24, %dma_start3A_25] : memref<16x125x80xi32, #tpu.memory_space<hbm>> -> memref<1x125x80xi32, #tpu.memory_space<hbm>>
      %dma_start3A_27 = tpu.memref_squeeze %dma_start3A_26 : memref<1x125x80xi32, #tpu.memory_space<hbm>> -> memref<125x80xi32, #tpu.memory_space<hbm>>
      %dma_start3A_28 = arith.constant 0 : i32
      %dma_start3A_29 = arith.constant 0 : i32
      %dma_start3A_30 = tpu.memref_slice %arg4[%arg1, %dma_start3A_28, %dma_start3A_29] : memref<16x125x80xi32, #tpu.memory_space<hbm>> -> memref<1x125x80xi32, #tpu.memory_space<hbm>>
      %dma_start3A_31 = tpu.memref_squeeze %dma_start3A_30 : memref<1x125x80xi32, #tpu.memory_space<hbm>> -> memref<125x80xi32, #tpu.memory_space<hbm>>
      tpu.enqueue_dma source(%dma_start3A_31 : memref<125x80xi32, #tpu.memory_space<hbm>>) target(%arg7 : memref<125x80xi32, #tpu.memory_space<vmem>>) target_semaphore(%run_scoped3A_23 : memref<!tpu.dma_semaphore, #tpu.memory_space<semaphore_mem>>)
      %dma_wait3A_32 = arith.constant 0 : i32
      %dma_wait3A_33 = arith.constant 0 : i32
      %dma_wait3A_34 = tpu.memref_slice %arg4[%arg1, %dma_wait3A_32, %dma_wait3A_33] : memref<16x125x80xi32, #tpu.memory_space<hbm>> -> memref<1x125x80xi32, #tpu.memory_space<hbm>>
      %dma_wait3A_35 = tpu.memref_squeeze %dma_wait3A_34 : memref<1x125x80xi32, #tpu.memory_space<hbm>> -> memref<125x80xi32, #tpu.memory_space<hbm>>
      %dma_wait3A_36 = arith.constant 0 : i32
      %dma_wait3A_37 = arith.constant 0 : i32
      %dma_wait3A_38 = tpu.memref_slice %arg4[%arg1, %dma_wait3A_36, %dma_wait3A_37] : memref<16x125x80xi32, #tpu.memory_space<hbm>> -> memref<1x125x80xi32, #tpu.memory_space<hbm>>
      %dma_wait3A_39 = tpu.memref_squeeze %dma_wait3A_38 : memref<1x125x80xi32, #tpu.memory_space<hbm>> -> memref<125x80xi32, #tpu.memory_space<hbm>>
      tpu.wait_dma2 semaphore(%run_scoped3A_23 : memref<!tpu.dma_semaphore, #tpu.memory_space<semaphore_mem>>) src(%dma_wait3A_39 : memref<125x80xi32, #tpu.memory_space<hbm>>) dst(%arg7 : memref<125x80xi32, #tpu.memory_space<vmem>>)
      tpu.yield
    }) : () -> ()
    %dma_start3A = arith.constant 0 : i32
    %dma_start3A_0 = tpu.memref_slice %arg6[%dma_start3A] : memref<10000xi32, #tpu.memory_space<vmem>> -> memref<80xi32, #tpu.memory_space<vmem>>
    %dma_start3A_1 = arith.constant 0 : i32
    %dma_start3A_2 = arith.constant 0 : i32
    %dma_start3A_3 = tpu.memref_slice %arg2[%dma_start3A_1, %dma_start3A_2] : memref<20480x128xf32, #tpu.memory_space<hbm>> -> memref<20480x128xf32, #tpu.memory_space<hbm>>
    tpu.enqueue_indirect_dma source(%dma_start3A_3 : memref<20480x128xf32, #tpu.memory_space<hbm>>) target(%arg8 : memref<80x128xf32, #tpu.memory_space<vmem>>) offsets(%dma_start3A_0 : memref<80xi32, #tpu.memory_space<vmem>>) semaphore(%arg10 : memref<!tpu.dma_semaphore, #tpu.memory_space<semaphore_mem>>)
    %mul3A = arith.constant 10240 : i32
    %mul3A_4 = arith.muli %arg0, %mul3A : i32
    %mul3A_5 = arith.constant 640 : i32
    %mul3A_6 = arith.muli %arg1, %mul3A_5 : i32
    %add3A = arith.addi %mul3A_4, %mul3A_6 : i32
    %mul3A_7 = arith.constant 640 : i32
    %mul3A_8 = arith.muli %arg1, %mul3A_7 : i32
    "tpu.region"() ({
      %run_scoped3A_23 = tpu.sem_alloc : memref<!tpu.dma_semaphore, #tpu.memory_space<semaphore_mem>>
      %dma_start3A_24 = arith.constant 0 : i32
      %dma_start3A_25 = tpu.memref_slice %arg12[%mul3A_8, %dma_start3A_24] : memref<10240x128xf32, #tpu.memory_space<vmem_shared>> -> memref<640x128xf32, #tpu.memory_space<vmem_shared>>
      %dma_start3A_26 = arith.constant 0 : i32
      %dma_start3A_27 = tpu.memref_slice %arg2[%add3A, %dma_start3A_26] : memref<20480x128xf32, #tpu.memory_space<hbm>> -> memref<640x128xf32, #tpu.memory_space<hbm>>
      tpu.enqueue_dma source(%dma_start3A_27 : memref<640x128xf32, #tpu.memory_space<hbm>>) target(%dma_start3A_25 : memref<640x128xf32, #tpu.memory_space<vmem_shared>>) target_semaphore(%run_scoped3A_23 : memref<!tpu.dma_semaphore, #tpu.memory_space<semaphore_mem>>)
      %dma_wait3A_28 = arith.constant 0 : i32
      %dma_wait3A_29 = tpu.memref_slice %arg12[%mul3A_8, %dma_wait3A_28] : memref<10240x128xf32, #tpu.memory_space<vmem_shared>> -> memref<640x128xf32, #tpu.memory_space<vmem_shared>>
      %dma_wait3A_30 = arith.constant 0 : i32
      %dma_wait3A_31 = tpu.memref_slice %arg2[%add3A, %dma_wait3A_30] : memref<20480x128xf32, #tpu.memory_space<hbm>> -> memref<640x128xf32, #tpu.memory_space<hbm>>
      tpu.wait_dma2 semaphore(%run_scoped3A_23 : memref<!tpu.dma_semaphore, #tpu.memory_space<semaphore_mem>>) src(%dma_wait3A_31 : memref<640x128xf32, #tpu.memory_space<hbm>>) dst(%dma_wait3A_29 : memref<640x128xf32, #tpu.memory_space<vmem_shared>>)
      tpu.yield
    }) : () -> ()
    %barrier3A = arith.constant 0 : index
    tpu.barrier barrier_id(%barrier3A)
    %scan3A = arith.constant 0 : i32
    %scan3A_9 = arith.constant 0 : i32
    %scan3A_10 = arith.constant 62 : i32
    %scan3A_11 = arith.addi %scan3A_9, %scan3A_10 : i32
    %scan3A_12 = arith.constant 1 : i32
    scf.for %scan3A_23 = %scan3A_9 to %scan3A_11 step %scan3A_12  : i32 {
      %mul3A_24 = arith.constant 2 : i32
      %mul3A_25 = arith.muli %mul3A_24, %scan3A_23 : i32
      %add3A_26 = arith.constant 1 : i32
      %add3A_27 = arith.addi %mul3A_25, %add3A_26 : i32
      %mul3A_28 = arith.constant 80 : i32
      %mul3A_29 = arith.muli %add3A_27, %mul3A_28 : i32
      %dma_start3A_30 = tpu.memref_slice %arg6[%mul3A_29] : memref<10000xi32, #tpu.memory_space<vmem>> -> memref<80xi32, #tpu.memory_space<vmem>>
      %dma_start3A_31 = arith.constant 0 : i32
      %dma_start3A_32 = arith.constant 0 : i32
      %dma_start3A_33 = tpu.memref_slice %arg2[%dma_start3A_31, %dma_start3A_32] : memref<20480x128xf32, #tpu.memory_space<hbm>> -> memref<20480x128xf32, #tpu.memory_space<hbm>>
      tpu.enqueue_indirect_dma source(%dma_start3A_33 : memref<20480x128xf32, #tpu.memory_space<hbm>>) target(%arg9 : memref<80x128xf32, #tpu.memory_space<vmem>>) offsets(%dma_start3A_30 : memref<80xi32, #tpu.memory_space<vmem>>) semaphore(%arg11 : memref<!tpu.dma_semaphore, #tpu.memory_space<semaphore_mem>>)
      %mul3A_34 = arith.constant 80 : i32
      %mul3A_35 = arith.muli %mul3A_25, %mul3A_34 : i32
      %dma_wait3A_36 = tpu.memref_slice %arg6[%mul3A_35] : memref<10000xi32, #tpu.memory_space<vmem>> -> memref<80xi32, #tpu.memory_space<vmem>>
      %dma_wait3A_37 = arith.constant 0 : i32
      %dma_wait3A_38 = arith.constant 0 : i32
      %dma_wait3A_39 = tpu.memref_slice %arg2[%dma_wait3A_37, %dma_wait3A_38] : memref<20480x128xf32, #tpu.memory_space<hbm>> -> memref<20480x128xf32, #tpu.memory_space<hbm>>
      tpu.wait_indirect_dma semaphore(%arg10 : memref<!tpu.dma_semaphore, #tpu.memory_space<semaphore_mem>>) src(%dma_wait3A_39 : memref<20480x128xf32, #tpu.memory_space<hbm>>) dst(%arg8 : memref<80x128xf32, #tpu.memory_space<vmem>>)
      "tpu.region"() ({
        %run_scoped3A_54 = tpu.sem_alloc : memref<!tpu.dma_semaphore, #tpu.memory_space<semaphore_mem>>
        %dma_start3A_55 = arith.constant 0 : i32
        %dma_start3A_56 = tpu.memref_slice %arg7[%mul3A_25, %dma_start3A_55] : memref<125x80xi32, #tpu.memory_space<vmem>> -> memref<1x80xi32, #tpu.memory_space<vmem>>
        %dma_start3A_57 = tpu.memref_squeeze %dma_start3A_56 : memref<1x80xi32, #tpu.memory_space<vmem>> -> memref<80xi32, #tpu.memory_space<vmem>>
        %dma_start3A_58 = arith.constant 0 : i32
        %dma_start3A_59 = arith.constant 0 : i32
        %dma_start3A_60 = tpu.memref_slice %arg12[%dma_start3A_58, %dma_start3A_59] : memref<10240x128xf32, #tpu.memory_space<vmem_shared>> -> memref<10240x128xf32, #tpu.memory_space<vmem_shared>>
        tpu.enqueue_indirect_dma source(%arg8 : memref<80x128xf32, #tpu.memory_space<vmem>>) target(%dma_start3A_60 : memref<10240x128xf32, #tpu.memory_space<vmem_shared>>) offsets(%dma_start3A_57 : memref<80xi32, #tpu.memory_space<vmem>>) semaphore(%run_scoped3A_54 : memref<!tpu.dma_semaphore, #tpu.memory_space<semaphore_mem>>) {add = true}
        %dma_wait3A_61 = arith.constant 0 : i32
        %dma_wait3A_62 = tpu.memref_slice %arg7[%mul3A_25, %dma_wait3A_61] : memref<125x80xi32, #tpu.memory_space<vmem>> -> memref<1x80xi32, #tpu.memory_space<vmem>>
        %dma_wait3A_63 = tpu.memref_squeeze %dma_wait3A_62 : memref<1x80xi32, #tpu.memory_space<vmem>> -> memref<80xi32, #tpu.memory_space<vmem>>
        %dma_wait3A_64 = arith.constant 0 : i32
        %dma_wait3A_65 = arith.constant 0 : i32
        %dma_wait3A_66 = tpu.memref_slice %arg12[%dma_wait3A_64, %dma_wait3A_65] : memref<10240x128xf32, #tpu.memory_space<vmem_shared>> -> memref<10240x128xf32, #tpu.memory_space<vmem_shared>>
        tpu.wait_indirect_dma semaphore(%run_scoped3A_54 : memref<!tpu.dma_semaphore, #tpu.memory_space<semaphore_mem>>) src(%arg8 : memref<80x128xf32, #tpu.memory_space<vmem>>) dst(%dma_wait3A_66 : memref<10240x128xf32, #tpu.memory_space<vmem_shared>>)
        tpu.yield
      }) : () -> ()
      %add3A_40 = arith.constant 2 : i32
      %add3A_41 = arith.addi %mul3A_25, %add3A_40 : i32
      %mul3A_42 = arith.constant 80 : i32
      %mul3A_43 = arith.muli %add3A_41, %mul3A_42 : i32
      %dma_start3A_44 = tpu.memref_slice %arg6[%mul3A_43] : memref<10000xi32, #tpu.memory_space<vmem>> -> memref<80xi32, #tpu.memory_space<vmem>>
      %dma_start3A_45 = arith.constant 0 : i32
      %dma_start3A_46 = arith.constant 0 : i32
      %dma_start3A_47 = tpu.memref_slice %arg2[%dma_start3A_45, %dma_start3A_46] : memref<20480x128xf32, #tpu.memory_space<hbm>> -> memref<20480x128xf32, #tpu.memory_space<hbm>>
      tpu.enqueue_indirect_dma source(%dma_start3A_47 : memref<20480x128xf32, #tpu.memory_space<hbm>>) target(%arg8 : memref<80x128xf32, #tpu.memory_space<vmem>>) offsets(%dma_start3A_44 : memref<80xi32, #tpu.memory_space<vmem>>) semaphore(%arg10 : memref<!tpu.dma_semaphore, #tpu.memory_space<semaphore_mem>>)
      %dma_wait3A_48 = tpu.memref_slice %arg6[%mul3A_29] : memref<10000xi32, #tpu.memory_space<vmem>> -> memref<80xi32, #tpu.memory_space<vmem>>
      %dma_wait3A_49 = arith.constant 0 : i32
      %dma_wait3A_50 = arith.constant 0 : i32
      %dma_wait3A_51 = tpu.memref_slice %arg2[%dma_wait3A_49, %dma_wait3A_50] : memref<20480x128xf32, #tpu.memory_space<hbm>> -> memref<20480x128xf32, #tpu.memory_space<hbm>>
      tpu.wait_indirect_dma semaphore(%arg11 : memref<!tpu.dma_semaphore, #tpu.memory_space<semaphore_mem>>) src(%dma_wait3A_51 : memref<20480x128xf32, #tpu.memory_space<hbm>>) dst(%arg9 : memref<80x128xf32, #tpu.memory_space<vmem>>)
      %add3A_52 = arith.constant 1 : i32
      %add3A_53 = arith.addi %mul3A_25, %add3A_52 : i32
      "tpu.region"() ({
        %run_scoped3A_54 = tpu.sem_alloc : memref<!tpu.dma_semaphore, #tpu.memory_space<semaphore_mem>>
        %dma_start3A_55 = arith.constant 0 : i32
        %dma_start3A_56 = tpu.memref_slice %arg7[%add3A_53, %dma_start3A_55] : memref<125x80xi32, #tpu.memory_space<vmem>> -> memref<1x80xi32, #tpu.memory_space<vmem>>
        %dma_start3A_57 = tpu.memref_squeeze %dma_start3A_56 : memref<1x80xi32, #tpu.memory_space<vmem>> -> memref<80xi32, #tpu.memory_space<vmem>>
        %dma_start3A_58 = arith.constant 0 : i32
        %dma_start3A_59 = arith.constant 0 : i32
        %dma_start3A_60 = tpu.memref_slice %arg12[%dma_start3A_58, %dma_start3A_59] : memref<10240x128xf32, #tpu.memory_space<vmem_shared>> -> memref<10240x128xf32, #tpu.memory_space<vmem_shared>>
        tpu.enqueue_indirect_dma source(%arg9 : memref<80x128xf32, #tpu.memory_space<vmem>>) target(%dma_start3A_60 : memref<10240x128xf32, #tpu.memory_space<vmem_shared>>) offsets(%dma_start3A_57 : memref<80xi32, #tpu.memory_space<vmem>>) semaphore(%run_scoped3A_54 : memref<!tpu.dma_semaphore, #tpu.memory_space<semaphore_mem>>) {add = true}
        %dma_wait3A_61 = arith.constant 0 : i32
        %dma_wait3A_62 = tpu.memref_slice %arg7[%add3A_53, %dma_wait3A_61] : memref<125x80xi32, #tpu.memory_space<vmem>> -> memref<1x80xi32, #tpu.memory_space<vmem>>
        %dma_wait3A_63 = tpu.memref_squeeze %dma_wait3A_62 : memref<1x80xi32, #tpu.memory_space<vmem>> -> memref<80xi32, #tpu.memory_space<vmem>>
        %dma_wait3A_64 = arith.constant 0 : i32
        %dma_wait3A_65 = arith.constant 0 : i32
        %dma_wait3A_66 = tpu.memref_slice %arg12[%dma_wait3A_64, %dma_wait3A_65] : memref<10240x128xf32, #tpu.memory_space<vmem_shared>> -> memref<10240x128xf32, #tpu.memory_space<vmem_shared>>
        tpu.wait_indirect_dma semaphore(%run_scoped3A_54 : memref<!tpu.dma_semaphore, #tpu.memory_space<semaphore_mem>>) src(%arg9 : memref<80x128xf32, #tpu.memory_space<vmem>>) dst(%dma_wait3A_66 : memref<10240x128xf32, #tpu.memory_space<vmem_shared>>)
        tpu.yield
      }) : () -> ()
    }
    %scan3A_13 = arith.constant 62 : i32
    %dma_wait3A = arith.constant 9920 : i32
    %dma_wait3A_14 = tpu.memref_slice %arg6[%dma_wait3A] : memref<10000xi32, #tpu.memory_space<vmem>> -> memref<80xi32, #tpu.memory_space<vmem>>
    %dma_wait3A_15 = arith.constant 0 : i32
    %dma_wait3A_16 = arith.constant 0 : i32
    %dma_wait3A_17 = tpu.memref_slice %arg2[%dma_wait3A_15, %dma_wait3A_16] : memref<20480x128xf32, #tpu.memory_space<hbm>> -> memref<20480x128xf32, #tpu.memory_space<hbm>>
    tpu.wait_indirect_dma semaphore(%arg10 : memref<!tpu.dma_semaphore, #tpu.memory_space<semaphore_mem>>) src(%dma_wait3A_17 : memref<20480x128xf32, #tpu.memory_space<hbm>>) dst(%arg8 : memref<80x128xf32, #tpu.memory_space<vmem>>)
    %run_scoped3A = arith.constant 124 : i32
    "tpu.region"() ({
      %run_scoped3A_23 = tpu.sem_alloc : memref<!tpu.dma_semaphore, #tpu.memory_space<semaphore_mem>>
      %dma_start3A_24 = arith.constant 0 : i32
      %dma_start3A_25 = tpu.memref_slice %arg7[%run_scoped3A, %dma_start3A_24] : memref<125x80xi32, #tpu.memory_space<vmem>> -> memref<1x80xi32, #tpu.memory_space<vmem>>
      %dma_start3A_26 = tpu.memref_squeeze %dma_start3A_25 : memref<1x80xi32, #tpu.memory_space<vmem>> -> memref<80xi32, #tpu.memory_space<vmem>>
      %dma_start3A_27 = arith.constant 0 : i32
      %dma_start3A_28 = arith.constant 0 : i32
      %dma_start3A_29 = tpu.memref_slice %arg12[%dma_start3A_27, %dma_start3A_28] : memref<10240x128xf32, #tpu.memory_space<vmem_shared>> -> memref<10240x128xf32, #tpu.memory_space<vmem_shared>>
      tpu.enqueue_indirect_dma source(%arg8 : memref<80x128xf32, #tpu.memory_space<vmem>>) target(%dma_start3A_29 : memref<10240x128xf32, #tpu.memory_space<vmem_shared>>) offsets(%dma_start3A_26 : memref<80xi32, #tpu.memory_space<vmem>>) semaphore(%run_scoped3A_23 : memref<!tpu.dma_semaphore, #tpu.memory_space<semaphore_mem>>) {add = true}
      %dma_wait3A_30 = arith.constant 0 : i32
      %dma_wait3A_31 = tpu.memref_slice %arg7[%run_scoped3A, %dma_wait3A_30] : memref<125x80xi32, #tpu.memory_space<vmem>> -> memref<1x80xi32, #tpu.memory_space<vmem>>
      %dma_wait3A_32 = tpu.memref_squeeze %dma_wait3A_31 : memref<1x80xi32, #tpu.memory_space<vmem>> -> memref<80xi32, #tpu.memory_space<vmem>>
      %dma_wait3A_33 = arith.constant 0 : i32
      %dma_wait3A_34 = arith.constant 0 : i32
      %dma_wait3A_35 = tpu.memref_slice %arg12[%dma_wait3A_33, %dma_wait3A_34] : memref<10240x128xf32, #tpu.memory_space<vmem_shared>> -> memref<10240x128xf32, #tpu.memory_space<vmem_shared>>
      tpu.wait_indirect_dma semaphore(%run_scoped3A_23 : memref<!tpu.dma_semaphore, #tpu.memory_space<semaphore_mem>>) src(%arg8 : memref<80x128xf32, #tpu.memory_space<vmem>>) dst(%dma_wait3A_35 : memref<10240x128xf32, #tpu.memory_space<vmem_shared>>)
      tpu.yield
    }) : () -> ()
    %barrier3A_18 = arith.constant 0 : index
    tpu.barrier barrier_id(%barrier3A_18)
    %mul3A_19 = arith.constant 640 : i32
    %mul3A_20 = arith.muli %arg1, %mul3A_19 : i32
    %mul3A_21 = arith.constant 640 : i32
    %mul3A_22 = arith.muli %arg1, %mul3A_21 : i32
    "tpu.region"() ({
      %run_scoped3A_23 = tpu.sem_alloc : memref<!tpu.dma_semaphore, #tpu.memory_space<semaphore_mem>>
      %dma_start3A_24 = arith.constant 0 : i32
      %dma_start3A_25 = tpu.memref_slice %arg5[%arg0, %mul3A_22, %dma_start3A_24] : memref<2x10240x128xf32, #tpu.memory_space<hbm>> -> memref<1x640x128xf32, #tpu.memory_space<hbm>>
      %dma_start3A_26 = tpu.memref_squeeze %dma_start3A_25 : memref<1x640x128xf32, #tpu.memory_space<hbm>> -> memref<640x128xf32, #tpu.memory_space<hbm>>
      %dma_start3A_27 = arith.constant 0 : i32
      %dma_start3A_28 = tpu.memref_slice %arg12[%mul3A_20, %dma_start3A_27] : memref<10240x128xf32, #tpu.memory_space<vmem_shared>> -> memref<640x128xf32, #tpu.memory_space<vmem_shared>>
      tpu.enqueue_dma source(%dma_start3A_28 : memref<640x128xf32, #tpu.memory_space<vmem_shared>>) target(%dma_start3A_26 : memref<640x128xf32, #tpu.memory_space<hbm>>) target_semaphore(%run_scoped3A_23 : memref<!tpu.dma_semaphore, #tpu.memory_space<semaphore_mem>>)
      %dma_wait3A_29 = arith.constant 0 : i32
      %dma_wait3A_30 = tpu.memref_slice %arg5[%arg0, %mul3A_22, %dma_wait3A_29] : memref<2x10240x128xf32, #tpu.memory_space<hbm>> -> memref<1x640x128xf32, #tpu.memory_space<hbm>>
      %dma_wait3A_31 = tpu.memref_squeeze %dma_wait3A_30 : memref<1x640x128xf32, #tpu.memory_space<hbm>> -> memref<640x128xf32, #tpu.memory_space<hbm>>
      %dma_wait3A_32 = arith.constant 0 : i32
      %dma_wait3A_33 = tpu.memref_slice %arg12[%mul3A_20, %dma_wait3A_32] : memref<10240x128xf32, #tpu.memory_space<vmem_shared>> -> memref<640x128xf32, #tpu.memory_space<vmem_shared>>
      tpu.wait_dma2 semaphore(%run_scoped3A_23 : memref<!tpu.dma_semaphore, #tpu.memory_space<semaphore_mem>>) src(%dma_wait3A_33 : memref<640x128xf32, #tpu.memory_space<vmem_shared>>) dst(%dma_wait3A_31 : memref<640x128xf32, #tpu.memory_space<hbm>>)
      tpu.yield
    }) : () -> ()
    return
  }
}

#map = affine_map<(d0, d1) -> (0, 0)>
#map1 = affine_map<(d0, d1) -> (0, 0, 0)>
module attributes {stable_mosaic.version = 14 : i64} {
  func.func @_conv_sc(%arg0: i32, %arg1: i32, %arg2: memref<20480x128xf32, #tpu.memory_space<hbm>>, %arg3: memref<2x16x10000xi32, #tpu.memory_space<hbm>>, %arg4: memref<16x125x80xi32, #tpu.memory_space<hbm>>, %arg5: memref<2x10240x128xf32, #tpu.memory_space<hbm>>, %arg6: memref<10000xi32, #tpu.memory_space<vmem>>, %arg7: memref<125x80xi32, #tpu.memory_space<vmem>>, %arg8: memref<80x128xf32, #tpu.memory_space<vmem>>, %arg9: memref<80x128xf32, #tpu.memory_space<vmem>>, %arg10: memref<!tpu.dma_semaphore, #tpu.memory_space<semaphore_mem>>, %arg11: memref<!tpu.dma_semaphore, #tpu.memory_space<semaphore_mem>>, %arg12: memref<10240x128xf32, #tpu.memory_space<vmem_shared>>) attributes {dimension_semantics = [#tpu.dimension_semantics<core_parallel>, #tpu.dimension_semantics<subcore_parallel>], iteration_bounds = array<i64: 2, 16>, scalar_prefetch = 0 : i64, scratch_operands = 7 : i64, tpu.core_type = #tpu.core_type<sc_vector_subcore>, window_params = [{transform_indices = #map}, {transform_indices = #map1}, {transform_indices = #map1}, {transform_indices = #map1}]} {
    "tpu.region"() ({
      %run_scoped3A_23 = tpu.sem_alloc : memref<!tpu.dma_semaphore, #tpu.memory_space<semaphore_mem>>
      %dma_start3A_24 = arith.constant 0 : i32
      %dma_start3A_25 = tpu.memref_slice %arg3[%arg0, %arg1, %dma_start3A_24] : memref<2x16x10000xi32, #tpu.memory_space<hbm>> -> memref<1x1x10000xi32, #tpu.memory_space<hbm>>
      %dma_start3A_26 = tpu.memref_squeeze %dma_start3A_25 : memref<1x1x10000xi32, #tpu.memory_space<hbm>> -> memref<10000xi32, #tpu.memory_space<hbm>>
      %dma_start3A_27 = arith.constant 0 : i32
      %dma_start3A_28 = tpu.memref_slice %arg3[%arg0, %arg1, %dma_start3A_27] : memref<2x16x10000xi32, #tpu.memory_space<hbm>> -> memref<1x1x10000xi32, #tpu.memory_space<hbm>>
      %dma_start3A_29 = tpu.memref_squeeze %dma_start3A_28 : memref<1x1x10000xi32, #tpu.memory_space<hbm>> -> memref<10000xi32, #tpu.memory_space<hbm>>
      tpu.enqueue_dma source(%dma_start3A_29 : memref<10000xi32, #tpu.memory_space<hbm>>) target(%arg6 : memref<10000xi32, #tpu.memory_space<vmem>>) target_semaphore(%run_scoped3A_23 : memref<!tpu.dma_semaphore, #tpu.memory_space<semaphore_mem>>)
      %dma_wait3A_30 = arith.constant 0 : i32
      %dma_wait3A_31 = tpu.memref_slice %arg3[%arg0, %arg1, %dma_wait3A_30] : memref<2x16x10000xi32, #tpu.memory_space<hbm>> -> memref<1x1x10000xi32, #tpu.memory_space<hbm>>
      %dma_wait3A_32 = tpu.memref_squeeze %dma_wait3A_31 : memref<1x1x10000xi32, #tpu.memory_space<hbm>> -> memref<10000xi32, #tpu.memory_space<hbm>>
      %dma_wait3A_33 = arith.constant 0 : i32
      %dma_wait3A_34 = tpu.memref_slice %arg3[%arg0, %arg1, %dma_wait3A_33] : memref<2x16x10000xi32, #tpu.memory_space<hbm>> -> memref<1x1x10000xi32, #tpu.memory_space<hbm>>
      %dma_wait3A_35 = tpu.memref_squeeze %dma_wait3A_34 : memref<1x1x10000xi32, #tpu.memory_space<hbm>> -> memref<10000xi32, #tpu.memory_space<hbm>>
      tpu.wait_dma2 semaphore(%run_scoped3A_23 : memref<!tpu.dma_semaphore, #tpu.memory_space<semaphore_mem>>) src(%dma_wait3A_35 : memref<10000xi32, #tpu.memory_space<hbm>>) dst(%arg6 : memref<10000xi32, #tpu.memory_space<vmem>>)
      tpu.yield
    }) : () -> ()
    "tpu.region"() ({
      %run_scoped3A_23 = tpu.sem_alloc : memref<!tpu.dma_semaphore, #tpu.memory_space<semaphore_mem>>
      %dma_start3A_24 = arith.constant 0 : i32
      %dma_start3A_25 = arith.constant 0 : i32
      %dma_start3A_26 = tpu.memref_slice %arg4[%arg1, %dma_start3A_24, %dma_start3A_25] : memref<16x125x80xi32, #tpu.memory_space<hbm>> -> memref<1x125x80xi32, #tpu.memory_space<hbm>>
      %dma_start3A_27 = tpu.memref_squeeze %dma_start3A_26 : memref<1x125x80xi32, #tpu.memory_space<hbm>> -> memref<125x80xi32, #tpu.memory_space<hbm>>
      %dma_start3A_28 = arith.constant 0 : i32
      %dma_start3A_29 = arith.constant 0 : i32
      %dma_start3A_30 = tpu.memref_slice %arg4[%arg1, %dma_start3A_28, %dma_start3A_29] : memref<16x125x80xi32, #tpu.memory_space<hbm>> -> memref<1x125x80xi32, #tpu.memory_space<hbm>>
      %dma_start3A_31 = tpu.memref_squeeze %dma_start3A_30 : memref<1x125x80xi32, #tpu.memory_space<hbm>> -> memref<125x80xi32, #tpu.memory_space<hbm>>
      tpu.enqueue_dma source(%dma_start3A_31 : memref<125x80xi32, #tpu.memory_space<hbm>>) target(%arg7 : memref<125x80xi32, #tpu.memory_space<vmem>>) target_semaphore(%run_scoped3A_23 : memref<!tpu.dma_semaphore, #tpu.memory_space<semaphore_mem>>)
      %dma_wait3A_32 = arith.constant 0 : i32
      %dma_wait3A_33 = arith.constant 0 : i32
      %dma_wait3A_34 = tpu.memref_slice %arg4[%arg1, %dma_wait3A_32, %dma_wait3A_33] : memref<16x125x80xi32, #tpu.memory_space<hbm>> -> memref<1x125x80xi32, #tpu.memory_space<hbm>>
      %dma_wait3A_35 = tpu.memref_squeeze %dma_wait3A_34 : memref<1x125x80xi32, #tpu.memory_space<hbm>> -> memref<125x80xi32, #tpu.memory_space<hbm>>
      %dma_wait3A_36 = arith.constant 0 : i32
      %dma_wait3A_37 = arith.constant 0 : i32
      %dma_wait3A_38 = tpu.memref_slice %arg4[%arg1, %dma_wait3A_36, %dma_wait3A_37] : memref<16x125x80xi32, #tpu.memory_space<hbm>> -> memref<1x125x80xi32, #tpu.memory_space<hbm>>
      %dma_wait3A_39 = tpu.memref_squeeze %dma_wait3A_38 : memref<1x125x80xi32, #tpu.memory_space<hbm>> -> memref<125x80xi32, #tpu.memory_space<hbm>>
      tpu.wait_dma2 semaphore(%run_scoped3A_23 : memref<!tpu.dma_semaphore, #tpu.memory_space<semaphore_mem>>) src(%dma_wait3A_39 : memref<125x80xi32, #tpu.memory_space<hbm>>) dst(%arg7 : memref<125x80xi32, #tpu.memory_space<vmem>>)
      tpu.yield
    }) : () -> ()
    %dma_start3A = arith.constant 0 : i32
    %dma_start3A_0 = tpu.memref_slice %arg6[%dma_start3A] : memref<10000xi32, #tpu.memory_space<vmem>> -> memref<80xi32, #tpu.memory_space<vmem>>
    %dma_start3A_1 = arith.constant 0 : i32
    %dma_start3A_2 = arith.constant 0 : i32
    %dma_start3A_3 = tpu.memref_slice %arg2[%dma_start3A_1, %dma_start3A_2] : memref<20480x128xf32, #tpu.memory_space<hbm>> -> memref<20480x128xf32, #tpu.memory_space<hbm>>
    tpu.enqueue_indirect_dma source(%dma_start3A_3 : memref<20480x128xf32, #tpu.memory_space<hbm>>) target(%arg8 : memref<80x128xf32, #tpu.memory_space<vmem>>) offsets(%dma_start3A_0 : memref<80xi32, #tpu.memory_space<vmem>>) semaphore(%arg10 : memref<!tpu.dma_semaphore, #tpu.memory_space<semaphore_mem>>)
    %mul3A = arith.constant 10240 : i32
    %mul3A_4 = arith.muli %arg0, %mul3A : i32
    %mul3A_5 = arith.constant 640 : i32
    %mul3A_6 = arith.muli %arg1, %mul3A_5 : i32
    %add3A = arith.addi %mul3A_4, %mul3A_6 : i32
    %mul3A_7 = arith.constant 640 : i32
    %mul3A_8 = arith.muli %arg1, %mul3A_7 : i32
    "tpu.region"() ({
      %run_scoped3A_23 = tpu.sem_alloc : memref<!tpu.dma_semaphore, #tpu.memory_space<semaphore_mem>>
      %dma_start3A_24 = arith.constant 0 : i32
      %dma_start3A_25 = tpu.memref_slice %arg12[%mul3A_8, %dma_start3A_24] : memref<10240x128xf32, #tpu.memory_space<vmem_shared>> -> memref<640x128xf32, #tpu.memory_space<vmem_shared>>
      %dma_start3A_26 = arith.constant 0 : i32
      %dma_start3A_27 = tpu.memref_slice %arg2[%add3A, %dma_start3A_26] : memref<20480x128xf32, #tpu.memory_space<hbm>> -> memref<640x128xf32, #tpu.memory_space<hbm>>
      tpu.enqueue_dma source(%dma_start3A_27 : memref<640x128xf32, #tpu.memory_space<hbm>>) target(%dma_start3A_25 : memref<640x128xf32, #tpu.memory_space<vmem_shared>>) target_semaphore(%run_scoped3A_23 : memref<!tpu.dma_semaphore, #tpu.memory_space<semaphore_mem>>)
      %dma_wait3A_28 = arith.constant 0 : i32
      %dma_wait3A_29 = tpu.memref_slice %arg12[%mul3A_8, %dma_wait3A_28] : memref<10240x128xf32, #tpu.memory_space<vmem_shared>> -> memref<640x128xf32, #tpu.memory_space<vmem_shared>>
      %dma_wait3A_30 = arith.constant 0 : i32
      %dma_wait3A_31 = tpu.memref_slice %arg2[%add3A, %dma_wait3A_30] : memref<20480x128xf32, #tpu.memory_space<hbm>> -> memref<640x128xf32, #tpu.memory_space<hbm>>
      tpu.wait_dma2 semaphore(%run_scoped3A_23 : memref<!tpu.dma_semaphore, #tpu.memory_space<semaphore_mem>>) src(%dma_wait3A_31 : memref<640x128xf32, #tpu.memory_space<hbm>>) dst(%dma_wait3A_29 : memref<640x128xf32, #tpu.memory_space<vmem_shared>>)
      tpu.yield
    }) : () -> ()
    %barrier3A = arith.constant 0 : index
    tpu.barrier barrier_id(%barrier3A)
    %scan3A = arith.constant 0 : i32
    %scan3A_9 = arith.constant 0 : i32
    %scan3A_10 = arith.constant 62 : i32
    %scan3A_11 = arith.addi %scan3A_9, %scan3A_10 : i32
    %scan3A_12 = arith.constant 1 : i32
    scf.for %scan3A_23 = %scan3A_9 to %scan3A_11 step %scan3A_12  : i32 {
      %mul3A_24 = arith.constant 2 : i32
      %mul3A_25 = arith.muli %mul3A_24, %scan3A_23 : i32
      %add3A_26 = arith.constant 1 : i32
      %add3A_27 = arith.addi %mul3A_25, %add3A_26 : i32
      %mul3A_28 = arith.constant 80 : i32
      %mul3A_29 = arith.muli %add3A_27, %mul3A_28 : i32
      %dma_start3A_30 = tpu.memref_slice %arg6[%mul3A_29] : memref<10000xi32, #tpu.memory_space<vmem>> -> memref<80xi32, #tpu.memory_space<vmem>>
      %dma_start3A_31 = arith.constant 0 : i32
      %dma_start3A_32 = arith.constant 0 : i32
      %dma_start3A_33 = tpu.memref_slice %arg2[%dma_start3A_31, %dma_start3A_32] : memref<20480x128xf32, #tpu.memory_space<hbm>> -> memref<20480x128xf32, #tpu.memory_space<hbm>>
      tpu.enqueue_indirect_dma source(%dma_start3A_33 : memref<20480x128xf32, #tpu.memory_space<hbm>>) target(%arg9 : memref<80x128xf32, #tpu.memory_space<vmem>>) offsets(%dma_start3A_30 : memref<80xi32, #tpu.memory_space<vmem>>) semaphore(%arg11 : memref<!tpu.dma_semaphore, #tpu.memory_space<semaphore_mem>>)
      %mul3A_34 = arith.constant 80 : i32
      %mul3A_35 = arith.muli %mul3A_25, %mul3A_34 : i32
      %dma_wait3A_36 = tpu.memref_slice %arg6[%mul3A_35] : memref<10000xi32, #tpu.memory_space<vmem>> -> memref<80xi32, #tpu.memory_space<vmem>>
      %dma_wait3A_37 = arith.constant 0 : i32
      %dma_wait3A_38 = arith.constant 0 : i32
      %dma_wait3A_39 = tpu.memref_slice %arg2[%dma_wait3A_37, %dma_wait3A_38] : memref<20480x128xf32, #tpu.memory_space<hbm>> -> memref<20480x128xf32, #tpu.memory_space<hbm>>
      tpu.wait_indirect_dma semaphore(%arg10 : memref<!tpu.dma_semaphore, #tpu.memory_space<semaphore_mem>>) src(%dma_wait3A_39 : memref<20480x128xf32, #tpu.memory_space<hbm>>) dst(%arg8 : memref<80x128xf32, #tpu.memory_space<vmem>>)
      "tpu.region"() ({
        %run_scoped3A_54 = tpu.sem_alloc : memref<!tpu.dma_semaphore, #tpu.memory_space<semaphore_mem>>
        %dma_start3A_55 = arith.constant 0 : i32
        %dma_start3A_56 = tpu.memref_slice %arg7[%mul3A_25, %dma_start3A_55] : memref<125x80xi32, #tpu.memory_space<vmem>> -> memref<1x80xi32, #tpu.memory_space<vmem>>
        %dma_start3A_57 = tpu.memref_squeeze %dma_start3A_56 : memref<1x80xi32, #tpu.memory_space<vmem>> -> memref<80xi32, #tpu.memory_space<vmem>>
        %dma_start3A_58 = arith.constant 0 : i32
        %dma_start3A_59 = arith.constant 0 : i32
        %dma_start3A_60 = tpu.memref_slice %arg12[%dma_start3A_58, %dma_start3A_59] : memref<10240x128xf32, #tpu.memory_space<vmem_shared>> -> memref<10240x128xf32, #tpu.memory_space<vmem_shared>>
        tpu.enqueue_indirect_dma source(%arg8 : memref<80x128xf32, #tpu.memory_space<vmem>>) target(%dma_start3A_60 : memref<10240x128xf32, #tpu.memory_space<vmem_shared>>) offsets(%dma_start3A_57 : memref<80xi32, #tpu.memory_space<vmem>>) semaphore(%run_scoped3A_54 : memref<!tpu.dma_semaphore, #tpu.memory_space<semaphore_mem>>) {add = true}
        %dma_wait3A_61 = arith.constant 0 : i32
        %dma_wait3A_62 = tpu.memref_slice %arg7[%mul3A_25, %dma_wait3A_61] : memref<125x80xi32, #tpu.memory_space<vmem>> -> memref<1x80xi32, #tpu.memory_space<vmem>>
        %dma_wait3A_63 = tpu.memref_squeeze %dma_wait3A_62 : memref<1x80xi32, #tpu.memory_space<vmem>> -> memref<80xi32, #tpu.memory_space<vmem>>
        %dma_wait3A_64 = arith.constant 0 : i32
        %dma_wait3A_65 = arith.constant 0 : i32
        %dma_wait3A_66 = tpu.memref_slice %arg12[%dma_wait3A_64, %dma_wait3A_65] : memref<10240x128xf32, #tpu.memory_space<vmem_shared>> -> memref<10240x128xf32, #tpu.memory_space<vmem_shared>>
        tpu.wait_indirect_dma semaphore(%run_scoped3A_54 : memref<!tpu.dma_semaphore, #tpu.memory_space<semaphore_mem>>) src(%arg8 : memref<80x128xf32, #tpu.memory_space<vmem>>) dst(%dma_wait3A_66 : memref<10240x128xf32, #tpu.memory_space<vmem_shared>>)
        tpu.yield
      }) : () -> ()
      %add3A_40 = arith.constant 2 : i32
      %add3A_41 = arith.addi %mul3A_25, %add3A_40 : i32
      %mul3A_42 = arith.constant 80 : i32
      %mul3A_43 = arith.muli %add3A_41, %mul3A_42 : i32
      %dma_start3A_44 = tpu.memref_slice %arg6[%mul3A_43] : memref<10000xi32, #tpu.memory_space<vmem>> -> memref<80xi32, #tpu.memory_space<vmem>>
      %dma_start3A_45 = arith.constant 0 : i32
      %dma_start3A_46 = arith.constant 0 : i32
      %dma_start3A_47 = tpu.memref_slice %arg2[%dma_start3A_45, %dma_start3A_46] : memref<20480x128xf32, #tpu.memory_space<hbm>> -> memref<20480x128xf32, #tpu.memory_space<hbm>>
      tpu.enqueue_indirect_dma source(%dma_start3A_47 : memref<20480x128xf32, #tpu.memory_space<hbm>>) target(%arg8 : memref<80x128xf32, #tpu.memory_space<vmem>>) offsets(%dma_start3A_44 : memref<80xi32, #tpu.memory_space<vmem>>) semaphore(%arg10 : memref<!tpu.dma_semaphore, #tpu.memory_space<semaphore_mem>>)
      %dma_wait3A_48 = tpu.memref_slice %arg6[%mul3A_29] : memref<10000xi32, #tpu.memory_space<vmem>> -> memref<80xi32, #tpu.memory_space<vmem>>
      %dma_wait3A_49 = arith.constant 0 : i32
      %dma_wait3A_50 = arith.constant 0 : i32
      %dma_wait3A_51 = tpu.memref_slice %arg2[%dma_wait3A_49, %dma_wait3A_50] : memref<20480x128xf32, #tpu.memory_space<hbm>> -> memref<20480x128xf32, #tpu.memory_space<hbm>>
      tpu.wait_indirect_dma semaphore(%arg11 : memref<!tpu.dma_semaphore, #tpu.memory_space<semaphore_mem>>) src(%dma_wait3A_51 : memref<20480x128xf32, #tpu.memory_space<hbm>>) dst(%arg9 : memref<80x128xf32, #tpu.memory_space<vmem>>)
      %add3A_52 = arith.constant 1 : i32
      %add3A_53 = arith.addi %mul3A_25, %add3A_52 : i32
      "tpu.region"() ({
        %run_scoped3A_54 = tpu.sem_alloc : memref<!tpu.dma_semaphore, #tpu.memory_space<semaphore_mem>>
        %dma_start3A_55 = arith.constant 0 : i32
        %dma_start3A_56 = tpu.memref_slice %arg7[%add3A_53, %dma_start3A_55] : memref<125x80xi32, #tpu.memory_space<vmem>> -> memref<1x80xi32, #tpu.memory_space<vmem>>
        %dma_start3A_57 = tpu.memref_squeeze %dma_start3A_56 : memref<1x80xi32, #tpu.memory_space<vmem>> -> memref<80xi32, #tpu.memory_space<vmem>>
        %dma_start3A_58 = arith.constant 0 : i32
        %dma_start3A_59 = arith.constant 0 : i32
        %dma_start3A_60 = tpu.memref_slice %arg12[%dma_start3A_58, %dma_start3A_59] : memref<10240x128xf32, #tpu.memory_space<vmem_shared>> -> memref<10240x128xf32, #tpu.memory_space<vmem_shared>>
        tpu.enqueue_indirect_dma source(%arg9 : memref<80x128xf32, #tpu.memory_space<vmem>>) target(%dma_start3A_60 : memref<10240x128xf32, #tpu.memory_space<vmem_shared>>) offsets(%dma_start3A_57 : memref<80xi32, #tpu.memory_space<vmem>>) semaphore(%run_scoped3A_54 : memref<!tpu.dma_semaphore, #tpu.memory_space<semaphore_mem>>) {add = true}
        %dma_wait3A_61 = arith.constant 0 : i32
        %dma_wait3A_62 = tpu.memref_slice %arg7[%add3A_53, %dma_wait3A_61] : memref<125x80xi32, #tpu.memory_space<vmem>> -> memref<1x80xi32, #tpu.memory_space<vmem>>
        %dma_wait3A_63 = tpu.memref_squeeze %dma_wait3A_62 : memref<1x80xi32, #tpu.memory_space<vmem>> -> memref<80xi32, #tpu.memory_space<vmem>>
        %dma_wait3A_64 = arith.constant 0 : i32
        %dma_wait3A_65 = arith.constant 0 : i32
        %dma_wait3A_66 = tpu.memref_slice %arg12[%dma_wait3A_64, %dma_wait3A_65] : memref<10240x128xf32, #tpu.memory_space<vmem_shared>> -> memref<10240x128xf32, #tpu.memory_space<vmem_shared>>
        tpu.wait_indirect_dma semaphore(%run_scoped3A_54 : memref<!tpu.dma_semaphore, #tpu.memory_space<semaphore_mem>>) src(%arg9 : memref<80x128xf32, #tpu.memory_space<vmem>>) dst(%dma_wait3A_66 : memref<10240x128xf32, #tpu.memory_space<vmem_shared>>)
        tpu.yield
      }) : () -> ()
    }
    %scan3A_13 = arith.constant 62 : i32
    %dma_wait3A = arith.constant 9920 : i32
    %dma_wait3A_14 = tpu.memref_slice %arg6[%dma_wait3A] : memref<10000xi32, #tpu.memory_space<vmem>> -> memref<80xi32, #tpu.memory_space<vmem>>
    %dma_wait3A_15 = arith.constant 0 : i32
    %dma_wait3A_16 = arith.constant 0 : i32
    %dma_wait3A_17 = tpu.memref_slice %arg2[%dma_wait3A_15, %dma_wait3A_16] : memref<20480x128xf32, #tpu.memory_space<hbm>> -> memref<20480x128xf32, #tpu.memory_space<hbm>>
    tpu.wait_indirect_dma semaphore(%arg10 : memref<!tpu.dma_semaphore, #tpu.memory_space<semaphore_mem>>) src(%dma_wait3A_17 : memref<20480x128xf32, #tpu.memory_space<hbm>>) dst(%arg8 : memref<80x128xf32, #tpu.memory_space<vmem>>)
    %run_scoped3A = arith.constant 124 : i32
    "tpu.region"() ({
      %run_scoped3A_23 = tpu.sem_alloc : memref<!tpu.dma_semaphore, #tpu.memory_space<semaphore_mem>>
      %dma_start3A_24 = arith.constant 0 : i32
      %dma_start3A_25 = tpu.memref_slice %arg7[%run_scoped3A, %dma_start3A_24] : memref<125x80xi32, #tpu.memory_space<vmem>> -> memref<1x80xi32, #tpu.memory_space<vmem>>
      %dma_start3A_26 = tpu.memref_squeeze %dma_start3A_25 : memref<1x80xi32, #tpu.memory_space<vmem>> -> memref<80xi32, #tpu.memory_space<vmem>>
      %dma_start3A_27 = arith.constant 0 : i32
      %dma_start3A_28 = arith.constant 0 : i32
      %dma_start3A_29 = tpu.memref_slice %arg12[%dma_start3A_27, %dma_start3A_28] : memref<10240x128xf32, #tpu.memory_space<vmem_shared>> -> memref<10240x128xf32, #tpu.memory_space<vmem_shared>>
      tpu.enqueue_indirect_dma source(%arg8 : memref<80x128xf32, #tpu.memory_space<vmem>>) target(%dma_start3A_29 : memref<10240x128xf32, #tpu.memory_space<vmem_shared>>) offsets(%dma_start3A_26 : memref<80xi32, #tpu.memory_space<vmem>>) semaphore(%run_scoped3A_23 : memref<!tpu.dma_semaphore, #tpu.memory_space<semaphore_mem>>) {add = true}
      %dma_wait3A_30 = arith.constant 0 : i32
      %dma_wait3A_31 = tpu.memref_slice %arg7[%run_scoped3A, %dma_wait3A_30] : memref<125x80xi32, #tpu.memory_space<vmem>> -> memref<1x80xi32, #tpu.memory_space<vmem>>
      %dma_wait3A_32 = tpu.memref_squeeze %dma_wait3A_31 : memref<1x80xi32, #tpu.memory_space<vmem>> -> memref<80xi32, #tpu.memory_space<vmem>>
      %dma_wait3A_33 = arith.constant 0 : i32
      %dma_wait3A_34 = arith.constant 0 : i32
      %dma_wait3A_35 = tpu.memref_slice %arg12[%dma_wait3A_33, %dma_wait3A_34] : memref<10240x128xf32, #tpu.memory_space<vmem_shared>> -> memref<10240x128xf32, #tpu.memory_space<vmem_shared>>
      tpu.wait_indirect_dma semaphore(%run_scoped3A_23 : memref<!tpu.dma_semaphore, #tpu.memory_space<semaphore_mem>>) src(%arg8 : memref<80x128xf32, #tpu.memory_space<vmem>>) dst(%dma_wait3A_35 : memref<10240x128xf32, #tpu.memory_space<vmem_shared>>)
      tpu.yield
    }) : () -> ()
    %barrier3A_18 = arith.constant 0 : index
    tpu.barrier barrier_id(%barrier3A_18)
    %mul3A_19 = arith.constant 640 : i32
    %mul3A_20 = arith.muli %arg1, %mul3A_19 : i32
    %mul3A_21 = arith.constant 640 : i32
    %mul3A_22 = arith.muli %arg1, %mul3A_21 : i32
    "tpu.region"() ({
      %run_scoped3A_23 = tpu.sem_alloc : memref<!tpu.dma_semaphore, #tpu.memory_space<semaphore_mem>>
      %dma_start3A_24 = arith.constant 0 : i32
      %dma_start3A_25 = tpu.memref_slice %arg5[%arg0, %mul3A_22, %dma_start3A_24] : memref<2x10240x128xf32, #tpu.memory_space<hbm>> -> memref<1x640x128xf32, #tpu.memory_space<hbm>>
      %dma_start3A_26 = tpu.memref_squeeze %dma_start3A_25 : memref<1x640x128xf32, #tpu.memory_space<hbm>> -> memref<640x128xf32, #tpu.memory_space<hbm>>
      %dma_start3A_27 = arith.constant 0 : i32
      %dma_start3A_28 = tpu.memref_slice %arg12[%mul3A_20, %dma_start3A_27] : memref<10240x128xf32, #tpu.memory_space<vmem_shared>> -> memref<640x128xf32, #tpu.memory_space<vmem_shared>>
      tpu.enqueue_dma source(%dma_start3A_28 : memref<640x128xf32, #tpu.memory_space<vmem_shared>>) target(%dma_start3A_26 : memref<640x128xf32, #tpu.memory_space<hbm>>) target_semaphore(%run_scoped3A_23 : memref<!tpu.dma_semaphore, #tpu.memory_space<semaphore_mem>>)
      %dma_wait3A_29 = arith.constant 0 : i32
      %dma_wait3A_30 = tpu.memref_slice %arg5[%arg0, %mul3A_22, %dma_wait3A_29] : memref<2x10240x128xf32, #tpu.memory_space<hbm>> -> memref<1x640x128xf32, #tpu.memory_space<hbm>>
      %dma_wait3A_31 = tpu.memref_squeeze %dma_wait3A_30 : memref<1x640x128xf32, #tpu.memory_space<hbm>> -> memref<640x128xf32, #tpu.memory_space<hbm>>
      %dma_wait3A_32 = arith.constant 0 : i32
      %dma_wait3A_33 = tpu.memref_slice %arg12[%mul3A_20, %dma_wait3A_32] : memref<10240x128xf32, #tpu.memory_space<vmem_shared>> -> memref<640x128xf32, #tpu.memory_space<vmem_shared>>
      tpu.wait_dma2 semaphore(%run_scoped3A_23 : memref<!tpu.dma_semaphore, #tpu.memory_space<semaphore_mem>>) src(%dma_wait3A_33 : memref<640x128xf32, #tpu.memory_space<vmem_shared>>) dst(%dma_wait3A_31 : memref<640x128xf32, #tpu.memory_space<hbm>>)
      tpu.yield
    }) : () -> ()
    return
  }
}

#map = affine_map<(d0, d1) -> (0, 0)>
#map1 = affine_map<(d0, d1) -> (0, 0, 0)>
module attributes {stable_mosaic.version = 14 : i64} {
  func.func @_conv_sc(%arg0: i32, %arg1: i32, %arg2: memref<20480x128xf32, #tpu.memory_space<hbm>>, %arg3: memref<2x16x10000xi32, #tpu.memory_space<hbm>>, %arg4: memref<16x125x80xi32, #tpu.memory_space<hbm>>, %arg5: memref<2x10240x128xf32, #tpu.memory_space<hbm>>, %arg6: memref<10000xi32, #tpu.memory_space<vmem>>, %arg7: memref<125x80xi32, #tpu.memory_space<vmem>>, %arg8: memref<80x128xf32, #tpu.memory_space<vmem>>, %arg9: memref<80x128xf32, #tpu.memory_space<vmem>>, %arg10: memref<!tpu.dma_semaphore, #tpu.memory_space<semaphore_mem>>, %arg11: memref<!tpu.dma_semaphore, #tpu.memory_space<semaphore_mem>>, %arg12: memref<10240x128xf32, #tpu.memory_space<vmem_shared>>) attributes {dimension_semantics = [#tpu.dimension_semantics<core_parallel>, #tpu.dimension_semantics<subcore_parallel>], iteration_bounds = array<i64: 2, 16>, scalar_prefetch = 0 : i64, scratch_operands = 7 : i64, tpu.core_type = #tpu.core_type<sc_vector_subcore>, window_params = [{transform_indices = #map}, {transform_indices = #map1}, {transform_indices = #map1}, {transform_indices = #map1}]} {
    "tpu.region"() ({
      %run_scoped3A_23 = tpu.sem_alloc : memref<!tpu.dma_semaphore, #tpu.memory_space<semaphore_mem>>
      %dma_start3A_24 = arith.constant 0 : i32
      %dma_start3A_25 = tpu.memref_slice %arg3[%arg0, %arg1, %dma_start3A_24] : memref<2x16x10000xi32, #tpu.memory_space<hbm>> -> memref<1x1x10000xi32, #tpu.memory_space<hbm>>
      %dma_start3A_26 = tpu.memref_squeeze %dma_start3A_25 : memref<1x1x10000xi32, #tpu.memory_space<hbm>> -> memref<10000xi32, #tpu.memory_space<hbm>>
      %dma_start3A_27 = arith.constant 0 : i32
      %dma_start3A_28 = tpu.memref_slice %arg3[%arg0, %arg1, %dma_start3A_27] : memref<2x16x10000xi32, #tpu.memory_space<hbm>> -> memref<1x1x10000xi32, #tpu.memory_space<hbm>>
      %dma_start3A_29 = tpu.memref_squeeze %dma_start3A_28 : memref<1x1x10000xi32, #tpu.memory_space<hbm>> -> memref<10000xi32, #tpu.memory_space<hbm>>
      tpu.enqueue_dma source(%dma_start3A_29 : memref<10000xi32, #tpu.memory_space<hbm>>) target(%arg6 : memref<10000xi32, #tpu.memory_space<vmem>>) target_semaphore(%run_scoped3A_23 : memref<!tpu.dma_semaphore, #tpu.memory_space<semaphore_mem>>)
      %dma_wait3A_30 = arith.constant 0 : i32
      %dma_wait3A_31 = tpu.memref_slice %arg3[%arg0, %arg1, %dma_wait3A_30] : memref<2x16x10000xi32, #tpu.memory_space<hbm>> -> memref<1x1x10000xi32, #tpu.memory_space<hbm>>
      %dma_wait3A_32 = tpu.memref_squeeze %dma_wait3A_31 : memref<1x1x10000xi32, #tpu.memory_space<hbm>> -> memref<10000xi32, #tpu.memory_space<hbm>>
      %dma_wait3A_33 = arith.constant 0 : i32
      %dma_wait3A_34 = tpu.memref_slice %arg3[%arg0, %arg1, %dma_wait3A_33] : memref<2x16x10000xi32, #tpu.memory_space<hbm>> -> memref<1x1x10000xi32, #tpu.memory_space<hbm>>
      %dma_wait3A_35 = tpu.memref_squeeze %dma_wait3A_34 : memref<1x1x10000xi32, #tpu.memory_space<hbm>> -> memref<10000xi32, #tpu.memory_space<hbm>>
      tpu.wait_dma2 semaphore(%run_scoped3A_23 : memref<!tpu.dma_semaphore, #tpu.memory_space<semaphore_mem>>) src(%dma_wait3A_35 : memref<10000xi32, #tpu.memory_space<hbm>>) dst(%arg6 : memref<10000xi32, #tpu.memory_space<vmem>>)
      tpu.yield
    }) : () -> ()
    "tpu.region"() ({
      %run_scoped3A_23 = tpu.sem_alloc : memref<!tpu.dma_semaphore, #tpu.memory_space<semaphore_mem>>
      %dma_start3A_24 = arith.constant 0 : i32
      %dma_start3A_25 = arith.constant 0 : i32
      %dma_start3A_26 = tpu.memref_slice %arg4[%arg1, %dma_start3A_24, %dma_start3A_25] : memref<16x125x80xi32, #tpu.memory_space<hbm>> -> memref<1x125x80xi32, #tpu.memory_space<hbm>>
      %dma_start3A_27 = tpu.memref_squeeze %dma_start3A_26 : memref<1x125x80xi32, #tpu.memory_space<hbm>> -> memref<125x80xi32, #tpu.memory_space<hbm>>
      %dma_start3A_28 = arith.constant 0 : i32
      %dma_start3A_29 = arith.constant 0 : i32
      %dma_start3A_30 = tpu.memref_slice %arg4[%arg1, %dma_start3A_28, %dma_start3A_29] : memref<16x125x80xi32, #tpu.memory_space<hbm>> -> memref<1x125x80xi32, #tpu.memory_space<hbm>>
      %dma_start3A_31 = tpu.memref_squeeze %dma_start3A_30 : memref<1x125x80xi32, #tpu.memory_space<hbm>> -> memref<125x80xi32, #tpu.memory_space<hbm>>
      tpu.enqueue_dma source(%dma_start3A_31 : memref<125x80xi32, #tpu.memory_space<hbm>>) target(%arg7 : memref<125x80xi32, #tpu.memory_space<vmem>>) target_semaphore(%run_scoped3A_23 : memref<!tpu.dma_semaphore, #tpu.memory_space<semaphore_mem>>)
      %dma_wait3A_32 = arith.constant 0 : i32
      %dma_wait3A_33 = arith.constant 0 : i32
      %dma_wait3A_34 = tpu.memref_slice %arg4[%arg1, %dma_wait3A_32, %dma_wait3A_33] : memref<16x125x80xi32, #tpu.memory_space<hbm>> -> memref<1x125x80xi32, #tpu.memory_space<hbm>>
      %dma_wait3A_35 = tpu.memref_squeeze %dma_wait3A_34 : memref<1x125x80xi32, #tpu.memory_space<hbm>> -> memref<125x80xi32, #tpu.memory_space<hbm>>
      %dma_wait3A_36 = arith.constant 0 : i32
      %dma_wait3A_37 = arith.constant 0 : i32
      %dma_wait3A_38 = tpu.memref_slice %arg4[%arg1, %dma_wait3A_36, %dma_wait3A_37] : memref<16x125x80xi32, #tpu.memory_space<hbm>> -> memref<1x125x80xi32, #tpu.memory_space<hbm>>
      %dma_wait3A_39 = tpu.memref_squeeze %dma_wait3A_38 : memref<1x125x80xi32, #tpu.memory_space<hbm>> -> memref<125x80xi32, #tpu.memory_space<hbm>>
      tpu.wait_dma2 semaphore(%run_scoped3A_23 : memref<!tpu.dma_semaphore, #tpu.memory_space<semaphore_mem>>) src(%dma_wait3A_39 : memref<125x80xi32, #tpu.memory_space<hbm>>) dst(%arg7 : memref<125x80xi32, #tpu.memory_space<vmem>>)
      tpu.yield
    }) : () -> ()
    %dma_start3A = arith.constant 0 : i32
    %dma_start3A_0 = tpu.memref_slice %arg6[%dma_start3A] : memref<10000xi32, #tpu.memory_space<vmem>> -> memref<80xi32, #tpu.memory_space<vmem>>
    %dma_start3A_1 = arith.constant 0 : i32
    %dma_start3A_2 = arith.constant 0 : i32
    %dma_start3A_3 = tpu.memref_slice %arg2[%dma_start3A_1, %dma_start3A_2] : memref<20480x128xf32, #tpu.memory_space<hbm>> -> memref<20480x128xf32, #tpu.memory_space<hbm>>
    tpu.enqueue_indirect_dma source(%dma_start3A_3 : memref<20480x128xf32, #tpu.memory_space<hbm>>) target(%arg8 : memref<80x128xf32, #tpu.memory_space<vmem>>) offsets(%dma_start3A_0 : memref<80xi32, #tpu.memory_space<vmem>>) semaphore(%arg10 : memref<!tpu.dma_semaphore, #tpu.memory_space<semaphore_mem>>)
    %mul3A = arith.constant 10240 : i32
    %mul3A_4 = arith.muli %arg0, %mul3A : i32
    %mul3A_5 = arith.constant 640 : i32
    %mul3A_6 = arith.muli %arg1, %mul3A_5 : i32
    %add3A = arith.addi %mul3A_4, %mul3A_6 : i32
    %mul3A_7 = arith.constant 640 : i32
    %mul3A_8 = arith.muli %arg1, %mul3A_7 : i32
    "tpu.region"() ({
      %run_scoped3A_23 = tpu.sem_alloc : memref<!tpu.dma_semaphore, #tpu.memory_space<semaphore_mem>>
      %dma_start3A_24 = arith.constant 0 : i32
      %dma_start3A_25 = tpu.memref_slice %arg12[%mul3A_8, %dma_start3A_24] : memref<10240x128xf32, #tpu.memory_space<vmem_shared>> -> memref<640x128xf32, #tpu.memory_space<vmem_shared>>
      %dma_start3A_26 = arith.constant 0 : i32
      %dma_start3A_27 = tpu.memref_slice %arg2[%add3A, %dma_start3A_26] : memref<20480x128xf32, #tpu.memory_space<hbm>> -> memref<640x128xf32, #tpu.memory_space<hbm>>
      tpu.enqueue_dma source(%dma_start3A_27 : memref<640x128xf32, #tpu.memory_space<hbm>>) target(%dma_start3A_25 : memref<640x128xf32, #tpu.memory_space<vmem_shared>>) target_semaphore(%run_scoped3A_23 : memref<!tpu.dma_semaphore, #tpu.memory_space<semaphore_mem>>)
      %dma_wait3A_28 = arith.constant 0 : i32
      %dma_wait3A_29 = tpu.memref_slice %arg12[%mul3A_8, %dma_wait3A_28] : memref<10240x128xf32, #tpu.memory_space<vmem_shared>> -> memref<640x128xf32, #tpu.memory_space<vmem_shared>>
      %dma_wait3A_30 = arith.constant 0 : i32
      %dma_wait3A_31 = tpu.memref_slice %arg2[%add3A, %dma_wait3A_30] : memref<20480x128xf32, #tpu.memory_space<hbm>> -> memref<640x128xf32, #tpu.memory_space<hbm>>
      tpu.wait_dma2 semaphore(%run_scoped3A_23 : memref<!tpu.dma_semaphore, #tpu.memory_space<semaphore_mem>>) src(%dma_wait3A_31 : memref<640x128xf32, #tpu.memory_space<hbm>>) dst(%dma_wait3A_29 : memref<640x128xf32, #tpu.memory_space<vmem_shared>>)
      tpu.yield
    }) : () -> ()
    %barrier3A = arith.constant 0 : index
    tpu.barrier barrier_id(%barrier3A)
    %scan3A = arith.constant 0 : i32
    %scan3A_9 = arith.constant 0 : i32
    %scan3A_10 = arith.constant 62 : i32
    %scan3A_11 = arith.addi %scan3A_9, %scan3A_10 : i32
    %scan3A_12 = arith.constant 1 : i32
    scf.for %scan3A_23 = %scan3A_9 to %scan3A_11 step %scan3A_12  : i32 {
      %mul3A_24 = arith.constant 2 : i32
      %mul3A_25 = arith.muli %mul3A_24, %scan3A_23 : i32
      %add3A_26 = arith.constant 1 : i32
      %add3A_27 = arith.addi %mul3A_25, %add3A_26 : i32
      %mul3A_28 = arith.constant 80 : i32
      %mul3A_29 = arith.muli %add3A_27, %mul3A_28 : i32
      %dma_start3A_30 = tpu.memref_slice %arg6[%mul3A_29] : memref<10000xi32, #tpu.memory_space<vmem>> -> memref<80xi32, #tpu.memory_space<vmem>>
      %dma_start3A_31 = arith.constant 0 : i32
      %dma_start3A_32 = arith.constant 0 : i32
      %dma_start3A_33 = tpu.memref_slice %arg2[%dma_start3A_31, %dma_start3A_32] : memref<20480x128xf32, #tpu.memory_space<hbm>> -> memref<20480x128xf32, #tpu.memory_space<hbm>>
      tpu.enqueue_indirect_dma source(%dma_start3A_33 : memref<20480x128xf32, #tpu.memory_space<hbm>>) target(%arg9 : memref<80x128xf32, #tpu.memory_space<vmem>>) offsets(%dma_start3A_30 : memref<80xi32, #tpu.memory_space<vmem>>) semaphore(%arg11 : memref<!tpu.dma_semaphore, #tpu.memory_space<semaphore_mem>>)
      %mul3A_34 = arith.constant 80 : i32
      %mul3A_35 = arith.muli %mul3A_25, %mul3A_34 : i32
      %dma_wait3A_36 = tpu.memref_slice %arg6[%mul3A_35] : memref<10000xi32, #tpu.memory_space<vmem>> -> memref<80xi32, #tpu.memory_space<vmem>>
      %dma_wait3A_37 = arith.constant 0 : i32
      %dma_wait3A_38 = arith.constant 0 : i32
      %dma_wait3A_39 = tpu.memref_slice %arg2[%dma_wait3A_37, %dma_wait3A_38] : memref<20480x128xf32, #tpu.memory_space<hbm>> -> memref<20480x128xf32, #tpu.memory_space<hbm>>
      tpu.wait_indirect_dma semaphore(%arg10 : memref<!tpu.dma_semaphore, #tpu.memory_space<semaphore_mem>>) src(%dma_wait3A_39 : memref<20480x128xf32, #tpu.memory_space<hbm>>) dst(%arg8 : memref<80x128xf32, #tpu.memory_space<vmem>>)
      "tpu.region"() ({
        %run_scoped3A_54 = tpu.sem_alloc : memref<!tpu.dma_semaphore, #tpu.memory_space<semaphore_mem>>
        %dma_start3A_55 = arith.constant 0 : i32
        %dma_start3A_56 = tpu.memref_slice %arg7[%mul3A_25, %dma_start3A_55] : memref<125x80xi32, #tpu.memory_space<vmem>> -> memref<1x80xi32, #tpu.memory_space<vmem>>
        %dma_start3A_57 = tpu.memref_squeeze %dma_start3A_56 : memref<1x80xi32, #tpu.memory_space<vmem>> -> memref<80xi32, #tpu.memory_space<vmem>>
        %dma_start3A_58 = arith.constant 0 : i32
        %dma_start3A_59 = arith.constant 0 : i32
        %dma_start3A_60 = tpu.memref_slice %arg12[%dma_start3A_58, %dma_start3A_59] : memref<10240x128xf32, #tpu.memory_space<vmem_shared>> -> memref<10240x128xf32, #tpu.memory_space<vmem_shared>>
        tpu.enqueue_indirect_dma source(%arg8 : memref<80x128xf32, #tpu.memory_space<vmem>>) target(%dma_start3A_60 : memref<10240x128xf32, #tpu.memory_space<vmem_shared>>) offsets(%dma_start3A_57 : memref<80xi32, #tpu.memory_space<vmem>>) semaphore(%run_scoped3A_54 : memref<!tpu.dma_semaphore, #tpu.memory_space<semaphore_mem>>) {add = true}
        %dma_wait3A_61 = arith.constant 0 : i32
        %dma_wait3A_62 = tpu.memref_slice %arg7[%mul3A_25, %dma_wait3A_61] : memref<125x80xi32, #tpu.memory_space<vmem>> -> memref<1x80xi32, #tpu.memory_space<vmem>>
        %dma_wait3A_63 = tpu.memref_squeeze %dma_wait3A_62 : memref<1x80xi32, #tpu.memory_space<vmem>> -> memref<80xi32, #tpu.memory_space<vmem>>
        %dma_wait3A_64 = arith.constant 0 : i32
        %dma_wait3A_65 = arith.constant 0 : i32
        %dma_wait3A_66 = tpu.memref_slice %arg12[%dma_wait3A_64, %dma_wait3A_65] : memref<10240x128xf32, #tpu.memory_space<vmem_shared>> -> memref<10240x128xf32, #tpu.memory_space<vmem_shared>>
        tpu.wait_indirect_dma semaphore(%run_scoped3A_54 : memref<!tpu.dma_semaphore, #tpu.memory_space<semaphore_mem>>) src(%arg8 : memref<80x128xf32, #tpu.memory_space<vmem>>) dst(%dma_wait3A_66 : memref<10240x128xf32, #tpu.memory_space<vmem_shared>>)
        tpu.yield
      }) : () -> ()
      %add3A_40 = arith.constant 2 : i32
      %add3A_41 = arith.addi %mul3A_25, %add3A_40 : i32
      %mul3A_42 = arith.constant 80 : i32
      %mul3A_43 = arith.muli %add3A_41, %mul3A_42 : i32
      %dma_start3A_44 = tpu.memref_slice %arg6[%mul3A_43] : memref<10000xi32, #tpu.memory_space<vmem>> -> memref<80xi32, #tpu.memory_space<vmem>>
      %dma_start3A_45 = arith.constant 0 : i32
      %dma_start3A_46 = arith.constant 0 : i32
      %dma_start3A_47 = tpu.memref_slice %arg2[%dma_start3A_45, %dma_start3A_46] : memref<20480x128xf32, #tpu.memory_space<hbm>> -> memref<20480x128xf32, #tpu.memory_space<hbm>>
      tpu.enqueue_indirect_dma source(%dma_start3A_47 : memref<20480x128xf32, #tpu.memory_space<hbm>>) target(%arg8 : memref<80x128xf32, #tpu.memory_space<vmem>>) offsets(%dma_start3A_44 : memref<80xi32, #tpu.memory_space<vmem>>) semaphore(%arg10 : memref<!tpu.dma_semaphore, #tpu.memory_space<semaphore_mem>>)
      %dma_wait3A_48 = tpu.memref_slice %arg6[%mul3A_29] : memref<10000xi32, #tpu.memory_space<vmem>> -> memref<80xi32, #tpu.memory_space<vmem>>
      %dma_wait3A_49 = arith.constant 0 : i32
      %dma_wait3A_50 = arith.constant 0 : i32
      %dma_wait3A_51 = tpu.memref_slice %arg2[%dma_wait3A_49, %dma_wait3A_50] : memref<20480x128xf32, #tpu.memory_space<hbm>> -> memref<20480x128xf32, #tpu.memory_space<hbm>>
      tpu.wait_indirect_dma semaphore(%arg11 : memref<!tpu.dma_semaphore, #tpu.memory_space<semaphore_mem>>) src(%dma_wait3A_51 : memref<20480x128xf32, #tpu.memory_space<hbm>>) dst(%arg9 : memref<80x128xf32, #tpu.memory_space<vmem>>)
      %add3A_52 = arith.constant 1 : i32
      %add3A_53 = arith.addi %mul3A_25, %add3A_52 : i32
      "tpu.region"() ({
        %run_scoped3A_54 = tpu.sem_alloc : memref<!tpu.dma_semaphore, #tpu.memory_space<semaphore_mem>>
        %dma_start3A_55 = arith.constant 0 : i32
        %dma_start3A_56 = tpu.memref_slice %arg7[%add3A_53, %dma_start3A_55] : memref<125x80xi32, #tpu.memory_space<vmem>> -> memref<1x80xi32, #tpu.memory_space<vmem>>
        %dma_start3A_57 = tpu.memref_squeeze %dma_start3A_56 : memref<1x80xi32, #tpu.memory_space<vmem>> -> memref<80xi32, #tpu.memory_space<vmem>>
        %dma_start3A_58 = arith.constant 0 : i32
        %dma_start3A_59 = arith.constant 0 : i32
        %dma_start3A_60 = tpu.memref_slice %arg12[%dma_start3A_58, %dma_start3A_59] : memref<10240x128xf32, #tpu.memory_space<vmem_shared>> -> memref<10240x128xf32, #tpu.memory_space<vmem_shared>>
        tpu.enqueue_indirect_dma source(%arg9 : memref<80x128xf32, #tpu.memory_space<vmem>>) target(%dma_start3A_60 : memref<10240x128xf32, #tpu.memory_space<vmem_shared>>) offsets(%dma_start3A_57 : memref<80xi32, #tpu.memory_space<vmem>>) semaphore(%run_scoped3A_54 : memref<!tpu.dma_semaphore, #tpu.memory_space<semaphore_mem>>) {add = true}
        %dma_wait3A_61 = arith.constant 0 : i32
        %dma_wait3A_62 = tpu.memref_slice %arg7[%add3A_53, %dma_wait3A_61] : memref<125x80xi32, #tpu.memory_space<vmem>> -> memref<1x80xi32, #tpu.memory_space<vmem>>
        %dma_wait3A_63 = tpu.memref_squeeze %dma_wait3A_62 : memref<1x80xi32, #tpu.memory_space<vmem>> -> memref<80xi32, #tpu.memory_space<vmem>>
        %dma_wait3A_64 = arith.constant 0 : i32
        %dma_wait3A_65 = arith.constant 0 : i32
        %dma_wait3A_66 = tpu.memref_slice %arg12[%dma_wait3A_64, %dma_wait3A_65] : memref<10240x128xf32, #tpu.memory_space<vmem_shared>> -> memref<10240x128xf32, #tpu.memory_space<vmem_shared>>
        tpu.wait_indirect_dma semaphore(%run_scoped3A_54 : memref<!tpu.dma_semaphore, #tpu.memory_space<semaphore_mem>>) src(%arg9 : memref<80x128xf32, #tpu.memory_space<vmem>>) dst(%dma_wait3A_66 : memref<10240x128xf32, #tpu.memory_space<vmem_shared>>)
        tpu.yield
      }) : () -> ()
    }
    %scan3A_13 = arith.constant 62 : i32
    %dma_wait3A = arith.constant 9920 : i32
    %dma_wait3A_14 = tpu.memref_slice %arg6[%dma_wait3A] : memref<10000xi32, #tpu.memory_space<vmem>> -> memref<80xi32, #tpu.memory_space<vmem>>
    %dma_wait3A_15 = arith.constant 0 : i32
    %dma_wait3A_16 = arith.constant 0 : i32
    %dma_wait3A_17 = tpu.memref_slice %arg2[%dma_wait3A_15, %dma_wait3A_16] : memref<20480x128xf32, #tpu.memory_space<hbm>> -> memref<20480x128xf32, #tpu.memory_space<hbm>>
    tpu.wait_indirect_dma semaphore(%arg10 : memref<!tpu.dma_semaphore, #tpu.memory_space<semaphore_mem>>) src(%dma_wait3A_17 : memref<20480x128xf32, #tpu.memory_space<hbm>>) dst(%arg8 : memref<80x128xf32, #tpu.memory_space<vmem>>)
    %run_scoped3A = arith.constant 124 : i32
    "tpu.region"() ({
      %run_scoped3A_23 = tpu.sem_alloc : memref<!tpu.dma_semaphore, #tpu.memory_space<semaphore_mem>>
      %dma_start3A_24 = arith.constant 0 : i32
      %dma_start3A_25 = tpu.memref_slice %arg7[%run_scoped3A, %dma_start3A_24] : memref<125x80xi32, #tpu.memory_space<vmem>> -> memref<1x80xi32, #tpu.memory_space<vmem>>
      %dma_start3A_26 = tpu.memref_squeeze %dma_start3A_25 : memref<1x80xi32, #tpu.memory_space<vmem>> -> memref<80xi32, #tpu.memory_space<vmem>>
      %dma_start3A_27 = arith.constant 0 : i32
      %dma_start3A_28 = arith.constant 0 : i32
      %dma_start3A_29 = tpu.memref_slice %arg12[%dma_start3A_27, %dma_start3A_28] : memref<10240x128xf32, #tpu.memory_space<vmem_shared>> -> memref<10240x128xf32, #tpu.memory_space<vmem_shared>>
      tpu.enqueue_indirect_dma source(%arg8 : memref<80x128xf32, #tpu.memory_space<vmem>>) target(%dma_start3A_29 : memref<10240x128xf32, #tpu.memory_space<vmem_shared>>) offsets(%dma_start3A_26 : memref<80xi32, #tpu.memory_space<vmem>>) semaphore(%run_scoped3A_23 : memref<!tpu.dma_semaphore, #tpu.memory_space<semaphore_mem>>) {add = true}
      %dma_wait3A_30 = arith.constant 0 : i32
      %dma_wait3A_31 = tpu.memref_slice %arg7[%run_scoped3A, %dma_wait3A_30] : memref<125x80xi32, #tpu.memory_space<vmem>> -> memref<1x80xi32, #tpu.memory_space<vmem>>
      %dma_wait3A_32 = tpu.memref_squeeze %dma_wait3A_31 : memref<1x80xi32, #tpu.memory_space<vmem>> -> memref<80xi32, #tpu.memory_space<vmem>>
      %dma_wait3A_33 = arith.constant 0 : i32
      %dma_wait3A_34 = arith.constant 0 : i32
      %dma_wait3A_35 = tpu.memref_slice %arg12[%dma_wait3A_33, %dma_wait3A_34] : memref<10240x128xf32, #tpu.memory_space<vmem_shared>> -> memref<10240x128xf32, #tpu.memory_space<vmem_shared>>
      tpu.wait_indirect_dma semaphore(%run_scoped3A_23 : memref<!tpu.dma_semaphore, #tpu.memory_space<semaphore_mem>>) src(%arg8 : memref<80x128xf32, #tpu.memory_space<vmem>>) dst(%dma_wait3A_35 : memref<10240x128xf32, #tpu.memory_space<vmem_shared>>)
      tpu.yield
    }) : () -> ()
    %barrier3A_18 = arith.constant 0 : index
    tpu.barrier barrier_id(%barrier3A_18)
    %mul3A_19 = arith.constant 640 : i32
    %mul3A_20 = arith.muli %arg1, %mul3A_19 : i32
    %mul3A_21 = arith.constant 640 : i32
    %mul3A_22 = arith.muli %arg1, %mul3A_21 : i32
    "tpu.region"() ({
      %run_scoped3A_23 = tpu.sem_alloc : memref<!tpu.dma_semaphore, #tpu.memory_space<semaphore_mem>>
      %dma_start3A_24 = arith.constant 0 : i32
      %dma_start3A_25 = tpu.memref_slice %arg5[%arg0, %mul3A_22, %dma_start3A_24] : memref<2x10240x128xf32, #tpu.memory_space<hbm>> -> memref<1x640x128xf32, #tpu.memory_space<hbm>>
      %dma_start3A_26 = tpu.memref_squeeze %dma_start3A_25 : memref<1x640x128xf32, #tpu.memory_space<hbm>> -> memref<640x128xf32, #tpu.memory_space<hbm>>
      %dma_start3A_27 = arith.constant 0 : i32
      %dma_start3A_28 = tpu.memref_slice %arg12[%mul3A_20, %dma_start3A_27] : memref<10240x128xf32, #tpu.memory_space<vmem_shared>> -> memref<640x128xf32, #tpu.memory_space<vmem_shared>>
      tpu.enqueue_dma source(%dma_start3A_28 : memref<640x128xf32, #tpu.memory_space<vmem_shared>>) target(%dma_start3A_26 : memref<640x128xf32, #tpu.memory_space<hbm>>) target_semaphore(%run_scoped3A_23 : memref<!tpu.dma_semaphore, #tpu.memory_space<semaphore_mem>>)
      %dma_wait3A_29 = arith.constant 0 : i32
      %dma_wait3A_30 = tpu.memref_slice %arg5[%arg0, %mul3A_22, %dma_wait3A_29] : memref<2x10240x128xf32, #tpu.memory_space<hbm>> -> memref<1x640x128xf32, #tpu.memory_space<hbm>>
      %dma_wait3A_31 = tpu.memref_squeeze %dma_wait3A_30 : memref<1x640x128xf32, #tpu.memory_space<hbm>> -> memref<640x128xf32, #tpu.memory_space<hbm>>
      %dma_wait3A_32 = arith.constant 0 : i32
      %dma_wait3A_33 = tpu.memref_slice %arg12[%mul3A_20, %dma_wait3A_32] : memref<10240x128xf32, #tpu.memory_space<vmem_shared>> -> memref<640x128xf32, #tpu.memory_space<vmem_shared>>
      tpu.wait_dma2 semaphore(%run_scoped3A_23 : memref<!tpu.dma_semaphore, #tpu.memory_space<semaphore_mem>>) src(%dma_wait3A_33 : memref<640x128xf32, #tpu.memory_space<vmem_shared>>) dst(%dma_wait3A_31 : memref<640x128xf32, #tpu.memory_space<hbm>>)
      tpu.yield
    }) : () -> ()
    return
  }
}

module attributes {stable_mosaic.version = 14 : i64} {
  func.func @_mm1_body(%arg0: i32, %arg1: memref<640x256xf32, #tpu.memory_space<vmem>>, %arg2: memref<640x128xf32, #tpu.memory_space<vmem>>, %arg3: memref<256x256xf32, #tpu.memory_space<vmem>>, %arg4: memref<2x640x128xf32, #tpu.memory_space<vmem>>, %arg5: memref<640x128xf32, #tpu.memory_space<vmem>>) attributes {dimension_semantics = [#tpu.dimension_semantics<arbitrary>], iteration_bounds = array<i64: 16>, scalar_prefetch = 0 : i64, scratch_operands = 0 : i64, tpu.core_type = #tpu.core_type<tc>, window_params = [{transform_indices = @transform_0, window_bounds = array<i64: 640, 256>}, {transform_indices = @transform_1, window_bounds = array<i64: 640, 128>}, {pipeline_mode = #tpu.pipeline_mode<synchronous>, transform_indices = @transform_2, window_bounds = array<i64: 256, 256>}, {transform_indices = @transform_3, window_bounds = array<i64: 2, 640, 128>}, {transform_indices = @transform_4, window_bounds = array<i64: 640, 128>}]} {
    %get3A = arith.constant 0 : index
    %get3A_0 = arith.constant 0 : index
    %get3A_1 = vector.load %arg2[%get3A, %get3A_0] : memref<640x128xf32, #tpu.memory_space<vmem>>, vector<640x128xf32>
    %add3A = arith.constant 1.000000e+00 : f32
    %add3A_2 = vector.broadcast %add3A : f32 to vector<640x128xf32>
    %add3A_3 = arith.addf %get3A_1, %add3A_2 : vector<640x128xf32>
    %rsqrt3A = math.rsqrt %add3A_3 : vector<640x128xf32>
    %get3A_4 = arith.constant 0 : index
    %get3A_5 = arith.constant 0 : index
    %get3A_6 = vector.load %arg1[%get3A_4, %get3A_5] : memref<640x256xf32, #tpu.memory_space<vmem>>, vector<640x256xf32>
    %get3A_7 = arith.constant 0 : index
    %get3A_8 = arith.constant 0 : index
    %get3A_9 = vector.load %arg3[%get3A_7, %get3A_8] : memref<256x256xf32, #tpu.memory_space<vmem>>, vector<256x256xf32>
    %dot_general3A = arith.constant dense<0.000000e+00> : vector<640x256xf32>
    %dot_general3A_10 = tpu.matmul %get3A_6, %get3A_9, %dot_general3A {dimension_numbers = #tpu.dot_dimension_numbers<[1], [0], [0], [1], [0, 0, 1, 1], [], []>, transpose_lhs_hint = false} : vector<640x256xf32>, vector<256x256xf32>, vector<640x256xf32> -> vector<640x256xf32>
    %slice3A = vector.extract_strided_slice %dot_general3A_10 {offsets = [0, 0], sizes = [640, 128], strides = [1, 1]} : vector<640x256xf32> to vector<640x128xf32>
    %mul3A = arith.mulf %rsqrt3A, %slice3A : vector<640x128xf32>
    %swap3A = arith.constant 0 : index
    %swap3A_11 = arith.constant 0 : index
    %swap3A_12 = arith.constant 0 : index
    %swap3A_13 = vector.load %arg4[%swap3A, %swap3A_11, %swap3A_12] : memref<2x640x128xf32, #tpu.memory_space<vmem>>, vector<1x640x128xf32>
    %swap3A_14 = vector.shape_cast %swap3A_13 : vector<1x640x128xf32> to vector<640x128xf32>
    %swap3A_15 = vector.shape_cast %mul3A : vector<640x128xf32> to vector<1x640x128xf32>
    tpu.vector_store %arg4[%swap3A, %swap3A_11, %swap3A_12], %swap3A_15 {strides = array<i32>} : memref<2x640x128xf32, #tpu.memory_space<vmem>>, vector<1x640x128xf32>,
    %slice3A_16 = vector.extract_strided_slice %dot_general3A_10 {offsets = [0, 128], sizes = [640, 128], strides = [1, 1]} : vector<640x256xf32> to vector<640x128xf32>
    %mul3A_17 = arith.mulf %rsqrt3A, %slice3A_16 : vector<640x128xf32>
    %swap3A_18 = arith.constant 1 : index
    %swap3A_19 = arith.constant 0 : index
    %swap3A_20 = arith.constant 0 : index
    %swap3A_21 = vector.load %arg4[%swap3A_18, %swap3A_19, %swap3A_20] : memref<2x640x128xf32, #tpu.memory_space<vmem>>, vector<1x640x128xf32>
    %swap3A_22 = vector.shape_cast %swap3A_21 : vector<1x640x128xf32> to vector<640x128xf32>
    %swap3A_23 = vector.shape_cast %mul3A_17 : vector<640x128xf32> to vector<1x640x128xf32>
    tpu.vector_store %arg4[%swap3A_18, %swap3A_19, %swap3A_20], %swap3A_23 {strides = array<i32>} : memref<2x640x128xf32, #tpu.memory_space<vmem>>, vector<1x640x128xf32>,
    %swap3A_24 = arith.constant 0 : index
    %swap3A_25 = arith.constant 0 : index
    %swap3A_26 = vector.load %arg5[%swap3A_24, %swap3A_25] : memref<640x128xf32, #tpu.memory_space<vmem>>, vector<640x128xf32>
    tpu.vector_store %arg5[%swap3A_24, %swap3A_25], %rsqrt3A {strides = array<i32>} : memref<640x128xf32, #tpu.memory_space<vmem>>, vector<640x128xf32>,
    return
  }
  func.func @transform_0(%arg0: i32) -> (i32, i32) {
    %c0_i32 = arith.constant 0 : i32
    %c0_i32_0 = arith.constant 0 : i32
    return %arg0, %c0_i32 : i32, i32
  }
  func.func @transform_1(%arg0: i32) -> (i32, i32) {
    %c0_i32 = arith.constant 0 : i32
    %c0_i32_0 = arith.constant 0 : i32
    return %arg0, %c0_i32 : i32, i32
  }
  func.func @transform_2(%arg0: i32) -> (i32, i32) {
    %c0_i32 = arith.constant 0 : i32
    %c0_i32_0 = arith.constant 0 : i32
    %c0_i32_1 = arith.constant 0 : i32
    return %c0_i32, %c0_i32_0 : i32, i32
  }
  func.func @transform_3(%arg0: i32) -> (i32, i32, i32) {
    %c0_i32 = arith.constant 0 : i32
    %c0_i32_0 = arith.constant 0 : i32
    %c0_i32_1 = arith.constant 0 : i32
    return %c0_i32, %arg0, %c0_i32_0 : i32, i32, i32
  }
  func.func @transform_4(%arg0: i32) -> (i32, i32) {
    %c0_i32 = arith.constant 0 : i32
    %c0_i32_0 = arith.constant 0 : i32
    return %arg0, %c0_i32 : i32, i32
  }
}

module attributes {stable_mosaic.version = 14 : i64} {
  func.func @_mm23_body(%arg0: i32, %arg1: memref<2x640x128xf32, #tpu.memory_space<vmem>>, %arg2: memref<640x128xf32, #tpu.memory_space<vmem>>, %arg3: memref<1x256xf32, #tpu.memory_space<vmem>>, %arg4: memref<2x128x256xf32, #tpu.memory_space<vmem>>, %arg5: memref<2x640x128xf32, #tpu.memory_space<vmem>>) attributes {dimension_semantics = [#tpu.dimension_semantics<arbitrary>], iteration_bounds = array<i64: 16>, scalar_prefetch = 0 : i64, scratch_operands = 0 : i64, tpu.core_type = #tpu.core_type<tc>, window_params = [{transform_indices = @transform_0, window_bounds = array<i64: 2, 640, 128>}, {transform_indices = @transform_1, window_bounds = array<i64: 640, 128>}, {pipeline_mode = #tpu.pipeline_mode<synchronous>, transform_indices = @transform_2, window_bounds = array<i64: 1, 256>}, {pipeline_mode = #tpu.pipeline_mode<synchronous>, transform_indices = @transform_3, window_bounds = array<i64: 2, 128, 256>}, {transform_indices = @transform_4, window_bounds = array<i64: 2, 640, 128>}]} {
    %get3A = arith.constant 0 : index
    %get3A_0 = arith.constant 0 : index
    %get3A_1 = vector.load %arg2[%get3A, %get3A_0] : memref<640x128xf32, #tpu.memory_space<vmem>>, vector<640x128xf32>
    %get3A_2 = arith.constant 0 : index
    %get3A_3 = arith.constant 0 : index
    %get3A_4 = arith.constant 0 : index
    %get3A_5 = vector.load %arg1[%get3A_2, %get3A_3, %get3A_4] : memref<2x640x128xf32, #tpu.memory_space<vmem>>, vector<1x640x128xf32>
    %get3A_6 = vector.shape_cast %get3A_5 : vector<1x640x128xf32> to vector<640x128xf32>
    %mul3A = arith.mulf %get3A_1, %get3A_6 : vector<640x128xf32>
    %get3A_7 = arith.constant 0 : index
    %get3A_8 = arith.constant 0 : index
    %get3A_9 = vector.load %arg3[%get3A_7, %get3A_8] : memref<1x256xf32, #tpu.memory_space<vmem>>, vector<1x128xf32>
    %get3A_10 = vector.shape_cast %get3A_9 : vector<1x128xf32> to vector<128xf32>
    %broadcast_in_dim3A = vector.shape_cast %get3A_10 : vector<128xf32> to vector<1x128xf32>
    %add3A = vector.broadcast %broadcast_in_dim3A : vector<1x128xf32> to vector<640x128xf32>
    %add3A_11 = arith.addf %mul3A, %add3A : vector<640x128xf32>
    %max3A = arith.constant 0.000000e+00 : f32
    %max3A_12 = vector.broadcast %max3A : f32 to vector<640x128xf32>
    %max3A_13 = arith.maximumf %add3A_11, %max3A_12 : vector<640x128xf32>
    %get3A_14 = arith.constant 1 : index
    %get3A_15 = arith.constant 0 : index
    %get3A_16 = arith.constant 0 : index
    %get3A_17 = vector.load %arg1[%get3A_14, %get3A_15, %get3A_16] : memref<2x640x128xf32, #tpu.memory_space<vmem>>, vector<1x640x128xf32>
    %get3A_18 = vector.shape_cast %get3A_17 : vector<1x640x128xf32> to vector<640x128xf32>
    %mul3A_19 = arith.mulf %get3A_1, %get3A_18 : vector<640x128xf32>
    %get3A_20 = arith.constant 0 : index
    %get3A_21 = arith.constant 128 : index
    %get3A_22 = vector.load %arg3[%get3A_20, %get3A_21] : memref<1x256xf32, #tpu.memory_space<vmem>>, vector<1x128xf32>
    %get3A_23 = vector.shape_cast %get3A_22 : vector<1x128xf32> to vector<128xf32>
    %broadcast_in_dim3A_24 = vector.shape_cast %get3A_23 : vector<128xf32> to vector<1x128xf32>
    %add3A_25 = vector.broadcast %broadcast_in_dim3A_24 : vector<1x128xf32> to vector<640x128xf32>
    %add3A_26 = arith.addf %mul3A_19, %add3A_25 : vector<640x128xf32>
    %max3A_27 = arith.constant 0.000000e+00 : f32
    %max3A_28 = vector.broadcast %max3A_27 : f32 to vector<640x128xf32>
    %max3A_29 = arith.maximumf %add3A_26, %max3A_28 : vector<640x128xf32>
    %get3A_30 = arith.constant 0 : index
    %get3A_31 = arith.constant 0 : index
    %get3A_32 = arith.constant 0 : index
    %get3A_33 = vector.load %arg4[%get3A_30, %get3A_31, %get3A_32] : memref<2x128x256xf32, #tpu.memory_space<vmem>>, vector<1x128x256xf32>
    %get3A_34 = vector.shape_cast %get3A_33 : vector<1x128x256xf32> to vector<128x256xf32>
    %dot_general3A = arith.constant dense<0.000000e+00> : vector<640x256xf32>
    %dot_general3A_35 = tpu.matmul %max3A_13, %get3A_34, %dot_general3A {dimension_numbers = #tpu.dot_dimension_numbers<[1], [0], [0], [1], [0, 0, 1, 1], [], []>, transpose_lhs_hint = false} : vector<640x128xf32>, vector<128x256xf32>, vector<640x256xf32> -> vector<640x256xf32>
    %get3A_36 = arith.constant 1 : index
    %get3A_37 = arith.constant 0 : index
    %get3A_38 = arith.constant 0 : index
    %get3A_39 = vector.load %arg4[%get3A_36, %get3A_37, %get3A_38] : memref<2x128x256xf32, #tpu.memory_space<vmem>>, vector<1x128x256xf32>
    %get3A_40 = vector.shape_cast %get3A_39 : vector<1x128x256xf32> to vector<128x256xf32>
    %dot_general3A_41 = arith.constant dense<0.000000e+00> : vector<640x256xf32>
    %dot_general3A_42 = tpu.matmul %max3A_29, %get3A_40, %dot_general3A_41 {dimension_numbers = #tpu.dot_dimension_numbers<[1], [0], [0], [1], [0, 0, 1, 1], [], []>, transpose_lhs_hint = false} : vector<640x128xf32>, vector<128x256xf32>, vector<640x256xf32> -> vector<640x256xf32>
    %add3A_43 = arith.addf %dot_general3A_35, %dot_general3A_42 : vector<640x256xf32>
    %slice3A = vector.extract_strided_slice %add3A_43 {offsets = [0, 0], sizes = [640, 128], strides = [1, 1]} : vector<640x256xf32> to vector<640x128xf32>
    %mul3A_44 = arith.mulf %get3A_1, %slice3A : vector<640x128xf32>
    %swap3A = arith.constant 0 : index
    %swap3A_45 = arith.constant 0 : index
    %swap3A_46 = arith.constant 0 : index
    %swap3A_47 = vector.load %arg5[%swap3A, %swap3A_45, %swap3A_46] : memref<2x640x128xf32, #tpu.memory_space<vmem>>, vector<1x640x128xf32>
    %swap3A_48 = vector.shape_cast %swap3A_47 : vector<1x640x128xf32> to vector<640x128xf32>
    %swap3A_49 = vector.shape_cast %mul3A_44 : vector<640x128xf32> to vector<1x640x128xf32>
    tpu.vector_store %arg5[%swap3A, %swap3A_45, %swap3A_46], %swap3A_49 {strides = array<i32>} : memref<2x640x128xf32, #tpu.memory_space<vmem>>, vector<1x640x128xf32>,
    %slice3A_50 = vector.extract_strided_slice %add3A_43 {offsets = [0, 128], sizes = [640, 128], strides = [1, 1]} : vector<640x256xf32> to vector<640x128xf32>
    %mul3A_51 = arith.mulf %get3A_1, %slice3A_50 : vector<640x128xf32>
    %swap3A_52 = arith.constant 1 : index
    %swap3A_53 = arith.constant 0 : index
    %swap3A_54 = arith.constant 0 : index
    %swap3A_55 = vector.load %arg5[%swap3A_52, %swap3A_53, %swap3A_54] : memref<2x640x128xf32, #tpu.memory_space<vmem>>, vector<1x640x128xf32>
    %swap3A_56 = vector.shape_cast %swap3A_55 : vector<1x640x128xf32> to vector<640x128xf32>
    %swap3A_57 = vector.shape_cast %mul3A_51 : vector<640x128xf32> to vector<1x640x128xf32>
    tpu.vector_store %arg5[%swap3A_52, %swap3A_53, %swap3A_54], %swap3A_57 {strides = array<i32>} : memref<2x640x128xf32, #tpu.memory_space<vmem>>, vector<1x640x128xf32>,
    return
  }
  func.func @transform_0(%arg0: i32) -> (i32, i32, i32) {
    %c0_i32 = arith.constant 0 : i32
    %c0_i32_0 = arith.constant 0 : i32
    %c0_i32_1 = arith.constant 0 : i32
    return %c0_i32, %arg0, %c0_i32_0 : i32, i32, i32
  }
  func.func @transform_1(%arg0: i32) -> (i32, i32) {
    %c0_i32 = arith.constant 0 : i32
    %c0_i32_0 = arith.constant 0 : i32
    return %arg0, %c0_i32 : i32, i32
  }
  func.func @transform_2(%arg0: i32) -> (i32, i32) {
    %c0_i32 = arith.constant 0 : i32
    %c0_i32_0 = arith.constant 0 : i32
    %c0_i32_1 = arith.constant 0 : i32
    return %c0_i32, %c0_i32_0 : i32, i32
  }
  func.func @transform_3(%arg0: i32) -> (i32, i32, i32) {
    %c0_i32 = arith.constant 0 : i32
    %c0_i32_0 = arith.constant 0 : i32
    %c0_i32_1 = arith.constant 0 : i32
    %c0_i32_2 = arith.constant 0 : i32
    return %c0_i32, %c0_i32_0, %c0_i32_1 : i32, i32, i32
  }
  func.func @transform_4(%arg0: i32) -> (i32, i32, i32) {
    %c0_i32 = arith.constant 0 : i32
    %c0_i32_0 = arith.constant 0 : i32
    %c0_i32_1 = arith.constant 0 : i32
    return %c0_i32, %arg0, %c0_i32_0 : i32, i32, i32
  }
}

module attributes {stable_mosaic.version = 14 : i64} {
  func.func @_head_body(%arg0: i32, %arg1: memref<2x640x128xf32, #tpu.memory_space<vmem>>, %arg2: memref<640x128xf32, #tpu.memory_space<vmem>>, %arg3: memref<1x1x640xi32, #tpu.memory_space<vmem>>, %arg4: memref<2x640x128xf32, #tpu.memory_space<vmem>>, %arg5: memref<640x128xf32, #tpu.memory_space<vmem>>, %arg6: memref<1x1x640xi32, #tpu.memory_space<vmem>>, %arg7: memref<1x256xf32, #tpu.memory_space<vmem>>, %arg8: memref<256x128xf32, #tpu.memory_space<vmem>>, %arg9: memref<1x128xf32, #tpu.memory_space<vmem>>, %arg10: memref<2x128x1xf32, #tpu.memory_space<vmem>>, %arg11: memref<1x1xf32, #tpu.memory_space<vmem>>, %arg12: memref<16x1xf32, #tpu.memory_space<vmem>>, %arg13: memref<16x256xf32, #tpu.memory_space<vmem>>, %arg14: memref<16x128xf32, #tpu.memory_space<vmem>>, %arg15: memref<16x256xf32, #tpu.memory_space<vmem>>, %arg16: memref<16x128xf32, #tpu.memory_space<vmem>>) attributes {dimension_semantics = [#tpu.dimension_semantics<arbitrary>], iteration_bounds = array<i64: 16>, scalar_prefetch = 0 : i64, scratch_operands = 4 : i64, tpu.core_type = #tpu.core_type<tc>, window_params = [{transform_indices = @transform_0, window_bounds = array<i64: 2, 640, 128>}, {transform_indices = @transform_1, window_bounds = array<i64: 640, 128>}, {transform_indices = @transform_2, window_bounds = array<i64: 1, 1, 640>}, {transform_indices = @transform_3, window_bounds = array<i64: 2, 640, 128>}, {transform_indices = @transform_4, window_bounds = array<i64: 640, 128>}, {transform_indices = @transform_5, window_bounds = array<i64: 1, 1, 640>}, {pipeline_mode = #tpu.pipeline_mode<synchronous>, transform_indices = @transform_6, window_bounds = array<i64: 1, 256>}, {pipeline_mode = #tpu.pipeline_mode<synchronous>, transform_indices = @transform_7, window_bounds = array<i64: 256, 128>}, {pipeline_mode = #tpu.pipeline_mode<synchronous>, transform_indices = @transform_8, window_bounds = array<i64: 1, 128>}, {pipeline_mode = #tpu.pipeline_mode<synchronous>, transform_indices = @transform_9, window_bounds = array<i64: 2, 128, 1>}, {pipeline_mode = #tpu.pipeline_mode<synchronous>, transform_indices = @transform_10, window_bounds = array<i64: 1, 1>}, {pipeline_mode = #tpu.pipeline_mode<synchronous>, transform_indices = @transform_11, window_bounds = array<i64: 16, 1>}]} {
    %eq3A = arith.constant 0 : i32
    %eq3A_0 = arith.cmpi eq, %arg0, %eq3A : i32
    %convert_element_type3A = arith.extui %eq3A_0 : i1 to i32
    %cond3A = arith.constant 0 : i32
    %cond3A_1 = arith.cmpi ne, %convert_element_type3A, %cond3A : i32
    scf.if %cond3A_1 {
      %broadcast_in_dim3A_135 = arith.constant 0.000000e+00 : f32
      %broadcast_in_dim3A_136 = vector.broadcast %broadcast_in_dim3A_135 : f32 to vector<16x256xf32>
      %swap3A_137 = arith.constant 0 : index
      %swap3A_138 = arith.constant 0 : index
      %swap3A_139 = vector.load %arg13[%swap3A_137, %swap3A_138] : memref<16x256xf32, #tpu.memory_space<vmem>>, vector<16x256xf32>
      tpu.vector_store %arg13[%swap3A_137, %swap3A_138], %broadcast_in_dim3A_136 {strides = array<i32>} : memref<16x256xf32, #tpu.memory_space<vmem>>, vector<16x256xf32>,
      %broadcast_in_dim3A_140 = arith.constant 0.000000e+00 : f32
      %broadcast_in_dim3A_141 = vector.broadcast %broadcast_in_dim3A_140 : f32 to vector<16x128xf32>
      %swap3A_142 = arith.constant 0 : index
      %swap3A_143 = arith.constant 0 : index
      %swap3A_144 = vector.load %arg14[%swap3A_142, %swap3A_143] : memref<16x128xf32, #tpu.memory_space<vmem>>, vector<16x128xf32>
      tpu.vector_store %arg14[%swap3A_142, %swap3A_143], %broadcast_in_dim3A_141 {strides = array<i32>} : memref<16x128xf32, #tpu.memory_space<vmem>>, vector<16x128xf32>,
      %broadcast_in_dim3A_145 = arith.constant 0.000000e+00 : f32
      %broadcast_in_dim3A_146 = vector.broadcast %broadcast_in_dim3A_145 : f32 to vector<16x256xf32>
      %swap3A_147 = arith.constant 0 : index
      %swap3A_148 = arith.constant 0 : index
      %swap3A_149 = vector.load %arg15[%swap3A_147, %swap3A_148] : memref<16x256xf32, #tpu.memory_space<vmem>>, vector<16x256xf32>
      tpu.vector_store %arg15[%swap3A_147, %swap3A_148], %broadcast_in_dim3A_146 {strides = array<i32>} : memref<16x256xf32, #tpu.memory_space<vmem>>, vector<16x256xf32>,
      %broadcast_in_dim3A_150 = arith.constant 0.000000e+00 : f32
      %broadcast_in_dim3A_151 = vector.broadcast %broadcast_in_dim3A_150 : f32 to vector<16x128xf32>
      %swap3A_152 = arith.constant 0 : index
      %swap3A_153 = arith.constant 0 : index
      %swap3A_154 = vector.load %arg16[%swap3A_152, %swap3A_153] : memref<16x128xf32, #tpu.memory_space<vmem>>, vector<16x128xf32>
      tpu.vector_store %arg16[%swap3A_152, %swap3A_153], %broadcast_in_dim3A_151 {strides = array<i32>} : memref<16x128xf32, #tpu.memory_space<vmem>>, vector<16x128xf32>,
    } else {
    }
    %get3A = arith.constant 0 : index
    %get3A_2 = arith.constant 0 : index
    %get3A_3 = vector.load %arg2[%get3A, %get3A_2] : memref<640x128xf32, #tpu.memory_space<vmem>>, vector<640x128xf32>
    %get3A_4 = arith.constant 0 : index
    %get3A_5 = arith.constant 0 : index
    %get3A_6 = arith.constant 0 : index
    %get3A_7 = vector.load %arg1[%get3A_4, %get3A_5, %get3A_6] : memref<2x640x128xf32, #tpu.memory_space<vmem>>, vector<1x640x128xf32>
    %get3A_8 = vector.shape_cast %get3A_7 : vector<1x640x128xf32> to vector<640x128xf32>
    %mul3A = arith.mulf %get3A_3, %get3A_8 : vector<640x128xf32>
    %get3A_9 = arith.constant 0 : index
    %get3A_10 = arith.constant 0 : index
    %get3A_11 = vector.load %arg7[%get3A_9, %get3A_10] : memref<1x256xf32, #tpu.memory_space<vmem>>, vector<1x128xf32>
    %get3A_12 = vector.shape_cast %get3A_11 : vector<1x128xf32> to vector<128xf32>
    %broadcast_in_dim3A = vector.shape_cast %get3A_12 : vector<128xf32> to vector<1x128xf32>
    %add3A = vector.broadcast %broadcast_in_dim3A : vector<1x128xf32> to vector<640x128xf32>
    %add3A_13 = arith.addf %mul3A, %add3A : vector<640x128xf32>
    %get3A_14 = arith.constant 1 : index
    %get3A_15 = arith.constant 0 : index
    %get3A_16 = arith.constant 0 : index
    %get3A_17 = vector.load %arg1[%get3A_14, %get3A_15, %get3A_16] : memref<2x640x128xf32, #tpu.memory_space<vmem>>, vector<1x640x128xf32>
    %get3A_18 = vector.shape_cast %get3A_17 : vector<1x640x128xf32> to vector<640x128xf32>
    %mul3A_19 = arith.mulf %get3A_3, %get3A_18 : vector<640x128xf32>
    %get3A_20 = arith.constant 0 : index
    %get3A_21 = arith.constant 128 : index
    %get3A_22 = vector.load %arg7[%get3A_20, %get3A_21] : memref<1x256xf32, #tpu.memory_space<vmem>>, vector<1x128xf32>
    %get3A_23 = vector.shape_cast %get3A_22 : vector<1x128xf32> to vector<128xf32>
    %broadcast_in_dim3A_24 = vector.shape_cast %get3A_23 : vector<128xf32> to vector<1x128xf32>
    %add3A_25 = vector.broadcast %broadcast_in_dim3A_24 : vector<1x128xf32> to vector<640x128xf32>
    %add3A_26 = arith.addf %mul3A_19, %add3A_25 : vector<640x128xf32>
    %get3A_27 = arith.constant 0 : index
    %get3A_28 = arith.constant 0 : index
    %get3A_29 = arith.constant 0 : index
    %get3A_30 = vector.load %arg3[%get3A_27, %get3A_28, %get3A_29] : memref<1x1x640xi32, #tpu.memory_space<vmem>>, vector<1x1x640xi32>
    %get3A_31 = vector.shape_cast %get3A_30 : vector<1x1x640xi32> to vector<1x640xi32>
    %iota3A = tpu.iota {dimensions = array<i32: 0>} : vector<16x640xi32>
    %eq3A_32 = vector.broadcast %get3A_31 : vector<1x640xi32> to vector<16x640xi32>
    %eq3A_33 = arith.cmpi eq, %iota3A, %eq3A_32 : vector<16x640xi32>
    %convert_element_type3A_34 = arith.extui %eq3A_33 : vector<16x640xi1> to vector<16x640xi32>
    %convert_element_type3A_35 = arith.sitofp %convert_element_type3A_34 : vector<16x640xi32> to vector<16x640xf32>
    %get3A_36 = arith.constant 0 : index
    %get3A_37 = arith.constant 0 : index
    %get3A_38 = vector.load %arg13[%get3A_36, %get3A_37] : memref<16x256xf32, #tpu.memory_space<vmem>>, vector<16x128xf32>
    %dot_general3A = arith.constant dense<0.000000e+00> : vector<16x128xf32>
    %dot_general3A_39 = tpu.matmul %convert_element_type3A_35, %add3A_13, %dot_general3A {dimension_numbers = #tpu.dot_dimension_numbers<[1], [0], [0], [1], [0, 0, 1, 1], [], []>, transpose_lhs_hint = false} : vector<16x640xf32>, vector<640x128xf32>, vector<16x128xf32> -> vector<16x128xf32>
    %add3A_40 = arith.addf %get3A_38, %dot_general3A_39 : vector<16x128xf32>
    %swap3A = arith.constant 0 : index
    %swap3A_41 = arith.constant 0 : index
    %swap3A_42 = vector.load %arg13[%swap3A, %swap3A_41] : memref<16x256xf32, #tpu.memory_space<vmem>>, vector<16x128xf32>
    tpu.vector_store %arg13[%swap3A, %swap3A_41], %add3A_40 {strides = array<i32>} : memref<16x256xf32, #tpu.memory_space<vmem>>, vector<16x128xf32>,
    %get3A_43 = arith.constant 0 : index
    %get3A_44 = arith.constant 128 : index
    %get3A_45 = vector.load %arg13[%get3A_43, %get3A_44] : memref<16x256xf32, #tpu.memory_space<vmem>>, vector<16x128xf32>
    %dot_general3A_46 = arith.constant dense<0.000000e+00> : vector<16x128xf32>
    %dot_general3A_47 = tpu.matmul %convert_element_type3A_35, %add3A_26, %dot_general3A_46 {dimension_numbers = #tpu.dot_dimension_numbers<[1], [0], [0], [1], [0, 0, 1, 1], [], []>, transpose_lhs_hint = false} : vector<16x640xf32>, vector<640x128xf32>, vector<16x128xf32> -> vector<16x128xf32>
    %add3A_48 = arith.addf %get3A_45, %dot_general3A_47 : vector<16x128xf32>
    %swap3A_49 = arith.constant 0 : index
    %swap3A_50 = arith.constant 128 : index
    %swap3A_51 = vector.load %arg13[%swap3A_49, %swap3A_50] : memref<16x256xf32, #tpu.memory_space<vmem>>, vector<16x128xf32>
    tpu.vector_store %arg13[%swap3A_49, %swap3A_50], %add3A_48 {strides = array<i32>} : memref<16x256xf32, #tpu.memory_space<vmem>>, vector<16x128xf32>,
    %get3A_52 = arith.constant 0 : index
    %get3A_53 = arith.constant 0 : index
    %get3A_54 = vector.load %arg14[%get3A_52, %get3A_53] : memref<16x128xf32, #tpu.memory_space<vmem>>, vector<16x128xf32>
    %reduce_sum3A = arith.constant dense<0.000000e+00> : vector<16xf32>
    %reduce_sum3A_55 = vector.multi_reduction <add>, %convert_element_type3A_35, %reduce_sum3A [1] : vector<16x640xf32> to vector<16xf32>
    %broadcast_in_dim3A_56 = vector.shape_cast %reduce_sum3A_55 : vector<16xf32> to vector<16x1xf32>
    %add3A_57 = vector.broadcast %broadcast_in_dim3A_56 : vector<16x1xf32> to vector<16x128xf32>
    %add3A_58 = arith.addf %get3A_54, %add3A_57 : vector<16x128xf32>
    %swap3A_59 = arith.constant 0 : index
    %swap3A_60 = arith.constant 0 : index
    %swap3A_61 = vector.load %arg14[%swap3A_59, %swap3A_60] : memref<16x128xf32, #tpu.memory_space<vmem>>, vector<16x128xf32>
    tpu.vector_store %arg14[%swap3A_59, %swap3A_60], %add3A_58 {strides = array<i32>} : memref<16x128xf32, #tpu.memory_space<vmem>>, vector<16x128xf32>,
    %get3A_62 = arith.constant 0 : index
    %get3A_63 = arith.constant 0 : index
    %get3A_64 = vector.load %arg5[%get3A_62, %get3A_63] : memref<640x128xf32, #tpu.memory_space<vmem>>, vector<640x128xf32>
    %get3A_65 = arith.constant 0 : index
    %get3A_66 = arith.constant 0 : index
    %get3A_67 = arith.constant 0 : index
    %get3A_68 = vector.load %arg4[%get3A_65, %get3A_66, %get3A_67] : memref<2x640x128xf32, #tpu.memory_space<vmem>>, vector<1x640x128xf32>
    %get3A_69 = vector.shape_cast %get3A_68 : vector<1x640x128xf32> to vector<640x128xf32>
    %mul3A_70 = arith.mulf %get3A_64, %get3A_69 : vector<640x128xf32>
    %get3A_71 = arith.constant 0 : index
    %get3A_72 = arith.constant 0 : index
    %get3A_73 = vector.load %arg7[%get3A_71, %get3A_72] : memref<1x256xf32, #tpu.memory_space<vmem>>, vector<1x128xf32>
    %get3A_74 = vector.shape_cast %get3A_73 : vector<1x128xf32> to vector<128xf32>
    %broadcast_in_dim3A_75 = vector.shape_cast %get3A_74 : vector<128xf32> to vector<1x128xf32>
    %add3A_76 = vector.broadcast %broadcast_in_dim3A_75 : vector<1x128xf32> to vector<640x128xf32>
    %add3A_77 = arith.addf %mul3A_70, %add3A_76 : vector<640x128xf32>
    %get3A_78 = arith.constant 1 : index
    %get3A_79 = arith.constant 0 : index
    %get3A_80 = arith.constant 0 : index
    %get3A_81 = vector.load %arg4[%get3A_78, %get3A_79, %get3A_80] : memref<2x640x128xf32, #tpu.memory_space<vmem>>, vector<1x640x128xf32>
    %get3A_82 = vector.shape_cast %get3A_81 : vector<1x640x128xf32> to vector<640x128xf32>
    %mul3A_83 = arith.mulf %get3A_64, %get3A_82 : vector<640x128xf32>
    %get3A_84 = arith.constant 0 : index
    %get3A_85 = arith.constant 128 : index
    %get3A_86 = vector.load %arg7[%get3A_84, %get3A_85] : memref<1x256xf32, #tpu.memory_space<vmem>>, vector<1x128xf32>
    %get3A_87 = vector.shape_cast %get3A_86 : vector<1x128xf32> to vector<128xf32>
    %broadcast_in_dim3A_88 = vector.shape_cast %get3A_87 : vector<128xf32> to vector<1x128xf32>
    %add3A_89 = vector.broadcast %broadcast_in_dim3A_88 : vector<1x128xf32> to vector<640x128xf32>
    %add3A_90 = arith.addf %mul3A_83, %add3A_89 : vector<640x128xf32>
    %get3A_91 = arith.constant 0 : index
    %get3A_92 = arith.constant 0 : index
    %get3A_93 = arith.constant 0 : index
    %get3A_94 = vector.load %arg6[%get3A_91, %get3A_92, %get3A_93] : memref<1x1x640xi32, #tpu.memory_space<vmem>>, vector<1x1x640xi32>
    %get3A_95 = vector.shape_cast %get3A_94 : vector<1x1x640xi32> to vector<1x640xi32>
    %iota3A_96 = tpu.iota {dimensions = array<i32: 0>} : vector<16x640xi32>
    %eq3A_97 = vector.broadcast %get3A_95 : vector<1x640xi32> to vector<16x640xi32>
    %eq3A_98 = arith.cmpi eq, %iota3A_96, %eq3A_97 : vector<16x640xi32>
    %convert_element_type3A_99 = arith.extui %eq3A_98 : vector<16x640xi1> to vector<16x640xi32>
    %convert_element_type3A_100 = arith.sitofp %convert_element_type3A_99 : vector<16x640xi32> to vector<16x640xf32>
    %get3A_101 = arith.constant 0 : index
    %get3A_102 = arith.constant 0 : index
    %get3A_103 = vector.load %arg15[%get3A_101, %get3A_102] : memref<16x256xf32, #tpu.memory_space<vmem>>, vector<16x128xf32>
    %dot_general3A_104 = arith.constant dense<0.000000e+00> : vector<16x128xf32>
    %dot_general3A_105 = tpu.matmul %convert_element_type3A_100, %add3A_77, %dot_general3A_104 {dimension_numbers = #tpu.dot_dimension_numbers<[1], [0], [0], [1], [0, 0, 1, 1], [], []>, transpose_lhs_hint = false} : vector<16x640xf32>, vector<640x128xf32>, vector<16x128xf32> -> vector<16x128xf32>
    %add3A_106 = arith.addf %get3A_103, %dot_general3A_105 : vector<16x128xf32>
    %swap3A_107 = arith.constant 0 : index
    %swap3A_108 = arith.constant 0 : index
    %swap3A_109 = vector.load %arg15[%swap3A_107, %swap3A_108] : memref<16x256xf32, #tpu.memory_space<vmem>>, vector<16x128xf32>
    tpu.vector_store %arg15[%swap3A_107, %swap3A_108], %add3A_106 {strides = array<i32>} : memref<16x256xf32, #tpu.memory_space<vmem>>, vector<16x128xf32>,
    %get3A_110 = arith.constant 0 : index
    %get3A_111 = arith.constant 128 : index
    %get3A_112 = vector.load %arg15[%get3A_110, %get3A_111] : memref<16x256xf32, #tpu.memory_space<vmem>>, vector<16x128xf32>
    %dot_general3A_113 = arith.constant dense<0.000000e+00> : vector<16x128xf32>
    %dot_general3A_114 = tpu.matmul %convert_element_type3A_100, %add3A_90, %dot_general3A_113 {dimension_numbers = #tpu.dot_dimension_numbers<[1], [0], [0], [1], [0, 0, 1, 1], [], []>, transpose_lhs_hint = false} : vector<16x640xf32>, vector<640x128xf32>, vector<16x128xf32> -> vector<16x128xf32>
    %add3A_115 = arith.addf %get3A_112, %dot_general3A_114 : vector<16x128xf32>
    %swap3A_116 = arith.constant 0 : index
    %swap3A_117 = arith.constant 128 : index
    %swap3A_118 = vector.load %arg15[%swap3A_116, %swap3A_117] : memref<16x256xf32, #tpu.memory_space<vmem>>, vector<16x128xf32>
    tpu.vector_store %arg15[%swap3A_116, %swap3A_117], %add3A_115 {strides = array<i32>} : memref<16x256xf32, #tpu.memory_space<vmem>>, vector<16x128xf32>,
    %get3A_119 = arith.constant 0 : index
    %get3A_120 = arith.constant 0 : index
    %get3A_121 = vector.load %arg16[%get3A_119, %get3A_120] : memref<16x128xf32, #tpu.memory_space<vmem>>, vector<16x128xf32>
    %reduce_sum3A_122 = arith.constant dense<0.000000e+00> : vector<16xf32>
    %reduce_sum3A_123 = vector.multi_reduction <add>, %convert_element_type3A_100, %reduce_sum3A_122 [1] : vector<16x640xf32> to vector<16xf32>
    %broadcast_in_dim3A_124 = vector.shape_cast %reduce_sum3A_123 : vector<16xf32> to vector<16x1xf32>
    %add3A_125 = vector.broadcast %broadcast_in_dim3A_124 : vector<16x1xf32> to vector<16x128xf32>
    %add3A_126 = arith.addf %get3A_121, %add3A_125 : vector<16x128xf32>
    %swap3A_127 = arith.constant 0 : index
    %swap3A_128 = arith.constant 0 : index
    %swap3A_129 = vector.load %arg16[%swap3A_127, %swap3A_128] : memref<16x128xf32, #tpu.memory_space<vmem>>, vector<16x128xf32>
    tpu.vector_store %arg16[%swap3A_127, %swap3A_128], %add3A_126 {strides = array<i32>} : memref<16x128xf32, #tpu.memory_space<vmem>>, vector<16x128xf32>,
    %eq3A_130 = arith.constant 15 : i32
    %eq3A_131 = arith.cmpi eq, %arg0, %eq3A_130 : i32
    %convert_element_type3A_132 = arith.extui %eq3A_131 : i1 to i32
    %cond3A_133 = arith.constant 0 : i32
    %cond3A_134 = arith.cmpi ne, %convert_element_type3A_132, %cond3A_133 : i32
    scf.if %cond3A_134 {
      %get3A_135 = arith.constant 0 : index
      %get3A_136 = arith.constant 0 : index
      %get3A_137 = vector.load %arg13[%get3A_135, %get3A_136] : memref<16x256xf32, #tpu.memory_space<vmem>>, vector<16x256xf32>
      %get3A_138 = arith.constant 0 : index
      %get3A_139 = arith.constant 0 : index
      %get3A_140 = vector.load %arg14[%get3A_138, %get3A_139] : memref<16x128xf32, #tpu.memory_space<vmem>>, vector<16x1xf32>
      %max3A = arith.constant 1.000000e+00 : f32
      %max3A_141 = vector.broadcast %max3A : f32 to vector<16x1xf32>
      %max3A_142 = arith.maximumf %get3A_140, %max3A_141 : vector<16x1xf32>
      %div3A = vector.broadcast %max3A_142 : vector<16x1xf32> to vector<16x256xf32>
      %div3A_143 = arith.divf %get3A_137, %div3A : vector<16x256xf32>
      %get3A_144 = arith.constant 0 : index
      %get3A_145 = arith.constant 0 : index
      %get3A_146 = vector.load %arg15[%get3A_144, %get3A_145] : memref<16x256xf32, #tpu.memory_space<vmem>>, vector<16x256xf32>
      %get3A_147 = arith.constant 0 : index
      %get3A_148 = arith.constant 0 : index
      %get3A_149 = vector.load %arg16[%get3A_147, %get3A_148] : memref<16x128xf32, #tpu.memory_space<vmem>>, vector<16x1xf32>
      %max3A_150 = arith.constant 1.000000e+00 : f32
      %max3A_151 = vector.broadcast %max3A_150 : f32 to vector<16x1xf32>
      %max3A_152 = arith.maximumf %get3A_149, %max3A_151 : vector<16x1xf32>
      %div3A_153 = vector.broadcast %max3A_152 : vector<16x1xf32> to vector<16x256xf32>
      %div3A_154 = arith.divf %get3A_146, %div3A_153 : vector<16x256xf32>
      %get3A_155 = arith.constant 0 : index
      %get3A_156 = arith.constant 0 : index
      %get3A_157 = vector.load %arg8[%get3A_155, %get3A_156] : memref<256x128xf32, #tpu.memory_space<vmem>>, vector<256x128xf32>
      %dot_general3A_158 = arith.constant dense<0.000000e+00> : vector<16x128xf32>
      %dot_general3A_159 = tpu.matmul %div3A_143, %get3A_157, %dot_general3A_158 {dimension_numbers = #tpu.dot_dimension_numbers<[1], [0], [0], [1], [0, 0, 1, 1], [], []>, transpose_lhs_hint = false} : vector<16x256xf32>, vector<256x128xf32>, vector<16x128xf32> -> vector<16x128xf32>
      %get3A_160 = arith.constant 0 : index
      %get3A_161 = arith.constant 0 : index
      %get3A_162 = vector.load %arg9[%get3A_160, %get3A_161] : memref<1x128xf32, #tpu.memory_space<vmem>>, vector<1x128xf32>
      %get3A_163 = vector.shape_cast %get3A_162 : vector<1x128xf32> to vector<128xf32>
      %broadcast_in_dim3A_164 = vector.shape_cast %get3A_163 : vector<128xf32> to vector<1x128xf32>
      %add3A_165 = vector.broadcast %broadcast_in_dim3A_164 : vector<1x128xf32> to vector<16x128xf32>
      %add3A_166 = arith.addf %dot_general3A_159, %add3A_165 : vector<16x128xf32>
      %get3A_167 = arith.constant 0 : index
      %get3A_168 = arith.constant 0 : index
      %get3A_169 = vector.load %arg8[%get3A_167, %get3A_168] : memref<256x128xf32, #tpu.memory_space<vmem>>, vector<256x128xf32>
      %dot_general3A_170 = arith.constant dense<0.000000e+00> : vector<16x128xf32>
      %dot_general3A_171 = tpu.matmul %div3A_154, %get3A_169, %dot_general3A_170 {dimension_numbers = #tpu.dot_dimension_numbers<[1], [0], [0], [1], [0, 0, 1, 1], [], []>, transpose_lhs_hint = false} : vector<16x256xf32>, vector<256x128xf32>, vector<16x128xf32> -> vector<16x128xf32>
      %get3A_172 = arith.constant 0 : index
      %get3A_173 = arith.constant 0 : index
      %get3A_174 = vector.load %arg9[%get3A_172, %get3A_173] : memref<1x128xf32, #tpu.memory_space<vmem>>, vector<1x128xf32>
      %get3A_175 = vector.shape_cast %get3A_174 : vector<1x128xf32> to vector<128xf32>
      %broadcast_in_dim3A_176 = vector.shape_cast %get3A_175 : vector<128xf32> to vector<1x128xf32>
      %add3A_177 = vector.broadcast %broadcast_in_dim3A_176 : vector<1x128xf32> to vector<16x128xf32>
      %add3A_178 = arith.addf %dot_general3A_171, %add3A_177 : vector<16x128xf32>
      %get3A_179 = arith.constant 0 : index
      %get3A_180 = arith.constant 0 : index
      %get3A_181 = arith.constant 0 : index
      %get3A_182 = vector.load %arg10[%get3A_179, %get3A_180, %get3A_181] : memref<2x128x1xf32, #tpu.memory_space<vmem>>, vector<1x128x1xf32>
      %get3A_183 = vector.shape_cast %get3A_182 : vector<1x128x1xf32> to vector<128x1xf32>
      %dot_general3A_184 = arith.constant dense<0.000000e+00> : vector<16x1xf32>
      %dot_general3A_185 = tpu.matmul %add3A_166, %get3A_183, %dot_general3A_184 {dimension_numbers = #tpu.dot_dimension_numbers<[1], [0], [0], [1], [0, 0, 1, 1], [], []>, transpose_lhs_hint = false} : vector<16x128xf32>, vector<128x1xf32>, vector<16x1xf32> -> vector<16x1xf32>
      %get3A_186 = arith.constant 1 : index
      %get3A_187 = arith.constant 0 : index
      %get3A_188 = arith.constant 0 : index
      %get3A_189 = vector.load %arg10[%get3A_186, %get3A_187, %get3A_188] : memref<2x128x1xf32, #tpu.memory_space<vmem>>, vector<1x128x1xf32>
      %get3A_190 = vector.shape_cast %get3A_189 : vector<1x128x1xf32> to vector<128x1xf32>
      %dot_general3A_191 = arith.constant dense<0.000000e+00> : vector<16x1xf32>
      %dot_general3A_192 = tpu.matmul %add3A_178, %get3A_190, %dot_general3A_191 {dimension_numbers = #tpu.dot_dimension_numbers<[1], [0], [0], [1], [0, 0, 1, 1], [], []>, transpose_lhs_hint = false} : vector<16x128xf32>, vector<128x1xf32>, vector<16x1xf32> -> vector<16x1xf32>
      %add3A_193 = arith.addf %dot_general3A_185, %dot_general3A_192 : vector<16x1xf32>
      %get3A_194 = arith.constant 0 : index
      %get3A_195 = arith.constant 0 : index
      %get3A_196 = vector.load %arg11[%get3A_194, %get3A_195] : memref<1x1xf32, #tpu.memory_space<vmem>>, vector<1x1xf32>
      %get3A_197 = vector.shape_cast %get3A_196 : vector<1x1xf32> to vector<1xf32>
      %broadcast_in_dim3A_198 = vector.shape_cast %get3A_197 : vector<1xf32> to vector<1x1xf32>
      %add3A_199 = vector.broadcast %broadcast_in_dim3A_198 : vector<1x1xf32> to vector<16x1xf32>
      %add3A_200 = arith.addf %add3A_193, %add3A_199 : vector<16x1xf32>
      %swap3A_201 = arith.constant 0 : index
      %swap3A_202 = arith.constant 0 : index
      %swap3A_203 = vector.load %arg12[%swap3A_201, %swap3A_202] : memref<16x1xf32, #tpu.memory_space<vmem>>, vector<16x1xf32>
      tpu.vector_store %arg12[%swap3A_201, %swap3A_202], %add3A_200 {strides = array<i32>} : memref<16x1xf32, #tpu.memory_space<vmem>>, vector<16x1xf32>,
    } else {
    }
    return
  }
  func.func @transform_0(%arg0: i32) -> (i32, i32, i32) {
    %c0_i32 = arith.constant 0 : i32
    %c0_i32_0 = arith.constant 0 : i32
    %c0_i32_1 = arith.constant 0 : i32
    return %c0_i32, %arg0, %c0_i32_0 : i32, i32, i32
  }
  func.func @transform_1(%arg0: i32) -> (i32, i32) {
    %c0_i32 = arith.constant 0 : i32
    %c0_i32_0 = arith.constant 0 : i32
    return %arg0, %c0_i32 : i32, i32
  }
  func.func @transform_2(%arg0: i32) -> (i32, i32, i32) {
    %c0_i32 = arith.constant 0 : i32
    %c0_i32_0 = arith.constant 0 : i32
    %c0_i32_1 = arith.constant 0 : i32
    return %arg0, %c0_i32, %c0_i32_0 : i32, i32, i32
  }
  func.func @transform_3(%arg0: i32) -> (i32, i32, i32) {
    %c0_i32 = arith.constant 0 : i32
    %c0_i32_0 = arith.constant 0 : i32
    %c0_i32_1 = arith.constant 0 : i32
    return %c0_i32, %arg0, %c0_i32_0 : i32, i32, i32
  }
  func.func @transform_4(%arg0: i32) -> (i32, i32) {
    %c0_i32 = arith.constant 0 : i32
    %c0_i32_0 = arith.constant 0 : i32
    return %arg0, %c0_i32 : i32, i32
  }
  func.func @transform_5(%arg0: i32) -> (i32, i32, i32) {
    %c0_i32 = arith.constant 0 : i32
    %c0_i32_0 = arith.constant 0 : i32
    %c0_i32_1 = arith.constant 0 : i32
    return %arg0, %c0_i32, %c0_i32_0 : i32, i32, i32
  }
  func.func @transform_6(%arg0: i32) -> (i32, i32) {
    %c0_i32 = arith.constant 0 : i32
    %c0_i32_0 = arith.constant 0 : i32
    %c0_i32_1 = arith.constant 0 : i32
    return %c0_i32, %c0_i32_0 : i32, i32
  }
  func.func @transform_7(%arg0: i32) -> (i32, i32) {
    %c0_i32 = arith.constant 0 : i32
    %c0_i32_0 = arith.constant 0 : i32
    %c0_i32_1 = arith.constant 0 : i32
    return %c0_i32, %c0_i32_0 : i32, i32
  }
  func.func @transform_8(%arg0: i32) -> (i32, i32) {
    %c0_i32 = arith.constant 0 : i32
    %c0_i32_0 = arith.constant 0 : i32
    %c0_i32_1 = arith.constant 0 : i32
    return %c0_i32, %c0_i32_0 : i32, i32
  }
  func.func @transform_9(%arg0: i32) -> (i32, i32, i32) {
    %c0_i32 = arith.constant 0 : i32
    %c0_i32_0 = arith.constant 0 : i32
    %c0_i32_1 = arith.constant 0 : i32
    %c0_i32_2 = arith.constant 0 : i32
    return %c0_i32, %c0_i32_0, %c0_i32_1 : i32, i32, i32
  }
  func.func @transform_10(%arg0: i32) -> (i32, i32) {
    %c0_i32 = arith.constant 0 : i32
    %c0_i32_0 = arith.constant 0 : i32
    %c0_i32_1 = arith.constant 0 : i32
    return %c0_i32, %c0_i32_0 : i32, i32
  }
  func.func @transform_11(%arg0: i32) -> (i32, i32) {
    %c0_i32 = arith.constant 0 : i32
    %c0_i32_0 = arith.constant 0 : i32
    %c0_i32_1 = arith.constant 0 : i32
    return %c0_i32, %c0_i32_0 : i32, i32
  }
}

</mosaic_0001>

<sc_bundles>
// kernel: kernel.16.cloned.1.call-start
scs
__scs_entry_jumppad:
0x0: {  	(pc) =	sbr.rel $0x88, $3  }
0x1: {  	(tag) =	ssettag $0x0;
	lr =	simm.s32 $0x1  }
0x2: {  	[smem:$0x3F91] =	sst lr;
	_ =	strace $0xD0000000  }
0x3: {  	_ = 	snop  }
0x4: {  	_ = 	snop  }
0x5: {  	_ = 	snop  }
0x6: {  	_ = 	snop  }
0x7: {  	_ = 	snop  }
__scs_overlays_trampoline_lowered:
0x8: {  	[smem:$0x3FA0] =	sst s0  }
0x9: {  	[smem:$0x3FA1] =	sst s1  }
0xa: {  	[smem:$0x3FA2] =	sst s2  }
0xb: {  	[smem:$0x3FA3] =	sst s3  }
0xc: {  	[smem:$0x3FA4] =	sst s4  }
0xd: {  	[smem:$0x3FA5] =	sst s5  }
0xe: {  	[smem:$0x3FA6] =	sst s6  }
0xf: {  	[smem:$0x3FA7] =	sst s7  }
0x10: {  	[smem:$0x3FA8] =	sst s8  }
0x11: {  	[smem:$0x3FA9] =	sst s9;
	s0 =	simm.s32 @!p0 $0x0  }
0x12: {  	s1 =	sld [smem:$0x3F8F];
	s0 =	simm.s32 @p0 $0x1  }
0x13: {  	[smem:$0x3FAA] =	sst s0;
	s0 =	simm.s32 @!p1 $0x0  }
0x14: {  	s2 =	sld [smem:$0x3F8E];
	s0 =	simm.s32 @p1 $0x1  }
0x15: {  	[smem:$0x3FAB] =	sst s0;
	s0 =	simm.s32 @!p2 $0x0  }
0x16: {  	s3 =	sld [smem:$0x3FDB];
	s0 =	simm.s32 @p2 $0x1  }
0x17: {  	s4 =	simm.s32 $0x1BF5;
	[smem:$0x3FAD] =	sst s0  }
0x18: {  	s0 =	sld [smem:$0x3F90];
	_ =	swait.ge [sflag:s4], $0x0  }
0x19: {  	s7 =	sld [smem:$0x3F91]  }
0x1a: {  	s8 =	sadd.s32 $0xFFFFE003, lr  }
0x1b: {  	s9 =	sadd.s32 $0xFFFFFEF7, lr;
	s5 =	simm.s32 $0xFFFFFFFF;
	p2 =	slt.u32 s8, $0xFFFFF086  }
0x1c: {  	p1 =	slt.u32 s9, $0xF7A;
	s5 =	simm.s32 @!p2 $0x0  }
0x1d: {  	s5 =	simm.s32 @p1 $0x1;
	p0 =	seq.s32 s7, s2  }
0x1e: {  	s7 =	smul.u32 @!p0 $0xF7A, s2;
	p2 =	seq.s32 @!p0 s5, $0x0  }
0x1f: {  	s9 =	smul.u32 $0xF7A, s1;
	s8 =	simm.s32 @!p0 $0x1BF5;
	p2 =	por !p2, p0  }
0x20: {  	[sflag:s8] =	ssyncset.s32 @!p0 $0xFFFFF086;
	s6 =	sadd.s32 @!p0 s3, s7;
	s7 =	simm.s32 @!p0 $0x108  }
0x21: {  	s3 =	sadd.s32 s3, s9;
	s6 =	sadd.s32 @!p0 $0x88, s6;
	s7 =	simm.s32 @p2 $0x1082  }
0x22: {  	[simem:s7], [sflag:s8] =	dma.local @!p0 [hbm:s6], $0xF7A  }
0x23: {  	s9 =	sor.u32 $0xD0000000, s2;
	s6 =	simm.s32 $0x108;
	_ =	swait.ge @!p0 [sflag:s8], $0x0  }
0x24: {  	s3 =	sadd.s32 $0x88, s3;
	s6 =	simm.s32 @!p1 $0x1082;
	[sflag:s4] =	ssyncset.s32 $0xFFFFF086  }
0x25: {  	[simem:s6], [sflag:s4] =	dma.local [hbm:s3], $0xF7A  }
0x26: {  	[smem:$0x3F91] =	sst s1;
	(tag) =	ssettag s2;
	_ =	strace s9  }
0x27: {  	s1 =	sld [smem:$0x3FA1]  }
0x28: {  	s2 =	sld [smem:$0x3FA2]  }
0x29: {  	s4 =	sld [smem:$0x3FA4]  }
0x2a: {  	p0 =	seq.s32 s5, $0x0;
	s5 =	sld [smem:$0x3FA5]  }
0x2b: {  	s6 =	sld [smem:$0x3FA6]  }
0x2c: {  	s7 =	sld [smem:$0x3FA7]  }
0x2d: {  	s3 =	simm.s32 $0x108;
	s8 =	sld [smem:$0x3FA8]  }
0x2e: {  	s3 =	simm.s32 @!p0 $0x1082;
	s9 =	sld [smem:$0x3FA9]  }
0x2f: {  	lr =	sadd.s32 s0, s3;
	s0 =	sld [smem:$0x3FA0]  }
0x30: {  	s3 =	sld [smem:$0x3FA3]  }
0x31: {  	[smem:$0x3FAC] =	sst s10  }
0x32: {  	s10 =	sld [smem:$0x3FAA];
	_ =	sdelay $0x3  }
0x33: {  	p0 =	seq.s32 s10, $0x1;
	s10 =	sld [smem:$0x3FAC];
	_ =	sdelay $0x3  }
0x34: {  	[smem:$0x3FAC] =	sst s10  }
0x35: {  	s10 =	sld [smem:$0x3FAB];
	_ =	sdelay $0x3  }
0x36: {  	p1 =	seq.s32 s10, $0x1;
	s10 =	sld [smem:$0x3FAC];
	_ =	sdelay $0x3  }
0x37: {  	[smem:$0x3FAC] =	sst s10  }
0x38: {  	s10 =	sld [smem:$0x3FAD]  }
0x39: {  	_ = 	snop;
	(pc) =	sbr.ind lr, $3  }
0x3a: {  	_ = 	snop  }
0x3b: {  	_ = 	snop  }
0x3c: {  	p2 =	seq.s32 s10, $0x1;
	s10 =	sld [smem:$0x3FAC]  }
0x3d: {  	_ =	shalt  }
0x3e: {  	_ =	shalt  }
0x3f: {  	_ =	shalt  }
0x40: {  	_ =	shalt  }
0x41: {  	_ =	shalt  }
0x42: {  	_ =	shalt  }
0x43: {  	_ =	shalt  }
0x44: {  	_ =	shalt  }
0x45: {  	_ =	shalt  }
0x46: {  	_ =	shalt  }
0x47: {  	_ =	shalt  }
0x48: {  	_ =	shalt  }
0x49: {  	_ =	shalt  }
0x4a: {  	_ =	shalt  }
0x4b: {  	_ =	shalt  }
0x4c: {  	_ =	shalt  }
0x4d: {  	_ =	shalt  }
0x4e: {  	_ =	shalt  }
0x4f: {  	_ =	shalt  }
0x50: {  	_ =	shalt  }
0x51: {  	_ =	shalt  }
0x52: {  	_ =	shalt  }
0x53: {  	_ =	shalt  }
0x54: {  	_ =	shalt  }
0x55: {  	_ =	shalt  }
0x56: {  	_ =	shalt  }
0x57: {  	_ =	shalt  }
0x58: {  	_ =	shalt  }
0x59: {  	_ =	shalt  }
0x5a: {  	_ =	shalt  }
0x5b: {  	_ =	shalt  }
0x5c: {  	_ =	shalt  }
0x5d: {  	_ =	shalt  }
0x5e: {  	_ =	shalt  }
0x5f: {  	_ =	shalt  }
0x60: {  	_ =	shalt  }
0x61: {  	_ =	shalt  }
0x62: {  	_ =	shalt  }
0x63: {  	_ =	shalt  }
0x64: {  	_ =	shalt  }
0x65: {  	_ =	shalt  }
0x66: {  	_ =	shalt  }
0x67: {  	_ =	shalt  }
0x68: {  	_ =	shalt  }
0x69: {  	_ =	shalt  }
0x6a: {  	_ =	shalt  }
0x6b: {  	_ =	shalt  }
0x6c: {  	_ =	shalt  }
0x6d: {  	_ =	shalt  }
0x6e: {  	_ =	shalt  }
0x6f: {  	_ =	shalt  }
0x70: {  	_ =	shalt  }
0x71: {  	_ =	shalt  }
0x72: {  	_ =	shalt  }
0x73: {  	_ =	shalt  }
0x74: {  	_ =	shalt  }
0x75: {  	_ =	shalt  }
0x76: {  	_ =	shalt  }
0x77: {  	_ =	shalt  }
0x78: {  	_ =	shalt  }
0x79: {  	_ =	shalt  }
0x7a: {  	_ =	shalt  }
0x7b: {  	_ =	shalt  }
0x7c: {  	_ =	shalt  }
0x7d: {  	_ =	shalt  }
0x7e: {  	_ =	shalt  }
0x7f: {  	_ =	shalt  }
0x80: {  	_ =	shalt  }
0x81: {  	_ =	shalt  }
0x82: {  	_ =	shalt  }
0x83: {  	_ =	shalt  }
0x84: {  	_ =	shalt  }
0x85: {  	_ =	shalt  }
0x86: {  	_ =	shalt  }
0x87: {  	_ =	shalt  }
.Lfunc_end0:
.L_simem_size_0:
called_computation_lowered:
.L_overlay_start_0:
0x88: {  	s2 =	sld [smem:$0x3FD9]  }
0x89: {  	s3 =	sld [smem:$0x3FFE];
	_ =	sdelay $0x1  }
0x8a: {  	s1 =	srdreg.scid  }
0x8b: {  	s0 =	sand.u32 $0x1, s1  }
0x8c: {  	s16 =	sshll.u32 s0, $0xA;
	s2 =	sadd.s32 s3, s2  }
0x8d: {  	s2 =	sadd.s32 s2, s16  }
0x8e: {  	[smem:$0x3FB8] =	sst s2  }
0x8f: {  	_ = 	snop  }
0x90: {  	(tm) =	ssettm $0x1  }
0x91: {  	s17 =	sld [smem:$0x3FFB];
	_ =	sdelay $0x3  }
0x92: {  	_ =	strace s17  }
0x93: {  	s2 =	sld [smem:$0x3FFC];
	_ =	sdelay $0x3  }
0x94: {  	_ =	strace s2  }
0x95: {  	s2 =	sld [smem:$0x3FFD];
	_ =	sdelay $0x3  }
0x96: {  	_ =	strace s2  }
0x97: {  	_ =	strace $0x8FFFFFFF  }
0x98: {  	s18 =	sld [smem:$0x3FDB];
	_ =	sdelay $0x1  }
0x99: {  	s19 =	simm.s32 $_scs_section_size  }
0x9a: {  	s4 =	simm.s32 $_size__tile_overlayer_lowered;
	s5 =	simm.s32 $_tile_overlayer_lowered  }
0x9b: {  	s22 =	simm.s32 $0x1BFF;
	s21 =	sshll.u32 s5, $0x1;
	s2 =	sadd.s32 s19, s18  }
0x9c: {  	s6 =	simm.s32 $0x0;
	s20 =	sshll.u32 s4, $0x1;
	s4 =	sadd.s32 s21, s2  }
0x9d: {  	[timem:s6], [sflag:s22] =	dma.local [hbm:s4], s20  }
0x9e: {  	_ =	swait.ge [sflag:s22], s20  }
0x9f: {  	s3 =	ssub.s32 $0x0, s20;
	[sflag:s22] =	ssyncset.done $0x0  }
0xa0: {  	[sflag:s22] =	ssyncadd.s32 s3;
	_ =	sdelay $0x1  }
0xa1: {  	s23 =	simm.s32 $0x1B8B  }
0xa2: {  	_ =	swait.ge [sflag:s23], $0x1  }
0xa3: {  	[sflag:s23] =	ssyncset.done $0x0  }
0xa4: {  	s25 =	simm.s32 $0x1B8E;
	s24 =	sld [smem:$0x3FFE];
	[sflag:s23] =	ssyncadd.s32 $0xFFFFFFFF  }
0xa5: {  	s26 =	simm.s32 $execute0_lowered;
	[smem:$0x3FD2] =	sst s25  }
0xa6: {  	s4 =	sshll.u32 s26, $0x1;
	_ =	strace $0x80000046;
	[dreg:$0x1] =	wrdreg $0xFFFFFFFF  }
0xa7: {  	s28 =	simm.s32 $_size_execute0_lowered;
	s2 =	sadd.s32 s2, s4;
	[dreg:$0x0] =	wrdreg $0x0  }
0xa8: {  	s4 =	sshll.u32 s28, $0x1;
	[dreg:$0x2] =	wrdreg s2  }
0xa9: {  	[dreg:$0x3] =	wrdreg s4  }
0xaa: {  	[dreg:$0x4] =	wrdreg $0xC0  }
0xab: {  	_ =	task [dreg:s6], $0x5FFFF  }
0xac: {  	[dreg:$0x1] =	wrdreg $0xFFFFFFFF  }
0xad: {  	[dreg:$0x0] =	wrdreg $0x60  }
0xae: {  	[dreg:$0x2] =	wrdreg s24  }
0xaf: {  	[dreg:$0x3] =	wrdreg $0x43000  }
0xb0: {  	[dreg:$0x4] =	wrdreg $0x9  }
0xb1: {  	_ =	task.clear_ibuf [dreg:s6], $0x5FFFF;
	_ =	strace $0x90000046  }
0xb2: {  	s29 =	simm.s32 $0x9;
	_ =	strace $0x80000048  }
0xb3: {  	_ =	swait.ge [sflag:s29], $0x1  }
0xb4: {  	[sflag:s29] =	ssyncadd.s32 $0xFFFFFFFF  }
0xb5: {  	_ =	strace $0x90000048  }
0xb6: {  	_ =	sfence  }
0xb7: {  	s30 =	sld [smem:$0x0];
	_ =	sdelay $0x2  }
0xb8: {  	s31 =	sshll.u32 s1, $0xD;
	s1 =	sshrl.u32 s1, $0x2  }
0xb9: {  	s3 =	sand.u32 $0x4000, s31;
	s1 =	sadd.s32 s1, s30  }
0xba: {  	s0 =	sor.u32 s3, s0;
	s1 =	sshll.u32 s1, $0x11  }
0xbb: {  	s0 =	sor.u32 s1, s0  }
0xbc: {  	s0 =	sadd.s32 $0x8F2B, s0  }
0xbd: {  	[sflag:s0] =	ssyncadd.remote.s32 $0x1  }
0xbe: {  	_ =	sfence.sel $0xFFFF  }
0xbf: {  	[dreg:$0x0] =	wrdreg $0xFFFFFFFF;
	(pc) =	sbr.abs _section_cstart, $3  }
0xc0: {  	[dreg:$0x1] =	wrdreg $0xFFFFFFFF  }
0xc1: {  	_ =	task.clear_ibuf [dreg:s6], $0x2FFFF;
	_ =	strace $0x9FFFFFFF  }
0xc2: {  	(tm) =	ssettm $0x7FFFFFFF  }
0xc3: {  	_ =	shalt  }
tec
execute0_lowered:
.L_overlay_start_1:
0x0: {  	(tag) =	ssettag $0x1  }
0x1: {  	s4 =	rddreg [dreg:$0x0]  }
0x2: {  	s2 =	rddreg [dreg:$0x1]  }
0x3: {  	s0 =	rddreg [dreg:$0x2];
	s1 =	stileid.u32  }
0x4: {  	s5 =	srdreg.scid;
	s3 =	simm.s32 $0x0;
	s10 =	simm.s32 $0x50  }
0x5: {  	s11 =	simm.s32 $0x4000;
	s14 =	simm.s32 $0x20;
	s15 =	simm.s32 $0x10  }
0x6: {  	s16 =	simm.s32 $0x0;
	s5 =	sand.u32 $0x1, s5;
	s6 =	smul.u32 $0x500, s1  }
0x7: {  	[smem:$0x7FF] =	sst s3;
	s8 =	sshll.u32 s1, $0xB;
	s29 =	smul.u32 $0xA00, s1  }
0x8: {  	s12 =	sshll.u32 s1, $0x6;
	s7 =	sshll.u32 s5, $0x7;
	_ =	strace $0x80000047  }
0x9: {  	s28 =	sadd.s32 s8, s4;
	s30 =	ssub.s32 $0x2, s5;
	s5 =	sshll.u32 s5, $0xF  }
0xa: {  	s12 =	sor.u32 $0x1C01, s12;
	s6 =	sor.u32 s7, s6;
	s9 =	sshrl.u32 s30, $0x1  }
0xb: {  	s8 =	sshrl.u32 s29, $0x2;
	s5 =	sadd.s32 s5, s28;
	s6 =	sshrl.u32 s6, $0x3  }
0xc: {  	s31 =	ssub.s32 s30, s9;
	s5 =	sadd.s32 $0x4C00, s5;
	s9 =	simm.s32 $0x1  }
0xd: {  	s6 =	sadd.s32 s6, s4;
	s4 =	sadd.s32 s8, s2;
	s7 =	smax.u32 s31, $0x1  }
0xe: {  	v0 =	vimm.f32 $0.0e+00;
	v1 =	vimm.f32 $1.000000000e+00;
	s8 =	simm.s32 $0x4080;
	s6 =	sadd.s32 $0x14C00, s6;
	s13 =	sshrl.u32 s4, $0x3  }
.LBB2_1:
0xf: {  	[tilespmem:$0x4080] =	vst v0  }
0x10: {  	[tilespmem:$0x4090] =	vst v0  }
0x11: {  	[tilespmem:$0x40A0] =	vst v0  }
0x12: {  	[tilespmem:$0x40B0] =	vst v0  }
0x13: {  	[tilespmem:$0x40C0] =	vst v0  }
0x14: {  	[tilespmem:$0x40D0] =	vst v0  }
0x15: {  	[tilespmem:$0x40E0] =	vst v0  }
0x16: {  	[tilespmem:$0x40F0] =	vst v0  }
0x17: {  	[tilespmem:$0x4100] =	vst v0  }
0x18: {  	[tilespmem:$0x4110] =	vst v0  }
0x19: {  	[tilespmem:$0x4120] =	vst v0  }
0x1a: {  	[tilespmem:$0x4130] =	vst v0  }
0x1b: {  	[tilespmem:$0x4140] =	vst v0  }
0x1c: {  	[tilespmem:$0x4150] =	vst v0  }
0x1d: {  	[tilespmem:$0x4160] =	vst v0  }
0x1e: {  	[tilespmem:$0x4170] =	vst v0  }
0x1f: {  	[tilespmem:$0x4180] =	vst v0  }
0x20: {  	[tilespmem:$0x4190] =	vst v0  }
0x21: {  	[tilespmem:$0x41A0] =	vst v0  }
0x22: {  	[tilespmem:$0x41B0] =	vst v0  }
0x23: {  	[tilespmem:$0x41C0] =	vst v0  }
0x24: {  	[tilespmem:$0x41D0] =	vst v0  }
0x25: {  	[tilespmem:$0x41E0] =	vst v0  }
0x26: {  	[tilespmem:$0x41F0] =	vst v0  }
0x27: {  	[tilespmem:$0x4200] =	vst v0  }
0x28: {  	[tilespmem:$0x4210] =	vst v0  }
0x29: {  	[tilespmem:$0x4220] =	vst v0  }
0x2a: {  	[tilespmem:$0x4230] =	vst v0  }
0x2b: {  	[tilespmem:$0x4240] =	vst v0  }
0x2c: {  	[tilespmem:$0x4250] =	vst v0  }
0x2d: {  	[tilespmem:$0x4260] =	vst v0  }
0x2e: {  	[tilespmem:$0x4270] =	vst v0  }
0x2f: {  	[tilespmem:$0x4280] =	vst v0  }
0x30: {  	[tilespmem:$0x4290] =	vst v0  }
0x31: {  	[tilespmem:$0x42A0] =	vst v0  }
0x32: {  	[tilespmem:$0x42B0] =	vst v0  }
0x33: {  	[tilespmem:$0x42C0] =	vst v0  }
0x34: {  	[tilespmem:$0x42D0] =	vst v0  }
0x35: {  	[tilespmem:$0x42E0] =	vst v0  }
0x36: {  	[tilespmem:$0x42F0] =	vst v0  }
0x37: {  	[tilespmem:$0x4000] =	vst v1  }
0x38: {  	[tilespmem:$0x4010] =	vst v1  }
0x39: {  	[tilespmem:$0x4020] =	vst v1  }
0x3a: {  	[tilespmem:$0x4030] =	vst v1  }
0x3b: {  	[tilespmem:$0x4040] =	vst v1  }
0x3c: {  	[spmem:s4] =	stream.linear.scatter [tilespmem:s8], [sflag:$0x1], $0x280, $0x38;
	[tilespmem:$0x4580] =	vst v63  }
0x3d: {  	_ =	swait.ge [sflag:s9], $0x280  }
0x3e: {  	[sflag:s9] =	ssyncset.done $0x0  }
0x3f: {  	[sflag:s9] =	ssyncadd.s32 $0xFFFFFD80  }
0x40: {  	[tilespmem:s3], [sflag:$0x1] =	stream.linear.gather [hbm4b:s5+s3], $0x3E80, $0x38;
	[tilespmem:$0x4580] =	vst v63  }
0x41: {  	_ =	swait.ge [sflag:s9], $0x3E80  }
0x42: {  	[sflag:s9] =	ssyncset.done $0x0  }
0x43: {  	[sflag:s9] =	ssyncadd.s32 $0xFFFFC180  }
0x44: {  	s17 =	simm.s32 $0x0;
	[bflag:$0x0] =	sbarrier.arrive $0xFFFF  }
0x45: {  	[spmem:s2] =	stream.indirect.scatter.add.f32 [tilespmem:s11], [sflag:$0x1], $0x1, s17, s10, $0xb8;
	[tilespmem:$0x4580] =	vst v63  }
0x46: {  	_ =	swait.ge [sflag:s9], $0x50  }
0x47: {  	s17 =	simm.s32 $0x200;
	[sflag:s9] =	ssyncset.done $0x0  }
.LBB2_2:
0x48: {  	s18 =	sshra.s32 s17, $0x2;
	[sflag:s9] =	ssyncadd.s32 $0xFFFFFFB0;
	p0 =	sne.s32 s17, $0xF800  }
0x49: {  	[spmem:s2] =	stream.indirect.scatter.add.f32 [tilespmem:s11], [sflag:$0x1], $0x1, s18, s10, $0xb8;
	[tilespmem:$0x4580] =	vst v63  }
.Ltmp0:
0x4a: {  	_ = 	snop;
	(pc) =	sbr.rel @p0 .LBB2_2-.Ltmp0, $4  }
0x4b: {  	_ = 	snop  }
0x4c: {  	s17 =	sadd.s32 $0x200, s17  }
0x4d: {  	_ =	swait.ge [sflag:s9], $0x50  }
0x4e: {  	[sflag:s9] =	ssyncset.done $0x0  }
0x4f: {  	s16 =	sadd.s32 $0x1, s16  }
0x50: {  	[sflag:s9] =	ssyncadd.s32 $0xFFFFFFB0;
	p0 =	sne.s32 s16, s7  }
.Ltmp1:
0x51: {  	[bflag:$0x0] =	sbarrier.arrive $0xFFFF;
	(pc) =	sbr.rel @p0 .LBB2_1-.Ltmp1, $4  }
0x52: {  	[hbm:s6@s14], [sflag:s12] =	dma.strided [spmem:s13@s15], $0x50, s9, $0x10   }
0x53: {  	_ =	swait.ge [sflag:s9], $0x50  }
0x54: {  	[sflag:s9] =	ssyncset.done $0x0  }
0x55: {  	[sflag:s9] =	ssyncadd.s32 $0xFFFFFFB0  }
0x56: {  	_ =	sfence.sel $0x180000  }
0x57: {  	[bflag:$0x0] =	sbarrier.arrive $0xFFFF  }
0x58: {  	p0 =	sne.s32 s1, $0x0;
	_ =	strace $0x90000047  }
0x59: {  	s0 =	sadd.s32 @!p0 $0x100000, s0;
	[bflag:$0x2] =	sbarrier.arrive $0xFFFF  }
0x5a: {  	[sflag:s0] =	ssyncadd.tile.s32 @!p0 $0x1;
	_ =	shalt  }
.Lfunc_end2:
_tile_overlayer_lowered:
.L_overlay_start_2:
0x5b: {  	(tag) =	ssettag $0x2  }
0x5c: {  	s0 =	rddreg [dreg:$0x0];
	s2 =	stileid.u32  }
0x5d: {  	s1 =	rddreg [dreg:$0x1];
	p0 =	sne.s32 s2, $0x0  }
0x5e: {  	s3 =	rddreg [dreg:$0x2];
	[bflag:$0x3] =	sbarrier.arrive $0xFFFF;
	s2 =	simm.s32 @!p0 $0x1C01  }
0x5f: {  	[timem:s3], [sflag:s2] =	dma.local @!p0 [hbm:s0], s1  }
0x60: {  	s0 =	simm.s32 @!p0 $0x1  }
0x61: {  	_ =	swait.ge @!p0 [sflag:s0], s1  }
0x62: {  	s1 =	ssub.s32 @!p0 $0x0, s1;
	[sflag:s0] =	ssyncset.done @!p0 $0x0  }
0x63: {  	[sflag:s0] =	ssyncadd.s32 @!p0 s1  }
0x64: {  	[bflag:$0x3] =	sbarrier.arrive $0xFFFF  }
0x65: {  	_ =	shalt  }

// kernel: kernel.19.cloned.1.call-start
scs
__scs_entry_jumppad:
0x0: {  	(pc) =	sbr.rel $0x88, $3  }
0x1: {  	(tag) =	ssettag $0x0;
	lr =	simm.s32 $0x1  }
0x2: {  	[smem:$0x3F91] =	sst lr;
	_ =	strace $0xD0000000  }
0x3: {  	_ = 	snop  }
0x4: {  	_ = 	snop  }
0x5: {  	_ = 	snop  }
0x6: {  	_ = 	snop  }
0x7: {  	_ = 	snop  }
__scs_overlays_trampoline_lowered:
0x8: {  	[smem:$0x3FA0] =	sst s0  }
0x9: {  	[smem:$0x3FA1] =	sst s1  }
0xa: {  	[smem:$0x3FA2] =	sst s2  }
0xb: {  	[smem:$0x3FA3] =	sst s3  }
0xc: {  	[smem:$0x3FA4] =	sst s4  }
0xd: {  	[smem:$0x3FA5] =	sst s5  }
0xe: {  	[smem:$0x3FA6] =	sst s6  }
0xf: {  	[smem:$0x3FA7] =	sst s7  }
0x10: {  	[smem:$0x3FA8] =	sst s8  }
0x11: {  	[smem:$0x3FA9] =	sst s9;
	s0 =	simm.s32 @!p0 $0x0  }
0x12: {  	s1 =	sld [smem:$0x3F8F];
	s0 =	simm.s32 @p0 $0x1  }
0x13: {  	[smem:$0x3FAA] =	sst s0;
	s0 =	simm.s32 @!p1 $0x0  }
0x14: {  	s2 =	sld [smem:$0x3F8E];
	s0 =	simm.s32 @p1 $0x1  }
0x15: {  	[smem:$0x3FAB] =	sst s0;
	s0 =	simm.s32 @!p2 $0x0  }
0x16: {  	s3 =	sld [smem:$0x3FDB];
	s0 =	simm.s32 @p2 $0x1  }
0x17: {  	s4 =	simm.s32 $0x1BF5;
	[smem:$0x3FAD] =	sst s0  }
0x18: {  	s0 =	sld [smem:$0x3F90];
	_ =	swait.ge [sflag:s4], $0x0  }
0x19: {  	s7 =	sld [smem:$0x3F91]  }
0x1a: {  	s8 =	sadd.s32 $0xFFFFE003, lr  }
0x1b: {  	s9 =	sadd.s32 $0xFFFFFEF7, lr;
	s5 =	simm.s32 $0xFFFFFFFF;
	p2 =	slt.u32 s8, $0xFFFFF086  }
0x1c: {  	p1 =	slt.u32 s9, $0xF7A;
	s5 =	simm.s32 @!p2 $0x0  }
0x1d: {  	s5 =	simm.s32 @p1 $0x1;
	p0 =	seq.s32 s7, s2  }
0x1e: {  	s7 =	smul.u32 @!p0 $0xF7A, s2;
	p2 =	seq.s32 @!p0 s5, $0x0  }
0x1f: {  	s9 =	smul.u32 $0xF7A, s1;
	s8 =	simm.s32 @!p0 $0x1BF5;
	p2 =	por !p2, p0  }
0x20: {  	[sflag:s8] =	ssyncset.s32 @!p0 $0xFFFFF086;
	s6 =	sadd.s32 @!p0 s3, s7;
	s7 =	simm.s32 @!p0 $0x108  }
0x21: {  	s3 =	sadd.s32 s3, s9;
	s6 =	sadd.s32 @!p0 $0x88, s6;
	s7 =	simm.s32 @p2 $0x1082  }
0x22: {  	[simem:s7], [sflag:s8] =	dma.local @!p0 [hbm:s6], $0xF7A  }
0x23: {  	s9 =	sor.u32 $0xD0000000, s2;
	s6 =	simm.s32 $0x108;
	_ =	swait.ge @!p0 [sflag:s8], $0x0  }
0x24: {  	s3 =	sadd.s32 $0x88, s3;
	s6 =	simm.s32 @!p1 $0x1082;
	[sflag:s4] =	ssyncset.s32 $0xFFFFF086  }
0x25: {  	[simem:s6], [sflag:s4] =	dma.local [hbm:s3], $0xF7A  }
0x26: {  	[smem:$0x3F91] =	sst s1;
	(tag) =	ssettag s2;
	_ =	strace s9  }
0x27: {  	s1 =	sld [smem:$0x3FA1]  }
0x28: {  	s2 =	sld [smem:$0x3FA2]  }
0x29: {  	s4 =	sld [smem:$0x3FA4]  }
0x2a: {  	p0 =	seq.s32 s5, $0x0;
	s5 =	sld [smem:$0x3FA5]  }
0x2b: {  	s6 =	sld [smem:$0x3FA6]  }
0x2c: {  	s7 =	sld [smem:$0x3FA7]  }
0x2d: {  	s3 =	simm.s32 $0x108;
	s8 =	sld [smem:$0x3FA8]  }
0x2e: {  	s3 =	simm.s32 @!p0 $0x1082;
	s9 =	sld [smem:$0x3FA9]  }
0x2f: {  	lr =	sadd.s32 s0, s3;
	s0 =	sld [smem:$0x3FA0]  }
0x30: {  	s3 =	sld [smem:$0x3FA3]  }
0x31: {  	[smem:$0x3FAC] =	sst s10  }
0x32: {  	s10 =	sld [smem:$0x3FAA];
	_ =	sdelay $0x3  }
0x33: {  	p0 =	seq.s32 s10, $0x1;
	s10 =	sld [smem:$0x3FAC];
	_ =	sdelay $0x3  }
0x34: {  	[smem:$0x3FAC] =	sst s10  }
0x35: {  	s10 =	sld [smem:$0x3FAB];
	_ =	sdelay $0x3  }
0x36: {  	p1 =	seq.s32 s10, $0x1;
	s10 =	sld [smem:$0x3FAC];
	_ =	sdelay $0x3  }
0x37: {  	[smem:$0x3FAC] =	sst s10  }
0x38: {  	s10 =	sld [smem:$0x3FAD]  }
0x39: {  	_ = 	snop;
	(pc) =	sbr.ind lr, $3  }
0x3a: {  	_ = 	snop  }
0x3b: {  	_ = 	snop  }
0x3c: {  	p2 =	seq.s32 s10, $0x1;
	s10 =	sld [smem:$0x3FAC]  }
0x3d: {  	_ =	shalt  }
0x3e: {  	_ =	shalt  }
0x3f: {  	_ =	shalt  }
0x40: {  	_ =	shalt  }
0x41: {  	_ =	shalt  }
0x42: {  	_ =	shalt  }
0x43: {  	_ =	shalt  }
0x44: {  	_ =	shalt  }
0x45: {  	_ =	shalt  }
0x46: {  	_ =	shalt  }
0x47: {  	_ =	shalt  }
0x48: {  	_ =	shalt  }
0x49: {  	_ =	shalt  }
0x4a: {  	_ =	shalt  }
0x4b: {  	_ =	shalt  }
0x4c: {  	_ =	shalt  }
0x4d: {  	_ =	shalt  }
0x4e: {  	_ =	shalt  }
0x4f: {  	_ =	shalt  }
0x50: {  	_ =	shalt  }
0x51: {  	_ =	shalt  }
0x52: {  	_ =	shalt  }
0x53: {  	_ =	shalt  }
0x54: {  	_ =	shalt  }
0x55: {  	_ =	shalt  }
0x56: {  	_ =	shalt  }
0x57: {  	_ =	shalt  }
0x58: {  	_ =	shalt  }
0x59: {  	_ =	shalt  }
0x5a: {  	_ =	shalt  }
0x5b: {  	_ =	shalt  }
0x5c: {  	_ =	shalt  }
0x5d: {  	_ =	shalt  }
0x5e: {  	_ =	shalt  }
0x5f: {  	_ =	shalt  }
0x60: {  	_ =	shalt  }
0x61: {  	_ =	shalt  }
0x62: {  	_ =	shalt  }
0x63: {  	_ =	shalt  }
0x64: {  	_ =	shalt  }
0x65: {  	_ =	shalt  }
0x66: {  	_ =	shalt  }
0x67: {  	_ =	shalt  }
0x68: {  	_ =	shalt  }
0x69: {  	_ =	shalt  }
0x6a: {  	_ =	shalt  }
0x6b: {  	_ =	shalt  }
0x6c: {  	_ =	shalt  }
0x6d: {  	_ =	shalt  }
0x6e: {  	_ =	shalt  }
0x6f: {  	_ =	shalt  }
0x70: {  	_ =	shalt  }
0x71: {  	_ =	shalt  }
0x72: {  	_ =	shalt  }
0x73: {  	_ =	shalt  }
0x74: {  	_ =	shalt  }
0x75: {  	_ =	shalt  }
0x76: {  	_ =	shalt  }
0x77: {  	_ =	shalt  }
0x78: {  	_ =	shalt  }
0x79: {  	_ =	shalt  }
0x7a: {  	_ =	shalt  }
0x7b: {  	_ =	shalt  }
0x7c: {  	_ =	shalt  }
0x7d: {  	_ =	shalt  }
0x7e: {  	_ =	shalt  }
0x7f: {  	_ =	shalt  }
0x80: {  	_ =	shalt  }
0x81: {  	_ =	shalt  }
0x82: {  	_ =	shalt  }
0x83: {  	_ =	shalt  }
0x84: {  	_ =	shalt  }
0x85: {  	_ =	shalt  }
0x86: {  	_ =	shalt  }
0x87: {  	_ =	shalt  }
.Lfunc_end0:
.L_simem_size_0:
called_computation.1_lowered:
.L_overlay_start_0:
0x88: {  	s2 =	sld [smem:$0x3FD9]  }
0x89: {  	s3 =	sld [smem:$0x3FFE];
	_ =	sdelay $0x1  }
0x8a: {  	s1 =	srdreg.scid  }
0x8b: {  	s0 =	sand.u32 $0x1, s1  }
0x8c: {  	s17 =	sshll.u32 s0, $0xA;
	s2 =	sadd.s32 s3, s2  }
0x8d: {  	s2 =	sadd.s32 s2, s17  }
0x8e: {  	[smem:$0x3FB8] =	sst s2  }
0x8f: {  	_ = 	snop  }
0x90: {  	(tm) =	ssettm $0x1  }
0x91: {  	s18 =	sld [smem:$0x3FFB];
	_ =	sdelay $0x3  }
0x92: {  	_ =	strace s18  }
0x93: {  	s2 =	sld [smem:$0x3FFC];
	_ =	sdelay $0x3  }
0x94: {  	_ =	strace s2  }
0x95: {  	s2 =	sld [smem:$0x3FFD];
	_ =	sdelay $0x3  }
0x96: {  	_ =	strace s2  }
0x97: {  	_ =	strace $0x8FFFFFFF  }
0x98: {  	s19 =	sld [smem:$0x3FDB];
	_ =	sdelay $0x1  }
0x99: {  	s20 =	simm.s32 $_scs_section_size  }
0x9a: {  	s4 =	simm.s32 $_size__tile_overlayer_lowered;
	s5 =	simm.s32 $_tile_overlayer_lowered  }
0x9b: {  	s6 =	simm.s32 $0x1BFF;
	s21 =	sshll.u32 s5, $0x1;
	s3 =	sadd.s32 s20, s19  }
0x9c: {  	s22 =	simm.s32 $0x0;
	s4 =	sshll.u32 s4, $0x1;
	s5 =	sadd.s32 s21, s3  }
0x9d: {  	[timem:s22], [sflag:s6] =	dma.local [hbm:s5], s4  }
0x9e: {  	_ =	swait.ge [sflag:s6], s4  }
0x9f: {  	s4 =	ssub.s32 $0x0, s4;
	[sflag:s6] =	ssyncset.done $0x0  }
0xa0: {  	[sflag:s6] =	ssyncadd.s32 s4;
	_ =	sdelay $0x1  }
0xa1: {  	s23 =	simm.s32 $0x1B8B  }
0xa2: {  	_ =	swait.ge [sflag:s23], $0x1  }
0xa3: {  	[sflag:s23] =	ssyncset.done $0x0  }
0xa4: {  	[sflag:s23] =	ssyncadd.s32 $0xFFFFFFFF  }
0xa5: {  	s4 =	sld [smem:$0x0]  }
0xa6: {  	s5 =	sand.u32 $0xFFFFFFFE, s1  }
0xa7: {  	p0 =	sne.s32 s1, s5  }
0xa8: {  	s5 =	sshll.u32 @p0 s5, $0xE  }
0xa9: {  	s5 =	sadd.s32 @p0 $0x11B8D, s5;
	s6 =	sshll.u32 @p0 s4, $0x11  }
0xaa: {  	s5 =	sor.u32 @p0 s6, s5  }
0xab: {  	[sflag:s5] =	ssyncadd.remote.s32 @p0 $0x1;
	_ =	sdelay $0x1  }
0xac: {  	s5 =	simm.s32 @p0 $0x1B8D  }
0xad: {  	_ =	swait.eq @p0 [sflag:s5], $0x1  }
0xae: {  	[sflag:s5] =	ssyncadd.s32 @p0 $0xFFFFFFFF  }
0xaf: {  	s6 =	sshll.u32 @!p0 s1, $0xE  }
0xb0: {  	s6 =	sor.u32 @!p0 $0x4000, s6;
	s5 =	simm.s32 @!p0 $0x1B8D  }
0xb1: {  	s4 =	sshll.u32 @!p0 s4, $0x11;
	s6 =	sadd.s32 @!p0 $0x11B8D, s6;
	_ =	swait.eq @!p0 [sflag:s5], $0x1  }
0xb2: {  	s4 =	sor.u32 @!p0 s4, s6;
	[sflag:s5] =	ssyncadd.s32 @!p0 $0xFFFFFFFF  }
0xb3: {  	s25 =	simm.s32 $0x1B8E;
	s24 =	sld [smem:$0x3FFE];
	[sflag:s4] =	ssyncadd.remote.s32 @!p0 $0x1  }
0xb4: {  	s26 =	simm.s32 $execute0_lowered;
	[smem:$0x3FD2] =	sst s25  }
0xb5: {  	s5 =	sshll.u32 s26, $0x1;
	_ =	strace $0x8000004C;
	[dreg:$0x1] =	wrdreg $0xFFFFFFFF  }
0xb6: {  	s28 =	simm.s32 $_size_execute0_lowered;
	s3 =	sadd.s32 s3, s5;
	[dreg:$0x0] =	wrdreg $0x0  }
0xb7: {  	s5 =	sshll.u32 s28, $0x1;
	[dreg:$0x2] =	wrdreg s3  }
0xb8: {  	[dreg:$0x3] =	wrdreg s5  }
0xb9: {  	[dreg:$0x4] =	wrdreg $0xC0  }
0xba: {  	_ =	task [dreg:s22], $0x5FFFF  }
0xbb: {  	[dreg:$0x1] =	wrdreg $0xFFFFFFFF  }
0xbc: {  	[dreg:$0x0] =	wrdreg $0x60  }
0xbd: {  	[dreg:$0x2] =	wrdreg s24  }
0xbe: {  	[dreg:$0x3] =	wrdreg $0xB7800  }
0xbf: {  	[dreg:$0x4] =	wrdreg $0x9  }
0xc0: {  	_ =	task.clear_ibuf [dreg:s22], $0x5FFFF;
	_ =	strace $0x9000004C  }
0xc1: {  	s29 =	simm.s32 $0x9;
	_ =	strace $0x8000004E  }
0xc2: {  	_ =	swait.ge [sflag:s29], $0x1  }
0xc3: {  	[sflag:s29] =	ssyncadd.s32 $0xFFFFFFFF  }
0xc4: {  	_ =	strace $0x9000004E  }
0xc5: {  	_ =	sfence  }
0xc6: {  	s30 =	sld [smem:$0x0];
	_ =	sdelay $0x2  }
0xc7: {  	s31 =	sshll.u32 s1, $0xD;
	s1 =	sshrl.u32 s1, $0x2  }
0xc8: {  	s4 =	sand.u32 $0x4000, s31;
	s1 =	sadd.s32 s1, s30  }
0xc9: {  	s0 =	sor.u32 s4, s0;
	s1 =	sshll.u32 s1, $0x11  }
0xca: {  	s0 =	sor.u32 s1, s0  }
0xcb: {  	s0 =	sadd.s32 $0x8F2B, s0  }
0xcc: {  	[sflag:s0] =	ssyncadd.remote.s32 $0x1  }
0xcd: {  	_ =	sfence.sel $0xFFFF  }
0xce: {  	[dreg:$0x0] =	wrdreg $0xFFFFFFFF;
	(pc) =	sbr.abs _section_cstart, $3  }
0xcf: {  	[dreg:$0x1] =	wrdreg $0xFFFFFFFF  }
0xd0: {  	_ =	task.clear_ibuf [dreg:s22], $0x2FFFF;
	_ =	strace $0x9FFFFFFF  }
0xd1: {  	(tm) =	ssettm $0x7FFFFFFF  }
tec
execute0_lowered:
.L_overlay_start_1:
0x0: {  	(tag) =	ssettag $0x1  }
0x1: {  	s1 =	srdreg.scid  }
0x2: {  	s5 =	rddreg [dreg:$0x0];
	s0 =	stileid.u32  }
0x3: {  	s2 =	rddreg [dreg:$0x1];
	s3 =	simm.s32 $0x0;
	s15 =	simm.s32 $0x6780  }
0x4: {  	s18 =	simm.s32 $0x8F80;
	s19 =	simm.s32 $0x1;
	s20 =	simm.s32 $0x2  }
0x5: {  	s21 =	simm.s32 $0x6580;
	s22 =	simm.s32 $0x0;
	s10 =	smul.u32 $0x14000, s0  }
0x6: {  	s6 =	sand.u32 $0x1, s1;
	s1 =	rddreg [dreg:$0x2];
	s11 =	smul.u32 $0x50000, s0  }
0x7: {  	s7 =	sshrl.u32 s0, $0x3;
	[smem:$0x7FF] =	sst s3;
	s13 =	smul.u32 $0x2800, s0  }
0x8: {  	s8 =	sshll.u32 s0, $0x7;
	s9 =	sshll.u32 s0, $0xB;
	s4 =	smul.u32 $0x27800, s6  }
0x9: {  	s16 =	sshll.u32 s0, $0x6;
	s7 =	smul.u32 $0x13C00, s7;
	_ =	strace $0x8000004D  }
0xa: {  	s8 =	sand.u32 $0x380, s8;
	s25 =	smul.u32 $0x140000, s6;
	s9 =	sadd.s32 s9, s5  }
0xb: {  	s26 =	ssub.s32 $0x2, s6;
	s12 =	smul.u32 $0x28000, s6;
	s16 =	sor.u32 $0x1C03, s16  }
0xc: {  	s29 =	sshrl.u32 s26, $0x1;
	s6 =	sadd.s32 $0x4C00, s9;
	s30 =	sshrl.u32 s11, $0x2  }
0xd: {  	s11 =	simm.s32 $0x400;
	s7 =	sadd.s32 s4, s7;
	s4 =	sadd.s32 $0xC7400, s5  }
0xe: {  	s31 =	sadd.s32 s13, s12;
	s17 =	sadd.s32 s30, s2;
	s12 =	simm.s32 $0x3  }
0xf: {  	s13 =	simm.s32 $0x2780;
	s7 =	sor.u32 s8, s7;
	s8 =	sadd.s32 s10, s25  }
0x10: {  	s10 =	ssub.s32 s26, s29;
	s17 =	sshrl.u32 s17, $0x3;
	s7 =	sshrl.u32 s7, $0x3  }
0x11: {  	s28 =	sshrl.u32 s8, $0x3;
	s9 =	smax.u32 s10, $0x1;
	s7 =	sadd.s32 s7, s5  }
0x12: {  	s10 =	simm.s32 $0x80;
	s14 =	sadd.s32 s28, s5;
	s5 =	sadd.s32 $0x117400, s7  }
0x13: {  	s7 =	sadd.s32 s4, s31;
	s8 =	sadd.s32 $0x121200, s14;
	s14 =	simm.s32 $0x50  }
.LBB2_1:
0x14: {  	[tilespmem:s3], [sflag:$0x3] =	stream.strided.gather [hbm4b:s5+s10], $0x2780, s11, s10, $0x38;
	[tilespmem:$0x1F780] =	vst v63  }
0x15: {  	_ =	swait.ge [sflag:s12], $0x2780  }
0x16: {  	[sflag:s12] =	ssyncset.done $0x0  }
0x17: {  	[sflag:s12] =	ssyncadd.s32 $0xFFFFD880  }
0x18: {  	[tilespmem:s13], [sflag:$0x3] =	stream.linear.gather [hbm4b:s6+s3], $0x3E80, $0x38;
	[tilespmem:$0x1F780] =	vst v63  }
0x19: {  	_ =	swait.ge [sflag:s12], $0x3E80  }
0x1a: {  	[sflag:s12] =	ssyncset.done $0x0  }
0x1b: {  	[sflag:s12] =	ssyncadd.s32 $0xFFFFC180  }
0x1c: {  	[tilespmem:s15], [sflag:$0x1] =	stream.indirect.gather [hbm4b:s4+s14], $0x80, s3, s14, $0xb8;
	[tilespmem:$0x1F780] =	vst v63  }
0x1d: {  	[spmem:s17], [sflag:s16] =	dma.local [hbm:s7], $0x2800  }
0x1e: {  	_ =	swait.ge [sflag:s12], $0x2800  }
0x1f: {  	[sflag:s12] =	ssyncset.done $0x0  }
0x20: {  	[sflag:s12] =	ssyncadd.s32 $0xFFFFD800  }
0x21: {  	s23 =	simm.s32 $0x50;
	[bflag:$0x0] =	sbarrier.arrive $0xFFFF  }
0x22: {  	[tilespmem:s18], [sflag:$0x2] =	stream.indirect.gather [hbm4b:s4+s14], $0x80, s23, s14, $0xb8;
	[tilespmem:$0x1F780] =	vst v63  }
0x23: {  	_ =	swait.ge [sflag:s19], $0x2800  }
0x24: {  	[sflag:s19] =	ssyncset.done $0x0  }
0x25: {  	s29 =	simm.s32 $0x2780;
	[sflag:s19] =	ssyncadd.s32 $0xFFFFD800  }
0x26: {  	[spmem:s2] =	stream.indirect.scatter.add.f32 [tilespmem:s15], [sflag:$0x3], $0x80, s29, s14, $0xb8;
	[tilespmem:$0x1F780] =	vst v63  }
0x27: {  	_ =	swait.ge [sflag:s12], $0x2800  }
0x28: {  	[sflag:s12] =	ssyncset.done $0x0  }
0x29: {  	s30 =	simm.s32 $0xA0;
	[sflag:s12] =	ssyncadd.s32 $0xFFFFD800  }
0x2a: {  	[tilespmem:s15], [sflag:$0x1] =	stream.indirect.gather [hbm4b:s4+s14], $0x80, s30, s14, $0xb8;
	[tilespmem:$0x1F780] =	vst v63  }
0x2b: {  	_ =	swait.ge [sflag:s20], $0x2800  }
0x2c: {  	[sflag:s20] =	ssyncset.done $0x0  }
0x2d: {  	s31 =	simm.s32 $0x2800;
	[sflag:s20] =	ssyncadd.s32 $0xFFFFD800  }
0x2e: {  	[spmem:s2] =	stream.indirect.scatter.add.f32 [tilespmem:s18], [sflag:$0x3], $0x80, s31, s14, $0xb8;
	[tilespmem:$0x1F780] =	vst v63  }
0x2f: {  	s24 =	simm.s32 $0x400;
	_ =	swait.ge [sflag:s12], $0x2800  }
0x30: {  	s25 =	simm.s32 $0x800;
	s23 =	simm.s32 $0x140;
	[sflag:s12] =	ssyncset.done $0x0  }
.LBB2_2:
0x31: {  	p0 =	sne.s32 s25, $0xF400;
	s26 =	sadd.s32 $0xFFFFFFB0, s23;
	[sflag:s12] =	ssyncadd.s32 $0xFFFFD800  }
0x32: {  	[tilespmem:s18], [sflag:$0x2] =	stream.indirect.gather [hbm4b:s4+s14], $0x80, s26, s14, $0xb8;
	[tilespmem:$0x1F780] =	vst v63  }
0x33: {  	s26 =	smov.u32 s25;
	s25 =	sadd.s32 $0x400, s25;
	_ =	swait.ge [sflag:s19], $0x2800  }
0x34: {  	s28 =	sshra.s32 s24, $0x2;
	s24 =	smov.u32 s26;
	[sflag:s19] =	ssyncset.done $0x0  }
0x35: {  	s26 =	sadd.s32 $0x2780, s28;
	[sflag:s19] =	ssyncadd.s32 $0xFFFFD800  }
0x36: {  	[spmem:s2] =	stream.indirect.scatter.add.f32 [tilespmem:s15], [sflag:$0x3], $0x80, s26, s14, $0xb8;
	[tilespmem:$0x1F780] =	vst v63  }
0x37: {  	_ =	swait.ge [sflag:s12], $0x2800  }
0x38: {  	[sflag:s12] =	ssyncset.done $0x0  }
0x39: {  	[sflag:s12] =	ssyncadd.s32 $0xFFFFD800  }
0x3a: {  	[tilespmem:s15], [sflag:$0x1] =	stream.indirect.gather [hbm4b:s4+s14], $0x80, s23, s14, $0xb8;
	[tilespmem:$0x1F780] =	vst v63  }
0x3b: {  	_ =	swait.ge [sflag:s20], $0x2800  }
.Ltmp0:
0x3c: {  	[sflag:s20] =	ssyncset.done $0x0;
	(pc) =	sbr.rel @p0 .LBB2_2-.Ltmp0, $4  }
0x3d: {  	s26 =	sadd.s32 $0x2800, s28;
	[sflag:s20] =	ssyncadd.s32 $0xFFFFD800  }
0x3e: {  	[spmem:s2] =	stream.indirect.scatter.add.f32 [tilespmem:s18], [sflag:$0x3], $0x80, s26, s14, $0xb8;
	[tilespmem:$0x1F780] =	vst v63  }
0x3f: {  	_ =	swait.ge [sflag:s12], $0x2800  }
0x40: {  	s23 =	sadd.s32 $0xA0, s23;
	[sflag:s12] =	ssyncset.done $0x0  }
0x41: {  	s25 =	sadd.s32 $0xFFFFFFB0, s23;
	[sflag:s12] =	ssyncadd.s32 $0xFFFFD800  }
0x42: {  	[tilespmem:s18], [sflag:$0x2] =	stream.indirect.gather [hbm4b:s4+s14], $0x80, s25, s14, $0xb8;
	[tilespmem:$0x1F780] =	vst v63  }
0x43: {  	_ =	swait.ge [sflag:s19], $0x2800  }
0x44: {  	s24 =	sshra.s32 s24, $0x2;
	[sflag:s19] =	ssyncset.done $0x0  }
0x45: {  	s30 =	sadd.s32 $0x2780, s24;
	[sflag:s19] =	ssyncadd.s32 $0xFFFFD800  }
0x46: {  	[spmem:s2] =	stream.indirect.scatter.add.f32 [tilespmem:s15], [sflag:$0x3], $0x80, s30, s14, $0xb8;
	[tilespmem:$0x1F780] =	vst v63  }
0x47: {  	_ =	swait.ge [sflag:s12], $0x2800  }
0x48: {  	[sflag:s12] =	ssyncset.done $0x0  }
0x49: {  	[sflag:s12] =	ssyncadd.s32 $0xFFFFD800  }
0x4a: {  	[tilespmem:s15], [sflag:$0x1] =	stream.indirect.gather [hbm4b:s4+s14], $0x80, s23, s14, $0xb8;
	[tilespmem:$0x1F780] =	vst v63  }
0x4b: {  	_ =	swait.ge [sflag:s20], $0x2800  }
0x4c: {  	[sflag:s20] =	ssyncset.done $0x0  }
0x4d: {  	s31 =	sadd.s32 $0x2800, s24;
	[sflag:s20] =	ssyncadd.s32 $0xFFFFD800  }
0x4e: {  	[spmem:s2] =	stream.indirect.scatter.add.f32 [tilespmem:s18], [sflag:$0x3], $0x80, s31, s14, $0xb8;
	[tilespmem:$0x1F780] =	vst v63  }
0x4f: {  	_ =	swait.ge [sflag:s12], $0x2800  }
0x50: {  	[sflag:s12] =	ssyncset.done $0x0  }
0x51: {  	[sflag:s12] =	ssyncadd.s32 $0xFFFFD800  }
0x52: {  	_ =	swait.ge [sflag:s19], $0x2800  }
0x53: {  	[sflag:s19] =	ssyncset.done $0x0  }
0x54: {  	[sflag:s19] =	ssyncadd.s32 $0xFFFFD800  }
0x55: {  	[spmem:s2] =	stream.indirect.scatter.add.f32 [tilespmem:s15], [sflag:$0x3], $0x80, s21, s14, $0xb8;
	[tilespmem:$0x1F780] =	vst v63  }
0x56: {  	_ =	swait.ge [sflag:s12], $0x2800  }
0x57: {  	s22 =	sadd.s32 $0x1, s22;
	[sflag:s12] =	ssyncset.done $0x0  }
0x58: {  	p0 =	sne.s32 s22, s9;
	[sflag:s12] =	ssyncadd.s32 $0xFFFFD800  }
.Ltmp1:
0x59: {  	[bflag:$0x0] =	sbarrier.arrive $0xFFFF;
	(pc) =	sbr.rel @p0 .LBB2_1-.Ltmp1, $4  }
0x5a: {  	[hbm:s8], [sflag:s16] =	dma.local [spmem:s17], $0x2800  }
0x5b: {  	_ =	swait.ge [sflag:s12], $0x2800  }
0x5c: {  	[sflag:s12] =	ssyncset.done $0x0  }
0x5d: {  	[sflag:s12] =	ssyncadd.s32 $0xFFFFD800  }
0x5e: {  	_ =	sfence.sel $0x180000  }
0x5f: {  	[bflag:$0x0] =	sbarrier.arrive $0xFFFF  }
0x60: {  	p0 =	sne.s32 s0, $0x0;
	_ =	strace $0x9000004D  }
0x61: {  	s0 =	sadd.s32 @!p0 $0x100000, s1;
	[bflag:$0x2] =	sbarrier.arrive $0xFFFF  }
0x62: {  	[sflag:s0] =	ssyncadd.tile.s32 @!p0 $0x1;
	_ =	shalt  }
.Lfunc_end2:
_tile_overlayer_lowered:
.L_overlay_start_2:
0x63: {  	(tag) =	ssettag $0x2  }
0x64: {  	s0 =	rddreg [dreg:$0x0];
	s2 =	stileid.u32  }
0x65: {  	s1 =	rddreg [dreg:$0x1];
	p0 =	sne.s32 s2, $0x0  }
0x66: {  	s3 =	rddreg [dreg:$0x2];
	[bflag:$0x3] =	sbarrier.arrive $0xFFFF;
	s2 =	simm.s32 @!p0 $0x1C03  }
0x67: {  	[timem:s3], [sflag:s2] =	dma.local @!p0 [hbm:s0], s1  }
0x68: {  	s0 =	simm.s32 @!p0 $0x3  }
0x69: {  	_ =	swait.ge @!p0 [sflag:s0], s1  }
0x6a: {  	s1 =	ssub.s32 @!p0 $0x0, s1;
	[sflag:s0] =	ssyncset.done @!p0 $0x0  }
0x6b: {  	[sflag:s0] =	ssyncadd.s32 @!p0 s1  }
0x6c: {  	[bflag:$0x3] =	sbarrier.arrive $0xFFFF  }
0x6d: {  	_ =	shalt  }

// kernel: kernel.22.cloned.1.call-start
scs
__scs_entry_jumppad:
0x0: {  	(pc) =	sbr.rel $0x88, $3  }
0x1: {  	(tag) =	ssettag $0x0;
	lr =	simm.s32 $0x1  }
0x2: {  	[smem:$0x3F91] =	sst lr;
	_ =	strace $0xD0000000  }
0x3: {  	_ = 	snop  }
0x4: {  	_ = 	snop  }
0x5: {  	_ = 	snop  }
0x6: {  	_ = 	snop  }
0x7: {  	_ = 	snop  }
__scs_overlays_trampoline_lowered:
0x8: {  	[smem:$0x3FA0] =	sst s0  }
0x9: {  	[smem:$0x3FA1] =	sst s1  }
0xa: {  	[smem:$0x3FA2] =	sst s2  }
0xb: {  	[smem:$0x3FA3] =	sst s3  }
0xc: {  	[smem:$0x3FA4] =	sst s4  }
0xd: {  	[smem:$0x3FA5] =	sst s5  }
0xe: {  	[smem:$0x3FA6] =	sst s6  }
0xf: {  	[smem:$0x3FA7] =	sst s7  }
0x10: {  	[smem:$0x3FA8] =	sst s8  }
0x11: {  	[smem:$0x3FA9] =	sst s9;
	s0 =	simm.s32 @!p0 $0x0  }
0x12: {  	s1 =	sld [smem:$0x3F8F];
	s0 =	simm.s32 @p0 $0x1  }
0x13: {  	[smem:$0x3FAA] =	sst s0;
	s0 =	simm.s32 @!p1 $0x0  }
0x14: {  	s2 =	sld [smem:$0x3F8E];
	s0 =	simm.s32 @p1 $0x1  }
0x15: {  	[smem:$0x3FAB] =	sst s0;
	s0 =	simm.s32 @!p2 $0x0  }
0x16: {  	s3 =	sld [smem:$0x3FDB];
	s0 =	simm.s32 @p2 $0x1  }
0x17: {  	s4 =	simm.s32 $0x1BF5;
	[smem:$0x3FAD] =	sst s0  }
0x18: {  	s0 =	sld [smem:$0x3F90];
	_ =	swait.ge [sflag:s4], $0x0  }
0x19: {  	s7 =	sld [smem:$0x3F91]  }
0x1a: {  	s8 =	sadd.s32 $0xFFFFE003, lr  }
0x1b: {  	s9 =	sadd.s32 $0xFFFFFEF7, lr;
	s5 =	simm.s32 $0xFFFFFFFF;
	p2 =	slt.u32 s8, $0xFFFFF086  }
0x1c: {  	p1 =	slt.u32 s9, $0xF7A;
	s5 =	simm.s32 @!p2 $0x0  }
0x1d: {  	s5 =	simm.s32 @p1 $0x1;
	p0 =	seq.s32 s7, s2  }
0x1e: {  	s7 =	smul.u32 @!p0 $0xF7A, s2;
	p2 =	seq.s32 @!p0 s5, $0x0  }
0x1f: {  	s9 =	smul.u32 $0xF7A, s1;
	s8 =	simm.s32 @!p0 $0x1BF5;
	p2 =	por !p2, p0  }
0x20: {  	[sflag:s8] =	ssyncset.s32 @!p0 $0xFFFFF086;
	s6 =	sadd.s32 @!p0 s3, s7;
	s7 =	simm.s32 @!p0 $0x108  }
0x21: {  	s3 =	sadd.s32 s3, s9;
	s6 =	sadd.s32 @!p0 $0x88, s6;
	s7 =	simm.s32 @p2 $0x1082  }
0x22: {  	[simem:s7], [sflag:s8] =	dma.local @!p0 [hbm:s6], $0xF7A  }
0x23: {  	s9 =	sor.u32 $0xD0000000, s2;
	s6 =	simm.s32 $0x108;
	_ =	swait.ge @!p0 [sflag:s8], $0x0  }
0x24: {  	s3 =	sadd.s32 $0x88, s3;
	s6 =	simm.s32 @!p1 $0x1082;
	[sflag:s4] =	ssyncset.s32 $0xFFFFF086  }
0x25: {  	[simem:s6], [sflag:s4] =	dma.local [hbm:s3], $0xF7A  }
0x26: {  	[smem:$0x3F91] =	sst s1;
	(tag) =	ssettag s2;
	_ =	strace s9  }
0x27: {  	s1 =	sld [smem:$0x3FA1]  }
0x28: {  	s2 =	sld [smem:$0x3FA2]  }
0x29: {  	s4 =	sld [smem:$0x3FA4]  }
0x2a: {  	p0 =	seq.s32 s5, $0x0;
	s5 =	sld [smem:$0x3FA5]  }
0x2b: {  	s6 =	sld [smem:$0x3FA6]  }
0x2c: {  	s7 =	sld [smem:$0x3FA7]  }
0x2d: {  	s3 =	simm.s32 $0x108;
	s8 =	sld [smem:$0x3FA8]  }
0x2e: {  	s3 =	simm.s32 @!p0 $0x1082;
	s9 =	sld [smem:$0x3FA9]  }
0x2f: {  	lr =	sadd.s32 s0, s3;
	s0 =	sld [smem:$0x3FA0]  }
0x30: {  	s3 =	sld [smem:$0x3FA3]  }
0x31: {  	[smem:$0x3FAC] =	sst s10  }
0x32: {  	s10 =	sld [smem:$0x3FAA];
	_ =	sdelay $0x3  }
0x33: {  	p0 =	seq.s32 s10, $0x1;
	s10 =	sld [smem:$0x3FAC];
	_ =	sdelay $0x3  }
0x34: {  	[smem:$0x3FAC] =	sst s10  }
0x35: {  	s10 =	sld [smem:$0x3FAB];
	_ =	sdelay $0x3  }
0x36: {  	p1 =	seq.s32 s10, $0x1;
	s10 =	sld [smem:$0x3FAC];
	_ =	sdelay $0x3  }
0x37: {  	[smem:$0x3FAC] =	sst s10  }
0x38: {  	s10 =	sld [smem:$0x3FAD]  }
0x39: {  	_ = 	snop;
	(pc) =	sbr.ind lr, $3  }
0x3a: {  	_ = 	snop  }
0x3b: {  	_ = 	snop  }
0x3c: {  	p2 =	seq.s32 s10, $0x1;
	s10 =	sld [smem:$0x3FAC]  }
0x3d: {  	_ =	shalt  }
0x3e: {  	_ =	shalt  }
0x3f: {  	_ =	shalt  }
0x40: {  	_ =	shalt  }
0x41: {  	_ =	shalt  }
0x42: {  	_ =	shalt  }
0x43: {  	_ =	shalt  }
0x44: {  	_ =	shalt  }
0x45: {  	_ =	shalt  }
0x46: {  	_ =	shalt  }
0x47: {  	_ =	shalt  }
0x48: {  	_ =	shalt  }
0x49: {  	_ =	shalt  }
0x4a: {  	_ =	shalt  }
0x4b: {  	_ =	shalt  }
0x4c: {  	_ =	shalt  }
0x4d: {  	_ =	shalt  }
0x4e: {  	_ =	shalt  }
0x4f: {  	_ =	shalt  }
0x50: {  	_ =	shalt  }
0x51: {  	_ =	shalt  }
0x52: {  	_ =	shalt  }
0x53: {  	_ =	shalt  }
0x54: {  	_ =	shalt  }
0x55: {  	_ =	shalt  }
0x56: {  	_ =	shalt  }
0x57: {  	_ =	shalt  }
0x58: {  	_ =	shalt  }
0x59: {  	_ =	shalt  }
0x5a: {  	_ =	shalt  }
0x5b: {  	_ =	shalt  }
0x5c: {  	_ =	shalt  }
0x5d: {  	_ =	shalt  }
0x5e: {  	_ =	shalt  }
0x5f: {  	_ =	shalt  }
0x60: {  	_ =	shalt  }
0x61: {  	_ =	shalt  }
0x62: {  	_ =	shalt  }
0x63: {  	_ =	shalt  }
0x64: {  	_ =	shalt  }
0x65: {  	_ =	shalt  }
0x66: {  	_ =	shalt  }
0x67: {  	_ =	shalt  }
0x68: {  	_ =	shalt  }
0x69: {  	_ =	shalt  }
0x6a: {  	_ =	shalt  }
0x6b: {  	_ =	shalt  }
0x6c: {  	_ =	shalt  }
0x6d: {  	_ =	shalt  }
0x6e: {  	_ =	shalt  }
0x6f: {  	_ =	shalt  }
0x70: {  	_ =	shalt  }
0x71: {  	_ =	shalt  }
0x72: {  	_ =	shalt  }
0x73: {  	_ =	shalt  }
0x74: {  	_ =	shalt  }
0x75: {  	_ =	shalt  }
0x76: {  	_ =	shalt  }
0x77: {  	_ =	shalt  }
0x78: {  	_ =	shalt  }
0x79: {  	_ =	shalt  }
0x7a: {  	_ =	shalt  }
0x7b: {  	_ =	shalt  }
0x7c: {  	_ =	shalt  }
0x7d: {  	_ =	shalt  }
0x7e: {  	_ =	shalt  }
0x7f: {  	_ =	shalt  }
0x80: {  	_ =	shalt  }
0x81: {  	_ =	shalt  }
0x82: {  	_ =	shalt  }
0x83: {  	_ =	shalt  }
0x84: {  	_ =	shalt  }
0x85: {  	_ =	shalt  }
0x86: {  	_ =	shalt  }
0x87: {  	_ =	shalt  }
.Lfunc_end0:
.L_simem_size_0:
called_computation.2_lowered:
.L_overlay_start_0:
0x88: {  	s2 =	sld [smem:$0x3FD9]  }
0x89: {  	s3 =	sld [smem:$0x3FFE];
	_ =	sdelay $0x1  }
0x8a: {  	s1 =	srdreg.scid  }
0x8b: {  	s0 =	sand.u32 $0x1, s1  }
0x8c: {  	s16 =	sshll.u32 s0, $0xA;
	s2 =	sadd.s32 s3, s2  }
0x8d: {  	s2 =	sadd.s32 s2, s16  }
0x8e: {  	[smem:$0x3FB8] =	sst s2  }
0x8f: {  	_ = 	snop  }
0x90: {  	(tm) =	ssettm $0x1  }
0x91: {  	s17 =	sld [smem:$0x3FFB];
	_ =	sdelay $0x3  }
0x92: {  	_ =	strace s17  }
0x93: {  	s2 =	sld [smem:$0x3FFC];
	_ =	sdelay $0x3  }
0x94: {  	_ =	strace s2  }
0x95: {  	s2 =	sld [smem:$0x3FFD];
	_ =	sdelay $0x3  }
0x96: {  	_ =	strace s2  }
0x97: {  	_ =	strace $0x8FFFFFFF  }
0x98: {  	s18 =	sld [smem:$0x3FDB];
	_ =	sdelay $0x1  }
0x99: {  	s19 =	simm.s32 $_scs_section_size  }
0x9a: {  	s4 =	simm.s32 $_size__tile_overlayer_lowered;
	s5 =	simm.s32 $_tile_overlayer_lowered  }
0x9b: {  	s22 =	simm.s32 $0x1BFF;
	s21 =	sshll.u32 s5, $0x1;
	s2 =	sadd.s32 s19, s18  }
0x9c: {  	s6 =	simm.s32 $0x0;
	s20 =	sshll.u32 s4, $0x1;
	s4 =	sadd.s32 s21, s2  }
0x9d: {  	[timem:s6], [sflag:s22] =	dma.local [hbm:s4], s20  }
0x9e: {  	_ =	swait.ge [sflag:s22], s20  }
0x9f: {  	s3 =	ssub.s32 $0x0, s20;
	[sflag:s22] =	ssyncset.done $0x0  }
0xa0: {  	[sflag:s22] =	ssyncadd.s32 s3;
	_ =	sdelay $0x1  }
0xa1: {  	s23 =	simm.s32 $0x1B8B  }
0xa2: {  	_ =	swait.ge [sflag:s23], $0x1  }
0xa3: {  	[sflag:s23] =	ssyncset.done $0x0  }
0xa4: {  	s25 =	simm.s32 $0x1B8E;
	s24 =	sld [smem:$0x3FFE];
	[sflag:s23] =	ssyncadd.s32 $0xFFFFFFFF  }
0xa5: {  	s26 =	simm.s32 $execute0_lowered;
	[smem:$0x3FD2] =	sst s25  }
0xa6: {  	s4 =	sshll.u32 s26, $0x1;
	_ =	strace $0x80000049;
	[dreg:$0x1] =	wrdreg $0xFFFFFFFF  }
0xa7: {  	s28 =	simm.s32 $_size_execute0_lowered;
	s2 =	sadd.s32 s2, s4;
	[dreg:$0x0] =	wrdreg $0x0  }
0xa8: {  	s4 =	sshll.u32 s28, $0x1;
	[dreg:$0x2] =	wrdreg s2  }
0xa9: {  	[dreg:$0x3] =	wrdreg s4  }
0xaa: {  	[dreg:$0x4] =	wrdreg $0xC0  }
0xab: {  	_ =	task [dreg:s6], $0x5FFFF  }
0xac: {  	[dreg:$0x1] =	wrdreg $0xFFFFFFFF  }
0xad: {  	[dreg:$0x0] =	wrdreg $0x60  }
0xae: {  	[dreg:$0x2] =	wrdreg s24  }
0xaf: {  	[dreg:$0x3] =	wrdreg $0xB7800  }
0xb0: {  	[dreg:$0x4] =	wrdreg $0xA  }
0xb1: {  	_ =	task.clear_ibuf [dreg:s6], $0x5FFFF;
	_ =	strace $0x90000049  }
0xb2: {  	s29 =	simm.s32 $0xA;
	_ =	strace $0x8000004B  }
0xb3: {  	_ =	swait.ge [sflag:s29], $0x1  }
0xb4: {  	[sflag:s29] =	ssyncadd.s32 $0xFFFFFFFF  }
0xb5: {  	_ =	strace $0x9000004B  }
0xb6: {  	_ =	sfence  }
0xb7: {  	s30 =	sld [smem:$0x0];
	_ =	sdelay $0x2  }
0xb8: {  	s31 =	sshll.u32 s1, $0xD;
	s1 =	sshrl.u32 s1, $0x2  }
0xb9: {  	s3 =	sand.u32 $0x4000, s31;
	s1 =	sadd.s32 s1, s30  }
0xba: {  	s0 =	sor.u32 s3, s0;
	s1 =	sshll.u32 s1, $0x11  }
0xbb: {  	s0 =	sor.u32 s1, s0  }
0xbc: {  	s0 =	sadd.s32 $0x8F2B, s0  }
0xbd: {  	[sflag:s0] =	ssyncadd.remote.s32 $0x1  }
0xbe: {  	_ =	sfence.sel $0xFFFF  }
0xbf: {  	[dreg:$0x0] =	wrdreg $0xFFFFFFFF;
	(pc) =	sbr.abs _section_cstart, $3  }
0xc0: {  	[dreg:$0x1] =	wrdreg $0xFFFFFFFF  }
0xc1: {  	_ =	task.clear_ibuf [dreg:s6], $0x2FFFF;
	_ =	strace $0x9FFFFFFF  }
0xc2: {  	(tm) =	ssettm $0x7FFFFFFF  }
0xc3: {  	_ =	shalt  }
tec
execute0_lowered:
.L_overlay_start_1:
0x0: {  	(tag) =	ssettag $0x1  }
0x1: {  	s1 =	srdreg.scid  }
0x2: {  	s5 =	rddreg [dreg:$0x0];
	s0 =	stileid.u32  }
0x3: {  	s2 =	rddreg [dreg:$0x1];
	s3 =	simm.s32 $0x0;
	s15 =	simm.s32 $0x6780  }
0x4: {  	s18 =	simm.s32 $0x8F80;
	s19 =	simm.s32 $0x1;
	s20 =	simm.s32 $0x2  }
0x5: {  	s21 =	simm.s32 $0x6580;
	s22 =	simm.s32 $0x0;
	s10 =	smul.u32 $0x14000, s0  }
0x6: {  	s6 =	sand.u32 $0x1, s1;
	s1 =	rddreg [dreg:$0x2];
	s11 =	smul.u32 $0x50000, s0  }
0x7: {  	s7 =	sshrl.u32 s0, $0x3;
	[smem:$0x7FF] =	sst s3;
	s13 =	smul.u32 $0x2800, s0  }
0x8: {  	s8 =	sshll.u32 s0, $0x7;
	s9 =	sshll.u32 s0, $0xB;
	s4 =	smul.u32 $0x27800, s6  }
0x9: {  	s16 =	sshll.u32 s0, $0x6;
	s7 =	smul.u32 $0x13C00, s7;
	_ =	strace $0x8000004A  }
0xa: {  	s8 =	sand.u32 $0x380, s8;
	s25 =	smul.u32 $0x140000, s6;
	s9 =	sadd.s32 s9, s5  }
0xb: {  	s26 =	ssub.s32 $0x2, s6;
	s12 =	smul.u32 $0x28000, s6;
	s16 =	sor.u32 $0x1C03, s16  }
0xc: {  	s29 =	sshrl.u32 s26, $0x1;
	s6 =	sadd.s32 $0x15600, s9;
	s30 =	sshrl.u32 s11, $0x2  }
0xd: {  	s11 =	simm.s32 $0x400;
	s7 =	sadd.s32 s4, s7;
	s4 =	sadd.s32 $0x1D600, s5  }
0xe: {  	s31 =	sadd.s32 s13, s12;
	s17 =	sadd.s32 s30, s2;
	s12 =	simm.s32 $0x3  }
0xf: {  	s13 =	simm.s32 $0x2780;
	s7 =	sor.u32 s8, s7;
	s8 =	sadd.s32 s10, s25  }
0x10: {  	s10 =	ssub.s32 s26, s29;
	s17 =	sshrl.u32 s17, $0x3;
	s7 =	sshrl.u32 s7, $0x3  }
0x11: {  	s28 =	sshrl.u32 s8, $0x3;
	s9 =	smax.u32 s10, $0x1;
	s7 =	sadd.s32 s7, s5  }
0x12: {  	s10 =	simm.s32 $0x80;
	s14 =	sadd.s32 s28, s5;
	s5 =	sadd.s32 $0x6D600, s7  }
0x13: {  	s7 =	sadd.s32 s4, s31;
	s8 =	sadd.s32 $0x77400, s14;
	s14 =	simm.s32 $0x50  }
.LBB2_1:
0x14: {  	[tilespmem:s3], [sflag:$0x3] =	stream.strided.gather [hbm4b:s5+s10], $0x2780, s11, s10, $0x38;
	[tilespmem:$0x1F780] =	vst v63  }
0x15: {  	_ =	swait.ge [sflag:s12], $0x2780  }
0x16: {  	[sflag:s12] =	ssyncset.done $0x0  }
0x17: {  	[sflag:s12] =	ssyncadd.s32 $0xFFFFD880  }
0x18: {  	[tilespmem:s13], [sflag:$0x3] =	stream.linear.gather [hbm4b:s6+s3], $0x3E80, $0x38;
	[tilespmem:$0x1F780] =	vst v63  }
0x19: {  	_ =	swait.ge [sflag:s12], $0x3E80  }
0x1a: {  	[sflag:s12] =	ssyncset.done $0x0  }
0x1b: {  	[sflag:s12] =	ssyncadd.s32 $0xFFFFC180  }
0x1c: {  	[tilespmem:s15], [sflag:$0x1] =	stream.indirect.gather [hbm4b:s4+s14], $0x80, s3, s14, $0xb8;
	[tilespmem:$0x1F780] =	vst v63  }
0x1d: {  	[spmem:s17], [sflag:s16] =	dma.local [hbm:s7], $0x2800  }
0x1e: {  	_ =	swait.ge [sflag:s12], $0x2800  }
0x1f: {  	[sflag:s12] =	ssyncset.done $0x0  }
0x20: {  	[sflag:s12] =	ssyncadd.s32 $0xFFFFD800  }
0x21: {  	s23 =	simm.s32 $0x50;
	[bflag:$0x0] =	sbarrier.arrive $0xFFFF  }
0x22: {  	[tilespmem:s18], [sflag:$0x2] =	stream.indirect.gather [hbm4b:s4+s14], $0x80, s23, s14, $0xb8;
	[tilespmem:$0x1F780] =	vst v63  }
0x23: {  	_ =	swait.ge [sflag:s19], $0x2800  }
0x24: {  	[sflag:s19] =	ssyncset.done $0x0  }
0x25: {  	s29 =	simm.s32 $0x2780;
	[sflag:s19] =	ssyncadd.s32 $0xFFFFD800  }
0x26: {  	[spmem:s2] =	stream.indirect.scatter.add.f32 [tilespmem:s15], [sflag:$0x3], $0x80, s29, s14, $0xb8;
	[tilespmem:$0x1F780] =	vst v63  }
0x27: {  	_ =	swait.ge [sflag:s12], $0x2800  }
0x28: {  	[sflag:s12] =	ssyncset.done $0x0  }
0x29: {  	s30 =	simm.s32 $0xA0;
	[sflag:s12] =	ssyncadd.s32 $0xFFFFD800  }
0x2a: {  	[tilespmem:s15], [sflag:$0x1] =	stream.indirect.gather [hbm4b:s4+s14], $0x80, s30, s14, $0xb8;
	[tilespmem:$0x1F780] =	vst v63  }
0x2b: {  	_ =	swait.ge [sflag:s20], $0x2800  }
0x2c: {  	[sflag:s20] =	ssyncset.done $0x0  }
0x2d: {  	s31 =	simm.s32 $0x2800;
	[sflag:s20] =	ssyncadd.s32 $0xFFFFD800  }
0x2e: {  	[spmem:s2] =	stream.indirect.scatter.add.f32 [tilespmem:s18], [sflag:$0x3], $0x80, s31, s14, $0xb8;
	[tilespmem:$0x1F780] =	vst v63  }
0x2f: {  	s24 =	simm.s32 $0x400;
	_ =	swait.ge [sflag:s12], $0x2800  }
0x30: {  	s25 =	simm.s32 $0x800;
	s23 =	simm.s32 $0x140;
	[sflag:s12] =	ssyncset.done $0x0  }
.LBB2_2:
0x31: {  	p0 =	sne.s32 s25, $0xF400;
	s26 =	sadd.s32 $0xFFFFFFB0, s23;
	[sflag:s12] =	ssyncadd.s32 $0xFFFFD800  }
0x32: {  	[tilespmem:s18], [sflag:$0x2] =	stream.indirect.gather [hbm4b:s4+s14], $0x80, s26, s14, $0xb8;
	[tilespmem:$0x1F780] =	vst v63  }
0x33: {  	s26 =	smov.u32 s25;
	s25 =	sadd.s32 $0x400, s25;
	_ =	swait.ge [sflag:s19], $0x2800  }
0x34: {  	s28 =	sshra.s32 s24, $0x2;
	s24 =	smov.u32 s26;
	[sflag:s19] =	ssyncset.done $0x0  }
0x35: {  	s26 =	sadd.s32 $0x2780, s28;
	[sflag:s19] =	ssyncadd.s32 $0xFFFFD800  }
0x36: {  	[spmem:s2] =	stream.indirect.scatter.add.f32 [tilespmem:s15], [sflag:$0x3], $0x80, s26, s14, $0xb8;
	[tilespmem:$0x1F780] =	vst v63  }
0x37: {  	_ =	swait.ge [sflag:s12], $0x2800  }
0x38: {  	[sflag:s12] =	ssyncset.done $0x0  }
0x39: {  	[sflag:s12] =	ssyncadd.s32 $0xFFFFD800  }
0x3a: {  	[tilespmem:s15], [sflag:$0x1] =	stream.indirect.gather [hbm4b:s4+s14], $0x80, s23, s14, $0xb8;
	[tilespmem:$0x1F780] =	vst v63  }
0x3b: {  	_ =	swait.ge [sflag:s20], $0x2800  }
.Ltmp0:
0x3c: {  	[sflag:s20] =	ssyncset.done $0x0;
	(pc) =	sbr.rel @p0 .LBB2_2-.Ltmp0, $4  }
0x3d: {  	s26 =	sadd.s32 $0x2800, s28;
	[sflag:s20] =	ssyncadd.s32 $0xFFFFD800  }
0x3e: {  	[spmem:s2] =	stream.indirect.scatter.add.f32 [tilespmem:s18], [sflag:$0x3], $0x80, s26, s14, $0xb8;
	[tilespmem:$0x1F780] =	vst v63  }
0x3f: {  	_ =	swait.ge [sflag:s12], $0x2800  }
0x40: {  	s23 =	sadd.s32 $0xA0, s23;
	[sflag:s12] =	ssyncset.done $0x0  }
0x41: {  	s25 =	sadd.s32 $0xFFFFFFB0, s23;
	[sflag:s12] =	ssyncadd.s32 $0xFFFFD800  }
0x42: {  	[tilespmem:s18], [sflag:$0x2] =	stream.indirect.gather [hbm4b:s4+s14], $0x80, s25, s14, $0xb8;
	[tilespmem:$0x1F780] =	vst v63  }
0x43: {  	_ =	swait.ge [sflag:s19], $0x2800  }
0x44: {  	s24 =	sshra.s32 s24, $0x2;
	[sflag:s19] =	ssyncset.done $0x0  }
0x45: {  	s30 =	sadd.s32 $0x2780, s24;
	[sflag:s19] =	ssyncadd.s32 $0xFFFFD800  }
0x46: {  	[spmem:s2] =	stream.indirect.scatter.add.f32 [tilespmem:s15], [sflag:$0x3], $0x80, s30, s14, $0xb8;
	[tilespmem:$0x1F780] =	vst v63  }
0x47: {  	_ =	swait.ge [sflag:s12], $0x2800  }
0x48: {  	[sflag:s12] =	ssyncset.done $0x0  }
0x49: {  	[sflag:s12] =	ssyncadd.s32 $0xFFFFD800  }
0x4a: {  	[tilespmem:s15], [sflag:$0x1] =	stream.indirect.gather [hbm4b:s4+s14], $0x80, s23, s14, $0xb8;
	[tilespmem:$0x1F780] =	vst v63  }
0x4b: {  	_ =	swait.ge [sflag:s20], $0x2800  }
0x4c: {  	[sflag:s20] =	ssyncset.done $0x0  }
0x4d: {  	s31 =	sadd.s32 $0x2800, s24;
	[sflag:s20] =	ssyncadd.s32 $0xFFFFD800  }
0x4e: {  	[spmem:s2] =	stream.indirect.scatter.add.f32 [tilespmem:s18], [sflag:$0x3], $0x80, s31, s14, $0xb8;
	[tilespmem:$0x1F780] =	vst v63  }
0x4f: {  	_ =	swait.ge [sflag:s12], $0x2800  }
0x50: {  	[sflag:s12] =	ssyncset.done $0x0  }
0x51: {  	[sflag:s12] =	ssyncadd.s32 $0xFFFFD800  }
0x52: {  	_ =	swait.ge [sflag:s19], $0x2800  }
0x53: {  	[sflag:s19] =	ssyncset.done $0x0  }
0x54: {  	[sflag:s19] =	ssyncadd.s32 $0xFFFFD800  }
0x55: {  	[spmem:s2] =	stream.indirect.scatter.add.f32 [tilespmem:s15], [sflag:$0x3], $0x80, s21, s14, $0xb8;
	[tilespmem:$0x1F780] =	vst v63  }
0x56: {  	_ =	swait.ge [sflag:s12], $0x2800  }
0x57: {  	s22 =	sadd.s32 $0x1, s22;
	[sflag:s12] =	ssyncset.done $0x0  }
0x58: {  	p0 =	sne.s32 s22, s9;
	[sflag:s12] =	ssyncadd.s32 $0xFFFFD800  }
.Ltmp1:
0x59: {  	[bflag:$0x0] =	sbarrier.arrive $0xFFFF;
	(pc) =	sbr.rel @p0 .LBB2_1-.Ltmp1, $4  }
0x5a: {  	[hbm:s8], [sflag:s16] =	dma.local [spmem:s17], $0x2800  }
0x5b: {  	_ =	swait.ge [sflag:s12], $0x2800  }
0x5c: {  	[sflag:s12] =	ssyncset.done $0x0  }
0x5d: {  	[sflag:s12] =	ssyncadd.s32 $0xFFFFD800  }
0x5e: {  	_ =	sfence.sel $0x180000  }
0x5f: {  	[bflag:$0x0] =	sbarrier.arrive $0xFFFF  }
0x60: {  	p0 =	sne.s32 s0, $0x0;
	_ =	strace $0x9000004A  }
0x61: {  	s0 =	sadd.s32 @!p0 $0x100000, s1;
	[bflag:$0x2] =	sbarrier.arrive $0xFFFF  }
0x62: {  	[sflag:s0] =	ssyncadd.tile.s32 @!p0 $0x1;
	_ =	shalt  }
.Lfunc_end2:
_tile_overlayer_lowered:
.L_overlay_start_2:
0x63: {  	(tag) =	ssettag $0x2  }
0x64: {  	s0 =	rddreg [dreg:$0x0];
	s2 =	stileid.u32  }
0x65: {  	s1 =	rddreg [dreg:$0x1];
	p0 =	sne.s32 s2, $0x0  }
0x66: {  	s3 =	rddreg [dreg:$0x2];
	[bflag:$0x3] =	sbarrier.arrive $0xFFFF;
	s2 =	simm.s32 @!p0 $0x1C03  }
0x67: {  	[timem:s3], [sflag:s2] =	dma.local @!p0 [hbm:s0], s1  }
0x68: {  	s0 =	simm.s32 @!p0 $0x3  }
0x69: {  	_ =	swait.ge @!p0 [sflag:s0], s1  }
0x6a: {  	s1 =	ssub.s32 @!p0 $0x0, s1;
	[sflag:s0] =	ssyncset.done @!p0 $0x0  }
0x6b: {  	[sflag:s0] =	ssyncadd.s32 @!p0 s1  }
0x6c: {  	[bflag:$0x3] =	sbarrier.arrive $0xFFFF  }
0x6d: {  	_ =	shalt  }

// kernel: kernel.25.cloned.1.call-start
scs
__scs_entry_jumppad:
0x0: {  	(pc) =	sbr.rel $0x88, $3  }
0x1: {  	(tag) =	ssettag $0x0;
	lr =	simm.s32 $0x1  }
0x2: {  	[smem:$0x3F91] =	sst lr;
	_ =	strace $0xD0000000  }
0x3: {  	_ = 	snop  }
0x4: {  	_ = 	snop  }
0x5: {  	_ = 	snop  }
0x6: {  	_ = 	snop  }
0x7: {  	_ = 	snop  }
__scs_overlays_trampoline_lowered:
0x8: {  	[smem:$0x3FA0] =	sst s0  }
0x9: {  	[smem:$0x3FA1] =	sst s1  }
0xa: {  	[smem:$0x3FA2] =	sst s2  }
0xb: {  	[smem:$0x3FA3] =	sst s3  }
0xc: {  	[smem:$0x3FA4] =	sst s4  }
0xd: {  	[smem:$0x3FA5] =	sst s5  }
0xe: {  	[smem:$0x3FA6] =	sst s6  }
0xf: {  	[smem:$0x3FA7] =	sst s7  }
0x10: {  	[smem:$0x3FA8] =	sst s8  }
0x11: {  	[smem:$0x3FA9] =	sst s9;
	s0 =	simm.s32 @!p0 $0x0  }
0x12: {  	s1 =	sld [smem:$0x3F8F];
	s0 =	simm.s32 @p0 $0x1  }
0x13: {  	[smem:$0x3FAA] =	sst s0;
	s0 =	simm.s32 @!p1 $0x0  }
0x14: {  	s2 =	sld [smem:$0x3F8E];
	s0 =	simm.s32 @p1 $0x1  }
0x15: {  	[smem:$0x3FAB] =	sst s0;
	s0 =	simm.s32 @!p2 $0x0  }
0x16: {  	s3 =	sld [smem:$0x3FDB];
	s0 =	simm.s32 @p2 $0x1  }
0x17: {  	s4 =	simm.s32 $0x1BF5;
	[smem:$0x3FAD] =	sst s0  }
0x18: {  	s0 =	sld [smem:$0x3F90];
	_ =	swait.ge [sflag:s4], $0x0  }
0x19: {  	s7 =	sld [smem:$0x3F91]  }
0x1a: {  	s8 =	sadd.s32 $0xFFFFE003, lr  }
0x1b: {  	s9 =	sadd.s32 $0xFFFFFEF7, lr;
	s5 =	simm.s32 $0xFFFFFFFF;
	p2 =	slt.u32 s8, $0xFFFFF086  }
0x1c: {  	p1 =	slt.u32 s9, $0xF7A;
	s5 =	simm.s32 @!p2 $0x0  }
0x1d: {  	s5 =	simm.s32 @p1 $0x1;
	p0 =	seq.s32 s7, s2  }
0x1e: {  	s7 =	smul.u32 @!p0 $0xF7A, s2;
	p2 =	seq.s32 @!p0 s5, $0x0  }
0x1f: {  	s9 =	smul.u32 $0xF7A, s1;
	s8 =	simm.s32 @!p0 $0x1BF5;
	p2 =	por !p2, p0  }
0x20: {  	[sflag:s8] =	ssyncset.s32 @!p0 $0xFFFFF086;
	s6 =	sadd.s32 @!p0 s3, s7;
	s7 =	simm.s32 @!p0 $0x108  }
0x21: {  	s3 =	sadd.s32 s3, s9;
	s6 =	sadd.s32 @!p0 $0x88, s6;
	s7 =	simm.s32 @p2 $0x1082  }
0x22: {  	[simem:s7], [sflag:s8] =	dma.local @!p0 [hbm:s6], $0xF7A  }
0x23: {  	s9 =	sor.u32 $0xD0000000, s2;
	s6 =	simm.s32 $0x108;
	_ =	swait.ge @!p0 [sflag:s8], $0x0  }
0x24: {  	s3 =	sadd.s32 $0x88, s3;
	s6 =	simm.s32 @!p1 $0x1082;
	[sflag:s4] =	ssyncset.s32 $0xFFFFF086  }
0x25: {  	[simem:s6], [sflag:s4] =	dma.local [hbm:s3], $0xF7A  }
0x26: {  	[smem:$0x3F91] =	sst s1;
	(tag) =	ssettag s2;
	_ =	strace s9  }
0x27: {  	s1 =	sld [smem:$0x3FA1]  }
0x28: {  	s2 =	sld [smem:$0x3FA2]  }
0x29: {  	s4 =	sld [smem:$0x3FA4]  }
0x2a: {  	p0 =	seq.s32 s5, $0x0;
	s5 =	sld [smem:$0x3FA5]  }
0x2b: {  	s6 =	sld [smem:$0x3FA6]  }
0x2c: {  	s7 =	sld [smem:$0x3FA7]  }
0x2d: {  	s3 =	simm.s32 $0x108;
	s8 =	sld [smem:$0x3FA8]  }
0x2e: {  	s3 =	simm.s32 @!p0 $0x1082;
	s9 =	sld [smem:$0x3FA9]  }
0x2f: {  	lr =	sadd.s32 s0, s3;
	s0 =	sld [smem:$0x3FA0]  }
0x30: {  	s3 =	sld [smem:$0x3FA3]  }
0x31: {  	[smem:$0x3FAC] =	sst s10  }
0x32: {  	s10 =	sld [smem:$0x3FAA];
	_ =	sdelay $0x3  }
0x33: {  	p0 =	seq.s32 s10, $0x1;
	s10 =	sld [smem:$0x3FAC];
	_ =	sdelay $0x3  }
0x34: {  	[smem:$0x3FAC] =	sst s10  }
0x35: {  	s10 =	sld [smem:$0x3FAB];
	_ =	sdelay $0x3  }
0x36: {  	p1 =	seq.s32 s10, $0x1;
	s10 =	sld [smem:$0x3FAC];
	_ =	sdelay $0x3  }
0x37: {  	[smem:$0x3FAC] =	sst s10  }
0x38: {  	s10 =	sld [smem:$0x3FAD]  }
0x39: {  	_ = 	snop;
	(pc) =	sbr.ind lr, $3  }
0x3a: {  	_ = 	snop  }
0x3b: {  	_ = 	snop  }
0x3c: {  	p2 =	seq.s32 s10, $0x1;
	s10 =	sld [smem:$0x3FAC]  }
0x3d: {  	_ =	shalt  }
0x3e: {  	_ =	shalt  }
0x3f: {  	_ =	shalt  }
0x40: {  	_ =	shalt  }
0x41: {  	_ =	shalt  }
0x42: {  	_ =	shalt  }
0x43: {  	_ =	shalt  }
0x44: {  	_ =	shalt  }
0x45: {  	_ =	shalt  }
0x46: {  	_ =	shalt  }
0x47: {  	_ =	shalt  }
0x48: {  	_ =	shalt  }
0x49: {  	_ =	shalt  }
0x4a: {  	_ =	shalt  }
0x4b: {  	_ =	shalt  }
0x4c: {  	_ =	shalt  }
0x4d: {  	_ =	shalt  }
0x4e: {  	_ =	shalt  }
0x4f: {  	_ =	shalt  }
0x50: {  	_ =	shalt  }
0x51: {  	_ =	shalt  }
0x52: {  	_ =	shalt  }
0x53: {  	_ =	shalt  }
0x54: {  	_ =	shalt  }
0x55: {  	_ =	shalt  }
0x56: {  	_ =	shalt  }
0x57: {  	_ =	shalt  }
0x58: {  	_ =	shalt  }
0x59: {  	_ =	shalt  }
0x5a: {  	_ =	shalt  }
0x5b: {  	_ =	shalt  }
0x5c: {  	_ =	shalt  }
0x5d: {  	_ =	shalt  }
0x5e: {  	_ =	shalt  }
0x5f: {  	_ =	shalt  }
0x60: {  	_ =	shalt  }
0x61: {  	_ =	shalt  }
0x62: {  	_ =	shalt  }
0x63: {  	_ =	shalt  }
0x64: {  	_ =	shalt  }
0x65: {  	_ =	shalt  }
0x66: {  	_ =	shalt  }
0x67: {  	_ =	shalt  }
0x68: {  	_ =	shalt  }
0x69: {  	_ =	shalt  }
0x6a: {  	_ =	shalt  }
0x6b: {  	_ =	shalt  }
0x6c: {  	_ =	shalt  }
0x6d: {  	_ =	shalt  }
0x6e: {  	_ =	shalt  }
0x6f: {  	_ =	shalt  }
0x70: {  	_ =	shalt  }
0x71: {  	_ =	shalt  }
0x72: {  	_ =	shalt  }
0x73: {  	_ =	shalt  }
0x74: {  	_ =	shalt  }
0x75: {  	_ =	shalt  }
0x76: {  	_ =	shalt  }
0x77: {  	_ =	shalt  }
0x78: {  	_ =	shalt  }
0x79: {  	_ =	shalt  }
0x7a: {  	_ =	shalt  }
0x7b: {  	_ =	shalt  }
0x7c: {  	_ =	shalt  }
0x7d: {  	_ =	shalt  }
0x7e: {  	_ =	shalt  }
0x7f: {  	_ =	shalt  }
0x80: {  	_ =	shalt  }
0x81: {  	_ =	shalt  }
0x82: {  	_ =	shalt  }
0x83: {  	_ =	shalt  }
0x84: {  	_ =	shalt  }
0x85: {  	_ =	shalt  }
0x86: {  	_ =	shalt  }
0x87: {  	_ =	shalt  }
.Lfunc_end0:
.L_simem_size_0:
called_computation.3_lowered:
.L_overlay_start_0:
0x88: {  	s2 =	sld [smem:$0x3FD9]  }
0x89: {  	s3 =	sld [smem:$0x3FFE];
	_ =	sdelay $0x1  }
0x8a: {  	s1 =	srdreg.scid  }
0x8b: {  	s0 =	sand.u32 $0x1, s1  }
0x8c: {  	s17 =	sshll.u32 s0, $0xA;
	s2 =	sadd.s32 s3, s2  }
0x8d: {  	s2 =	sadd.s32 s2, s17  }
0x8e: {  	[smem:$0x3FB8] =	sst s2  }
0x8f: {  	_ = 	snop  }
0x90: {  	(tm) =	ssettm $0x1  }
0x91: {  	s18 =	sld [smem:$0x3FFB];
	_ =	sdelay $0x3  }
0x92: {  	_ =	strace s18  }
0x93: {  	s2 =	sld [smem:$0x3FFC];
	_ =	sdelay $0x3  }
0x94: {  	_ =	strace s2  }
0x95: {  	s2 =	sld [smem:$0x3FFD];
	_ =	sdelay $0x3  }
0x96: {  	_ =	strace s2  }
0x97: {  	_ =	strace $0x8FFFFFFF  }
0x98: {  	s19 =	sld [smem:$0x3FDB];
	_ =	sdelay $0x1  }
0x99: {  	s20 =	simm.s32 $_scs_section_size  }
0x9a: {  	s4 =	simm.s32 $_size__tile_overlayer_lowered;
	s5 =	simm.s32 $_tile_overlayer_lowered  }
0x9b: {  	s6 =	simm.s32 $0x1BFF;
	s21 =	sshll.u32 s5, $0x1;
	s3 =	sadd.s32 s20, s19  }
0x9c: {  	s22 =	simm.s32 $0x0;
	s4 =	sshll.u32 s4, $0x1;
	s5 =	sadd.s32 s21, s3  }
0x9d: {  	[timem:s22], [sflag:s6] =	dma.local [hbm:s5], s4  }
0x9e: {  	_ =	swait.ge [sflag:s6], s4  }
0x9f: {  	s4 =	ssub.s32 $0x0, s4;
	[sflag:s6] =	ssyncset.done $0x0  }
0xa0: {  	[sflag:s6] =	ssyncadd.s32 s4;
	_ =	sdelay $0x1  }
0xa1: {  	s23 =	simm.s32 $0x1B8B  }
0xa2: {  	_ =	swait.ge [sflag:s23], $0x1  }
0xa3: {  	[sflag:s23] =	ssyncset.done $0x0  }
0xa4: {  	[sflag:s23] =	ssyncadd.s32 $0xFFFFFFFF  }
0xa5: {  	s4 =	sld [smem:$0x0]  }
0xa6: {  	s5 =	sand.u32 $0xFFFFFFFE, s1  }
0xa7: {  	p0 =	sne.s32 s1, s5  }
0xa8: {  	s5 =	sshll.u32 @p0 s5, $0xE  }
0xa9: {  	s5 =	sadd.s32 @p0 $0x11B8D, s5;
	s6 =	sshll.u32 @p0 s4, $0x11  }
0xaa: {  	s5 =	sor.u32 @p0 s6, s5  }
0xab: {  	[sflag:s5] =	ssyncadd.remote.s32 @p0 $0x1;
	_ =	sdelay $0x1  }
0xac: {  	s5 =	simm.s32 @p0 $0x1B8D  }
0xad: {  	_ =	swait.eq @p0 [sflag:s5], $0x1  }
0xae: {  	[sflag:s5] =	ssyncadd.s32 @p0 $0xFFFFFFFF  }
0xaf: {  	s6 =	sshll.u32 @!p0 s1, $0xE  }
0xb0: {  	s6 =	sor.u32 @!p0 $0x4000, s6;
	s5 =	simm.s32 @!p0 $0x1B8D  }
0xb1: {  	s4 =	sshll.u32 @!p0 s4, $0x11;
	s6 =	sadd.s32 @!p0 $0x11B8D, s6;
	_ =	swait.eq @!p0 [sflag:s5], $0x1  }
0xb2: {  	s4 =	sor.u32 @!p0 s4, s6;
	[sflag:s5] =	ssyncadd.s32 @!p0 $0xFFFFFFFF  }
0xb3: {  	s25 =	simm.s32 $0x1B8E;
	s24 =	sld [smem:$0x3FFE];
	[sflag:s4] =	ssyncadd.remote.s32 @!p0 $0x1  }
0xb4: {  	s26 =	simm.s32 $execute0_lowered;
	[smem:$0x3FD2] =	sst s25  }
0xb5: {  	s5 =	sshll.u32 s26, $0x1;
	_ =	strace $0x80000052;
	[dreg:$0x1] =	wrdreg $0xFFFFFFFF  }
0xb6: {  	s28 =	simm.s32 $_size_execute0_lowered;
	s3 =	sadd.s32 s3, s5;
	[dreg:$0x0] =	wrdreg $0x0  }
0xb7: {  	s5 =	sshll.u32 s28, $0x1;
	[dreg:$0x2] =	wrdreg s3  }
0xb8: {  	[dreg:$0x3] =	wrdreg s5  }
0xb9: {  	[dreg:$0x4] =	wrdreg $0xC0  }
0xba: {  	_ =	task [dreg:s22], $0x5FFFF  }
0xbb: {  	[dreg:$0x1] =	wrdreg $0xFFFFFFFF  }
0xbc: {  	[dreg:$0x0] =	wrdreg $0x60  }
0xbd: {  	[dreg:$0x2] =	wrdreg s24  }
0xbe: {  	[dreg:$0x3] =	wrdreg $0xB7800  }
0xbf: {  	[dreg:$0x4] =	wrdreg $0x9  }
0xc0: {  	_ =	task.clear_ibuf [dreg:s22], $0x5FFFF;
	_ =	strace $0x90000052  }
0xc1: {  	s29 =	simm.s32 $0x9;
	_ =	strace $0x80000054  }
0xc2: {  	_ =	swait.ge [sflag:s29], $0x1  }
0xc3: {  	[sflag:s29] =	ssyncadd.s32 $0xFFFFFFFF  }
0xc4: {  	_ =	strace $0x90000054  }
0xc5: {  	_ =	sfence  }
0xc6: {  	s30 =	sld [smem:$0x0];
	_ =	sdelay $0x2  }
0xc7: {  	s31 =	sshll.u32 s1, $0xD;
	s1 =	sshrl.u32 s1, $0x2  }
0xc8: {  	s4 =	sand.u32 $0x4000, s31;
	s1 =	sadd.s32 s1, s30  }
0xc9: {  	s0 =	sor.u32 s4, s0;
	s1 =	sshll.u32 s1, $0x11  }
0xca: {  	s0 =	sor.u32 s1, s0  }
0xcb: {  	s0 =	sadd.s32 $0x8F2B, s0  }
0xcc: {  	[sflag:s0] =	ssyncadd.remote.s32 $0x1  }
0xcd: {  	_ =	sfence.sel $0xFFFF  }
0xce: {  	[dreg:$0x0] =	wrdreg $0xFFFFFFFF;
	(pc) =	sbr.abs _section_cstart, $3  }
0xcf: {  	[dreg:$0x1] =	wrdreg $0xFFFFFFFF  }
0xd0: {  	_ =	task.clear_ibuf [dreg:s22], $0x2FFFF;
	_ =	strace $0x9FFFFFFF  }
0xd1: {  	(tm) =	ssettm $0x7FFFFFFF  }
tec
execute0_lowered:
.L_overlay_start_1:
0x0: {  	(tag) =	ssettag $0x1  }
0x1: {  	s1 =	srdreg.scid  }
0x2: {  	s5 =	rddreg [dreg:$0x0];
	s0 =	stileid.u32  }
0x3: {  	s2 =	rddreg [dreg:$0x1];
	s3 =	simm.s32 $0x0;
	s15 =	simm.s32 $0x6780  }
0x4: {  	s18 =	simm.s32 $0x8F80;
	s19 =	simm.s32 $0x1;
	s20 =	simm.s32 $0x2  }
0x5: {  	s21 =	simm.s32 $0x6580;
	s22 =	simm.s32 $0x0;
	s10 =	smul.u32 $0x14000, s0  }
0x6: {  	s6 =	sand.u32 $0x1, s1;
	s1 =	rddreg [dreg:$0x2];
	s11 =	smul.u32 $0x50000, s0  }
0x7: {  	s7 =	sshrl.u32 s0, $0x3;
	[smem:$0x7FF] =	sst s3;
	s13 =	smul.u32 $0x2800, s0  }
0x8: {  	s8 =	sshll.u32 s0, $0x7;
	s9 =	sshll.u32 s0, $0xB;
	s4 =	smul.u32 $0x27800, s6  }
0x9: {  	s16 =	sshll.u32 s0, $0x6;
	s7 =	smul.u32 $0x13C00, s7;
	_ =	strace $0x80000053  }
0xa: {  	s8 =	sand.u32 $0x380, s8;
	s25 =	smul.u32 $0x140000, s6;
	s9 =	sadd.s32 s9, s5  }
0xb: {  	s26 =	ssub.s32 $0x2, s6;
	s12 =	smul.u32 $0x28000, s6;
	s16 =	sor.u32 $0x1C03, s16  }
0xc: {  	s29 =	sshrl.u32 s26, $0x1;
	s6 =	sadd.s32 $0x4C00, s9;
	s30 =	sshrl.u32 s11, $0x2  }
0xd: {  	s11 =	simm.s32 $0x400;
	s7 =	sadd.s32 s4, s7;
	s4 =	sadd.s32 $0xC7400, s5  }
0xe: {  	s31 =	sadd.s32 s13, s12;
	s17 =	sadd.s32 s30, s2;
	s12 =	simm.s32 $0x3  }
0xf: {  	s13 =	simm.s32 $0x2780;
	s7 =	sor.u32 s8, s7;
	s8 =	sadd.s32 s10, s25  }
0x10: {  	s10 =	ssub.s32 s26, s29;
	s17 =	sshrl.u32 s17, $0x3;
	s7 =	sshrl.u32 s7, $0x3  }
0x11: {  	s28 =	sshrl.u32 s8, $0x3;
	s9 =	smax.u32 s10, $0x1;
	s7 =	sadd.s32 s7, s5  }
0x12: {  	s10 =	simm.s32 $0x80;
	s14 =	sadd.s32 s28, s5;
	s5 =	sadd.s32 $0x117400, s7  }
0x13: {  	s7 =	sadd.s32 s4, s31;
	s8 =	sadd.s32 $0x121200, s14;
	s14 =	simm.s32 $0x50  }
.LBB2_1:
0x14: {  	[tilespmem:s3], [sflag:$0x3] =	stream.strided.gather [hbm4b:s5+s10], $0x2780, s11, s10, $0x38;
	[tilespmem:$0x1F780] =	vst v63  }
0x15: {  	_ =	swait.ge [sflag:s12], $0x2780  }
0x16: {  	[sflag:s12] =	ssyncset.done $0x0  }
0x17: {  	[sflag:s12] =	ssyncadd.s32 $0xFFFFD880  }
0x18: {  	[tilespmem:s13], [sflag:$0x3] =	stream.linear.gather [hbm4b:s6+s3], $0x3E80, $0x38;
	[tilespmem:$0x1F780] =	vst v63  }
0x19: {  	_ =	swait.ge [sflag:s12], $0x3E80  }
0x1a: {  	[sflag:s12] =	ssyncset.done $0x0  }
0x1b: {  	[sflag:s12] =	ssyncadd.s32 $0xFFFFC180  }
0x1c: {  	[tilespmem:s15], [sflag:$0x1] =	stream.indirect.gather [hbm4b:s4+s14], $0x80, s3, s14, $0xb8;
	[tilespmem:$0x1F780] =	vst v63  }
0x1d: {  	[spmem:s17], [sflag:s16] =	dma.local [hbm:s7], $0x2800  }
0x1e: {  	_ =	swait.ge [sflag:s12], $0x2800  }
0x1f: {  	[sflag:s12] =	ssyncset.done $0x0  }
0x20: {  	[sflag:s12] =	ssyncadd.s32 $0xFFFFD800  }
0x21: {  	s23 =	simm.s32 $0x50;
	[bflag:$0x0] =	sbarrier.arrive $0xFFFF  }
0x22: {  	[tilespmem:s18], [sflag:$0x2] =	stream.indirect.gather [hbm4b:s4+s14], $0x80, s23, s14, $0xb8;
	[tilespmem:$0x1F780] =	vst v63  }
0x23: {  	_ =	swait.ge [sflag:s19], $0x2800  }
0x24: {  	[sflag:s19] =	ssyncset.done $0x0  }
0x25: {  	s29 =	simm.s32 $0x2780;
	[sflag:s19] =	ssyncadd.s32 $0xFFFFD800  }
0x26: {  	[spmem:s2] =	stream.indirect.scatter.add.f32 [tilespmem:s15], [sflag:$0x3], $0x80, s29, s14, $0xb8;
	[tilespmem:$0x1F780] =	vst v63  }
0x27: {  	_ =	swait.ge [sflag:s12], $0x2800  }
0x28: {  	[sflag:s12] =	ssyncset.done $0x0  }
0x29: {  	s30 =	simm.s32 $0xA0;
	[sflag:s12] =	ssyncadd.s32 $0xFFFFD800  }
0x2a: {  	[tilespmem:s15], [sflag:$0x1] =	stream.indirect.gather [hbm4b:s4+s14], $0x80, s30, s14, $0xb8;
	[tilespmem:$0x1F780] =	vst v63  }
0x2b: {  	_ =	swait.ge [sflag:s20], $0x2800  }
0x2c: {  	[sflag:s20] =	ssyncset.done $0x0  }
0x2d: {  	s31 =	simm.s32 $0x2800;
	[sflag:s20] =	ssyncadd.s32 $0xFFFFD800  }
0x2e: {  	[spmem:s2] =	stream.indirect.scatter.add.f32 [tilespmem:s18], [sflag:$0x3], $0x80, s31, s14, $0xb8;
	[tilespmem:$0x1F780] =	vst v63  }
0x2f: {  	s24 =	simm.s32 $0x400;
	_ =	swait.ge [sflag:s12], $0x2800  }
0x30: {  	s25 =	simm.s32 $0x800;
	s23 =	simm.s32 $0x140;
	[sflag:s12] =	ssyncset.done $0x0  }
.LBB2_2:
0x31: {  	p0 =	sne.s32 s25, $0xF400;
	s26 =	sadd.s32 $0xFFFFFFB0, s23;
	[sflag:s12] =	ssyncadd.s32 $0xFFFFD800  }
0x32: {  	[tilespmem:s18], [sflag:$0x2] =	stream.indirect.gather [hbm4b:s4+s14], $0x80, s26, s14, $0xb8;
	[tilespmem:$0x1F780] =	vst v63  }
0x33: {  	s26 =	smov.u32 s25;
	s25 =	sadd.s32 $0x400, s25;
	_ =	swait.ge [sflag:s19], $0x2800  }
0x34: {  	s28 =	sshra.s32 s24, $0x2;
	s24 =	smov.u32 s26;
	[sflag:s19] =	ssyncset.done $0x0  }
0x35: {  	s26 =	sadd.s32 $0x2780, s28;
	[sflag:s19] =	ssyncadd.s32 $0xFFFFD800  }
0x36: {  	[spmem:s2] =	stream.indirect.scatter.add.f32 [tilespmem:s15], [sflag:$0x3], $0x80, s26, s14, $0xb8;
	[tilespmem:$0x1F780] =	vst v63  }
0x37: {  	_ =	swait.ge [sflag:s12], $0x2800  }
0x38: {  	[sflag:s12] =	ssyncset.done $0x0  }
0x39: {  	[sflag:s12] =	ssyncadd.s32 $0xFFFFD800  }
0x3a: {  	[tilespmem:s15], [sflag:$0x1] =	stream.indirect.gather [hbm4b:s4+s14], $0x80, s23, s14, $0xb8;
	[tilespmem:$0x1F780] =	vst v63  }
0x3b: {  	_ =	swait.ge [sflag:s20], $0x2800  }
.Ltmp0:
0x3c: {  	[sflag:s20] =	ssyncset.done $0x0;
	(pc) =	sbr.rel @p0 .LBB2_2-.Ltmp0, $4  }
0x3d: {  	s26 =	sadd.s32 $0x2800, s28;
	[sflag:s20] =	ssyncadd.s32 $0xFFFFD800  }
0x3e: {  	[spmem:s2] =	stream.indirect.scatter.add.f32 [tilespmem:s18], [sflag:$0x3], $0x80, s26, s14, $0xb8;
	[tilespmem:$0x1F780] =	vst v63  }
0x3f: {  	_ =	swait.ge [sflag:s12], $0x2800  }
0x40: {  	s23 =	sadd.s32 $0xA0, s23;
	[sflag:s12] =	ssyncset.done $0x0  }
0x41: {  	s25 =	sadd.s32 $0xFFFFFFB0, s23;
	[sflag:s12] =	ssyncadd.s32 $0xFFFFD800  }
0x42: {  	[tilespmem:s18], [sflag:$0x2] =	stream.indirect.gather [hbm4b:s4+s14], $0x80, s25, s14, $0xb8;
	[tilespmem:$0x1F780] =	vst v63  }
0x43: {  	_ =	swait.ge [sflag:s19], $0x2800  }
0x44: {  	s24 =	sshra.s32 s24, $0x2;
	[sflag:s19] =	ssyncset.done $0x0  }
0x45: {  	s30 =	sadd.s32 $0x2780, s24;
	[sflag:s19] =	ssyncadd.s32 $0xFFFFD800  }
0x46: {  	[spmem:s2] =	stream.indirect.scatter.add.f32 [tilespmem:s15], [sflag:$0x3], $0x80, s30, s14, $0xb8;
	[tilespmem:$0x1F780] =	vst v63  }
0x47: {  	_ =	swait.ge [sflag:s12], $0x2800  }
0x48: {  	[sflag:s12] =	ssyncset.done $0x0  }
0x49: {  	[sflag:s12] =	ssyncadd.s32 $0xFFFFD800  }
0x4a: {  	[tilespmem:s15], [sflag:$0x1] =	stream.indirect.gather [hbm4b:s4+s14], $0x80, s23, s14, $0xb8;
	[tilespmem:$0x1F780] =	vst v63  }
0x4b: {  	_ =	swait.ge [sflag:s20], $0x2800  }
0x4c: {  	[sflag:s20] =	ssyncset.done $0x0  }
0x4d: {  	s31 =	sadd.s32 $0x2800, s24;
	[sflag:s20] =	ssyncadd.s32 $0xFFFFD800  }
0x4e: {  	[spmem:s2] =	stream.indirect.scatter.add.f32 [tilespmem:s18], [sflag:$0x3], $0x80, s31, s14, $0xb8;
	[tilespmem:$0x1F780] =	vst v63  }
0x4f: {  	_ =	swait.ge [sflag:s12], $0x2800  }
0x50: {  	[sflag:s12] =	ssyncset.done $0x0  }
0x51: {  	[sflag:s12] =	ssyncadd.s32 $0xFFFFD800  }
0x52: {  	_ =	swait.ge [sflag:s19], $0x2800  }
0x53: {  	[sflag:s19] =	ssyncset.done $0x0  }
0x54: {  	[sflag:s19] =	ssyncadd.s32 $0xFFFFD800  }
0x55: {  	[spmem:s2] =	stream.indirect.scatter.add.f32 [tilespmem:s15], [sflag:$0x3], $0x80, s21, s14, $0xb8;
	[tilespmem:$0x1F780] =	vst v63  }
0x56: {  	_ =	swait.ge [sflag:s12], $0x2800  }
0x57: {  	s22 =	sadd.s32 $0x1, s22;
	[sflag:s12] =	ssyncset.done $0x0  }
0x58: {  	p0 =	sne.s32 s22, s9;
	[sflag:s12] =	ssyncadd.s32 $0xFFFFD800  }
.Ltmp1:
0x59: {  	[bflag:$0x0] =	sbarrier.arrive $0xFFFF;
	(pc) =	sbr.rel @p0 .LBB2_1-.Ltmp1, $4  }
0x5a: {  	[hbm:s8], [sflag:s16] =	dma.local [spmem:s17], $0x2800  }
0x5b: {  	_ =	swait.ge [sflag:s12], $0x2800  }
0x5c: {  	[sflag:s12] =	ssyncset.done $0x0  }
0x5d: {  	[sflag:s12] =	ssyncadd.s32 $0xFFFFD800  }
0x5e: {  	_ =	sfence.sel $0x180000  }
0x5f: {  	[bflag:$0x0] =	sbarrier.arrive $0xFFFF  }
0x60: {  	p0 =	sne.s32 s0, $0x0;
	_ =	strace $0x90000053  }
0x61: {  	s0 =	sadd.s32 @!p0 $0x100000, s1;
	[bflag:$0x2] =	sbarrier.arrive $0xFFFF  }
0x62: {  	[sflag:s0] =	ssyncadd.tile.s32 @!p0 $0x1;
	_ =	shalt  }
.Lfunc_end2:
_tile_overlayer_lowered:
.L_overlay_start_2:
0x63: {  	(tag) =	ssettag $0x2  }
0x64: {  	s0 =	rddreg [dreg:$0x0];
	s2 =	stileid.u32  }
0x65: {  	s1 =	rddreg [dreg:$0x1];
	p0 =	sne.s32 s2, $0x0  }
0x66: {  	s3 =	rddreg [dreg:$0x2];
	[bflag:$0x3] =	sbarrier.arrive $0xFFFF;
	s2 =	simm.s32 @!p0 $0x1C03  }
0x67: {  	[timem:s3], [sflag:s2] =	dma.local @!p0 [hbm:s0], s1  }
0x68: {  	s0 =	simm.s32 @!p0 $0x3  }
0x69: {  	_ =	swait.ge @!p0 [sflag:s0], s1  }
0x6a: {  	s1 =	ssub.s32 @!p0 $0x0, s1;
	[sflag:s0] =	ssyncset.done @!p0 $0x0  }
0x6b: {  	[sflag:s0] =	ssyncadd.s32 @!p0 s1  }
0x6c: {  	[bflag:$0x3] =	sbarrier.arrive $0xFFFF  }
0x6d: {  	_ =	shalt  }

// kernel: kernel.28.cloned.1.call-start
scs
__scs_entry_jumppad:
0x0: {  	(pc) =	sbr.rel $0x88, $3  }
0x1: {  	(tag) =	ssettag $0x0;
	lr =	simm.s32 $0x1  }
0x2: {  	[smem:$0x3F91] =	sst lr;
	_ =	strace $0xD0000000  }
0x3: {  	_ = 	snop  }
0x4: {  	_ = 	snop  }
0x5: {  	_ = 	snop  }
0x6: {  	_ = 	snop  }
0x7: {  	_ = 	snop  }
__scs_overlays_trampoline_lowered:
0x8: {  	[smem:$0x3FA0] =	sst s0  }
0x9: {  	[smem:$0x3FA1] =	sst s1  }
0xa: {  	[smem:$0x3FA2] =	sst s2  }
0xb: {  	[smem:$0x3FA3] =	sst s3  }
0xc: {  	[smem:$0x3FA4] =	sst s4  }
0xd: {  	[smem:$0x3FA5] =	sst s5  }
0xe: {  	[smem:$0x3FA6] =	sst s6  }
0xf: {  	[smem:$0x3FA7] =	sst s7  }
0x10: {  	[smem:$0x3FA8] =	sst s8  }
0x11: {  	[smem:$0x3FA9] =	sst s9;
	s0 =	simm.s32 @!p0 $0x0  }
0x12: {  	s1 =	sld [smem:$0x3F8F];
	s0 =	simm.s32 @p0 $0x1  }
0x13: {  	[smem:$0x3FAA] =	sst s0;
	s0 =	simm.s32 @!p1 $0x0  }
0x14: {  	s2 =	sld [smem:$0x3F8E];
	s0 =	simm.s32 @p1 $0x1  }
0x15: {  	[smem:$0x3FAB] =	sst s0;
	s0 =	simm.s32 @!p2 $0x0  }
0x16: {  	s3 =	sld [smem:$0x3FDB];
	s0 =	simm.s32 @p2 $0x1  }
0x17: {  	s4 =	simm.s32 $0x1BF5;
	[smem:$0x3FAD] =	sst s0  }
0x18: {  	s0 =	sld [smem:$0x3F90];
	_ =	swait.ge [sflag:s4], $0x0  }
0x19: {  	s7 =	sld [smem:$0x3F91]  }
0x1a: {  	s8 =	sadd.s32 $0xFFFFE003, lr  }
0x1b: {  	s9 =	sadd.s32 $0xFFFFFEF7, lr;
	s5 =	simm.s32 $0xFFFFFFFF;
	p2 =	slt.u32 s8, $0xFFFFF086  }
0x1c: {  	p1 =	slt.u32 s9, $0xF7A;
	s5 =	simm.s32 @!p2 $0x0  }
0x1d: {  	s5 =	simm.s32 @p1 $0x1;
	p0 =	seq.s32 s7, s2  }
0x1e: {  	s7 =	smul.u32 @!p0 $0xF7A, s2;
	p2 =	seq.s32 @!p0 s5, $0x0  }
0x1f: {  	s9 =	smul.u32 $0xF7A, s1;
	s8 =	simm.s32 @!p0 $0x1BF5;
	p2 =	por !p2, p0  }
0x20: {  	[sflag:s8] =	ssyncset.s32 @!p0 $0xFFFFF086;
	s6 =	sadd.s32 @!p0 s3, s7;
	s7 =	simm.s32 @!p0 $0x108  }
0x21: {  	s3 =	sadd.s32 s3, s9;
	s6 =	sadd.s32 @!p0 $0x88, s6;
	s7 =	simm.s32 @p2 $0x1082  }
0x22: {  	[simem:s7], [sflag:s8] =	dma.local @!p0 [hbm:s6], $0xF7A  }
0x23: {  	s9 =	sor.u32 $0xD0000000, s2;
	s6 =	simm.s32 $0x108;
	_ =	swait.ge @!p0 [sflag:s8], $0x0  }
0x24: {  	s3 =	sadd.s32 $0x88, s3;
	s6 =	simm.s32 @!p1 $0x1082;
	[sflag:s4] =	ssyncset.s32 $0xFFFFF086  }
0x25: {  	[simem:s6], [sflag:s4] =	dma.local [hbm:s3], $0xF7A  }
0x26: {  	[smem:$0x3F91] =	sst s1;
	(tag) =	ssettag s2;
	_ =	strace s9  }
0x27: {  	s1 =	sld [smem:$0x3FA1]  }
0x28: {  	s2 =	sld [smem:$0x3FA2]  }
0x29: {  	s4 =	sld [smem:$0x3FA4]  }
0x2a: {  	p0 =	seq.s32 s5, $0x0;
	s5 =	sld [smem:$0x3FA5]  }
0x2b: {  	s6 =	sld [smem:$0x3FA6]  }
0x2c: {  	s7 =	sld [smem:$0x3FA7]  }
0x2d: {  	s3 =	simm.s32 $0x108;
	s8 =	sld [smem:$0x3FA8]  }
0x2e: {  	s3 =	simm.s32 @!p0 $0x1082;
	s9 =	sld [smem:$0x3FA9]  }
0x2f: {  	lr =	sadd.s32 s0, s3;
	s0 =	sld [smem:$0x3FA0]  }
0x30: {  	s3 =	sld [smem:$0x3FA3]  }
0x31: {  	[smem:$0x3FAC] =	sst s10  }
0x32: {  	s10 =	sld [smem:$0x3FAA];
	_ =	sdelay $0x3  }
0x33: {  	p0 =	seq.s32 s10, $0x1;
	s10 =	sld [smem:$0x3FAC];
	_ =	sdelay $0x3  }
0x34: {  	[smem:$0x3FAC] =	sst s10  }
0x35: {  	s10 =	sld [smem:$0x3FAB];
	_ =	sdelay $0x3  }
0x36: {  	p1 =	seq.s32 s10, $0x1;
	s10 =	sld [smem:$0x3FAC];
	_ =	sdelay $0x3  }
0x37: {  	[smem:$0x3FAC] =	sst s10  }
0x38: {  	s10 =	sld [smem:$0x3FAD]  }
0x39: {  	_ = 	snop;
	(pc) =	sbr.ind lr, $3  }
0x3a: {  	_ = 	snop  }
0x3b: {  	_ = 	snop  }
0x3c: {  	p2 =	seq.s32 s10, $0x1;
	s10 =	sld [smem:$0x3FAC]  }
0x3d: {  	_ =	shalt  }
0x3e: {  	_ =	shalt  }
0x3f: {  	_ =	shalt  }
0x40: {  	_ =	shalt  }
0x41: {  	_ =	shalt  }
0x42: {  	_ =	shalt  }
0x43: {  	_ =	shalt  }
0x44: {  	_ =	shalt  }
0x45: {  	_ =	shalt  }
0x46: {  	_ =	shalt  }
0x47: {  	_ =	shalt  }
0x48: {  	_ =	shalt  }
0x49: {  	_ =	shalt  }
0x4a: {  	_ =	shalt  }
0x4b: {  	_ =	shalt  }
0x4c: {  	_ =	shalt  }
0x4d: {  	_ =	shalt  }
0x4e: {  	_ =	shalt  }
0x4f: {  	_ =	shalt  }
0x50: {  	_ =	shalt  }
0x51: {  	_ =	shalt  }
0x52: {  	_ =	shalt  }
0x53: {  	_ =	shalt  }
0x54: {  	_ =	shalt  }
0x55: {  	_ =	shalt  }
0x56: {  	_ =	shalt  }
0x57: {  	_ =	shalt  }
0x58: {  	_ =	shalt  }
0x59: {  	_ =	shalt  }
0x5a: {  	_ =	shalt  }
0x5b: {  	_ =	shalt  }
0x5c: {  	_ =	shalt  }
0x5d: {  	_ =	shalt  }
0x5e: {  	_ =	shalt  }
0x5f: {  	_ =	shalt  }
0x60: {  	_ =	shalt  }
0x61: {  	_ =	shalt  }
0x62: {  	_ =	shalt  }
0x63: {  	_ =	shalt  }
0x64: {  	_ =	shalt  }
0x65: {  	_ =	shalt  }
0x66: {  	_ =	shalt  }
0x67: {  	_ =	shalt  }
0x68: {  	_ =	shalt  }
0x69: {  	_ =	shalt  }
0x6a: {  	_ =	shalt  }
0x6b: {  	_ =	shalt  }
0x6c: {  	_ =	shalt  }
0x6d: {  	_ =	shalt  }
0x6e: {  	_ =	shalt  }
0x6f: {  	_ =	shalt  }
0x70: {  	_ =	shalt  }
0x71: {  	_ =	shalt  }
0x72: {  	_ =	shalt  }
0x73: {  	_ =	shalt  }
0x74: {  	_ =	shalt  }
0x75: {  	_ =	shalt  }
0x76: {  	_ =	shalt  }
0x77: {  	_ =	shalt  }
0x78: {  	_ =	shalt  }
0x79: {  	_ =	shalt  }
0x7a: {  	_ =	shalt  }
0x7b: {  	_ =	shalt  }
0x7c: {  	_ =	shalt  }
0x7d: {  	_ =	shalt  }
0x7e: {  	_ =	shalt  }
0x7f: {  	_ =	shalt  }
0x80: {  	_ =	shalt  }
0x81: {  	_ =	shalt  }
0x82: {  	_ =	shalt  }
0x83: {  	_ =	shalt  }
0x84: {  	_ =	shalt  }
0x85: {  	_ =	shalt  }
0x86: {  	_ =	shalt  }
0x87: {  	_ =	shalt  }
.Lfunc_end0:
.L_simem_size_0:
called_computation.4_lowered:
.L_overlay_start_0:
0x88: {  	s2 =	sld [smem:$0x3FD9]  }
0x89: {  	s3 =	sld [smem:$0x3FFE];
	_ =	sdelay $0x1  }
0x8a: {  	s1 =	srdreg.scid  }
0x8b: {  	s0 =	sand.u32 $0x1, s1  }
0x8c: {  	s17 =	sshll.u32 s0, $0xA;
	s2 =	sadd.s32 s3, s2  }
0x8d: {  	s2 =	sadd.s32 s2, s17  }
0x8e: {  	[smem:$0x3FB8] =	sst s2  }
0x8f: {  	_ = 	snop  }
0x90: {  	(tm) =	ssettm $0x1  }
0x91: {  	s18 =	sld [smem:$0x3FFB];
	_ =	sdelay $0x3  }
0x92: {  	_ =	strace s18  }
0x93: {  	s2 =	sld [smem:$0x3FFC];
	_ =	sdelay $0x3  }
0x94: {  	_ =	strace s2  }
0x95: {  	s2 =	sld [smem:$0x3FFD];
	_ =	sdelay $0x3  }
0x96: {  	_ =	strace s2  }
0x97: {  	_ =	strace $0x8FFFFFFF  }
0x98: {  	s19 =	sld [smem:$0x3FDB];
	_ =	sdelay $0x1  }
0x99: {  	s20 =	simm.s32 $_scs_section_size  }
0x9a: {  	s4 =	simm.s32 $_size__tile_overlayer_lowered;
	s5 =	simm.s32 $_tile_overlayer_lowered  }
0x9b: {  	s6 =	simm.s32 $0x1BFF;
	s21 =	sshll.u32 s5, $0x1;
	s3 =	sadd.s32 s20, s19  }
0x9c: {  	s22 =	simm.s32 $0x0;
	s4 =	sshll.u32 s4, $0x1;
	s5 =	sadd.s32 s21, s3  }
0x9d: {  	[timem:s22], [sflag:s6] =	dma.local [hbm:s5], s4  }
0x9e: {  	_ =	swait.ge [sflag:s6], s4  }
0x9f: {  	s4 =	ssub.s32 $0x0, s4;
	[sflag:s6] =	ssyncset.done $0x0  }
0xa0: {  	[sflag:s6] =	ssyncadd.s32 s4;
	_ =	sdelay $0x1  }
0xa1: {  	s23 =	simm.s32 $0x1B8B  }
0xa2: {  	_ =	swait.ge [sflag:s23], $0x1  }
0xa3: {  	[sflag:s23] =	ssyncset.done $0x0  }
0xa4: {  	[sflag:s23] =	ssyncadd.s32 $0xFFFFFFFF  }
0xa5: {  	s4 =	sld [smem:$0x0]  }
0xa6: {  	s5 =	sand.u32 $0xFFFFFFFE, s1  }
0xa7: {  	p0 =	sne.s32 s1, s5  }
0xa8: {  	s5 =	sshll.u32 @p0 s5, $0xE  }
0xa9: {  	s5 =	sadd.s32 @p0 $0x11B8D, s5;
	s6 =	sshll.u32 @p0 s4, $0x11  }
0xaa: {  	s5 =	sor.u32 @p0 s6, s5  }
0xab: {  	[sflag:s5] =	ssyncadd.remote.s32 @p0 $0x1;
	_ =	sdelay $0x1  }
0xac: {  	s5 =	simm.s32 @p0 $0x1B8D  }
0xad: {  	_ =	swait.eq @p0 [sflag:s5], $0x1  }
0xae: {  	[sflag:s5] =	ssyncadd.s32 @p0 $0xFFFFFFFF  }
0xaf: {  	s6 =	sshll.u32 @!p0 s1, $0xE  }
0xb0: {  	s6 =	sor.u32 @!p0 $0x4000, s6;
	s5 =	simm.s32 @!p0 $0x1B8D  }
0xb1: {  	s4 =	sshll.u32 @!p0 s4, $0x11;
	s6 =	sadd.s32 @!p0 $0x11B8D, s6;
	_ =	swait.eq @!p0 [sflag:s5], $0x1  }
0xb2: {  	s4 =	sor.u32 @!p0 s4, s6;
	[sflag:s5] =	ssyncadd.s32 @!p0 $0xFFFFFFFF  }
0xb3: {  	s25 =	simm.s32 $0x1B8E;
	s24 =	sld [smem:$0x3FFE];
	[sflag:s4] =	ssyncadd.remote.s32 @!p0 $0x1  }
0xb4: {  	s26 =	simm.s32 $execute0_lowered;
	[smem:$0x3FD2] =	sst s25  }
0xb5: {  	s5 =	sshll.u32 s26, $0x1;
	_ =	strace $0x8000004F;
	[dreg:$0x1] =	wrdreg $0xFFFFFFFF  }
0xb6: {  	s28 =	simm.s32 $_size_execute0_lowered;
	s3 =	sadd.s32 s3, s5;
	[dreg:$0x0] =	wrdreg $0x0  }
0xb7: {  	s5 =	sshll.u32 s28, $0x1;
	[dreg:$0x2] =	wrdreg s3  }
0xb8: {  	[dreg:$0x3] =	wrdreg s5  }
0xb9: {  	[dreg:$0x4] =	wrdreg $0xC0  }
0xba: {  	_ =	task [dreg:s22], $0x5FFFF  }
0xbb: {  	[dreg:$0x1] =	wrdreg $0xFFFFFFFF  }
0xbc: {  	[dreg:$0x0] =	wrdreg $0x60  }
0xbd: {  	[dreg:$0x2] =	wrdreg s24  }
0xbe: {  	[dreg:$0x3] =	wrdreg $0xB7800  }
0xbf: {  	[dreg:$0x4] =	wrdreg $0xA  }
0xc0: {  	_ =	task.clear_ibuf [dreg:s22], $0x5FFFF;
	_ =	strace $0x9000004F  }
0xc1: {  	s29 =	simm.s32 $0xA;
	_ =	strace $0x80000051  }
0xc2: {  	_ =	swait.ge [sflag:s29], $0x1  }
0xc3: {  	[sflag:s29] =	ssyncadd.s32 $0xFFFFFFFF  }
0xc4: {  	_ =	strace $0x90000051  }
0xc5: {  	_ =	sfence  }
0xc6: {  	s30 =	sld [smem:$0x0];
	_ =	sdelay $0x2  }
0xc7: {  	s31 =	sshll.u32 s1, $0xD;
	s1 =	sshrl.u32 s1, $0x2  }
0xc8: {  	s4 =	sand.u32 $0x4000, s31;
	s1 =	sadd.s32 s1, s30  }
0xc9: {  	s0 =	sor.u32 s4, s0;
	s1 =	sshll.u32 s1, $0x11  }
0xca: {  	s0 =	sor.u32 s1, s0  }
0xcb: {  	s0 =	sadd.s32 $0x8F2B, s0  }
0xcc: {  	[sflag:s0] =	ssyncadd.remote.s32 $0x1  }
0xcd: {  	_ =	sfence.sel $0xFFFF  }
0xce: {  	[dreg:$0x0] =	wrdreg $0xFFFFFFFF;
	(pc) =	sbr.abs _section_cstart, $3  }
0xcf: {  	[dreg:$0x1] =	wrdreg $0xFFFFFFFF  }
0xd0: {  	_ =	task.clear_ibuf [dreg:s22], $0x2FFFF;
	_ =	strace $0x9FFFFFFF  }
0xd1: {  	(tm) =	ssettm $0x7FFFFFFF  }
tec
execute0_lowered:
.L_overlay_start_1:
0x0: {  	(tag) =	ssettag $0x1  }
0x1: {  	s1 =	srdreg.scid  }
0x2: {  	s5 =	rddreg [dreg:$0x0];
	s0 =	stileid.u32  }
0x3: {  	s2 =	rddreg [dreg:$0x1];
	s3 =	simm.s32 $0x0;
	s15 =	simm.s32 $0x6780  }
0x4: {  	s18 =	simm.s32 $0x8F80;
	s19 =	simm.s32 $0x1;
	s20 =	simm.s32 $0x2  }
0x5: {  	s21 =	simm.s32 $0x6580;
	s22 =	simm.s32 $0x0;
	s10 =	smul.u32 $0x14000, s0  }
0x6: {  	s6 =	sand.u32 $0x1, s1;
	s1 =	rddreg [dreg:$0x2];
	s11 =	smul.u32 $0x50000, s0  }
0x7: {  	s7 =	sshrl.u32 s0, $0x3;
	[smem:$0x7FF] =	sst s3;
	s13 =	smul.u32 $0x2800, s0  }
0x8: {  	s8 =	sshll.u32 s0, $0x7;
	s9 =	sshll.u32 s0, $0xB;
	s4 =	smul.u32 $0x27800, s6  }
0x9: {  	s16 =	sshll.u32 s0, $0x6;
	s7 =	smul.u32 $0x13C00, s7;
	_ =	strace $0x80000050  }
0xa: {  	s8 =	sand.u32 $0x380, s8;
	s25 =	smul.u32 $0x140000, s6;
	s9 =	sadd.s32 s9, s5  }
0xb: {  	s26 =	ssub.s32 $0x2, s6;
	s12 =	smul.u32 $0x28000, s6;
	s16 =	sor.u32 $0x1C03, s16  }
0xc: {  	s29 =	sshrl.u32 s26, $0x1;
	s6 =	sadd.s32 $0x15600, s9;
	s30 =	sshrl.u32 s11, $0x2  }
0xd: {  	s11 =	simm.s32 $0x400;
	s7 =	sadd.s32 s4, s7;
	s4 =	sadd.s32 $0x1D600, s5  }
0xe: {  	s31 =	sadd.s32 s13, s12;
	s17 =	sadd.s32 s30, s2;
	s12 =	simm.s32 $0x3  }
0xf: {  	s13 =	simm.s32 $0x2780;
	s7 =	sor.u32 s8, s7;
	s8 =	sadd.s32 s10, s25  }
0x10: {  	s10 =	ssub.s32 s26, s29;
	s17 =	sshrl.u32 s17, $0x3;
	s7 =	sshrl.u32 s7, $0x3  }
0x11: {  	s28 =	sshrl.u32 s8, $0x3;
	s9 =	smax.u32 s10, $0x1;
	s7 =	sadd.s32 s7, s5  }
0x12: {  	s10 =	simm.s32 $0x80;
	s14 =	sadd.s32 s28, s5;
	s5 =	sadd.s32 $0x6D600, s7  }
0x13: {  	s7 =	sadd.s32 s4, s31;
	s8 =	sadd.s32 $0x77400, s14;
	s14 =	simm.s32 $0x50  }
.LBB2_1:
0x14: {  	[tilespmem:s3], [sflag:$0x3] =	stream.strided.gather [hbm4b:s5+s10], $0x2780, s11, s10, $0x38;
	[tilespmem:$0x1F780] =	vst v63  }
0x15: {  	_ =	swait.ge [sflag:s12], $0x2780  }
0x16: {  	[sflag:s12] =	ssyncset.done $0x0  }
0x17: {  	[sflag:s12] =	ssyncadd.s32 $0xFFFFD880  }
0x18: {  	[tilespmem:s13], [sflag:$0x3] =	stream.linear.gather [hbm4b:s6+s3], $0x3E80, $0x38;
	[tilespmem:$0x1F780] =	vst v63  }
0x19: {  	_ =	swait.ge [sflag:s12], $0x3E80  }
0x1a: {  	[sflag:s12] =	ssyncset.done $0x0  }
0x1b: {  	[sflag:s12] =	ssyncadd.s32 $0xFFFFC180  }
0x1c: {  	[tilespmem:s15], [sflag:$0x1] =	stream.indirect.gather [hbm4b:s4+s14], $0x80, s3, s14, $0xb8;
	[tilespmem:$0x1F780] =	vst v63  }
0x1d: {  	[spmem:s17], [sflag:s16] =	dma.local [hbm:s7], $0x2800  }
0x1e: {  	_ =	swait.ge [sflag:s12], $0x2800  }
0x1f: {  	[sflag:s12] =	ssyncset.done $0x0  }
0x20: {  	[sflag:s12] =	ssyncadd.s32 $0xFFFFD800  }
0x21: {  	s23 =	simm.s32 $0x50;
	[bflag:$0x0] =	sbarrier.arrive $0xFFFF  }
0x22: {  	[tilespmem:s18], [sflag:$0x2] =	stream.indirect.gather [hbm4b:s4+s14], $0x80, s23, s14, $0xb8;
	[tilespmem:$0x1F780] =	vst v63  }
0x23: {  	_ =	swait.ge [sflag:s19], $0x2800  }
0x24: {  	[sflag:s19] =	ssyncset.done $0x0  }
0x25: {  	s29 =	simm.s32 $0x2780;
	[sflag:s19] =	ssyncadd.s32 $0xFFFFD800  }
0x26: {  	[spmem:s2] =	stream.indirect.scatter.add.f32 [tilespmem:s15], [sflag:$0x3], $0x80, s29, s14, $0xb8;
	[tilespmem:$0x1F780] =	vst v63  }
0x27: {  	_ =	swait.ge [sflag:s12], $0x2800  }
0x28: {  	[sflag:s12] =	ssyncset.done $0x0  }
0x29: {  	s30 =	simm.s32 $0xA0;
	[sflag:s12] =	ssyncadd.s32 $0xFFFFD800  }
0x2a: {  	[tilespmem:s15], [sflag:$0x1] =	stream.indirect.gather [hbm4b:s4+s14], $0x80, s30, s14, $0xb8;
	[tilespmem:$0x1F780] =	vst v63  }
0x2b: {  	_ =	swait.ge [sflag:s20], $0x2800  }
0x2c: {  	[sflag:s20] =	ssyncset.done $0x0  }
0x2d: {  	s31 =	simm.s32 $0x2800;
	[sflag:s20] =	ssyncadd.s32 $0xFFFFD800  }
0x2e: {  	[spmem:s2] =	stream.indirect.scatter.add.f32 [tilespmem:s18], [sflag:$0x3], $0x80, s31, s14, $0xb8;
	[tilespmem:$0x1F780] =	vst v63  }
0x2f: {  	s24 =	simm.s32 $0x400;
	_ =	swait.ge [sflag:s12], $0x2800  }
0x30: {  	s25 =	simm.s32 $0x800;
	s23 =	simm.s32 $0x140;
	[sflag:s12] =	ssyncset.done $0x0  }
.LBB2_2:
0x31: {  	p0 =	sne.s32 s25, $0xF400;
	s26 =	sadd.s32 $0xFFFFFFB0, s23;
	[sflag:s12] =	ssyncadd.s32 $0xFFFFD800  }
0x32: {  	[tilespmem:s18], [sflag:$0x2] =	stream.indirect.gather [hbm4b:s4+s14], $0x80, s26, s14, $0xb8;
	[tilespmem:$0x1F780] =	vst v63  }
0x33: {  	s26 =	smov.u32 s25;
	s25 =	sadd.s32 $0x400, s25;
	_ =	swait.ge [sflag:s19], $0x2800  }
0x34: {  	s28 =	sshra.s32 s24, $0x2;
	s24 =	smov.u32 s26;
	[sflag:s19] =	ssyncset.done $0x0  }
0x35: {  	s26 =	sadd.s32 $0x2780, s28;
	[sflag:s19] =	ssyncadd.s32 $0xFFFFD800  }
0x36: {  	[spmem:s2] =	stream.indirect.scatter.add.f32 [tilespmem:s15], [sflag:$0x3], $0x80, s26, s14, $0xb8;
	[tilespmem:$0x1F780] =	vst v63  }
0x37: {  	_ =	swait.ge [sflag:s12], $0x2800  }
0x38: {  	[sflag:s12] =	ssyncset.done $0x0  }
0x39: {  	[sflag:s12] =	ssyncadd.s32 $0xFFFFD800  }
0x3a: {  	[tilespmem:s15], [sflag:$0x1] =	stream.indirect.gather [hbm4b:s4+s14], $0x80, s23, s14, $0xb8;
	[tilespmem:$0x1F780] =	vst v63  }
0x3b: {  	_ =	swait.ge [sflag:s20], $0x2800  }
.Ltmp0:
0x3c: {  	[sflag:s20] =	ssyncset.done $0x0;
	(pc) =	sbr.rel @p0 .LBB2_2-.Ltmp0, $4  }
0x3d: {  	s26 =	sadd.s32 $0x2800, s28;
	[sflag:s20] =	ssyncadd.s32 $0xFFFFD800  }
0x3e: {  	[spmem:s2] =	stream.indirect.scatter.add.f32 [tilespmem:s18], [sflag:$0x3], $0x80, s26, s14, $0xb8;
	[tilespmem:$0x1F780] =	vst v63  }
0x3f: {  	_ =	swait.ge [sflag:s12], $0x2800  }
0x40: {  	s23 =	sadd.s32 $0xA0, s23;
	[sflag:s12] =	ssyncset.done $0x0  }
0x41: {  	s25 =	sadd.s32 $0xFFFFFFB0, s23;
	[sflag:s12] =	ssyncadd.s32 $0xFFFFD800  }
0x42: {  	[tilespmem:s18], [sflag:$0x2] =	stream.indirect.gather [hbm4b:s4+s14], $0x80, s25, s14, $0xb8;
	[tilespmem:$0x1F780] =	vst v63  }
0x43: {  	_ =	swait.ge [sflag:s19], $0x2800  }
0x44: {  	s24 =	sshra.s32 s24, $0x2;
	[sflag:s19] =	ssyncset.done $0x0  }
0x45: {  	s30 =	sadd.s32 $0x2780, s24;
	[sflag:s19] =	ssyncadd.s32 $0xFFFFD800  }
0x46: {  	[spmem:s2] =	stream.indirect.scatter.add.f32 [tilespmem:s15], [sflag:$0x3], $0x80, s30, s14, $0xb8;
	[tilespmem:$0x1F780] =	vst v63  }
0x47: {  	_ =	swait.ge [sflag:s12], $0x2800  }
0x48: {  	[sflag:s12] =	ssyncset.done $0x0  }
0x49: {  	[sflag:s12] =	ssyncadd.s32 $0xFFFFD800  }
0x4a: {  	[tilespmem:s15], [sflag:$0x1] =	stream.indirect.gather [hbm4b:s4+s14], $0x80, s23, s14, $0xb8;
	[tilespmem:$0x1F780] =	vst v63  }
0x4b: {  	_ =	swait.ge [sflag:s20], $0x2800  }
0x4c: {  	[sflag:s20] =	ssyncset.done $0x0  }
0x4d: {  	s31 =	sadd.s32 $0x2800, s24;
	[sflag:s20] =	ssyncadd.s32 $0xFFFFD800  }
0x4e: {  	[spmem:s2] =	stream.indirect.scatter.add.f32 [tilespmem:s18], [sflag:$0x3], $0x80, s31, s14, $0xb8;
	[tilespmem:$0x1F780] =	vst v63  }
0x4f: {  	_ =	swait.ge [sflag:s12], $0x2800  }
0x50: {  	[sflag:s12] =	ssyncset.done $0x0  }
0x51: {  	[sflag:s12] =	ssyncadd.s32 $0xFFFFD800  }
0x52: {  	_ =	swait.ge [sflag:s19], $0x2800  }
0x53: {  	[sflag:s19] =	ssyncset.done $0x0  }
0x54: {  	[sflag:s19] =	ssyncadd.s32 $0xFFFFD800  }
0x55: {  	[spmem:s2] =	stream.indirect.scatter.add.f32 [tilespmem:s15], [sflag:$0x3], $0x80, s21, s14, $0xb8;
	[tilespmem:$0x1F780] =	vst v63  }
0x56: {  	_ =	swait.ge [sflag:s12], $0x2800  }
0x57: {  	s22 =	sadd.s32 $0x1, s22;
	[sflag:s12] =	ssyncset.done $0x0  }
0x58: {  	p0 =	sne.s32 s22, s9;
	[sflag:s12] =	ssyncadd.s32 $0xFFFFD800  }
.Ltmp1:
0x59: {  	[bflag:$0x0] =	sbarrier.arrive $0xFFFF;
	(pc) =	sbr.rel @p0 .LBB2_1-.Ltmp1, $4  }
0x5a: {  	[hbm:s8], [sflag:s16] =	dma.local [spmem:s17], $0x2800  }
0x5b: {  	_ =	swait.ge [sflag:s12], $0x2800  }
0x5c: {  	[sflag:s12] =	ssyncset.done $0x0  }
0x5d: {  	[sflag:s12] =	ssyncadd.s32 $0xFFFFD800  }
0x5e: {  	_ =	sfence.sel $0x180000  }
0x5f: {  	[bflag:$0x0] =	sbarrier.arrive $0xFFFF  }
0x60: {  	p0 =	sne.s32 s0, $0x0;
	_ =	strace $0x90000050  }
0x61: {  	s0 =	sadd.s32 @!p0 $0x100000, s1;
	[bflag:$0x2] =	sbarrier.arrive $0xFFFF  }
0x62: {  	[sflag:s0] =	ssyncadd.tile.s32 @!p0 $0x1;
	_ =	shalt  }
.Lfunc_end2:
_tile_overlayer_lowered:
.L_overlay_start_2:
0x63: {  	(tag) =	ssettag $0x2  }
0x64: {  	s0 =	rddreg [dreg:$0x0];
	s2 =	stileid.u32  }
0x65: {  	s1 =	rddreg [dreg:$0x1];
	p0 =	sne.s32 s2, $0x0  }
0x66: {  	s3 =	rddreg [dreg:$0x2];
	[bflag:$0x3] =	sbarrier.arrive $0xFFFF;
	s2 =	simm.s32 @!p0 $0x1C03  }
0x67: {  	[timem:s3], [sflag:s2] =	dma.local @!p0 [hbm:s0], s1  }
0x68: {  	s0 =	simm.s32 @!p0 $0x3  }
0x69: {  	_ =	swait.ge @!p0 [sflag:s0], s1  }
0x6a: {  	s1 =	ssub.s32 @!p0 $0x0, s1;
	[sflag:s0] =	ssyncset.done @!p0 $0x0  }
0x6b: {  	[sflag:s0] =	ssyncadd.s32 @!p0 s1  }
0x6c: {  	[bflag:$0x3] =	sbarrier.arrive $0xFFFF  }
0x6d: {  	_ =	shalt  }

// kernel: kernel.31.cloned.1.call-start
scs
__scs_entry_jumppad:
0x0: {  	(pc) =	sbr.rel $0x88, $3  }
0x1: {  	(tag) =	ssettag $0x0;
	lr =	simm.s32 $0x1  }
0x2: {  	[smem:$0x3F91] =	sst lr;
	_ =	strace $0xD0000000  }
0x3: {  	_ = 	snop  }
0x4: {  	_ = 	snop  }
0x5: {  	_ = 	snop  }
0x6: {  	_ = 	snop  }
0x7: {  	_ = 	snop  }
__scs_overlays_trampoline_lowered:
0x8: {  	[smem:$0x3FA0] =	sst s0  }
0x9: {  	[smem:$0x3FA1] =	sst s1  }
0xa: {  	[smem:$0x3FA2] =	sst s2  }
0xb: {  	[smem:$0x3FA3] =	sst s3  }
0xc: {  	[smem:$0x3FA4] =	sst s4  }
0xd: {  	[smem:$0x3FA5] =	sst s5  }
0xe: {  	[smem:$0x3FA6] =	sst s6  }
0xf: {  	[smem:$0x3FA7] =	sst s7  }
0x10: {  	[smem:$0x3FA8] =	sst s8  }
0x11: {  	[smem:$0x3FA9] =	sst s9;
	s0 =	simm.s32 @!p0 $0x0  }
0x12: {  	s1 =	sld [smem:$0x3F8F];
	s0 =	simm.s32 @p0 $0x1  }
0x13: {  	[smem:$0x3FAA] =	sst s0;
	s0 =	simm.s32 @!p1 $0x0  }
0x14: {  	s2 =	sld [smem:$0x3F8E];
	s0 =	simm.s32 @p1 $0x1  }
0x15: {  	[smem:$0x3FAB] =	sst s0;
	s0 =	simm.s32 @!p2 $0x0  }
0x16: {  	s3 =	sld [smem:$0x3FDB];
	s0 =	simm.s32 @p2 $0x1  }
0x17: {  	s4 =	simm.s32 $0x1BF5;
	[smem:$0x3FAD] =	sst s0  }
0x18: {  	s0 =	sld [smem:$0x3F90];
	_ =	swait.ge [sflag:s4], $0x0  }
0x19: {  	s7 =	sld [smem:$0x3F91]  }
0x1a: {  	s8 =	sadd.s32 $0xFFFFE003, lr  }
0x1b: {  	s9 =	sadd.s32 $0xFFFFFEF7, lr;
	s5 =	simm.s32 $0xFFFFFFFF;
	p2 =	slt.u32 s8, $0xFFFFF086  }
0x1c: {  	p1 =	slt.u32 s9, $0xF7A;
	s5 =	simm.s32 @!p2 $0x0  }
0x1d: {  	s5 =	simm.s32 @p1 $0x1;
	p0 =	seq.s32 s7, s2  }
0x1e: {  	s7 =	smul.u32 @!p0 $0xF7A, s2;
	p2 =	seq.s32 @!p0 s5, $0x0  }
0x1f: {  	s9 =	smul.u32 $0xF7A, s1;
	s8 =	simm.s32 @!p0 $0x1BF5;
	p2 =	por !p2, p0  }
0x20: {  	[sflag:s8] =	ssyncset.s32 @!p0 $0xFFFFF086;
	s6 =	sadd.s32 @!p0 s3, s7;
	s7 =	simm.s32 @!p0 $0x108  }
0x21: {  	s3 =	sadd.s32 s3, s9;
	s6 =	sadd.s32 @!p0 $0x88, s6;
	s7 =	simm.s32 @p2 $0x1082  }
0x22: {  	[simem:s7], [sflag:s8] =	dma.local @!p0 [hbm:s6], $0xF7A  }
0x23: {  	s9 =	sor.u32 $0xD0000000, s2;
	s6 =	simm.s32 $0x108;
	_ =	swait.ge @!p0 [sflag:s8], $0x0  }
0x24: {  	s3 =	sadd.s32 $0x88, s3;
	s6 =	simm.s32 @!p1 $0x1082;
	[sflag:s4] =	ssyncset.s32 $0xFFFFF086  }
0x25: {  	[simem:s6], [sflag:s4] =	dma.local [hbm:s3], $0xF7A  }
0x26: {  	[smem:$0x3F91] =	sst s1;
	(tag) =	ssettag s2;
	_ =	strace s9  }
0x27: {  	s1 =	sld [smem:$0x3FA1]  }
0x28: {  	s2 =	sld [smem:$0x3FA2]  }
0x29: {  	s4 =	sld [smem:$0x3FA4]  }
0x2a: {  	p0 =	seq.s32 s5, $0x0;
	s5 =	sld [smem:$0x3FA5]  }
0x2b: {  	s6 =	sld [smem:$0x3FA6]  }
0x2c: {  	s7 =	sld [smem:$0x3FA7]  }
0x2d: {  	s3 =	simm.s32 $0x108;
	s8 =	sld [smem:$0x3FA8]  }
0x2e: {  	s3 =	simm.s32 @!p0 $0x1082;
	s9 =	sld [smem:$0x3FA9]  }
0x2f: {  	lr =	sadd.s32 s0, s3;
	s0 =	sld [smem:$0x3FA0]  }
0x30: {  	s3 =	sld [smem:$0x3FA3]  }
0x31: {  	[smem:$0x3FAC] =	sst s10  }
0x32: {  	s10 =	sld [smem:$0x3FAA];
	_ =	sdelay $0x3  }
0x33: {  	p0 =	seq.s32 s10, $0x1;
	s10 =	sld [smem:$0x3FAC];
	_ =	sdelay $0x3  }
0x34: {  	[smem:$0x3FAC] =	sst s10  }
0x35: {  	s10 =	sld [smem:$0x3FAB];
	_ =	sdelay $0x3  }
0x36: {  	p1 =	seq.s32 s10, $0x1;
	s10 =	sld [smem:$0x3FAC];
	_ =	sdelay $0x3  }
0x37: {  	[smem:$0x3FAC] =	sst s10  }
0x38: {  	s10 =	sld [smem:$0x3FAD]  }
0x39: {  	_ = 	snop;
	(pc) =	sbr.ind lr, $3  }
0x3a: {  	_ = 	snop  }
0x3b: {  	_ = 	snop  }
0x3c: {  	p2 =	seq.s32 s10, $0x1;
	s10 =	sld [smem:$0x3FAC]  }
0x3d: {  	_ =	shalt  }
0x3e: {  	_ =	shalt  }
0x3f: {  	_ =	shalt  }
0x40: {  	_ =	shalt  }
0x41: {  	_ =	shalt  }
0x42: {  	_ =	shalt  }
0x43: {  	_ =	shalt  }
0x44: {  	_ =	shalt  }
0x45: {  	_ =	shalt  }
0x46: {  	_ =	shalt  }
0x47: {  	_ =	shalt  }
0x48: {  	_ =	shalt  }
0x49: {  	_ =	shalt  }
0x4a: {  	_ =	shalt  }
0x4b: {  	_ =	shalt  }
0x4c: {  	_ =	shalt  }
0x4d: {  	_ =	shalt  }
0x4e: {  	_ =	shalt  }
0x4f: {  	_ =	shalt  }
0x50: {  	_ =	shalt  }
0x51: {  	_ =	shalt  }
0x52: {  	_ =	shalt  }
0x53: {  	_ =	shalt  }
0x54: {  	_ =	shalt  }
0x55: {  	_ =	shalt  }
0x56: {  	_ =	shalt  }
0x57: {  	_ =	shalt  }
0x58: {  	_ =	shalt  }
0x59: {  	_ =	shalt  }
0x5a: {  	_ =	shalt  }
0x5b: {  	_ =	shalt  }
0x5c: {  	_ =	shalt  }
0x5d: {  	_ =	shalt  }
0x5e: {  	_ =	shalt  }
0x5f: {  	_ =	shalt  }
0x60: {  	_ =	shalt  }
0x61: {  	_ =	shalt  }
0x62: {  	_ =	shalt  }
0x63: {  	_ =	shalt  }
0x64: {  	_ =	shalt  }
0x65: {  	_ =	shalt  }
0x66: {  	_ =	shalt  }
0x67: {  	_ =	shalt  }
0x68: {  	_ =	shalt  }
0x69: {  	_ =	shalt  }
0x6a: {  	_ =	shalt  }
0x6b: {  	_ =	shalt  }
0x6c: {  	_ =	shalt  }
0x6d: {  	_ =	shalt  }
0x6e: {  	_ =	shalt  }
0x6f: {  	_ =	shalt  }
0x70: {  	_ =	shalt  }
0x71: {  	_ =	shalt  }
0x72: {  	_ =	shalt  }
0x73: {  	_ =	shalt  }
0x74: {  	_ =	shalt  }
0x75: {  	_ =	shalt  }
0x76: {  	_ =	shalt  }
0x77: {  	_ =	shalt  }
0x78: {  	_ =	shalt  }
0x79: {  	_ =	shalt  }
0x7a: {  	_ =	shalt  }
0x7b: {  	_ =	shalt  }
0x7c: {  	_ =	shalt  }
0x7d: {  	_ =	shalt  }
0x7e: {  	_ =	shalt  }
0x7f: {  	_ =	shalt  }
0x80: {  	_ =	shalt  }
0x81: {  	_ =	shalt  }
0x82: {  	_ =	shalt  }
0x83: {  	_ =	shalt  }
0x84: {  	_ =	shalt  }
0x85: {  	_ =	shalt  }
0x86: {  	_ =	shalt  }
0x87: {  	_ =	shalt  }
.Lfunc_end0:
.L_simem_size_0:
called_computation.5_lowered:
.L_overlay_start_0:
0x88: {  	s2 =	sld [smem:$0x3FD9]  }
0x89: {  	s3 =	sld [smem:$0x3FFE];
	_ =	sdelay $0x1  }
0x8a: {  	s1 =	srdreg.scid  }
0x8b: {  	s0 =	sand.u32 $0x1, s1  }
0x8c: {  	s17 =	sshll.u32 s0, $0xA;
	s2 =	sadd.s32 s3, s2  }
0x8d: {  	s2 =	sadd.s32 s2, s17  }
0x8e: {  	[smem:$0x3FB8] =	sst s2  }
0x8f: {  	_ = 	snop  }
0x90: {  	(tm) =	ssettm $0x1  }
0x91: {  	s18 =	sld [smem:$0x3FFB];
	_ =	sdelay $0x3  }
0x92: {  	_ =	strace s18  }
0x93: {  	s2 =	sld [smem:$0x3FFC];
	_ =	sdelay $0x3  }
0x94: {  	_ =	strace s2  }
0x95: {  	s2 =	sld [smem:$0x3FFD];
	_ =	sdelay $0x3  }
0x96: {  	_ =	strace s2  }
0x97: {  	_ =	strace $0x8FFFFFFF  }
0x98: {  	s19 =	sld [smem:$0x3FDB];
	_ =	sdelay $0x1  }
0x99: {  	s20 =	simm.s32 $_scs_section_size  }
0x9a: {  	s4 =	simm.s32 $_size__tile_overlayer_lowered;
	s5 =	simm.s32 $_tile_overlayer_lowered  }
0x9b: {  	s6 =	simm.s32 $0x1BFF;
	s21 =	sshll.u32 s5, $0x1;
	s3 =	sadd.s32 s20, s19  }
0x9c: {  	s22 =	simm.s32 $0x0;
	s4 =	sshll.u32 s4, $0x1;
	s5 =	sadd.s32 s21, s3  }
0x9d: {  	[timem:s22], [sflag:s6] =	dma.local [hbm:s5], s4  }
0x9e: {  	_ =	swait.ge [sflag:s6], s4  }
0x9f: {  	s4 =	ssub.s32 $0x0, s4;
	[sflag:s6] =	ssyncset.done $0x0  }
0xa0: {  	[sflag:s6] =	ssyncadd.s32 s4;
	_ =	sdelay $0x1  }
0xa1: {  	s23 =	simm.s32 $0x1B8B  }
0xa2: {  	_ =	swait.ge [sflag:s23], $0x1  }
0xa3: {  	[sflag:s23] =	ssyncset.done $0x0  }
0xa4: {  	[sflag:s23] =	ssyncadd.s32 $0xFFFFFFFF  }
0xa5: {  	s4 =	sld [smem:$0x0]  }
0xa6: {  	s5 =	sand.u32 $0xFFFFFFFE, s1  }
0xa7: {  	p0 =	sne.s32 s1, s5  }
0xa8: {  	s5 =	sshll.u32 @p0 s5, $0xE  }
0xa9: {  	s5 =	sadd.s32 @p0 $0x11B8D, s5;
	s6 =	sshll.u32 @p0 s4, $0x11  }
0xaa: {  	s5 =	sor.u32 @p0 s6, s5  }
0xab: {  	[sflag:s5] =	ssyncadd.remote.s32 @p0 $0x1;
	_ =	sdelay $0x1  }
0xac: {  	s5 =	simm.s32 @p0 $0x1B8D  }
0xad: {  	_ =	swait.eq @p0 [sflag:s5], $0x1  }
0xae: {  	[sflag:s5] =	ssyncadd.s32 @p0 $0xFFFFFFFF  }
0xaf: {  	s6 =	sshll.u32 @!p0 s1, $0xE  }
0xb0: {  	s6 =	sor.u32 @!p0 $0x4000, s6;
	s5 =	simm.s32 @!p0 $0x1B8D  }
0xb1: {  	s4 =	sshll.u32 @!p0 s4, $0x11;
	s6 =	sadd.s32 @!p0 $0x11B8D, s6;
	_ =	swait.eq @!p0 [sflag:s5], $0x1  }
0xb2: {  	s4 =	sor.u32 @!p0 s4, s6;
	[sflag:s5] =	ssyncadd.s32 @!p0 $0xFFFFFFFF  }
0xb3: {  	s25 =	simm.s32 $0x1B8E;
	s24 =	sld [smem:$0x3FFE];
	[sflag:s4] =	ssyncadd.remote.s32 @!p0 $0x1  }
0xb4: {  	s26 =	simm.s32 $execute0_lowered;
	[smem:$0x3FD2] =	sst s25  }
0xb5: {  	s5 =	sshll.u32 s26, $0x1;
	_ =	strace $0x80000058;
	[dreg:$0x1] =	wrdreg $0xFFFFFFFF  }
0xb6: {  	s28 =	simm.s32 $_size_execute0_lowered;
	s3 =	sadd.s32 s3, s5;
	[dreg:$0x0] =	wrdreg $0x0  }
0xb7: {  	s5 =	sshll.u32 s28, $0x1;
	[dreg:$0x2] =	wrdreg s3  }
0xb8: {  	[dreg:$0x3] =	wrdreg s5  }
0xb9: {  	[dreg:$0x4] =	wrdreg $0xC0  }
0xba: {  	_ =	task [dreg:s22], $0x5FFFF  }
0xbb: {  	[dreg:$0x1] =	wrdreg $0xFFFFFFFF  }
0xbc: {  	[dreg:$0x0] =	wrdreg $0x60  }
0xbd: {  	[dreg:$0x2] =	wrdreg s24  }
0xbe: {  	[dreg:$0x3] =	wrdreg $0xB7800  }
0xbf: {  	[dreg:$0x4] =	wrdreg $0x9  }
0xc0: {  	_ =	task.clear_ibuf [dreg:s22], $0x5FFFF;
	_ =	strace $0x90000058  }
0xc1: {  	s29 =	simm.s32 $0x9;
	_ =	strace $0x8000005A  }
0xc2: {  	_ =	swait.ge [sflag:s29], $0x1  }
0xc3: {  	[sflag:s29] =	ssyncadd.s32 $0xFFFFFFFF  }
0xc4: {  	_ =	strace $0x9000005A  }
0xc5: {  	_ =	sfence  }
0xc6: {  	s30 =	sld [smem:$0x0];
	_ =	sdelay $0x2  }
0xc7: {  	s31 =	sshll.u32 s1, $0xD;
	s1 =	sshrl.u32 s1, $0x2  }
0xc8: {  	s4 =	sand.u32 $0x4000, s31;
	s1 =	sadd.s32 s1, s30  }
0xc9: {  	s0 =	sor.u32 s4, s0;
	s1 =	sshll.u32 s1, $0x11  }
0xca: {  	s0 =	sor.u32 s1, s0  }
0xcb: {  	s0 =	sadd.s32 $0x8F2B, s0  }
0xcc: {  	[sflag:s0] =	ssyncadd.remote.s32 $0x1  }
0xcd: {  	_ =	sfence.sel $0xFFFF  }
0xce: {  	[dreg:$0x0] =	wrdreg $0xFFFFFFFF;
	(pc) =	sbr.abs _section_cstart, $3  }
0xcf: {  	[dreg:$0x1] =	wrdreg $0xFFFFFFFF  }
0xd0: {  	_ =	task.clear_ibuf [dreg:s22], $0x2FFFF;
	_ =	strace $0x9FFFFFFF  }
0xd1: {  	(tm) =	ssettm $0x7FFFFFFF  }
tec
execute0_lowered:
.L_overlay_start_1:
0x0: {  	(tag) =	ssettag $0x1  }
0x1: {  	s1 =	srdreg.scid  }
0x2: {  	s5 =	rddreg [dreg:$0x0];
	s0 =	stileid.u32  }
0x3: {  	s2 =	rddreg [dreg:$0x1];
	s3 =	simm.s32 $0x0;
	s15 =	simm.s32 $0x6780  }
0x4: {  	s18 =	simm.s32 $0x8F80;
	s19 =	simm.s32 $0x1;
	s20 =	simm.s32 $0x2  }
0x5: {  	s21 =	simm.s32 $0x6580;
	s22 =	simm.s32 $0x0;
	s10 =	smul.u32 $0x14000, s0  }
0x6: {  	s6 =	sand.u32 $0x1, s1;
	s1 =	rddreg [dreg:$0x2];
	s11 =	smul.u32 $0x50000, s0  }
0x7: {  	s7 =	sshrl.u32 s0, $0x3;
	[smem:$0x7FF] =	sst s3;
	s13 =	smul.u32 $0x2800, s0  }
0x8: {  	s8 =	sshll.u32 s0, $0x7;
	s9 =	sshll.u32 s0, $0xB;
	s4 =	smul.u32 $0x27800, s6  }
0x9: {  	s16 =	sshll.u32 s0, $0x6;
	s7 =	smul.u32 $0x13C00, s7;
	_ =	strace $0x80000059  }
0xa: {  	s8 =	sand.u32 $0x380, s8;
	s25 =	smul.u32 $0x140000, s6;
	s9 =	sadd.s32 s9, s5  }
0xb: {  	s26 =	ssub.s32 $0x2, s6;
	s12 =	smul.u32 $0x28000, s6;
	s16 =	sor.u32 $0x1C03, s16  }
0xc: {  	s29 =	sshrl.u32 s26, $0x1;
	s6 =	sadd.s32 $0x4C00, s9;
	s30 =	sshrl.u32 s11, $0x2  }
0xd: {  	s11 =	simm.s32 $0x400;
	s7 =	sadd.s32 s4, s7;
	s4 =	sadd.s32 $0xC7400, s5  }
0xe: {  	s31 =	sadd.s32 s13, s12;
	s17 =	sadd.s32 s30, s2;
	s12 =	simm.s32 $0x3  }
0xf: {  	s13 =	simm.s32 $0x2780;
	s7 =	sor.u32 s8, s7;
	s8 =	sadd.s32 s10, s25  }
0x10: {  	s10 =	ssub.s32 s26, s29;
	s17 =	sshrl.u32 s17, $0x3;
	s7 =	sshrl.u32 s7, $0x3  }
0x11: {  	s28 =	sshrl.u32 s8, $0x3;
	s9 =	smax.u32 s10, $0x1;
	s7 =	sadd.s32 s7, s5  }
0x12: {  	s10 =	simm.s32 $0x80;
	s14 =	sadd.s32 s28, s5;
	s5 =	sadd.s32 $0x117400, s7  }
0x13: {  	s7 =	sadd.s32 s4, s31;
	s8 =	sadd.s32 $0x121200, s14;
	s14 =	simm.s32 $0x50  }
.LBB2_1:
0x14: {  	[tilespmem:s3], [sflag:$0x3] =	stream.strided.gather [hbm4b:s5+s10], $0x2780, s11, s10, $0x38;
	[tilespmem:$0x1F780] =	vst v63  }
0x15: {  	_ =	swait.ge [sflag:s12], $0x2780  }
0x16: {  	[sflag:s12] =	ssyncset.done $0x0  }
0x17: {  	[sflag:s12] =	ssyncadd.s32 $0xFFFFD880  }
0x18: {  	[tilespmem:s13], [sflag:$0x3] =	stream.linear.gather [hbm4b:s6+s3], $0x3E80, $0x38;
	[tilespmem:$0x1F780] =	vst v63  }
0x19: {  	_ =	swait.ge [sflag:s12], $0x3E80  }
0x1a: {  	[sflag:s12] =	ssyncset.done $0x0  }
0x1b: {  	[sflag:s12] =	ssyncadd.s32 $0xFFFFC180  }
0x1c: {  	[tilespmem:s15], [sflag:$0x1] =	stream.indirect.gather [hbm4b:s4+s14], $0x80, s3, s14, $0xb8;
	[tilespmem:$0x1F780] =	vst v63  }
0x1d: {  	[spmem:s17], [sflag:s16] =	dma.local [hbm:s7], $0x2800  }
0x1e: {  	_ =	swait.ge [sflag:s12], $0x2800  }
0x1f: {  	[sflag:s12] =	ssyncset.done $0x0  }
0x20: {  	[sflag:s12] =	ssyncadd.s32 $0xFFFFD800  }
0x21: {  	s23 =	simm.s32 $0x50;
	[bflag:$0x0] =	sbarrier.arrive $0xFFFF  }
0x22: {  	[tilespmem:s18], [sflag:$0x2] =	stream.indirect.gather [hbm4b:s4+s14], $0x80, s23, s14, $0xb8;
	[tilespmem:$0x1F780] =	vst v63  }
0x23: {  	_ =	swait.ge [sflag:s19], $0x2800  }
0x24: {  	[sflag:s19] =	ssyncset.done $0x0  }
0x25: {  	s29 =	simm.s32 $0x2780;
	[sflag:s19] =	ssyncadd.s32 $0xFFFFD800  }
0x26: {  	[spmem:s2] =	stream.indirect.scatter.add.f32 [tilespmem:s15], [sflag:$0x3], $0x80, s29, s14, $0xb8;
	[tilespmem:$0x1F780] =	vst v63  }
0x27: {  	_ =	swait.ge [sflag:s12], $0x2800  }
0x28: {  	[sflag:s12] =	ssyncset.done $0x0  }
0x29: {  	s30 =	simm.s32 $0xA0;
	[sflag:s12] =	ssyncadd.s32 $0xFFFFD800  }
0x2a: {  	[tilespmem:s15], [sflag:$0x1] =	stream.indirect.gather [hbm4b:s4+s14], $0x80, s30, s14, $0xb8;
	[tilespmem:$0x1F780] =	vst v63  }
0x2b: {  	_ =	swait.ge [sflag:s20], $0x2800  }
0x2c: {  	[sflag:s20] =	ssyncset.done $0x0  }
0x2d: {  	s31 =	simm.s32 $0x2800;
	[sflag:s20] =	ssyncadd.s32 $0xFFFFD800  }
0x2e: {  	[spmem:s2] =	stream.indirect.scatter.add.f32 [tilespmem:s18], [sflag:$0x3], $0x80, s31, s14, $0xb8;
	[tilespmem:$0x1F780] =	vst v63  }
0x2f: {  	s24 =	simm.s32 $0x400;
	_ =	swait.ge [sflag:s12], $0x2800  }
0x30: {  	s25 =	simm.s32 $0x800;
	s23 =	simm.s32 $0x140;
	[sflag:s12] =	ssyncset.done $0x0  }
.LBB2_2:
0x31: {  	p0 =	sne.s32 s25, $0xF400;
	s26 =	sadd.s32 $0xFFFFFFB0, s23;
	[sflag:s12] =	ssyncadd.s32 $0xFFFFD800  }
0x32: {  	[tilespmem:s18], [sflag:$0x2] =	stream.indirect.gather [hbm4b:s4+s14], $0x80, s26, s14, $0xb8;
	[tilespmem:$0x1F780] =	vst v63  }
0x33: {  	s26 =	smov.u32 s25;
	s25 =	sadd.s32 $0x400, s25;
	_ =	swait.ge [sflag:s19], $0x2800  }
0x34: {  	s28 =	sshra.s32 s24, $0x2;
	s24 =	smov.u32 s26;
	[sflag:s19] =	ssyncset.done $0x0  }
0x35: {  	s26 =	sadd.s32 $0x2780, s28;
	[sflag:s19] =	ssyncadd.s32 $0xFFFFD800  }
0x36: {  	[spmem:s2] =	stream.indirect.scatter.add.f32 [tilespmem:s15], [sflag:$0x3], $0x80, s26, s14, $0xb8;
	[tilespmem:$0x1F780] =	vst v63  }
0x37: {  	_ =	swait.ge [sflag:s12], $0x2800  }
0x38: {  	[sflag:s12] =	ssyncset.done $0x0  }
0x39: {  	[sflag:s12] =	ssyncadd.s32 $0xFFFFD800  }
0x3a: {  	[tilespmem:s15], [sflag:$0x1] =	stream.indirect.gather [hbm4b:s4+s14], $0x80, s23, s14, $0xb8;
	[tilespmem:$0x1F780] =	vst v63  }
0x3b: {  	_ =	swait.ge [sflag:s20], $0x2800  }
.Ltmp0:
0x3c: {  	[sflag:s20] =	ssyncset.done $0x0;
	(pc) =	sbr.rel @p0 .LBB2_2-.Ltmp0, $4  }
0x3d: {  	s26 =	sadd.s32 $0x2800, s28;
	[sflag:s20] =	ssyncadd.s32 $0xFFFFD800  }
0x3e: {  	[spmem:s2] =	stream.indirect.scatter.add.f32 [tilespmem:s18], [sflag:$0x3], $0x80, s26, s14, $0xb8;
	[tilespmem:$0x1F780] =	vst v63  }
0x3f: {  	_ =	swait.ge [sflag:s12], $0x2800  }
0x40: {  	s23 =	sadd.s32 $0xA0, s23;
	[sflag:s12] =	ssyncset.done $0x0  }
0x41: {  	s25 =	sadd.s32 $0xFFFFFFB0, s23;
	[sflag:s12] =	ssyncadd.s32 $0xFFFFD800  }
0x42: {  	[tilespmem:s18], [sflag:$0x2] =	stream.indirect.gather [hbm4b:s4+s14], $0x80, s25, s14, $0xb8;
	[tilespmem:$0x1F780] =	vst v63  }
0x43: {  	_ =	swait.ge [sflag:s19], $0x2800  }
0x44: {  	s24 =	sshra.s32 s24, $0x2;
	[sflag:s19] =	ssyncset.done $0x0  }
0x45: {  	s30 =	sadd.s32 $0x2780, s24;
	[sflag:s19] =	ssyncadd.s32 $0xFFFFD800  }
0x46: {  	[spmem:s2] =	stream.indirect.scatter.add.f32 [tilespmem:s15], [sflag:$0x3], $0x80, s30, s14, $0xb8;
	[tilespmem:$0x1F780] =	vst v63  }
0x47: {  	_ =	swait.ge [sflag:s12], $0x2800  }
0x48: {  	[sflag:s12] =	ssyncset.done $0x0  }
0x49: {  	[sflag:s12] =	ssyncadd.s32 $0xFFFFD800  }
0x4a: {  	[tilespmem:s15], [sflag:$0x1] =	stream.indirect.gather [hbm4b:s4+s14], $0x80, s23, s14, $0xb8;
	[tilespmem:$0x1F780] =	vst v63  }
0x4b: {  	_ =	swait.ge [sflag:s20], $0x2800  }
0x4c: {  	[sflag:s20] =	ssyncset.done $0x0  }
0x4d: {  	s31 =	sadd.s32 $0x2800, s24;
	[sflag:s20] =	ssyncadd.s32 $0xFFFFD800  }
0x4e: {  	[spmem:s2] =	stream.indirect.scatter.add.f32 [tilespmem:s18], [sflag:$0x3], $0x80, s31, s14, $0xb8;
	[tilespmem:$0x1F780] =	vst v63  }
0x4f: {  	_ =	swait.ge [sflag:s12], $0x2800  }
0x50: {  	[sflag:s12] =	ssyncset.done $0x0  }
0x51: {  	[sflag:s12] =	ssyncadd.s32 $0xFFFFD800  }
0x52: {  	_ =	swait.ge [sflag:s19], $0x2800  }
0x53: {  	[sflag:s19] =	ssyncset.done $0x0  }
0x54: {  	[sflag:s19] =	ssyncadd.s32 $0xFFFFD800  }
0x55: {  	[spmem:s2] =	stream.indirect.scatter.add.f32 [tilespmem:s15], [sflag:$0x3], $0x80, s21, s14, $0xb8;
	[tilespmem:$0x1F780] =	vst v63  }
0x56: {  	_ =	swait.ge [sflag:s12], $0x2800  }
0x57: {  	s22 =	sadd.s32 $0x1, s22;
	[sflag:s12] =	ssyncset.done $0x0  }
0x58: {  	p0 =	sne.s32 s22, s9;
	[sflag:s12] =	ssyncadd.s32 $0xFFFFD800  }
.Ltmp1:
0x59: {  	[bflag:$0x0] =	sbarrier.arrive $0xFFFF;
	(pc) =	sbr.rel @p0 .LBB2_1-.Ltmp1, $4  }
0x5a: {  	[hbm:s8], [sflag:s16] =	dma.local [spmem:s17], $0x2800  }
0x5b: {  	_ =	swait.ge [sflag:s12], $0x2800  }
0x5c: {  	[sflag:s12] =	ssyncset.done $0x0  }
0x5d: {  	[sflag:s12] =	ssyncadd.s32 $0xFFFFD800  }
0x5e: {  	_ =	sfence.sel $0x180000  }
0x5f: {  	[bflag:$0x0] =	sbarrier.arrive $0xFFFF  }
0x60: {  	p0 =	sne.s32 s0, $0x0;
	_ =	strace $0x90000059  }
0x61: {  	s0 =	sadd.s32 @!p0 $0x100000, s1;
	[bflag:$0x2] =	sbarrier.arrive $0xFFFF  }
0x62: {  	[sflag:s0] =	ssyncadd.tile.s32 @!p0 $0x1;
	_ =	shalt  }
.Lfunc_end2:
_tile_overlayer_lowered:
.L_overlay_start_2:
0x63: {  	(tag) =	ssettag $0x2  }
0x64: {  	s0 =	rddreg [dreg:$0x0];
	s2 =	stileid.u32  }
0x65: {  	s1 =	rddreg [dreg:$0x1];
	p0 =	sne.s32 s2, $0x0  }
0x66: {  	s3 =	rddreg [dreg:$0x2];
	[bflag:$0x3] =	sbarrier.arrive $0xFFFF;
	s2 =	simm.s32 @!p0 $0x1C03  }
0x67: {  	[timem:s3], [sflag:s2] =	dma.local @!p0 [hbm:s0], s1  }
0x68: {  	s0 =	simm.s32 @!p0 $0x3  }
0x69: {  	_ =	swait.ge @!p0 [sflag:s0], s1  }
0x6a: {  	s1 =	ssub.s32 @!p0 $0x0, s1;
	[sflag:s0] =	ssyncset.done @!p0 $0x0  }
0x6b: {  	[sflag:s0] =	ssyncadd.s32 @!p0 s1  }
0x6c: {  	[bflag:$0x3] =	sbarrier.arrive $0xFFFF  }
0x6d: {  	_ =	shalt  }

// kernel: kernel.34.cloned.1.call-start
scs
__scs_entry_jumppad:
0x0: {  	(pc) =	sbr.rel $0x88, $3  }
0x1: {  	(tag) =	ssettag $0x0;
	lr =	simm.s32 $0x1  }
0x2: {  	[smem:$0x3F91] =	sst lr;
	_ =	strace $0xD0000000  }
0x3: {  	_ = 	snop  }
0x4: {  	_ = 	snop  }
0x5: {  	_ = 	snop  }
0x6: {  	_ = 	snop  }
0x7: {  	_ = 	snop  }
__scs_overlays_trampoline_lowered:
0x8: {  	[smem:$0x3FA0] =	sst s0  }
0x9: {  	[smem:$0x3FA1] =	sst s1  }
0xa: {  	[smem:$0x3FA2] =	sst s2  }
0xb: {  	[smem:$0x3FA3] =	sst s3  }
0xc: {  	[smem:$0x3FA4] =	sst s4  }
0xd: {  	[smem:$0x3FA5] =	sst s5  }
0xe: {  	[smem:$0x3FA6] =	sst s6  }
0xf: {  	[smem:$0x3FA7] =	sst s7  }
0x10: {  	[smem:$0x3FA8] =	sst s8  }
0x11: {  	[smem:$0x3FA9] =	sst s9;
	s0 =	simm.s32 @!p0 $0x0  }
0x12: {  	s1 =	sld [smem:$0x3F8F];
	s0 =	simm.s32 @p0 $0x1  }
0x13: {  	[smem:$0x3FAA] =	sst s0;
	s0 =	simm.s32 @!p1 $0x0  }
0x14: {  	s2 =	sld [smem:$0x3F8E];
	s0 =	simm.s32 @p1 $0x1  }
0x15: {  	[smem:$0x3FAB] =	sst s0;
	s0 =	simm.s32 @!p2 $0x0  }
0x16: {  	s3 =	sld [smem:$0x3FDB];
	s0 =	simm.s32 @p2 $0x1  }
0x17: {  	s4 =	simm.s32 $0x1BF5;
	[smem:$0x3FAD] =	sst s0  }
0x18: {  	s0 =	sld [smem:$0x3F90];
	_ =	swait.ge [sflag:s4], $0x0  }
0x19: {  	s7 =	sld [smem:$0x3F91]  }
0x1a: {  	s8 =	sadd.s32 $0xFFFFE003, lr  }
0x1b: {  	s9 =	sadd.s32 $0xFFFFFEF7, lr;
	s5 =	simm.s32 $0xFFFFFFFF;
	p2 =	slt.u32 s8, $0xFFFFF086  }
0x1c: {  	p1 =	slt.u32 s9, $0xF7A;
	s5 =	simm.s32 @!p2 $0x0  }
0x1d: {  	s5 =	simm.s32 @p1 $0x1;
	p0 =	seq.s32 s7, s2  }
0x1e: {  	s7 =	smul.u32 @!p0 $0xF7A, s2;
	p2 =	seq.s32 @!p0 s5, $0x0  }
0x1f: {  	s9 =	smul.u32 $0xF7A, s1;
	s8 =	simm.s32 @!p0 $0x1BF5;
	p2 =	por !p2, p0  }
0x20: {  	[sflag:s8] =	ssyncset.s32 @!p0 $0xFFFFF086;
	s6 =	sadd.s32 @!p0 s3, s7;
	s7 =	simm.s32 @!p0 $0x108  }
0x21: {  	s3 =	sadd.s32 s3, s9;
	s6 =	sadd.s32 @!p0 $0x88, s6;
	s7 =	simm.s32 @p2 $0x1082  }
0x22: {  	[simem:s7], [sflag:s8] =	dma.local @!p0 [hbm:s6], $0xF7A  }
0x23: {  	s9 =	sor.u32 $0xD0000000, s2;
	s6 =	simm.s32 $0x108;
	_ =	swait.ge @!p0 [sflag:s8], $0x0  }
0x24: {  	s3 =	sadd.s32 $0x88, s3;
	s6 =	simm.s32 @!p1 $0x1082;
	[sflag:s4] =	ssyncset.s32 $0xFFFFF086  }
0x25: {  	[simem:s6], [sflag:s4] =	dma.local [hbm:s3], $0xF7A  }
0x26: {  	[smem:$0x3F91] =	sst s1;
	(tag) =	ssettag s2;
	_ =	strace s9  }
0x27: {  	s1 =	sld [smem:$0x3FA1]  }
0x28: {  	s2 =	sld [smem:$0x3FA2]  }
0x29: {  	s4 =	sld [smem:$0x3FA4]  }
0x2a: {  	p0 =	seq.s32 s5, $0x0;
	s5 =	sld [smem:$0x3FA5]  }
0x2b: {  	s6 =	sld [smem:$0x3FA6]  }
0x2c: {  	s7 =	sld [smem:$0x3FA7]  }
0x2d: {  	s3 =	simm.s32 $0x108;
	s8 =	sld [smem:$0x3FA8]  }
0x2e: {  	s3 =	simm.s32 @!p0 $0x1082;
	s9 =	sld [smem:$0x3FA9]  }
0x2f: {  	lr =	sadd.s32 s0, s3;
	s0 =	sld [smem:$0x3FA0]  }
0x30: {  	s3 =	sld [smem:$0x3FA3]  }
0x31: {  	[smem:$0x3FAC] =	sst s10  }
0x32: {  	s10 =	sld [smem:$0x3FAA];
	_ =	sdelay $0x3  }
0x33: {  	p0 =	seq.s32 s10, $0x1;
	s10 =	sld [smem:$0x3FAC];
	_ =	sdelay $0x3  }
0x34: {  	[smem:$0x3FAC] =	sst s10  }
0x35: {  	s10 =	sld [smem:$0x3FAB];
	_ =	sdelay $0x3  }
0x36: {  	p1 =	seq.s32 s10, $0x1;
	s10 =	sld [smem:$0x3FAC];
	_ =	sdelay $0x3  }
0x37: {  	[smem:$0x3FAC] =	sst s10  }
0x38: {  	s10 =	sld [smem:$0x3FAD]  }
0x39: {  	_ = 	snop;
	(pc) =	sbr.ind lr, $3  }
0x3a: {  	_ = 	snop  }
0x3b: {  	_ = 	snop  }
0x3c: {  	p2 =	seq.s32 s10, $0x1;
	s10 =	sld [smem:$0x3FAC]  }
0x3d: {  	_ =	shalt  }
0x3e: {  	_ =	shalt  }
0x3f: {  	_ =	shalt  }
0x40: {  	_ =	shalt  }
0x41: {  	_ =	shalt  }
0x42: {  	_ =	shalt  }
0x43: {  	_ =	shalt  }
0x44: {  	_ =	shalt  }
0x45: {  	_ =	shalt  }
0x46: {  	_ =	shalt  }
0x47: {  	_ =	shalt  }
0x48: {  	_ =	shalt  }
0x49: {  	_ =	shalt  }
0x4a: {  	_ =	shalt  }
0x4b: {  	_ =	shalt  }
0x4c: {  	_ =	shalt  }
0x4d: {  	_ =	shalt  }
0x4e: {  	_ =	shalt  }
0x4f: {  	_ =	shalt  }
0x50: {  	_ =	shalt  }
0x51: {  	_ =	shalt  }
0x52: {  	_ =	shalt  }
0x53: {  	_ =	shalt  }
0x54: {  	_ =	shalt  }
0x55: {  	_ =	shalt  }
0x56: {  	_ =	shalt  }
0x57: {  	_ =	shalt  }
0x58: {  	_ =	shalt  }
0x59: {  	_ =	shalt  }
0x5a: {  	_ =	shalt  }
0x5b: {  	_ =	shalt  }
0x5c: {  	_ =	shalt  }
0x5d: {  	_ =	shalt  }
0x5e: {  	_ =	shalt  }
0x5f: {  	_ =	shalt  }
0x60: {  	_ =	shalt  }
0x61: {  	_ =	shalt  }
0x62: {  	_ =	shalt  }
0x63: {  	_ =	shalt  }
0x64: {  	_ =	shalt  }
0x65: {  	_ =	shalt  }
0x66: {  	_ =	shalt  }
0x67: {  	_ =	shalt  }
0x68: {  	_ =	shalt  }
0x69: {  	_ =	shalt  }
0x6a: {  	_ =	shalt  }
0x6b: {  	_ =	shalt  }
0x6c: {  	_ =	shalt  }
0x6d: {  	_ =	shalt  }
0x6e: {  	_ =	shalt  }
0x6f: {  	_ =	shalt  }
0x70: {  	_ =	shalt  }
0x71: {  	_ =	shalt  }
0x72: {  	_ =	shalt  }
0x73: {  	_ =	shalt  }
0x74: {  	_ =	shalt  }
0x75: {  	_ =	shalt  }
0x76: {  	_ =	shalt  }
0x77: {  	_ =	shalt  }
0x78: {  	_ =	shalt  }
0x79: {  	_ =	shalt  }
0x7a: {  	_ =	shalt  }
0x7b: {  	_ =	shalt  }
0x7c: {  	_ =	shalt  }
0x7d: {  	_ =	shalt  }
0x7e: {  	_ =	shalt  }
0x7f: {  	_ =	shalt  }
0x80: {  	_ =	shalt  }
0x81: {  	_ =	shalt  }
0x82: {  	_ =	shalt  }
0x83: {  	_ =	shalt  }
0x84: {  	_ =	shalt  }
0x85: {  	_ =	shalt  }
0x86: {  	_ =	shalt  }
0x87: {  	_ =	shalt  }
.Lfunc_end0:
.L_simem_size_0:
called_computation.6_lowered:
.L_overlay_start_0:
0x88: {  	s2 =	sld [smem:$0x3FD9]  }
0x89: {  	s3 =	sld [smem:$0x3FFE];
	_ =	sdelay $0x1  }
0x8a: {  	s1 =	srdreg.scid  }
0x8b: {  	s0 =	sand.u32 $0x1, s1  }
0x8c: {  	s17 =	sshll.u32 s0, $0xA;
	s2 =	sadd.s32 s3, s2  }
0x8d: {  	s2 =	sadd.s32 s2, s17  }
0x8e: {  	[smem:$0x3FB8] =	sst s2  }
0x8f: {  	_ = 	snop  }
0x90: {  	(tm) =	ssettm $0x1  }
0x91: {  	s18 =	sld [smem:$0x3FFB];
	_ =	sdelay $0x3  }
0x92: {  	_ =	strace s18  }
0x93: {  	s2 =	sld [smem:$0x3FFC];
	_ =	sdelay $0x3  }
0x94: {  	_ =	strace s2  }
0x95: {  	s2 =	sld [smem:$0x3FFD];
	_ =	sdelay $0x3  }
0x96: {  	_ =	strace s2  }
0x97: {  	_ =	strace $0x8FFFFFFF  }
0x98: {  	s19 =	sld [smem:$0x3FDB];
	_ =	sdelay $0x1  }
0x99: {  	s20 =	simm.s32 $_scs_section_size  }
0x9a: {  	s4 =	simm.s32 $_size__tile_overlayer_lowered;
	s5 =	simm.s32 $_tile_overlayer_lowered  }
0x9b: {  	s6 =	simm.s32 $0x1BFF;
	s21 =	sshll.u32 s5, $0x1;
	s3 =	sadd.s32 s20, s19  }
0x9c: {  	s22 =	simm.s32 $0x0;
	s4 =	sshll.u32 s4, $0x1;
	s5 =	sadd.s32 s21, s3  }
0x9d: {  	[timem:s22], [sflag:s6] =	dma.local [hbm:s5], s4  }
0x9e: {  	_ =	swait.ge [sflag:s6], s4  }
0x9f: {  	s4 =	ssub.s32 $0x0, s4;
	[sflag:s6] =	ssyncset.done $0x0  }
0xa0: {  	[sflag:s6] =	ssyncadd.s32 s4;
	_ =	sdelay $0x1  }
0xa1: {  	s23 =	simm.s32 $0x1B8B  }
0xa2: {  	_ =	swait.ge [sflag:s23], $0x1  }
0xa3: {  	[sflag:s23] =	ssyncset.done $0x0  }
0xa4: {  	[sflag:s23] =	ssyncadd.s32 $0xFFFFFFFF  }
0xa5: {  	s4 =	sld [smem:$0x0]  }
0xa6: {  	s5 =	sand.u32 $0xFFFFFFFE, s1  }
0xa7: {  	p0 =	sne.s32 s1, s5  }
0xa8: {  	s5 =	sshll.u32 @p0 s5, $0xE  }
0xa9: {  	s5 =	sadd.s32 @p0 $0x11B8D, s5;
	s6 =	sshll.u32 @p0 s4, $0x11  }
0xaa: {  	s5 =	sor.u32 @p0 s6, s5  }
0xab: {  	[sflag:s5] =	ssyncadd.remote.s32 @p0 $0x1;
	_ =	sdelay $0x1  }
0xac: {  	s5 =	simm.s32 @p0 $0x1B8D  }
0xad: {  	_ =	swait.eq @p0 [sflag:s5], $0x1  }
0xae: {  	[sflag:s5] =	ssyncadd.s32 @p0 $0xFFFFFFFF  }
0xaf: {  	s6 =	sshll.u32 @!p0 s1, $0xE  }
0xb0: {  	s6 =	sor.u32 @!p0 $0x4000, s6;
	s5 =	simm.s32 @!p0 $0x1B8D  }
0xb1: {  	s4 =	sshll.u32 @!p0 s4, $0x11;
	s6 =	sadd.s32 @!p0 $0x11B8D, s6;
	_ =	swait.eq @!p0 [sflag:s5], $0x1  }
0xb2: {  	s4 =	sor.u32 @!p0 s4, s6;
	[sflag:s5] =	ssyncadd.s32 @!p0 $0xFFFFFFFF  }
0xb3: {  	s25 =	simm.s32 $0x1B8E;
	s24 =	sld [smem:$0x3FFE];
	[sflag:s4] =	ssyncadd.remote.s32 @!p0 $0x1  }
0xb4: {  	s26 =	simm.s32 $execute0_lowered;
	[smem:$0x3FD2] =	sst s25  }
0xb5: {  	s5 =	sshll.u32 s26, $0x1;
	_ =	strace $0x80000055;
	[dreg:$0x1] =	wrdreg $0xFFFFFFFF  }
0xb6: {  	s28 =	simm.s32 $_size_execute0_lowered;
	s3 =	sadd.s32 s3, s5;
	[dreg:$0x0] =	wrdreg $0x0  }
0xb7: {  	s5 =	sshll.u32 s28, $0x1;
	[dreg:$0x2] =	wrdreg s3  }
0xb8: {  	[dreg:$0x3] =	wrdreg s5  }
0xb9: {  	[dreg:$0x4] =	wrdreg $0xC0  }
0xba: {  	_ =	task [dreg:s22], $0x5FFFF  }
0xbb: {  	[dreg:$0x1] =	wrdreg $0xFFFFFFFF  }
0xbc: {  	[dreg:$0x0] =	wrdreg $0x60  }
0xbd: {  	[dreg:$0x2] =	wrdreg s24  }
0xbe: {  	[dreg:$0x3] =	wrdreg $0xB7800  }
0xbf: {  	[dreg:$0x4] =	wrdreg $0xA  }
0xc0: {  	_ =	task.clear_ibuf [dreg:s22], $0x5FFFF;
	_ =	strace $0x90000055  }
0xc1: {  	s29 =	simm.s32 $0xA;
	_ =	strace $0x80000057  }
0xc2: {  	_ =	swait.ge [sflag:s29], $0x1  }
0xc3: {  	[sflag:s29] =	ssyncadd.s32 $0xFFFFFFFF  }
0xc4: {  	_ =	strace $0x90000057  }
0xc5: {  	_ =	sfence  }
0xc6: {  	s30 =	sld [smem:$0x0];
	_ =	sdelay $0x2  }
0xc7: {  	s31 =	sshll.u32 s1, $0xD;
	s1 =	sshrl.u32 s1, $0x2  }
0xc8: {  	s4 =	sand.u32 $0x4000, s31;
	s1 =	sadd.s32 s1, s30  }
0xc9: {  	s0 =	sor.u32 s4, s0;
	s1 =	sshll.u32 s1, $0x11  }
0xca: {  	s0 =	sor.u32 s1, s0  }
0xcb: {  	s0 =	sadd.s32 $0x8F2B, s0  }
0xcc: {  	[sflag:s0] =	ssyncadd.remote.s32 $0x1  }
0xcd: {  	_ =	sfence.sel $0xFFFF  }
0xce: {  	[dreg:$0x0] =	wrdreg $0xFFFFFFFF;
	(pc) =	sbr.abs _section_cstart, $3  }
0xcf: {  	[dreg:$0x1] =	wrdreg $0xFFFFFFFF  }
0xd0: {  	_ =	task.clear_ibuf [dreg:s22], $0x2FFFF;
	_ =	strace $0x9FFFFFFF  }
0xd1: {  	(tm) =	ssettm $0x7FFFFFFF  }
tec
execute0_lowered:
.L_overlay_start_1:
0x0: {  	(tag) =	ssettag $0x1  }
0x1: {  	s1 =	srdreg.scid  }
0x2: {  	s5 =	rddreg [dreg:$0x0];
	s0 =	stileid.u32  }
0x3: {  	s2 =	rddreg [dreg:$0x1];
	s3 =	simm.s32 $0x0;
	s15 =	simm.s32 $0x6780  }
0x4: {  	s18 =	simm.s32 $0x8F80;
	s19 =	simm.s32 $0x1;
	s20 =	simm.s32 $0x2  }
0x5: {  	s21 =	simm.s32 $0x6580;
	s22 =	simm.s32 $0x0;
	s10 =	smul.u32 $0x14000, s0  }
0x6: {  	s6 =	sand.u32 $0x1, s1;
	s1 =	rddreg [dreg:$0x2];
	s11 =	smul.u32 $0x50000, s0  }
0x7: {  	s7 =	sshrl.u32 s0, $0x3;
	[smem:$0x7FF] =	sst s3;
	s13 =	smul.u32 $0x2800, s0  }
0x8: {  	s8 =	sshll.u32 s0, $0x7;
	s9 =	sshll.u32 s0, $0xB;
	s4 =	smul.u32 $0x27800, s6  }
0x9: {  	s16 =	sshll.u32 s0, $0x6;
	s7 =	smul.u32 $0x13C00, s7;
	_ =	strace $0x80000056  }
0xa: {  	s8 =	sand.u32 $0x380, s8;
	s25 =	smul.u32 $0x140000, s6;
	s9 =	sadd.s32 s9, s5  }
0xb: {  	s26 =	ssub.s32 $0x2, s6;
	s12 =	smul.u32 $0x28000, s6;
	s16 =	sor.u32 $0x1C03, s16  }
0xc: {  	s29 =	sshrl.u32 s26, $0x1;
	s6 =	sadd.s32 $0x15600, s9;
	s30 =	sshrl.u32 s11, $0x2  }
0xd: {  	s11 =	simm.s32 $0x400;
	s7 =	sadd.s32 s4, s7;
	s4 =	sadd.s32 $0x1D600, s5  }
0xe: {  	s31 =	sadd.s32 s13, s12;
	s17 =	sadd.s32 s30, s2;
	s12 =	simm.s32 $0x3  }
0xf: {  	s13 =	simm.s32 $0x2780;
	s7 =	sor.u32 s8, s7;
	s8 =	sadd.s32 s10, s25  }
0x10: {  	s10 =	ssub.s32 s26, s29;
	s17 =	sshrl.u32 s17, $0x3;
	s7 =	sshrl.u32 s7, $0x3  }
0x11: {  	s28 =	sshrl.u32 s8, $0x3;
	s9 =	smax.u32 s10, $0x1;
	s7 =	sadd.s32 s7, s5  }
0x12: {  	s10 =	simm.s32 $0x80;
	s14 =	sadd.s32 s28, s5;
	s5 =	sadd.s32 $0x6D600, s7  }
0x13: {  	s7 =	sadd.s32 s4, s31;
	s8 =	sadd.s32 $0x77400, s14;
	s14 =	simm.s32 $0x50  }
.LBB2_1:
0x14: {  	[tilespmem:s3], [sflag:$0x3] =	stream.strided.gather [hbm4b:s5+s10], $0x2780, s11, s10, $0x38;
	[tilespmem:$0x1F780] =	vst v63  }
0x15: {  	_ =	swait.ge [sflag:s12], $0x2780  }
0x16: {  	[sflag:s12] =	ssyncset.done $0x0  }
0x17: {  	[sflag:s12] =	ssyncadd.s32 $0xFFFFD880  }
0x18: {  	[tilespmem:s13], [sflag:$0x3] =	stream.linear.gather [hbm4b:s6+s3], $0x3E80, $0x38;
	[tilespmem:$0x1F780] =	vst v63  }
0x19: {  	_ =	swait.ge [sflag:s12], $0x3E80  }
0x1a: {  	[sflag:s12] =	ssyncset.done $0x0  }
0x1b: {  	[sflag:s12] =	ssyncadd.s32 $0xFFFFC180  }
0x1c: {  	[tilespmem:s15], [sflag:$0x1] =	stream.indirect.gather [hbm4b:s4+s14], $0x80, s3, s14, $0xb8;
	[tilespmem:$0x1F780] =	vst v63  }
0x1d: {  	[spmem:s17], [sflag:s16] =	dma.local [hbm:s7], $0x2800  }
0x1e: {  	_ =	swait.ge [sflag:s12], $0x2800  }
0x1f: {  	[sflag:s12] =	ssyncset.done $0x0  }
0x20: {  	[sflag:s12] =	ssyncadd.s32 $0xFFFFD800  }
0x21: {  	s23 =	simm.s32 $0x50;
	[bflag:$0x0] =	sbarrier.arrive $0xFFFF  }
0x22: {  	[tilespmem:s18], [sflag:$0x2] =	stream.indirect.gather [hbm4b:s4+s14], $0x80, s23, s14, $0xb8;
	[tilespmem:$0x1F780] =	vst v63  }
0x23: {  	_ =	swait.ge [sflag:s19], $0x2800  }
0x24: {  	[sflag:s19] =	ssyncset.done $0x0  }
0x25: {  	s29 =	simm.s32 $0x2780;
	[sflag:s19] =	ssyncadd.s32 $0xFFFFD800  }
0x26: {  	[spmem:s2] =	stream.indirect.scatter.add.f32 [tilespmem:s15], [sflag:$0x3], $0x80, s29, s14, $0xb8;
	[tilespmem:$0x1F780] =	vst v63  }
0x27: {  	_ =	swait.ge [sflag:s12], $0x2800  }
0x28: {  	[sflag:s12] =	ssyncset.done $0x0  }
0x29: {  	s30 =	simm.s32 $0xA0;
	[sflag:s12] =	ssyncadd.s32 $0xFFFFD800  }
0x2a: {  	[tilespmem:s15], [sflag:$0x1] =	stream.indirect.gather [hbm4b:s4+s14], $0x80, s30, s14, $0xb8;
	[tilespmem:$0x1F780] =	vst v63  }
0x2b: {  	_ =	swait.ge [sflag:s20], $0x2800  }
0x2c: {  	[sflag:s20] =	ssyncset.done $0x0  }
0x2d: {  	s31 =	simm.s32 $0x2800;
	[sflag:s20] =	ssyncadd.s32 $0xFFFFD800  }
0x2e: {  	[spmem:s2] =	stream.indirect.scatter.add.f32 [tilespmem:s18], [sflag:$0x3], $0x80, s31, s14, $0xb8;
	[tilespmem:$0x1F780] =	vst v63  }
0x2f: {  	s24 =	simm.s32 $0x400;
	_ =	swait.ge [sflag:s12], $0x2800  }
0x30: {  	s25 =	simm.s32 $0x800;
	s23 =	simm.s32 $0x140;
	[sflag:s12] =	ssyncset.done $0x0  }
.LBB2_2:
0x31: {  	p0 =	sne.s32 s25, $0xF400;
	s26 =	sadd.s32 $0xFFFFFFB0, s23;
	[sflag:s12] =	ssyncadd.s32 $0xFFFFD800  }
0x32: {  	[tilespmem:s18], [sflag:$0x2] =	stream.indirect.gather [hbm4b:s4+s14], $0x80, s26, s14, $0xb8;
	[tilespmem:$0x1F780] =	vst v63  }
0x33: {  	s26 =	smov.u32 s25;
	s25 =	sadd.s32 $0x400, s25;
	_ =	swait.ge [sflag:s19], $0x2800  }
0x34: {  	s28 =	sshra.s32 s24, $0x2;
	s24 =	smov.u32 s26;
	[sflag:s19] =	ssyncset.done $0x0  }
0x35: {  	s26 =	sadd.s32 $0x2780, s28;
	[sflag:s19] =	ssyncadd.s32 $0xFFFFD800  }
0x36: {  	[spmem:s2] =	stream.indirect.scatter.add.f32 [tilespmem:s15], [sflag:$0x3], $0x80, s26, s14, $0xb8;
	[tilespmem:$0x1F780] =	vst v63  }
0x37: {  	_ =	swait.ge [sflag:s12], $0x2800  }
0x38: {  	[sflag:s12] =	ssyncset.done $0x0  }
0x39: {  	[sflag:s12] =	ssyncadd.s32 $0xFFFFD800  }
0x3a: {  	[tilespmem:s15], [sflag:$0x1] =	stream.indirect.gather [hbm4b:s4+s14], $0x80, s23, s14, $0xb8;
	[tilespmem:$0x1F780] =	vst v63  }
0x3b: {  	_ =	swait.ge [sflag:s20], $0x2800  }
.Ltmp0:
0x3c: {  	[sflag:s20] =	ssyncset.done $0x0;
	(pc) =	sbr.rel @p0 .LBB2_2-.Ltmp0, $4  }
0x3d: {  	s26 =	sadd.s32 $0x2800, s28;
	[sflag:s20] =	ssyncadd.s32 $0xFFFFD800  }
0x3e: {  	[spmem:s2] =	stream.indirect.scatter.add.f32 [tilespmem:s18], [sflag:$0x3], $0x80, s26, s14, $0xb8;
	[tilespmem:$0x1F780] =	vst v63  }
0x3f: {  	_ =	swait.ge [sflag:s12], $0x2800  }
0x40: {  	s23 =	sadd.s32 $0xA0, s23;
	[sflag:s12] =	ssyncset.done $0x0  }
0x41: {  	s25 =	sadd.s32 $0xFFFFFFB0, s23;
	[sflag:s12] =	ssyncadd.s32 $0xFFFFD800  }
0x42: {  	[tilespmem:s18], [sflag:$0x2] =	stream.indirect.gather [hbm4b:s4+s14], $0x80, s25, s14, $0xb8;
	[tilespmem:$0x1F780] =	vst v63  }
0x43: {  	_ =	swait.ge [sflag:s19], $0x2800  }
0x44: {  	s24 =	sshra.s32 s24, $0x2;
	[sflag:s19] =	ssyncset.done $0x0  }
0x45: {  	s30 =	sadd.s32 $0x2780, s24;
	[sflag:s19] =	ssyncadd.s32 $0xFFFFD800  }
0x46: {  	[spmem:s2] =	stream.indirect.scatter.add.f32 [tilespmem:s15], [sflag:$0x3], $0x80, s30, s14, $0xb8;
	[tilespmem:$0x1F780] =	vst v63  }
0x47: {  	_ =	swait.ge [sflag:s12], $0x2800  }
0x48: {  	[sflag:s12] =	ssyncset.done $0x0  }
0x49: {  	[sflag:s12] =	ssyncadd.s32 $0xFFFFD800  }
0x4a: {  	[tilespmem:s15], [sflag:$0x1] =	stream.indirect.gather [hbm4b:s4+s14], $0x80, s23, s14, $0xb8;
	[tilespmem:$0x1F780] =	vst v63  }
0x4b: {  	_ =	swait.ge [sflag:s20], $0x2800  }
0x4c: {  	[sflag:s20] =	ssyncset.done $0x0  }
0x4d: {  	s31 =	sadd.s32 $0x2800, s24;
	[sflag:s20] =	ssyncadd.s32 $0xFFFFD800  }
0x4e: {  	[spmem:s2] =	stream.indirect.scatter.add.f32 [tilespmem:s18], [sflag:$0x3], $0x80, s31, s14, $0xb8;
	[tilespmem:$0x1F780] =	vst v63  }
0x4f: {  	_ =	swait.ge [sflag:s12], $0x2800  }
0x50: {  	[sflag:s12] =	ssyncset.done $0x0  }
0x51: {  	[sflag:s12] =	ssyncadd.s32 $0xFFFFD800  }
0x52: {  	_ =	swait.ge [sflag:s19], $0x2800  }
0x53: {  	[sflag:s19] =	ssyncset.done $0x0  }
0x54: {  	[sflag:s19] =	ssyncadd.s32 $0xFFFFD800  }
0x55: {  	[spmem:s2] =	stream.indirect.scatter.add.f32 [tilespmem:s15], [sflag:$0x3], $0x80, s21, s14, $0xb8;
	[tilespmem:$0x1F780] =	vst v63  }
0x56: {  	_ =	swait.ge [sflag:s12], $0x2800  }
0x57: {  	s22 =	sadd.s32 $0x1, s22;
	[sflag:s12] =	ssyncset.done $0x0  }
0x58: {  	p0 =	sne.s32 s22, s9;
	[sflag:s12] =	ssyncadd.s32 $0xFFFFD800  }
.Ltmp1:
0x59: {  	[bflag:$0x0] =	sbarrier.arrive $0xFFFF;
	(pc) =	sbr.rel @p0 .LBB2_1-.Ltmp1, $4  }
0x5a: {  	[hbm:s8], [sflag:s16] =	dma.local [spmem:s17], $0x2800  }
0x5b: {  	_ =	swait.ge [sflag:s12], $0x2800  }
0x5c: {  	[sflag:s12] =	ssyncset.done $0x0  }
0x5d: {  	[sflag:s12] =	ssyncadd.s32 $0xFFFFD800  }
0x5e: {  	_ =	sfence.sel $0x180000  }
0x5f: {  	[bflag:$0x0] =	sbarrier.arrive $0xFFFF  }
0x60: {  	p0 =	sne.s32 s0, $0x0;
	_ =	strace $0x90000056  }
0x61: {  	s0 =	sadd.s32 @!p0 $0x100000, s1;
	[bflag:$0x2] =	sbarrier.arrive $0xFFFF  }
0x62: {  	[sflag:s0] =	ssyncadd.tile.s32 @!p0 $0x1;
	_ =	shalt  }
.Lfunc_end2:
_tile_overlayer_lowered:
.L_overlay_start_2:
0x63: {  	(tag) =	ssettag $0x2  }
0x64: {  	s0 =	rddreg [dreg:$0x0];
	s2 =	stileid.u32  }
0x65: {  	s1 =	rddreg [dreg:$0x1];
	p0 =	sne.s32 s2, $0x0  }
0x66: {  	s3 =	rddreg [dreg:$0x2];
	[bflag:$0x3] =	sbarrier.arrive $0xFFFF;
	s2 =	simm.s32 @!p0 $0x1C03  }
0x67: {  	[timem:s3], [sflag:s2] =	dma.local @!p0 [hbm:s0], s1  }
0x68: {  	s0 =	simm.s32 @!p0 $0x3  }
0x69: {  	_ =	swait.ge @!p0 [sflag:s0], s1  }
0x6a: {  	s1 =	ssub.s32 @!p0 $0x0, s1;
	[sflag:s0] =	ssyncset.done @!p0 $0x0  }
0x6b: {  	[sflag:s0] =	ssyncadd.s32 @!p0 s1  }
0x6c: {  	[bflag:$0x3] =	sbarrier.arrive $0xFFFF  }
0x6d: {  	_ =	shalt  }

</sc_bundles>
